<compile_context>
chip_gen: v7x
topology: tpu7x:2x2x1
jax: 0.10.2.dev20260603
libtpu: 0.0.44.dev20260713+nightly
codegen_flags: <defaults>
</compile_context>

<pallas_src>
import functools

import jax
import jax.numpy as jnp
from jax import lax
from jax.experimental import pallas as pl
from jax.experimental.pallas import tpu as pltpu
from jax.experimental.pallas import tpu_sc as plsc

N_NODES = 10000
N_EDGES = 320000
D = 128
EPS = 1e-5

NC = 2
NS = 16
NW = NC * NS
LANES = 16
GROUP = 64
E_PAD = 327680
GP_W = (E_PAD // NW) // GROUP
N_GROUPS = E_PAD // GROUP
ROWS_PAD = 10112
RPT = ROWS_PAD // NS
NFULL = RPT // GROUP
TAIL = RPT - NFULL * GROUP


def _sc_aggregate(src2d, dst2d, x, zrow):
    mesh = plsc.VectorSubcoreMesh(core_axis_name="c", subcore_axis_name="s",
                                  num_cores=NC)

    @functools.partial(
        pl.kernel,
        mesh=mesh,
        compiler_params=pltpu.CompilerParams(needs_layout_passes=False),
        out_type=[
            jax.ShapeDtypeStruct((NC, ROWS_PAD, D), jnp.float32),
            jax.ShapeDtypeStruct((NC, NS, ROWS_PAD), jnp.float32),
        ],
        scratch_types=[
            pltpu.VMEM((2, 8, GROUP), jnp.int32),
            pltpu.VMEM((2, 8, GROUP), jnp.int32),
            pltpu.VMEM((GROUP, D), jnp.float32),
            pltpu.VMEM((GROUP, D), jnp.float32),
            pltpu.VMEM((GROUP, D), jnp.float32),
            pltpu.VMEM((GROUP, D), jnp.float32),
            pltpu.VMEM((ROWS_PAD,), jnp.float32),
            pltpu.VMEM_SHARED((ROWS_PAD, D), jnp.float32),
            pltpu.SemaphoreType.DMA,
            pltpu.SemaphoreType.DMA,
            pltpu.SemaphoreType.DMA,
            pltpu.SemaphoreType.DMA,
            pltpu.SemaphoreType.DMA,
            pltpu.SemaphoreType.DMA,
            pltpu.SemaphoreType.DMA,
            pltpu.SemaphoreType.DMA,
            pltpu.SemaphoreType.DMA,
            pltpu.SemaphoreType.DMA,
        ],
    )
    def body(src_hbm, dst_hbm, x_hbm, zrow_hbm,
             agg_out, hist_out,
             srcv, dstv, rows0, rows1, rows2, rows3, hist, acc_sh,
             gsem0, gsem1, gsem2, gsem3, ssem0, ssem1, ssem2, ssem3,
             isem0, isem1):
        c = lax.axis_index("c")
        s = lax.axis_index("s")
        wid = s * NC + c
        rbase = s * RPT
        gbase = wid * GP_W
        bufs = (rows0, rows1, rows2, rows3)
        gsems = (gsem0, gsem1, gsem2, gsem3)
        ssems = (ssem0, ssem1, ssem2, ssem3)
        isems = (isem0, isem1)

        def idx_start(t, q):
            pltpu.async_copy(src_hbm.at[pl.ds(gbase + t * 8, 8)], srcv.at[q],
                             isems[q])
            pltpu.async_copy(dst_hbm.at[pl.ds(gbase + t * 8, 8)], dstv.at[q],
                             isems[q])

        def idx_wait(t, q):
            pltpu.make_async_copy(src_hbm.at[pl.ds(gbase + t * 8, 8)],
                                  srcv.at[q], isems[q]).wait()
            pltpu.make_async_copy(dst_hbm.at[pl.ds(gbase + t * 8, 8)],
                                  dstv.at[q], isems[q]).wait()

        def acc_chunk(t):
            n = TAIL if t == NFULL else GROUP
            return acc_sh.at[pl.ds(rbase + t * GROUP, n)]

        zvec = jnp.zeros((LANES,), jnp.float32)

        def zh(i, carry):
            hist[pl.ds(i * LANES, LANES)] = zvec
            return carry

        lax.fori_loop(0, ROWS_PAD // LANES, zh, 0)

        pltpu.sync_copy(zrow_hbm, rows0)
        for t in range(NFULL):
            pltpu.async_copy(rows0, acc_chunk(t), ssem0)
        pltpu.async_copy(rows0.at[pl.ds(0, TAIL)], acc_chunk(NFULL), ssem1)
        for t in range(NFULL):
            pltpu.make_async_copy(rows0, acc_chunk(t), ssem0).wait()
        pltpu.make_async_copy(rows0.at[pl.ds(0, TAIL)], acc_chunk(NFULL),
                              ssem1).wait()
        plsc.subcore_barrier()

        idx_start(0, 0)

        def outer(t, carry):
            for q in (0, 1):
                tc = 2 * t + q
                idx_wait(tc, q)
                for j0 in range(4):
                    pltpu.async_copy(x_hbm.at[srcv.at[q, j0]], bufs[j0],
                                     gsems[j0])

                @pl.when(tc + 1 < GP_W // 8)
                def _():
                    idx_start(tc + 1, 1 - q)

                for j in range(8):
                    for k in range(GROUP // LANES):
                        d16 = dstv[q, j, pl.ds(k * LANES, LANES)]
                        cnt, last = plsc.scan_count(d16)
                        plsc.addupdate_scatter(hist, [d16],
                                               cnt.astype(jnp.float32),
                                               mask=last)
                for j in range(8):
                    p = j % 4
                    pltpu.make_async_copy(x_hbm.at[srcv.at[q, j]], bufs[p],
                                          gsems[p]).wait()
                    pltpu.async_copy(bufs[p], acc_sh.at[dstv.at[q, j]],
                                     ssems[p], add=True)
                    if j + 4 < 8:
                        pltpu.make_async_copy(bufs[p], acc_sh.at[dstv.at[q, j]],
                                              ssems[p]).wait()
                        pltpu.async_copy(x_hbm.at[srcv.at[q, j + 4]], bufs[p],
                                         gsems[p])
                for j in (4, 5, 6, 7):
                    p = j % 4
                    pltpu.make_async_copy(bufs[p], acc_sh.at[dstv.at[q, j]],
                                          ssems[p]).wait()
            return carry

        lax.fori_loop(0, GP_W // 16, outer, 0)
        pltpu.sync_copy(hist, hist_out.at[c, s])
        plsc.subcore_barrier()

        def out_chunk(t):
            n = TAIL if t == NFULL else GROUP
            return agg_out.at[c, pl.ds(rbase + t * GROUP, n)]

        def buf_chunk(p, t):
            n = TAIL if t == NFULL else GROUP
            return bufs[p].at[pl.ds(0, n)]

        for t in range(NFULL + 1):
            p = t % 2
            if t >= 2:
                pltpu.make_async_copy(buf_chunk(p, t - 2), out_chunk(t - 2),
                                      ssems[p]).wait()
            pltpu.async_copy(acc_chunk(t), buf_chunk(p, t), gsems[p]).wait()
            pltpu.async_copy(buf_chunk(p, t), out_chunk(t), ssems[p])
        for t in (NFULL - 1, NFULL):
            p = t % 2
            pltpu.make_async_copy(buf_chunk(p, t), out_chunk(t),
                                  ssems[p]).wait()

    return body(src2d, dst2d, x, zrow)


def _tc_body(p_ref, degt_ref, x_ref, wl_ref, wr_ref, bl_ref, g_ref, b_ref,
             o_ref):
    agg = p_ref[0] + p_ref[1]
    deg = jnp.sum(degt_ref[...], axis=1, keepdims=True)
    inv = 1.0 / jnp.maximum(deg, 1.0)
    agg = agg * inv
    x = x_ref[...]
    f = (jnp.dot(agg, wl_ref[...], preferred_element_type=jnp.float32)
         + jnp.dot(x, wr_ref[...], preferred_element_type=jnp.float32)
         + bl_ref[...])
    f = 0.5 * f * (1.0 + lax.erf(f * 0.7071067811865476))
    mu = jnp.mean(f, axis=-1, keepdims=True)
    var = jnp.mean((f - mu) ** 2, axis=-1, keepdims=True)
    f = (f - mu) * lax.rsqrt(var + EPS) * g_ref[...] + b_ref[...]
    o_ref[...] = f + x


def _tc_finish(agg_p, degt, x, W_l, W_r, b_l, gamma, beta):
    R = 1000
    grid = (N_NODES // R,)
    return pl.pallas_call(
        _tc_body,
        grid=grid,
        in_specs=[
            pl.BlockSpec((NC, R, D), lambda i: (0, i, 0)),
            pl.BlockSpec((R, NW), lambda i: (i, 0)),
            pl.BlockSpec((R, D), lambda i: (i, 0)),
            pl.BlockSpec((D, D), lambda i: (0, 0)),
            pl.BlockSpec((D, D), lambda i: (0, 0)),
            pl.BlockSpec((1, D), lambda i: (0, 0)),
            pl.BlockSpec((1, D), lambda i: (0, 0)),
            pl.BlockSpec((1, D), lambda i: (0, 0)),
        ],
        out_specs=pl.BlockSpec((R, D), lambda i: (i, 0)),
        out_shape=jax.ShapeDtypeStruct((N_NODES, D), jnp.float32),
    )(agg_p, degt, x, W_l, W_r, b_l.reshape(1, D), gamma.reshape(1, D),
      beta.reshape(1, D))


def kernel(x, edge_index, batch, W_l, b_l, W_r, gamma, beta):
    src = edge_index[0].astype(jnp.int32)
    dst = edge_index[1].astype(jnp.int32)
    npad = E_PAD - N_EDGES
    src2d = jnp.concatenate(
        [src, jnp.zeros((npad,), jnp.int32)]).reshape(N_GROUPS, GROUP)
    dst2d = jnp.concatenate(
        [dst, jnp.full((npad,), N_NODES, jnp.int32)]).reshape(N_GROUPS, GROUP)
    zrow = jnp.zeros((GROUP, D), jnp.float32)
    agg_p, hist = _sc_aggregate(src2d, dst2d, x, zrow)
    degt = hist.reshape(NW, ROWS_PAD).T
    return _tc_finish(agg_p, degt, x, W_l, W_r, b_l, gamma, beta)

# --- scband reference (transcript-rebuilt; emitter-appended) ---
"""Pipeline reference for scband-sageblock-40037685133650 (READ-ONLY COPY).

The authoritative reference and input builder live on the scoring server;
editing this copy changes nothing except your own understanding.
"""

import jax, jax.numpy as jnp
import numpy as np

N_NODES = 10000
N_EDGES = 320000
D = 128
EPS = 1e-5


def setup_inputs(seed: int = 0) -> dict:
    key = jax.random.key(seed)
    ks = jax.random.split(key, 8)
    x = jax.random.normal(ks[0], (N_NODES, D), dtype=jnp.float32)
    edge_index = jax.random.randint(ks[1], (2, N_EDGES), 0, N_NODES, dtype=jnp.int64)
    batch = jnp.zeros((N_NODES,), dtype=jnp.int64)
    # SAGEConv params: lin_l (applied to aggregated neighbors, with bias), lin_r (root, no bias)
    W_l = jax.random.normal(ks[2], (D, D), dtype=jnp.float32) * (1.0 / np.sqrt(D))
    b_l = jnp.zeros((D,), dtype=jnp.float32)
    W_r = jax.random.normal(ks[3], (D, D), dtype=jnp.float32) * (1.0 / np.sqrt(D))
    # LayerNorm params
    gamma = jnp.ones((D,), dtype=jnp.float32)
    beta = jnp.zeros((D,), dtype=jnp.float32)
    return {"x": x, "edge_index": edge_index, "batch": batch,
            "W_l": W_l, "b_l": b_l, "W_r": W_r, "gamma": gamma, "beta": beta}


def reference(x, edge_index, batch, W_l, b_l, W_r, gamma, beta):
    src = edge_index[0]
    dst = edge_index[1]
    # mean aggregation of neighbor messages (SAGEConv default aggr='mean')
    msgs = jnp.take(x, src, axis=0)
    agg_sum = jax.ops.segment_sum(msgs, dst, num_segments=N_NODES)
    deg = jax.ops.segment_sum(jnp.ones((N_EDGES,), dtype=jnp.float32), dst, num_segments=N_NODES)
    agg = agg_sum / jnp.clip(deg, 1.0, None)[:, None]
    # SAGEConv: lin_l(agg) + lin_r(x)
    f = agg @ W_l + b_l + x @ W_r
    # GELU (exact, matching torch F.gelu default)
    f = jax.nn.gelu(f, approximate=False)
    # LayerNorm over last dim
    mu = jnp.mean(f, axis=-1, keepdims=True)
    var = jnp.mean((f - mu) ** 2, axis=-1, keepdims=True)
    f = (f - mu) / jnp.sqrt(var + EPS) * gamma + beta
    # dropout in eval mode = identity; no pooling (pooling_ratio=None)
    # residual
    f = f + x
    return f

if __name__ == "__main__":
    import jax
    _d = setup_inputs()
    print(jax.jit(kernel)(*tuple(_d.values())))

</pallas_src>

<mosaic_0001>
#map = affine_map<(d0, d1) -> (0, 0)>
#map1 = affine_map<(d0, d1) -> (0, 0, 0)>
module attributes {stable_mosaic.version = 14 : i64} {
  func.func @body(%arg0: i32, %arg1: i32, %arg2: memref<5120x64xi32, #tpu.memory_space<hbm>>, %arg3: memref<5120x64xi32, #tpu.memory_space<hbm>>, %arg4: memref<10000x128xf32, #tpu.memory_space<hbm>>, %arg5: memref<64x128xf32, #tpu.memory_space<hbm>>, %arg6: memref<2x10112x128xf32, #tpu.memory_space<hbm>>, %arg7: memref<2x16x10112xf32, #tpu.memory_space<hbm>>, %arg8: memref<2x8x64xi32, #tpu.memory_space<vmem>>, %arg9: memref<2x8x64xi32, #tpu.memory_space<vmem>>, %arg10: memref<64x128xf32, #tpu.memory_space<vmem>>, %arg11: memref<64x128xf32, #tpu.memory_space<vmem>>, %arg12: memref<64x128xf32, #tpu.memory_space<vmem>>, %arg13: memref<64x128xf32, #tpu.memory_space<vmem>>, %arg14: memref<10112xf32, #tpu.memory_space<vmem>>, %arg15: memref<10112x128xf32, #tpu.memory_space<vmem_shared>>, %arg16: memref<!tpu.dma_semaphore, #tpu.memory_space<semaphore_mem>>, %arg17: memref<!tpu.dma_semaphore, #tpu.memory_space<semaphore_mem>>, %arg18: memref<!tpu.dma_semaphore, #tpu.memory_space<semaphore_mem>>, %arg19: memref<!tpu.dma_semaphore, #tpu.memory_space<semaphore_mem>>, %arg20: memref<!tpu.dma_semaphore, #tpu.memory_space<semaphore_mem>>, %arg21: memref<!tpu.dma_semaphore, #tpu.memory_space<semaphore_mem>>, %arg22: memref<!tpu.dma_semaphore, #tpu.memory_space<semaphore_mem>>, %arg23: memref<!tpu.dma_semaphore, #tpu.memory_space<semaphore_mem>>, %arg24: memref<!tpu.dma_semaphore, #tpu.memory_space<semaphore_mem>>, %arg25: memref<!tpu.dma_semaphore, #tpu.memory_space<semaphore_mem>>) attributes {dimension_semantics = [#tpu.dimension_semantics<core_parallel>, #tpu.dimension_semantics<subcore_parallel>], iteration_bounds = array<i64: 2, 16>, scalar_prefetch = 0 : i64, scratch_operands = 18 : i64, tpu.core_type = #tpu.core_type<sc_vector_subcore>, window_params = [{transform_indices = #map}, {transform_indices = #map}, {transform_indices = #map}, {transform_indices = #map}, {transform_indices = #map1}, {transform_indices = #map1}]} {
    %mul3A = arith.constant 2 : i32
    %mul3A_0 = arith.muli %arg1, %mul3A : i32
    %add3A = arith.addi %mul3A_0, %arg0 : i32
    %mul3A_1 = arith.constant 632 : i32
    %mul3A_2 = arith.muli %arg1, %mul3A_1 : i32
    %mul3A_3 = arith.constant 160 : i32
    %mul3A_4 = arith.muli %add3A, %mul3A_3 : i32
    %broadcast_in_dim3A = arith.constant 0.000000e+00 : f32
    %broadcast_in_dim3A_5 = vector.broadcast %broadcast_in_dim3A : f32 to vector<16xf32>
    %scan3A = arith.constant 0 : i32
    %scan3A_6 = arith.constant 0 : i32
    %scan3A_7 = arith.constant 632 : i32
    %scan3A_8 = arith.addi %scan3A_6, %scan3A_7 : i32
    %scan3A_9 = arith.constant 1 : i32
    scf.for %scan3A_678 = %scan3A_6 to %scan3A_8 step %scan3A_9  : i32 {
      %mul3A_679 = arith.constant 16 : i32
      %mul3A_680 = arith.muli %scan3A_678, %mul3A_679 : i32
      %swap3A = arith.index_cast %mul3A_680 : i32 to index
      %swap3A_681 = tpu.vector_load %arg14[%swap3A] {strides = array<i32>} : memref<10112xf32, #tpu.memory_space<vmem>>, vector<16xf32>,
      tpu.vector_store %arg14[%swap3A], %broadcast_in_dim3A_5 {strides = array<i32>} : memref<10112xf32, #tpu.memory_space<vmem>>, vector<16xf32>,
    }
    %scan3A_10 = arith.constant 632 : i32
    "tpu.region"() ({
      %run_scoped3A = tpu.sem_alloc : memref<!tpu.dma_semaphore, #tpu.memory_space<semaphore_mem>>
      tpu.enqueue_dma source(%arg5 : memref<64x128xf32, #tpu.memory_space<hbm>>) target(%arg10 : memref<64x128xf32, #tpu.memory_space<vmem>>) target_semaphore(%run_scoped3A : memref<!tpu.dma_semaphore, #tpu.memory_space<semaphore_mem>>)
      tpu.wait_dma2 semaphore(%run_scoped3A : memref<!tpu.dma_semaphore, #tpu.memory_space<semaphore_mem>>) src(%arg5 : memref<64x128xf32, #tpu.memory_space<hbm>>) dst(%arg10 : memref<64x128xf32, #tpu.memory_space<vmem>>)
      tpu.yield
    }) : () -> ()
    %add3A_11 = arith.constant 0 : i32
    %add3A_12 = arith.addi %mul3A_2, %add3A_11 : i32
    %dma_start3A = arith.constant 0 : i32
    %dma_start3A_13 = tpu.memref_slice %arg15[%add3A_12, %dma_start3A] : memref<10112x128xf32, #tpu.memory_space<vmem_shared>> -> memref<64x128xf32, #tpu.memory_space<vmem_shared>>
    %dma_start3A_14 = arith.constant 0 : i32
    %dma_start3A_15 = tpu.memref_slice %arg15[%add3A_12, %dma_start3A_14] : memref<10112x128xf32, #tpu.memory_space<vmem_shared>> -> memref<64x128xf32, #tpu.memory_space<vmem_shared>>
    tpu.enqueue_dma source(%arg10 : memref<64x128xf32, #tpu.memory_space<vmem>>) target(%dma_start3A_15 : memref<64x128xf32, #tpu.memory_space<vmem_shared>>) target_semaphore(%arg20 : memref<!tpu.dma_semaphore, #tpu.memory_space<semaphore_mem>>)
    %add3A_16 = arith.constant 64 : i32
    %add3A_17 = arith.addi %mul3A_2, %add3A_16 : i32
    %dma_start3A_18 = arith.constant 0 : i32
    %dma_start3A_19 = tpu.memref_slice %arg15[%add3A_17, %dma_start3A_18] : memref<10112x128xf32, #tpu.memory_space<vmem_shared>> -> memref<64x128xf32, #tpu.memory_space<vmem_shared>>
    %dma_start3A_20 = arith.constant 0 : i32
    %dma_start3A_21 = tpu.memref_slice %arg15[%add3A_17, %dma_start3A_20] : memref<10112x128xf32, #tpu.memory_space<vmem_shared>> -> memref<64x128xf32, #tpu.memory_space<vmem_shared>>
    tpu.enqueue_dma source(%arg10 : memref<64x128xf32, #tpu.memory_space<vmem>>) target(%dma_start3A_21 : memref<64x128xf32, #tpu.memory_space<vmem_shared>>) target_semaphore(%arg20 : memref<!tpu.dma_semaphore, #tpu.memory_space<semaphore_mem>>)
    %add3A_22 = arith.constant 128 : i32
    %add3A_23 = arith.addi %mul3A_2, %add3A_22 : i32
    %dma_start3A_24 = arith.constant 0 : i32
    %dma_start3A_25 = tpu.memref_slice %arg15[%add3A_23, %dma_start3A_24] : memref<10112x128xf32, #tpu.memory_space<vmem_shared>> -> memref<64x128xf32, #tpu.memory_space<vmem_shared>>
    %dma_start3A_26 = arith.constant 0 : i32
    %dma_start3A_27 = tpu.memref_slice %arg15[%add3A_23, %dma_start3A_26] : memref<10112x128xf32, #tpu.memory_space<vmem_shared>> -> memref<64x128xf32, #tpu.memory_space<vmem_shared>>
    tpu.enqueue_dma source(%arg10 : memref<64x128xf32, #tpu.memory_space<vmem>>) target(%dma_start3A_27 : memref<64x128xf32, #tpu.memory_space<vmem_shared>>) target_semaphore(%arg20 : memref<!tpu.dma_semaphore, #tpu.memory_space<semaphore_mem>>)
    %add3A_28 = arith.constant 192 : i32
    %add3A_29 = arith.addi %mul3A_2, %add3A_28 : i32
    %dma_start3A_30 = arith.constant 0 : i32
    %dma_start3A_31 = tpu.memref_slice %arg15[%add3A_29, %dma_start3A_30] : memref<10112x128xf32, #tpu.memory_space<vmem_shared>> -> memref<64x128xf32, #tpu.memory_space<vmem_shared>>
    %dma_start3A_32 = arith.constant 0 : i32
    %dma_start3A_33 = tpu.memref_slice %arg15[%add3A_29, %dma_start3A_32] : memref<10112x128xf32, #tpu.memory_space<vmem_shared>> -> memref<64x128xf32, #tpu.memory_space<vmem_shared>>
    tpu.enqueue_dma source(%arg10 : memref<64x128xf32, #tpu.memory_space<vmem>>) target(%dma_start3A_33 : memref<64x128xf32, #tpu.memory_space<vmem_shared>>) target_semaphore(%arg20 : memref<!tpu.dma_semaphore, #tpu.memory_space<semaphore_mem>>)
    %add3A_34 = arith.constant 256 : i32
    %add3A_35 = arith.addi %mul3A_2, %add3A_34 : i32
    %dma_start3A_36 = arith.constant 0 : i32
    %dma_start3A_37 = tpu.memref_slice %arg15[%add3A_35, %dma_start3A_36] : memref<10112x128xf32, #tpu.memory_space<vmem_shared>> -> memref<64x128xf32, #tpu.memory_space<vmem_shared>>
    %dma_start3A_38 = arith.constant 0 : i32
    %dma_start3A_39 = tpu.memref_slice %arg15[%add3A_35, %dma_start3A_38] : memref<10112x128xf32, #tpu.memory_space<vmem_shared>> -> memref<64x128xf32, #tpu.memory_space<vmem_shared>>
    tpu.enqueue_dma source(%arg10 : memref<64x128xf32, #tpu.memory_space<vmem>>) target(%dma_start3A_39 : memref<64x128xf32, #tpu.memory_space<vmem_shared>>) target_semaphore(%arg20 : memref<!tpu.dma_semaphore, #tpu.memory_space<semaphore_mem>>)
    %add3A_40 = arith.constant 320 : i32
    %add3A_41 = arith.addi %mul3A_2, %add3A_40 : i32
    %dma_start3A_42 = arith.constant 0 : i32
    %dma_start3A_43 = tpu.memref_slice %arg15[%add3A_41, %dma_start3A_42] : memref<10112x128xf32, #tpu.memory_space<vmem_shared>> -> memref<64x128xf32, #tpu.memory_space<vmem_shared>>
    %dma_start3A_44 = arith.constant 0 : i32
    %dma_start3A_45 = tpu.memref_slice %arg15[%add3A_41, %dma_start3A_44] : memref<10112x128xf32, #tpu.memory_space<vmem_shared>> -> memref<64x128xf32, #tpu.memory_space<vmem_shared>>
    tpu.enqueue_dma source(%arg10 : memref<64x128xf32, #tpu.memory_space<vmem>>) target(%dma_start3A_45 : memref<64x128xf32, #tpu.memory_space<vmem_shared>>) target_semaphore(%arg20 : memref<!tpu.dma_semaphore, #tpu.memory_space<semaphore_mem>>)
    %add3A_46 = arith.constant 384 : i32
    %add3A_47 = arith.addi %mul3A_2, %add3A_46 : i32
    %dma_start3A_48 = arith.constant 0 : i32
    %dma_start3A_49 = tpu.memref_slice %arg15[%add3A_47, %dma_start3A_48] : memref<10112x128xf32, #tpu.memory_space<vmem_shared>> -> memref<64x128xf32, #tpu.memory_space<vmem_shared>>
    %dma_start3A_50 = arith.constant 0 : i32
    %dma_start3A_51 = tpu.memref_slice %arg15[%add3A_47, %dma_start3A_50] : memref<10112x128xf32, #tpu.memory_space<vmem_shared>> -> memref<64x128xf32, #tpu.memory_space<vmem_shared>>
    tpu.enqueue_dma source(%arg10 : memref<64x128xf32, #tpu.memory_space<vmem>>) target(%dma_start3A_51 : memref<64x128xf32, #tpu.memory_space<vmem_shared>>) target_semaphore(%arg20 : memref<!tpu.dma_semaphore, #tpu.memory_space<semaphore_mem>>)
    %add3A_52 = arith.constant 448 : i32
    %add3A_53 = arith.addi %mul3A_2, %add3A_52 : i32
    %dma_start3A_54 = arith.constant 0 : i32
    %dma_start3A_55 = tpu.memref_slice %arg15[%add3A_53, %dma_start3A_54] : memref<10112x128xf32, #tpu.memory_space<vmem_shared>> -> memref<64x128xf32, #tpu.memory_space<vmem_shared>>
    %dma_start3A_56 = arith.constant 0 : i32
    %dma_start3A_57 = tpu.memref_slice %arg15[%add3A_53, %dma_start3A_56] : memref<10112x128xf32, #tpu.memory_space<vmem_shared>> -> memref<64x128xf32, #tpu.memory_space<vmem_shared>>
    tpu.enqueue_dma source(%arg10 : memref<64x128xf32, #tpu.memory_space<vmem>>) target(%dma_start3A_57 : memref<64x128xf32, #tpu.memory_space<vmem_shared>>) target_semaphore(%arg20 : memref<!tpu.dma_semaphore, #tpu.memory_space<semaphore_mem>>)
    %add3A_58 = arith.constant 512 : i32
    %add3A_59 = arith.addi %mul3A_2, %add3A_58 : i32
    %dma_start3A_60 = arith.constant 0 : i32
    %dma_start3A_61 = tpu.memref_slice %arg15[%add3A_59, %dma_start3A_60] : memref<10112x128xf32, #tpu.memory_space<vmem_shared>> -> memref<64x128xf32, #tpu.memory_space<vmem_shared>>
    %dma_start3A_62 = arith.constant 0 : i32
    %dma_start3A_63 = tpu.memref_slice %arg15[%add3A_59, %dma_start3A_62] : memref<10112x128xf32, #tpu.memory_space<vmem_shared>> -> memref<64x128xf32, #tpu.memory_space<vmem_shared>>
    tpu.enqueue_dma source(%arg10 : memref<64x128xf32, #tpu.memory_space<vmem>>) target(%dma_start3A_63 : memref<64x128xf32, #tpu.memory_space<vmem_shared>>) target_semaphore(%arg20 : memref<!tpu.dma_semaphore, #tpu.memory_space<semaphore_mem>>)
    %add3A_64 = arith.constant 576 : i32
    %add3A_65 = arith.addi %mul3A_2, %add3A_64 : i32
    %dma_start3A_66 = arith.constant 0 : i32
    %dma_start3A_67 = arith.constant 0 : i32
    %dma_start3A_68 = tpu.memref_slice %arg10[%dma_start3A_66, %dma_start3A_67] : memref<64x128xf32, #tpu.memory_space<vmem>> -> memref<56x128xf32, #tpu.memory_space<vmem>>
    %dma_start3A_69 = arith.constant 0 : i32
    %dma_start3A_70 = tpu.memref_slice %arg15[%add3A_65, %dma_start3A_69] : memref<10112x128xf32, #tpu.memory_space<vmem_shared>> -> memref<56x128xf32, #tpu.memory_space<vmem_shared>>
    %dma_start3A_71 = arith.constant 0 : i32
    %dma_start3A_72 = tpu.memref_slice %arg15[%add3A_65, %dma_start3A_71] : memref<10112x128xf32, #tpu.memory_space<vmem_shared>> -> memref<56x128xf32, #tpu.memory_space<vmem_shared>>
    %dma_start3A_73 = arith.constant 0 : i32
    %dma_start3A_74 = arith.constant 0 : i32
    %dma_start3A_75 = tpu.memref_slice %arg10[%dma_start3A_73, %dma_start3A_74] : memref<64x128xf32, #tpu.memory_space<vmem>> -> memref<56x128xf32, #tpu.memory_space<vmem>>
    tpu.enqueue_dma source(%dma_start3A_75 : memref<56x128xf32, #tpu.memory_space<vmem>>) target(%dma_start3A_72 : memref<56x128xf32, #tpu.memory_space<vmem_shared>>) target_semaphore(%arg21 : memref<!tpu.dma_semaphore, #tpu.memory_space<semaphore_mem>>)
    %add3A_76 = arith.constant 0 : i32
    %add3A_77 = arith.addi %mul3A_2, %add3A_76 : i32
    %dma_wait3A = arith.constant 0 : i32
    %dma_wait3A_78 = tpu.memref_slice %arg15[%add3A_77, %dma_wait3A] : memref<10112x128xf32, #tpu.memory_space<vmem_shared>> -> memref<64x128xf32, #tpu.memory_space<vmem_shared>>
    %dma_wait3A_79 = arith.constant 0 : i32
    %dma_wait3A_80 = tpu.memref_slice %arg15[%add3A_77, %dma_wait3A_79] : memref<10112x128xf32, #tpu.memory_space<vmem_shared>> -> memref<64x128xf32, #tpu.memory_space<vmem_shared>>
    tpu.wait_dma2 semaphore(%arg20 : memref<!tpu.dma_semaphore, #tpu.memory_space<semaphore_mem>>) src(%arg10 : memref<64x128xf32, #tpu.memory_space<vmem>>) dst(%dma_wait3A_80 : memref<64x128xf32, #tpu.memory_space<vmem_shared>>)
    %add3A_81 = arith.constant 64 : i32
    %add3A_82 = arith.addi %mul3A_2, %add3A_81 : i32
    %dma_wait3A_83 = arith.constant 0 : i32
    %dma_wait3A_84 = tpu.memref_slice %arg15[%add3A_82, %dma_wait3A_83] : memref<10112x128xf32, #tpu.memory_space<vmem_shared>> -> memref<64x128xf32, #tpu.memory_space<vmem_shared>>
    %dma_wait3A_85 = arith.constant 0 : i32
    %dma_wait3A_86 = tpu.memref_slice %arg15[%add3A_82, %dma_wait3A_85] : memref<10112x128xf32, #tpu.memory_space<vmem_shared>> -> memref<64x128xf32, #tpu.memory_space<vmem_shared>>
    tpu.wait_dma2 semaphore(%arg20 : memref<!tpu.dma_semaphore, #tpu.memory_space<semaphore_mem>>) src(%arg10 : memref<64x128xf32, #tpu.memory_space<vmem>>) dst(%dma_wait3A_86 : memref<64x128xf32, #tpu.memory_space<vmem_shared>>)
    %add3A_87 = arith.constant 128 : i32
    %add3A_88 = arith.addi %mul3A_2, %add3A_87 : i32
    %dma_wait3A_89 = arith.constant 0 : i32
    %dma_wait3A_90 = tpu.memref_slice %arg15[%add3A_88, %dma_wait3A_89] : memref<10112x128xf32, #tpu.memory_space<vmem_shared>> -> memref<64x128xf32, #tpu.memory_space<vmem_shared>>
    %dma_wait3A_91 = arith.constant 0 : i32
    %dma_wait3A_92 = tpu.memref_slice %arg15[%add3A_88, %dma_wait3A_91] : memref<10112x128xf32, #tpu.memory_space<vmem_shared>> -> memref<64x128xf32, #tpu.memory_space<vmem_shared>>
    tpu.wait_dma2 semaphore(%arg20 : memref<!tpu.dma_semaphore, #tpu.memory_space<semaphore_mem>>) src(%arg10 : memref<64x128xf32, #tpu.memory_space<vmem>>) dst(%dma_wait3A_92 : memref<64x128xf32, #tpu.memory_space<vmem_shared>>)
    %add3A_93 = arith.constant 192 : i32
    %add3A_94 = arith.addi %mul3A_2, %add3A_93 : i32
    %dma_wait3A_95 = arith.constant 0 : i32
    %dma_wait3A_96 = tpu.memref_slice %arg15[%add3A_94, %dma_wait3A_95] : memref<10112x128xf32, #tpu.memory_space<vmem_shared>> -> memref<64x128xf32, #tpu.memory_space<vmem_shared>>
    %dma_wait3A_97 = arith.constant 0 : i32
    %dma_wait3A_98 = tpu.memref_slice %arg15[%add3A_94, %dma_wait3A_97] : memref<10112x128xf32, #tpu.memory_space<vmem_shared>> -> memref<64x128xf32, #tpu.memory_space<vmem_shared>>
    tpu.wait_dma2 semaphore(%arg20 : memref<!tpu.dma_semaphore, #tpu.memory_space<semaphore_mem>>) src(%arg10 : memref<64x128xf32, #tpu.memory_space<vmem>>) dst(%dma_wait3A_98 : memref<64x128xf32, #tpu.memory_space<vmem_shared>>)
    %add3A_99 = arith.constant 256 : i32
    %add3A_100 = arith.addi %mul3A_2, %add3A_99 : i32
    %dma_wait3A_101 = arith.constant 0 : i32
    %dma_wait3A_102 = tpu.memref_slice %arg15[%add3A_100, %dma_wait3A_101] : memref<10112x128xf32, #tpu.memory_space<vmem_shared>> -> memref<64x128xf32, #tpu.memory_space<vmem_shared>>
    %dma_wait3A_103 = arith.constant 0 : i32
    %dma_wait3A_104 = tpu.memref_slice %arg15[%add3A_100, %dma_wait3A_103] : memref<10112x128xf32, #tpu.memory_space<vmem_shared>> -> memref<64x128xf32, #tpu.memory_space<vmem_shared>>
    tpu.wait_dma2 semaphore(%arg20 : memref<!tpu.dma_semaphore, #tpu.memory_space<semaphore_mem>>) src(%arg10 : memref<64x128xf32, #tpu.memory_space<vmem>>) dst(%dma_wait3A_104 : memref<64x128xf32, #tpu.memory_space<vmem_shared>>)
    %add3A_105 = arith.constant 320 : i32
    %add3A_106 = arith.addi %mul3A_2, %add3A_105 : i32
    %dma_wait3A_107 = arith.constant 0 : i32
    %dma_wait3A_108 = tpu.memref_slice %arg15[%add3A_106, %dma_wait3A_107] : memref<10112x128xf32, #tpu.memory_space<vmem_shared>> -> memref<64x128xf32, #tpu.memory_space<vmem_shared>>
    %dma_wait3A_109 = arith.constant 0 : i32
    %dma_wait3A_110 = tpu.memref_slice %arg15[%add3A_106, %dma_wait3A_109] : memref<10112x128xf32, #tpu.memory_space<vmem_shared>> -> memref<64x128xf32, #tpu.memory_space<vmem_shared>>
    tpu.wait_dma2 semaphore(%arg20 : memref<!tpu.dma_semaphore, #tpu.memory_space<semaphore_mem>>) src(%arg10 : memref<64x128xf32, #tpu.memory_space<vmem>>) dst(%dma_wait3A_110 : memref<64x128xf32, #tpu.memory_space<vmem_shared>>)
    %add3A_111 = arith.constant 384 : i32
    %add3A_112 = arith.addi %mul3A_2, %add3A_111 : i32
    %dma_wait3A_113 = arith.constant 0 : i32
    %dma_wait3A_114 = tpu.memref_slice %arg15[%add3A_112, %dma_wait3A_113] : memref<10112x128xf32, #tpu.memory_space<vmem_shared>> -> memref<64x128xf32, #tpu.memory_space<vmem_shared>>
    %dma_wait3A_115 = arith.constant 0 : i32
    %dma_wait3A_116 = tpu.memref_slice %arg15[%add3A_112, %dma_wait3A_115] : memref<10112x128xf32, #tpu.memory_space<vmem_shared>> -> memref<64x128xf32, #tpu.memory_space<vmem_shared>>
    tpu.wait_dma2 semaphore(%arg20 : memref<!tpu.dma_semaphore, #tpu.memory_space<semaphore_mem>>) src(%arg10 : memref<64x128xf32, #tpu.memory_space<vmem>>) dst(%dma_wait3A_116 : memref<64x128xf32, #tpu.memory_space<vmem_shared>>)
    %add3A_117 = arith.constant 448 : i32
    %add3A_118 = arith.addi %mul3A_2, %add3A_117 : i32
    %dma_wait3A_119 = arith.constant 0 : i32
    %dma_wait3A_120 = tpu.memref_slice %arg15[%add3A_118, %dma_wait3A_119] : memref<10112x128xf32, #tpu.memory_space<vmem_shared>> -> memref<64x128xf32, #tpu.memory_space<vmem_shared>>
    %dma_wait3A_121 = arith.constant 0 : i32
    %dma_wait3A_122 = tpu.memref_slice %arg15[%add3A_118, %dma_wait3A_121] : memref<10112x128xf32, #tpu.memory_space<vmem_shared>> -> memref<64x128xf32, #tpu.memory_space<vmem_shared>>
    tpu.wait_dma2 semaphore(%arg20 : memref<!tpu.dma_semaphore, #tpu.memory_space<semaphore_mem>>) src(%arg10 : memref<64x128xf32, #tpu.memory_space<vmem>>) dst(%dma_wait3A_122 : memref<64x128xf32, #tpu.memory_space<vmem_shared>>)
    %add3A_123 = arith.constant 512 : i32
    %add3A_124 = arith.addi %mul3A_2, %add3A_123 : i32
    %dma_wait3A_125 = arith.constant 0 : i32
    %dma_wait3A_126 = tpu.memref_slice %arg15[%add3A_124, %dma_wait3A_125] : memref<10112x128xf32, #tpu.memory_space<vmem_shared>> -> memref<64x128xf32, #tpu.memory_space<vmem_shared>>
    %dma_wait3A_127 = arith.constant 0 : i32
    %dma_wait3A_128 = tpu.memref_slice %arg15[%add3A_124, %dma_wait3A_127] : memref<10112x128xf32, #tpu.memory_space<vmem_shared>> -> memref<64x128xf32, #tpu.memory_space<vmem_shared>>
    tpu.wait_dma2 semaphore(%arg20 : memref<!tpu.dma_semaphore, #tpu.memory_space<semaphore_mem>>) src(%arg10 : memref<64x128xf32, #tpu.memory_space<vmem>>) dst(%dma_wait3A_128 : memref<64x128xf32, #tpu.memory_space<vmem_shared>>)
    %add3A_129 = arith.constant 576 : i32
    %add3A_130 = arith.addi %mul3A_2, %add3A_129 : i32
    %dma_wait3A_131 = arith.constant 0 : i32
    %dma_wait3A_132 = arith.constant 0 : i32
    %dma_wait3A_133 = tpu.memref_slice %arg10[%dma_wait3A_131, %dma_wait3A_132] : memref<64x128xf32, #tpu.memory_space<vmem>> -> memref<56x128xf32, #tpu.memory_space<vmem>>
    %dma_wait3A_134 = arith.constant 0 : i32
    %dma_wait3A_135 = tpu.memref_slice %arg15[%add3A_130, %dma_wait3A_134] : memref<10112x128xf32, #tpu.memory_space<vmem_shared>> -> memref<56x128xf32, #tpu.memory_space<vmem_shared>>
    %dma_wait3A_136 = arith.constant 0 : i32
    %dma_wait3A_137 = tpu.memref_slice %arg15[%add3A_130, %dma_wait3A_136] : memref<10112x128xf32, #tpu.memory_space<vmem_shared>> -> memref<56x128xf32, #tpu.memory_space<vmem_shared>>
    %dma_wait3A_138 = arith.constant 0 : i32
    %dma_wait3A_139 = arith.constant 0 : i32
    %dma_wait3A_140 = tpu.memref_slice %arg10[%dma_wait3A_138, %dma_wait3A_139] : memref<64x128xf32, #tpu.memory_space<vmem>> -> memref<56x128xf32, #tpu.memory_space<vmem>>
    tpu.wait_dma2 semaphore(%arg21 : memref<!tpu.dma_semaphore, #tpu.memory_space<semaphore_mem>>) src(%dma_wait3A_140 : memref<56x128xf32, #tpu.memory_space<vmem>>) dst(%dma_wait3A_137 : memref<56x128xf32, #tpu.memory_space<vmem_shared>>)
    %barrier3A = arith.constant 0 : index
    tpu.barrier barrier_id(%barrier3A)
    %add3A_141 = arith.constant 0 : i32
    %add3A_142 = arith.addi %mul3A_4, %add3A_141 : i32
    %dma_start3A_143 = arith.constant 0 : i32
    %dma_start3A_144 = arith.constant 0 : i32
    %dma_start3A_145 = arith.constant 0 : i32
    %dma_start3A_146 = tpu.memref_slice %arg8[%dma_start3A_143, %dma_start3A_144, %dma_start3A_145] : memref<2x8x64xi32, #tpu.memory_space<vmem>> -> memref<1x8x64xi32, #tpu.memory_space<vmem>>
    %dma_start3A_147 = tpu.memref_squeeze %dma_start3A_146 : memref<1x8x64xi32, #tpu.memory_space<vmem>> -> memref<8x64xi32, #tpu.memory_space<vmem>>
    %dma_start3A_148 = arith.constant 0 : i32
    %dma_start3A_149 = tpu.memref_slice %arg2[%add3A_142, %dma_start3A_148] : memref<5120x64xi32, #tpu.memory_space<hbm>> -> memref<8x64xi32, #tpu.memory_space<hbm>>
    %dma_start3A_150 = arith.constant 0 : i32
    %dma_start3A_151 = arith.constant 0 : i32
    %dma_start3A_152 = tpu.memref_slice %arg8[%dma_start3A_143, %dma_start3A_150, %dma_start3A_151] : memref<2x8x64xi32, #tpu.memory_space<vmem>> -> memref<1x8x64xi32, #tpu.memory_space<vmem>>
    %dma_start3A_153 = tpu.memref_squeeze %dma_start3A_152 : memref<1x8x64xi32, #tpu.memory_space<vmem>> -> memref<8x64xi32, #tpu.memory_space<vmem>>
    %dma_start3A_154 = arith.constant 0 : i32
    %dma_start3A_155 = tpu.memref_slice %arg2[%add3A_142, %dma_start3A_154] : memref<5120x64xi32, #tpu.memory_space<hbm>> -> memref<8x64xi32, #tpu.memory_space<hbm>>
    tpu.enqueue_dma source(%dma_start3A_155 : memref<8x64xi32, #tpu.memory_space<hbm>>) target(%dma_start3A_153 : memref<8x64xi32, #tpu.memory_space<vmem>>) target_semaphore(%arg24 : memref<!tpu.dma_semaphore, #tpu.memory_space<semaphore_mem>>)
    %add3A_156 = arith.constant 0 : i32
    %add3A_157 = arith.addi %mul3A_4, %add3A_156 : i32
    %dma_start3A_158 = arith.constant 0 : i32
    %dma_start3A_159 = arith.constant 0 : i32
    %dma_start3A_160 = arith.constant 0 : i32
    %dma_start3A_161 = tpu.memref_slice %arg9[%dma_start3A_158, %dma_start3A_159, %dma_start3A_160] : memref<2x8x64xi32, #tpu.memory_space<vmem>> -> memref<1x8x64xi32, #tpu.memory_space<vmem>>
    %dma_start3A_162 = tpu.memref_squeeze %dma_start3A_161 : memref<1x8x64xi32, #tpu.memory_space<vmem>> -> memref<8x64xi32, #tpu.memory_space<vmem>>
    %dma_start3A_163 = arith.constant 0 : i32
    %dma_start3A_164 = tpu.memref_slice %arg3[%add3A_157, %dma_start3A_163] : memref<5120x64xi32, #tpu.memory_space<hbm>> -> memref<8x64xi32, #tpu.memory_space<hbm>>
    %dma_start3A_165 = arith.constant 0 : i32
    %dma_start3A_166 = arith.constant 0 : i32
    %dma_start3A_167 = tpu.memref_slice %arg9[%dma_start3A_158, %dma_start3A_165, %dma_start3A_166] : memref<2x8x64xi32, #tpu.memory_space<vmem>> -> memref<1x8x64xi32, #tpu.memory_space<vmem>>
    %dma_start3A_168 = tpu.memref_squeeze %dma_start3A_167 : memref<1x8x64xi32, #tpu.memory_space<vmem>> -> memref<8x64xi32, #tpu.memory_space<vmem>>
    %dma_start3A_169 = arith.constant 0 : i32
    %dma_start3A_170 = tpu.memref_slice %arg3[%add3A_157, %dma_start3A_169] : memref<5120x64xi32, #tpu.memory_space<hbm>> -> memref<8x64xi32, #tpu.memory_space<hbm>>
    tpu.enqueue_dma source(%dma_start3A_170 : memref<8x64xi32, #tpu.memory_space<hbm>>) target(%dma_start3A_168 : memref<8x64xi32, #tpu.memory_space<vmem>>) target_semaphore(%arg24 : memref<!tpu.dma_semaphore, #tpu.memory_space<semaphore_mem>>)
    %scan3A_171 = arith.constant 0 : i32
    %scan3A_172 = arith.constant 0 : i32
    %scan3A_173 = arith.constant 10 : i32
    %scan3A_174 = arith.addi %scan3A_172, %scan3A_173 : i32
    %scan3A_175 = arith.constant 1 : i32
    scf.for %scan3A_678 = %scan3A_172 to %scan3A_174 step %scan3A_175  : i32 {
      %mul3A_679 = arith.constant 2 : i32
      %mul3A_680 = arith.muli %mul3A_679, %scan3A_678 : i32
      %add3A_681 = arith.constant 0 : i32
      %add3A_682 = arith.addi %mul3A_680, %add3A_681 : i32
      %mul3A_683 = arith.constant 8 : i32
      %mul3A_684 = arith.muli %add3A_682, %mul3A_683 : i32
      %add3A_685 = arith.addi %mul3A_4, %mul3A_684 : i32
      %dma_wait3A_686 = arith.constant 0 : i32
      %dma_wait3A_687 = arith.constant 0 : i32
      %dma_wait3A_688 = arith.constant 0 : i32
      %dma_wait3A_689 = tpu.memref_slice %arg8[%dma_wait3A_686, %dma_wait3A_687, %dma_wait3A_688] : memref<2x8x64xi32, #tpu.memory_space<vmem>> -> memref<1x8x64xi32, #tpu.memory_space<vmem>>
      %dma_wait3A_690 = tpu.memref_squeeze %dma_wait3A_689 : memref<1x8x64xi32, #tpu.memory_space<vmem>> -> memref<8x64xi32, #tpu.memory_space<vmem>>
      %dma_wait3A_691 = arith.constant 0 : i32
      %dma_wait3A_692 = tpu.memref_slice %arg2[%add3A_685, %dma_wait3A_691] : memref<5120x64xi32, #tpu.memory_space<hbm>> -> memref<8x64xi32, #tpu.memory_space<hbm>>
      %dma_wait3A_693 = arith.constant 0 : i32
      %dma_wait3A_694 = arith.constant 0 : i32
      %dma_wait3A_695 = tpu.memref_slice %arg8[%dma_wait3A_686, %dma_wait3A_693, %dma_wait3A_694] : memref<2x8x64xi32, #tpu.memory_space<vmem>> -> memref<1x8x64xi32, #tpu.memory_space<vmem>>
      %dma_wait3A_696 = tpu.memref_squeeze %dma_wait3A_695 : memref<1x8x64xi32, #tpu.memory_space<vmem>> -> memref<8x64xi32, #tpu.memory_space<vmem>>
      %dma_wait3A_697 = arith.constant 0 : i32
      %dma_wait3A_698 = tpu.memref_slice %arg2[%add3A_685, %dma_wait3A_697] : memref<5120x64xi32, #tpu.memory_space<hbm>> -> memref<8x64xi32, #tpu.memory_space<hbm>>
      tpu.wait_dma2 semaphore(%arg24 : memref<!tpu.dma_semaphore, #tpu.memory_space<semaphore_mem>>) src(%dma_wait3A_698 : memref<8x64xi32, #tpu.memory_space<hbm>>) dst(%dma_wait3A_696 : memref<8x64xi32, #tpu.memory_space<vmem>>)
      %mul3A_699 = arith.constant 8 : i32
      %mul3A_700 = arith.muli %add3A_682, %mul3A_699 : i32
      %add3A_701 = arith.addi %mul3A_4, %mul3A_700 : i32
      %dma_wait3A_702 = arith.constant 0 : i32
      %dma_wait3A_703 = arith.constant 0 : i32
      %dma_wait3A_704 = arith.constant 0 : i32
      %dma_wait3A_705 = tpu.memref_slice %arg9[%dma_wait3A_702, %dma_wait3A_703, %dma_wait3A_704] : memref<2x8x64xi32, #tpu.memory_space<vmem>> -> memref<1x8x64xi32, #tpu.memory_space<vmem>>
      %dma_wait3A_706 = tpu.memref_squeeze %dma_wait3A_705 : memref<1x8x64xi32, #tpu.memory_space<vmem>> -> memref<8x64xi32, #tpu.memory_space<vmem>>
      %dma_wait3A_707 = arith.constant 0 : i32
      %dma_wait3A_708 = tpu.memref_slice %arg3[%add3A_701, %dma_wait3A_707] : memref<5120x64xi32, #tpu.memory_space<hbm>> -> memref<8x64xi32, #tpu.memory_space<hbm>>
      %dma_wait3A_709 = arith.constant 0 : i32
      %dma_wait3A_710 = arith.constant 0 : i32
      %dma_wait3A_711 = tpu.memref_slice %arg9[%dma_wait3A_702, %dma_wait3A_709, %dma_wait3A_710] : memref<2x8x64xi32, #tpu.memory_space<vmem>> -> memref<1x8x64xi32, #tpu.memory_space<vmem>>
      %dma_wait3A_712 = tpu.memref_squeeze %dma_wait3A_711 : memref<1x8x64xi32, #tpu.memory_space<vmem>> -> memref<8x64xi32, #tpu.memory_space<vmem>>
      %dma_wait3A_713 = arith.constant 0 : i32
      %dma_wait3A_714 = tpu.memref_slice %arg3[%add3A_701, %dma_wait3A_713] : memref<5120x64xi32, #tpu.memory_space<hbm>> -> memref<8x64xi32, #tpu.memory_space<hbm>>
      tpu.wait_dma2 semaphore(%arg24 : memref<!tpu.dma_semaphore, #tpu.memory_space<semaphore_mem>>) src(%dma_wait3A_714 : memref<8x64xi32, #tpu.memory_space<hbm>>) dst(%dma_wait3A_712 : memref<8x64xi32, #tpu.memory_space<vmem>>)
      %dma_start3A_715 = arith.constant 0 : i32
      %dma_start3A_716 = arith.constant 0 : i32
      %dma_start3A_717 = arith.constant 0 : i32
      %dma_start3A_718 = tpu.memref_slice %arg8[%dma_start3A_715, %dma_start3A_716, %dma_start3A_717] : memref<2x8x64xi32, #tpu.memory_space<vmem>> -> memref<1x1x64xi32, #tpu.memory_space<vmem>>
      %dma_start3A_719 = tpu.memref_squeeze %dma_start3A_718 : memref<1x1x64xi32, #tpu.memory_space<vmem>> -> memref<64xi32, #tpu.memory_space<vmem>>
      %dma_start3A_720 = arith.constant 0 : i32
      %dma_start3A_721 = arith.constant 0 : i32
      %dma_start3A_722 = tpu.memref_slice %arg4[%dma_start3A_720, %dma_start3A_721] : memref<10000x128xf32, #tpu.memory_space<hbm>> -> memref<10000x128xf32, #tpu.memory_space<hbm>>
      tpu.enqueue_indirect_dma source(%dma_start3A_722 : memref<10000x128xf32, #tpu.memory_space<hbm>>) target(%arg10 : memref<64x128xf32, #tpu.memory_space<vmem>>) offsets(%dma_start3A_719 : memref<64xi32, #tpu.memory_space<vmem>>) semaphore(%arg16 : memref<!tpu.dma_semaphore, #tpu.memory_space<semaphore_mem>>)
      %dma_start3A_723 = arith.constant 0 : i32
      %dma_start3A_724 = arith.constant 1 : i32
      %dma_start3A_725 = arith.constant 0 : i32
      %dma_start3A_726 = tpu.memref_slice %arg8[%dma_start3A_723, %dma_start3A_724, %dma_start3A_725] : memref<2x8x64xi32, #tpu.memory_space<vmem>> -> memref<1x1x64xi32, #tpu.memory_space<vmem>>
      %dma_start3A_727 = tpu.memref_squeeze %dma_start3A_726 : memref<1x1x64xi32, #tpu.memory_space<vmem>> -> memref<64xi32, #tpu.memory_space<vmem>>
      %dma_start3A_728 = arith.constant 0 : i32
      %dma_start3A_729 = arith.constant 0 : i32
      %dma_start3A_730 = tpu.memref_slice %arg4[%dma_start3A_728, %dma_start3A_729] : memref<10000x128xf32, #tpu.memory_space<hbm>> -> memref<10000x128xf32, #tpu.memory_space<hbm>>
      tpu.enqueue_indirect_dma source(%dma_start3A_730 : memref<10000x128xf32, #tpu.memory_space<hbm>>) target(%arg11 : memref<64x128xf32, #tpu.memory_space<vmem>>) offsets(%dma_start3A_727 : memref<64xi32, #tpu.memory_space<vmem>>) semaphore(%arg17 : memref<!tpu.dma_semaphore, #tpu.memory_space<semaphore_mem>>)
      %dma_start3A_731 = arith.constant 0 : i32
      %dma_start3A_732 = arith.constant 2 : i32
      %dma_start3A_733 = arith.constant 0 : i32
      %dma_start3A_734 = tpu.memref_slice %arg8[%dma_start3A_731, %dma_start3A_732, %dma_start3A_733] : memref<2x8x64xi32, #tpu.memory_space<vmem>> -> memref<1x1x64xi32, #tpu.memory_space<vmem>>
      %dma_start3A_735 = tpu.memref_squeeze %dma_start3A_734 : memref<1x1x64xi32, #tpu.memory_space<vmem>> -> memref<64xi32, #tpu.memory_space<vmem>>
      %dma_start3A_736 = arith.constant 0 : i32
      %dma_start3A_737 = arith.constant 0 : i32
      %dma_start3A_738 = tpu.memref_slice %arg4[%dma_start3A_736, %dma_start3A_737] : memref<10000x128xf32, #tpu.memory_space<hbm>> -> memref<10000x128xf32, #tpu.memory_space<hbm>>
      tpu.enqueue_indirect_dma source(%dma_start3A_738 : memref<10000x128xf32, #tpu.memory_space<hbm>>) target(%arg12 : memref<64x128xf32, #tpu.memory_space<vmem>>) offsets(%dma_start3A_735 : memref<64xi32, #tpu.memory_space<vmem>>) semaphore(%arg18 : memref<!tpu.dma_semaphore, #tpu.memory_space<semaphore_mem>>)
      %dma_start3A_739 = arith.constant 0 : i32
      %dma_start3A_740 = arith.constant 3 : i32
      %dma_start3A_741 = arith.constant 0 : i32
      %dma_start3A_742 = tpu.memref_slice %arg8[%dma_start3A_739, %dma_start3A_740, %dma_start3A_741] : memref<2x8x64xi32, #tpu.memory_space<vmem>> -> memref<1x1x64xi32, #tpu.memory_space<vmem>>
      %dma_start3A_743 = tpu.memref_squeeze %dma_start3A_742 : memref<1x1x64xi32, #tpu.memory_space<vmem>> -> memref<64xi32, #tpu.memory_space<vmem>>
      %dma_start3A_744 = arith.constant 0 : i32
      %dma_start3A_745 = arith.constant 0 : i32
      %dma_start3A_746 = tpu.memref_slice %arg4[%dma_start3A_744, %dma_start3A_745] : memref<10000x128xf32, #tpu.memory_space<hbm>> -> memref<10000x128xf32, #tpu.memory_space<hbm>>
      tpu.enqueue_indirect_dma source(%dma_start3A_746 : memref<10000x128xf32, #tpu.memory_space<hbm>>) target(%arg13 : memref<64x128xf32, #tpu.memory_space<vmem>>) offsets(%dma_start3A_743 : memref<64xi32, #tpu.memory_space<vmem>>) semaphore(%arg19 : memref<!tpu.dma_semaphore, #tpu.memory_space<semaphore_mem>>)
      %add3A_747 = arith.constant 1 : i32
      %add3A_748 = arith.addi %add3A_682, %add3A_747 : i32
      %lt3A = arith.constant 20 : i32
      %lt3A_749 = arith.cmpi slt, %add3A_748, %lt3A : i32
      %convert_element_type3A = arith.extui %lt3A_749 : i1 to i32
      %cond3A = arith.constant 0 : i32
      %cond3A_750 = arith.cmpi ne, %convert_element_type3A, %cond3A : i32
      scf.if %cond3A_750 {
        %add3A_1976 = arith.constant 1 : i32
        %add3A_1977 = arith.addi %add3A_682, %add3A_1976 : i32
        %mul3A_1978 = arith.constant 8 : i32
        %mul3A_1979 = arith.muli %add3A_1977, %mul3A_1978 : i32
        %add3A_1980 = arith.addi %mul3A_4, %mul3A_1979 : i32
        %dma_start3A_1981 = arith.constant 1 : i32
        %dma_start3A_1982 = arith.constant 0 : i32
        %dma_start3A_1983 = arith.constant 0 : i32
        %dma_start3A_1984 = tpu.memref_slice %arg8[%dma_start3A_1981, %dma_start3A_1982, %dma_start3A_1983] : memref<2x8x64xi32, #tpu.memory_space<vmem>> -> memref<1x8x64xi32, #tpu.memory_space<vmem>>
        %dma_start3A_1985 = tpu.memref_squeeze %dma_start3A_1984 : memref<1x8x64xi32, #tpu.memory_space<vmem>> -> memref<8x64xi32, #tpu.memory_space<vmem>>
        %dma_start3A_1986 = arith.constant 0 : i32
        %dma_start3A_1987 = tpu.memref_slice %arg2[%add3A_1980, %dma_start3A_1986] : memref<5120x64xi32, #tpu.memory_space<hbm>> -> memref<8x64xi32, #tpu.memory_space<hbm>>
        %dma_start3A_1988 = arith.constant 0 : i32
        %dma_start3A_1989 = arith.constant 0 : i32
        %dma_start3A_1990 = tpu.memref_slice %arg8[%dma_start3A_1981, %dma_start3A_1988, %dma_start3A_1989] : memref<2x8x64xi32, #tpu.memory_space<vmem>> -> memref<1x8x64xi32, #tpu.memory_space<vmem>>
        %dma_start3A_1991 = tpu.memref_squeeze %dma_start3A_1990 : memref<1x8x64xi32, #tpu.memory_space<vmem>> -> memref<8x64xi32, #tpu.memory_space<vmem>>
        %dma_start3A_1992 = arith.constant 0 : i32
        %dma_start3A_1993 = tpu.memref_slice %arg2[%add3A_1980, %dma_start3A_1992] : memref<5120x64xi32, #tpu.memory_space<hbm>> -> memref<8x64xi32, #tpu.memory_space<hbm>>
        tpu.enqueue_dma source(%dma_start3A_1993 : memref<8x64xi32, #tpu.memory_space<hbm>>) target(%dma_start3A_1991 : memref<8x64xi32, #tpu.memory_space<vmem>>) target_semaphore(%arg25 : memref<!tpu.dma_semaphore, #tpu.memory_space<semaphore_mem>>)
        %mul3A_1994 = arith.constant 8 : i32
        %mul3A_1995 = arith.muli %add3A_1977, %mul3A_1994 : i32
        %add3A_1996 = arith.addi %mul3A_4, %mul3A_1995 : i32
        %dma_start3A_1997 = arith.constant 1 : i32
        %dma_start3A_1998 = arith.constant 0 : i32
        %dma_start3A_1999 = arith.constant 0 : i32
        %dma_start3A_2000 = tpu.memref_slice %arg9[%dma_start3A_1997, %dma_start3A_1998, %dma_start3A_1999] : memref<2x8x64xi32, #tpu.memory_space<vmem>> -> memref<1x8x64xi32, #tpu.memory_space<vmem>>
        %dma_start3A_2001 = tpu.memref_squeeze %dma_start3A_2000 : memref<1x8x64xi32, #tpu.memory_space<vmem>> -> memref<8x64xi32, #tpu.memory_space<vmem>>
        %dma_start3A_2002 = arith.constant 0 : i32
        %dma_start3A_2003 = tpu.memref_slice %arg3[%add3A_1996, %dma_start3A_2002] : memref<5120x64xi32, #tpu.memory_space<hbm>> -> memref<8x64xi32, #tpu.memory_space<hbm>>
        %dma_start3A_2004 = arith.constant 0 : i32
        %dma_start3A_2005 = arith.constant 0 : i32
        %dma_start3A_2006 = tpu.memref_slice %arg9[%dma_start3A_1997, %dma_start3A_2004, %dma_start3A_2005] : memref<2x8x64xi32, #tpu.memory_space<vmem>> -> memref<1x8x64xi32, #tpu.memory_space<vmem>>
        %dma_start3A_2007 = tpu.memref_squeeze %dma_start3A_2006 : memref<1x8x64xi32, #tpu.memory_space<vmem>> -> memref<8x64xi32, #tpu.memory_space<vmem>>
        %dma_start3A_2008 = arith.constant 0 : i32
        %dma_start3A_2009 = tpu.memref_slice %arg3[%add3A_1996, %dma_start3A_2008] : memref<5120x64xi32, #tpu.memory_space<hbm>> -> memref<8x64xi32, #tpu.memory_space<hbm>>
        tpu.enqueue_dma source(%dma_start3A_2009 : memref<8x64xi32, #tpu.memory_space<hbm>>) target(%dma_start3A_2007 : memref<8x64xi32, #tpu.memory_space<vmem>>) target_semaphore(%arg25 : memref<!tpu.dma_semaphore, #tpu.memory_space<semaphore_mem>>)
      } else {
      }
      %get3A = arith.constant 0 : i32
      %get3A_751 = arith.constant 0 : i32
      %get3A_752 = arith.index_cast %get3A : i32 to index
      %get3A_753 = arith.index_cast %get3A_751 : i32 to index
      %get3A_754 = arith.constant 0 : index
      %get3A_755 = tpu.vector_load %arg9[%get3A_752, %get3A_753, %get3A_754] {strides = array<i32>} : memref<2x8x64xi32, #tpu.memory_space<vmem>>, vector<16xi32>,
      %broadcast_in_dim3A_756 = arith.constant true
      %broadcast_in_dim3A_757 = vector.broadcast %broadcast_in_dim3A_756 : i1 to vector<16xi1>
      %unique3A, %unique3A_758 = tpu.scan_count mask(%broadcast_in_dim3A_757 : vector<16xi1>) value(%get3A_755 : vector<16xi32>) : vector<16xi1>, vector<16xi32>
      %convert_element_type3A_759 = arith.sitofp %unique3A_758 : vector<16xi32> to vector<16xf32>
      tpu.vector_store_idx %arg14[%get3A_755], %convert_element_type3A_759 masked %unique3A {add = true} : memref<10112xf32, #tpu.memory_space<vmem>>[vector<16xi32>], vector<16xf32>, vector<16xi1>
      %get3A_760 = arith.constant 0 : i32
      %get3A_761 = arith.constant 0 : i32
      %get3A_762 = arith.index_cast %get3A_760 : i32 to index
      %get3A_763 = arith.index_cast %get3A_761 : i32 to index
      %get3A_764 = arith.constant 16 : index
      %get3A_765 = tpu.vector_load %arg9[%get3A_762, %get3A_763, %get3A_764] {strides = array<i32>} : memref<2x8x64xi32, #tpu.memory_space<vmem>>, vector<16xi32>,
      %broadcast_in_dim3A_766 = arith.constant true
      %broadcast_in_dim3A_767 = vector.broadcast %broadcast_in_dim3A_766 : i1 to vector<16xi1>
      %unique3A_768, %unique3A_769 = tpu.scan_count mask(%broadcast_in_dim3A_767 : vector<16xi1>) value(%get3A_765 : vector<16xi32>) : vector<16xi1>, vector<16xi32>
      %convert_element_type3A_770 = arith.sitofp %unique3A_769 : vector<16xi32> to vector<16xf32>
      tpu.vector_store_idx %arg14[%get3A_765], %convert_element_type3A_770 masked %unique3A_768 {add = true} : memref<10112xf32, #tpu.memory_space<vmem>>[vector<16xi32>], vector<16xf32>, vector<16xi1>
      %get3A_771 = arith.constant 0 : i32
      %get3A_772 = arith.constant 0 : i32
      %get3A_773 = arith.index_cast %get3A_771 : i32 to index
      %get3A_774 = arith.index_cast %get3A_772 : i32 to index
      %get3A_775 = arith.constant 32 : index
      %get3A_776 = tpu.vector_load %arg9[%get3A_773, %get3A_774, %get3A_775] {strides = array<i32>} : memref<2x8x64xi32, #tpu.memory_space<vmem>>, vector<16xi32>,
      %broadcast_in_dim3A_777 = arith.constant true
      %broadcast_in_dim3A_778 = vector.broadcast %broadcast_in_dim3A_777 : i1 to vector<16xi1>
      %unique3A_779, %unique3A_780 = tpu.scan_count mask(%broadcast_in_dim3A_778 : vector<16xi1>) value(%get3A_776 : vector<16xi32>) : vector<16xi1>, vector<16xi32>
      %convert_element_type3A_781 = arith.sitofp %unique3A_780 : vector<16xi32> to vector<16xf32>
      tpu.vector_store_idx %arg14[%get3A_776], %convert_element_type3A_781 masked %unique3A_779 {add = true} : memref<10112xf32, #tpu.memory_space<vmem>>[vector<16xi32>], vector<16xf32>, vector<16xi1>
      %get3A_782 = arith.constant 0 : i32
      %get3A_783 = arith.constant 0 : i32
      %get3A_784 = arith.index_cast %get3A_782 : i32 to index
      %get3A_785 = arith.index_cast %get3A_783 : i32 to index
      %get3A_786 = arith.constant 48 : index
      %get3A_787 = tpu.vector_load %arg9[%get3A_784, %get3A_785, %get3A_786] {strides = array<i32>} : memref<2x8x64xi32, #tpu.memory_space<vmem>>, vector<16xi32>,
      %broadcast_in_dim3A_788 = arith.constant true
      %broadcast_in_dim3A_789 = vector.broadcast %broadcast_in_dim3A_788 : i1 to vector<16xi1>
      %unique3A_790, %unique3A_791 = tpu.scan_count mask(%broadcast_in_dim3A_789 : vector<16xi1>) value(%get3A_787 : vector<16xi32>) : vector<16xi1>, vector<16xi32>
      %convert_element_type3A_792 = arith.sitofp %unique3A_791 : vector<16xi32> to vector<16xf32>
      tpu.vector_store_idx %arg14[%get3A_787], %convert_element_type3A_792 masked %unique3A_790 {add = true} : memref<10112xf32, #tpu.memory_space<vmem>>[vector<16xi32>], vector<16xf32>, vector<16xi1>
      %get3A_793 = arith.constant 0 : i32
      %get3A_794 = arith.constant 1 : i32
      %get3A_795 = arith.index_cast %get3A_793 : i32 to index
      %get3A_796 = arith.index_cast %get3A_794 : i32 to index
      %get3A_797 = arith.constant 0 : index
      %get3A_798 = tpu.vector_load %arg9[%get3A_795, %get3A_796, %get3A_797] {strides = array<i32>} : memref<2x8x64xi32, #tpu.memory_space<vmem>>, vector<16xi32>,
      %broadcast_in_dim3A_799 = arith.constant true
      %broadcast_in_dim3A_800 = vector.broadcast %broadcast_in_dim3A_799 : i1 to vector<16xi1>
      %unique3A_801, %unique3A_802 = tpu.scan_count mask(%broadcast_in_dim3A_800 : vector<16xi1>) value(%get3A_798 : vector<16xi32>) : vector<16xi1>, vector<16xi32>
      %convert_element_type3A_803 = arith.sitofp %unique3A_802 : vector<16xi32> to vector<16xf32>
      tpu.vector_store_idx %arg14[%get3A_798], %convert_element_type3A_803 masked %unique3A_801 {add = true} : memref<10112xf32, #tpu.memory_space<vmem>>[vector<16xi32>], vector<16xf32>, vector<16xi1>
      %get3A_804 = arith.constant 0 : i32
      %get3A_805 = arith.constant 1 : i32
      %get3A_806 = arith.index_cast %get3A_804 : i32 to index
      %get3A_807 = arith.index_cast %get3A_805 : i32 to index
      %get3A_808 = arith.constant 16 : index
      %get3A_809 = tpu.vector_load %arg9[%get3A_806, %get3A_807, %get3A_808] {strides = array<i32>} : memref<2x8x64xi32, #tpu.memory_space<vmem>>, vector<16xi32>,
      %broadcast_in_dim3A_810 = arith.constant true
      %broadcast_in_dim3A_811 = vector.broadcast %broadcast_in_dim3A_810 : i1 to vector<16xi1>
      %unique3A_812, %unique3A_813 = tpu.scan_count mask(%broadcast_in_dim3A_811 : vector<16xi1>) value(%get3A_809 : vector<16xi32>) : vector<16xi1>, vector<16xi32>
      %convert_element_type3A_814 = arith.sitofp %unique3A_813 : vector<16xi32> to vector<16xf32>
      tpu.vector_store_idx %arg14[%get3A_809], %convert_element_type3A_814 masked %unique3A_812 {add = true} : memref<10112xf32, #tpu.memory_space<vmem>>[vector<16xi32>], vector<16xf32>, vector<16xi1>
      %get3A_815 = arith.constant 0 : i32
      %get3A_816 = arith.constant 1 : i32
      %get3A_817 = arith.index_cast %get3A_815 : i32 to index
      %get3A_818 = arith.index_cast %get3A_816 : i32 to index
      %get3A_819 = arith.constant 32 : index
      %get3A_820 = tpu.vector_load %arg9[%get3A_817, %get3A_818, %get3A_819] {strides = array<i32>} : memref<2x8x64xi32, #tpu.memory_space<vmem>>, vector<16xi32>,
      %broadcast_in_dim3A_821 = arith.constant true
      %broadcast_in_dim3A_822 = vector.broadcast %broadcast_in_dim3A_821 : i1 to vector<16xi1>
      %unique3A_823, %unique3A_824 = tpu.scan_count mask(%broadcast_in_dim3A_822 : vector<16xi1>) value(%get3A_820 : vector<16xi32>) : vector<16xi1>, vector<16xi32>
      %convert_element_type3A_825 = arith.sitofp %unique3A_824 : vector<16xi32> to vector<16xf32>
      tpu.vector_store_idx %arg14[%get3A_820], %convert_element_type3A_825 masked %unique3A_823 {add = true} : memref<10112xf32, #tpu.memory_space<vmem>>[vector<16xi32>], vector<16xf32>, vector<16xi1>
      %get3A_826 = arith.constant 0 : i32
      %get3A_827 = arith.constant 1 : i32
      %get3A_828 = arith.index_cast %get3A_826 : i32 to index
      %get3A_829 = arith.index_cast %get3A_827 : i32 to index
      %get3A_830 = arith.constant 48 : index
      %get3A_831 = tpu.vector_load %arg9[%get3A_828, %get3A_829, %get3A_830] {strides = array<i32>} : memref<2x8x64xi32, #tpu.memory_space<vmem>>, vector<16xi32>,
      %broadcast_in_dim3A_832 = arith.constant true
      %broadcast_in_dim3A_833 = vector.broadcast %broadcast_in_dim3A_832 : i1 to vector<16xi1>
      %unique3A_834, %unique3A_835 = tpu.scan_count mask(%broadcast_in_dim3A_833 : vector<16xi1>) value(%get3A_831 : vector<16xi32>) : vector<16xi1>, vector<16xi32>
      %convert_element_type3A_836 = arith.sitofp %unique3A_835 : vector<16xi32> to vector<16xf32>
      tpu.vector_store_idx %arg14[%get3A_831], %convert_element_type3A_836 masked %unique3A_834 {add = true} : memref<10112xf32, #tpu.memory_space<vmem>>[vector<16xi32>], vector<16xf32>, vector<16xi1>
      %get3A_837 = arith.constant 0 : i32
      %get3A_838 = arith.constant 2 : i32
      %get3A_839 = arith.index_cast %get3A_837 : i32 to index
      %get3A_840 = arith.index_cast %get3A_838 : i32 to index
      %get3A_841 = arith.constant 0 : index
      %get3A_842 = tpu.vector_load %arg9[%get3A_839, %get3A_840, %get3A_841] {strides = array<i32>} : memref<2x8x64xi32, #tpu.memory_space<vmem>>, vector<16xi32>,
      %broadcast_in_dim3A_843 = arith.constant true
      %broadcast_in_dim3A_844 = vector.broadcast %broadcast_in_dim3A_843 : i1 to vector<16xi1>
      %unique3A_845, %unique3A_846 = tpu.scan_count mask(%broadcast_in_dim3A_844 : vector<16xi1>) value(%get3A_842 : vector<16xi32>) : vector<16xi1>, vector<16xi32>
      %convert_element_type3A_847 = arith.sitofp %unique3A_846 : vector<16xi32> to vector<16xf32>
      tpu.vector_store_idx %arg14[%get3A_842], %convert_element_type3A_847 masked %unique3A_845 {add = true} : memref<10112xf32, #tpu.memory_space<vmem>>[vector<16xi32>], vector<16xf32>, vector<16xi1>
      %get3A_848 = arith.constant 0 : i32
      %get3A_849 = arith.constant 2 : i32
      %get3A_850 = arith.index_cast %get3A_848 : i32 to index
      %get3A_851 = arith.index_cast %get3A_849 : i32 to index
      %get3A_852 = arith.constant 16 : index
      %get3A_853 = tpu.vector_load %arg9[%get3A_850, %get3A_851, %get3A_852] {strides = array<i32>} : memref<2x8x64xi32, #tpu.memory_space<vmem>>, vector<16xi32>,
      %broadcast_in_dim3A_854 = arith.constant true
      %broadcast_in_dim3A_855 = vector.broadcast %broadcast_in_dim3A_854 : i1 to vector<16xi1>
      %unique3A_856, %unique3A_857 = tpu.scan_count mask(%broadcast_in_dim3A_855 : vector<16xi1>) value(%get3A_853 : vector<16xi32>) : vector<16xi1>, vector<16xi32>
      %convert_element_type3A_858 = arith.sitofp %unique3A_857 : vector<16xi32> to vector<16xf32>
      tpu.vector_store_idx %arg14[%get3A_853], %convert_element_type3A_858 masked %unique3A_856 {add = true} : memref<10112xf32, #tpu.memory_space<vmem>>[vector<16xi32>], vector<16xf32>, vector<16xi1>
      %get3A_859 = arith.constant 0 : i32
      %get3A_860 = arith.constant 2 : i32
      %get3A_861 = arith.index_cast %get3A_859 : i32 to index
      %get3A_862 = arith.index_cast %get3A_860 : i32 to index
      %get3A_863 = arith.constant 32 : index
      %get3A_864 = tpu.vector_load %arg9[%get3A_861, %get3A_862, %get3A_863] {strides = array<i32>} : memref<2x8x64xi32, #tpu.memory_space<vmem>>, vector<16xi32>,
      %broadcast_in_dim3A_865 = arith.constant true
      %broadcast_in_dim3A_866 = vector.broadcast %broadcast_in_dim3A_865 : i1 to vector<16xi1>
      %unique3A_867, %unique3A_868 = tpu.scan_count mask(%broadcast_in_dim3A_866 : vector<16xi1>) value(%get3A_864 : vector<16xi32>) : vector<16xi1>, vector<16xi32>
      %convert_element_type3A_869 = arith.sitofp %unique3A_868 : vector<16xi32> to vector<16xf32>
      tpu.vector_store_idx %arg14[%get3A_864], %convert_element_type3A_869 masked %unique3A_867 {add = true} : memref<10112xf32, #tpu.memory_space<vmem>>[vector<16xi32>], vector<16xf32>, vector<16xi1>
      %get3A_870 = arith.constant 0 : i32
      %get3A_871 = arith.constant 2 : i32
      %get3A_872 = arith.index_cast %get3A_870 : i32 to index
      %get3A_873 = arith.index_cast %get3A_871 : i32 to index
      %get3A_874 = arith.constant 48 : index
      %get3A_875 = tpu.vector_load %arg9[%get3A_872, %get3A_873, %get3A_874] {strides = array<i32>} : memref<2x8x64xi32, #tpu.memory_space<vmem>>, vector<16xi32>,
      %broadcast_in_dim3A_876 = arith.constant true
      %broadcast_in_dim3A_877 = vector.broadcast %broadcast_in_dim3A_876 : i1 to vector<16xi1>
      %unique3A_878, %unique3A_879 = tpu.scan_count mask(%broadcast_in_dim3A_877 : vector<16xi1>) value(%get3A_875 : vector<16xi32>) : vector<16xi1>, vector<16xi32>
      %convert_element_type3A_880 = arith.sitofp %unique3A_879 : vector<16xi32> to vector<16xf32>
      tpu.vector_store_idx %arg14[%get3A_875], %convert_element_type3A_880 masked %unique3A_878 {add = true} : memref<10112xf32, #tpu.memory_space<vmem>>[vector<16xi32>], vector<16xf32>, vector<16xi1>
      %get3A_881 = arith.constant 0 : i32
      %get3A_882 = arith.constant 3 : i32
      %get3A_883 = arith.index_cast %get3A_881 : i32 to index
      %get3A_884 = arith.index_cast %get3A_882 : i32 to index
      %get3A_885 = arith.constant 0 : index
      %get3A_886 = tpu.vector_load %arg9[%get3A_883, %get3A_884, %get3A_885] {strides = array<i32>} : memref<2x8x64xi32, #tpu.memory_space<vmem>>, vector<16xi32>,
      %broadcast_in_dim3A_887 = arith.constant true
      %broadcast_in_dim3A_888 = vector.broadcast %broadcast_in_dim3A_887 : i1 to vector<16xi1>
      %unique3A_889, %unique3A_890 = tpu.scan_count mask(%broadcast_in_dim3A_888 : vector<16xi1>) value(%get3A_886 : vector<16xi32>) : vector<16xi1>, vector<16xi32>
      %convert_element_type3A_891 = arith.sitofp %unique3A_890 : vector<16xi32> to vector<16xf32>
      tpu.vector_store_idx %arg14[%get3A_886], %convert_element_type3A_891 masked %unique3A_889 {add = true} : memref<10112xf32, #tpu.memory_space<vmem>>[vector<16xi32>], vector<16xf32>, vector<16xi1>
      %get3A_892 = arith.constant 0 : i32
      %get3A_893 = arith.constant 3 : i32
      %get3A_894 = arith.index_cast %get3A_892 : i32 to index
      %get3A_895 = arith.index_cast %get3A_893 : i32 to index
      %get3A_896 = arith.constant 16 : index
      %get3A_897 = tpu.vector_load %arg9[%get3A_894, %get3A_895, %get3A_896] {strides = array<i32>} : memref<2x8x64xi32, #tpu.memory_space<vmem>>, vector<16xi32>,
      %broadcast_in_dim3A_898 = arith.constant true
      %broadcast_in_dim3A_899 = vector.broadcast %broadcast_in_dim3A_898 : i1 to vector<16xi1>
      %unique3A_900, %unique3A_901 = tpu.scan_count mask(%broadcast_in_dim3A_899 : vector<16xi1>) value(%get3A_897 : vector<16xi32>) : vector<16xi1>, vector<16xi32>
      %convert_element_type3A_902 = arith.sitofp %unique3A_901 : vector<16xi32> to vector<16xf32>
      tpu.vector_store_idx %arg14[%get3A_897], %convert_element_type3A_902 masked %unique3A_900 {add = true} : memref<10112xf32, #tpu.memory_space<vmem>>[vector<16xi32>], vector<16xf32>, vector<16xi1>
      %get3A_903 = arith.constant 0 : i32
      %get3A_904 = arith.constant 3 : i32
      %get3A_905 = arith.index_cast %get3A_903 : i32 to index
      %get3A_906 = arith.index_cast %get3A_904 : i32 to index
      %get3A_907 = arith.constant 32 : index
      %get3A_908 = tpu.vector_load %arg9[%get3A_905, %get3A_906, %get3A_907] {strides = array<i32>} : memref<2x8x64xi32, #tpu.memory_space<vmem>>, vector<16xi32>,
      %broadcast_in_dim3A_909 = arith.constant true
      %broadcast_in_dim3A_910 = vector.broadcast %broadcast_in_dim3A_909 : i1 to vector<16xi1>
      %unique3A_911, %unique3A_912 = tpu.scan_count mask(%broadcast_in_dim3A_910 : vector<16xi1>) value(%get3A_908 : vector<16xi32>) : vector<16xi1>, vector<16xi32>
      %convert_element_type3A_913 = arith.sitofp %unique3A_912 : vector<16xi32> to vector<16xf32>
      tpu.vector_store_idx %arg14[%get3A_908], %convert_element_type3A_913 masked %unique3A_911 {add = true} : memref<10112xf32, #tpu.memory_space<vmem>>[vector<16xi32>], vector<16xf32>, vector<16xi1>
      %get3A_914 = arith.constant 0 : i32
      %get3A_915 = arith.constant 3 : i32
      %get3A_916 = arith.index_cast %get3A_914 : i32 to index
      %get3A_917 = arith.index_cast %get3A_915 : i32 to index
      %get3A_918 = arith.constant 48 : index
      %get3A_919 = tpu.vector_load %arg9[%get3A_916, %get3A_917, %get3A_918] {strides = array<i32>} : memref<2x8x64xi32, #tpu.memory_space<vmem>>, vector<16xi32>,
      %broadcast_in_dim3A_920 = arith.constant true
      %broadcast_in_dim3A_921 = vector.broadcast %broadcast_in_dim3A_920 : i1 to vector<16xi1>
      %unique3A_922, %unique3A_923 = tpu.scan_count mask(%broadcast_in_dim3A_921 : vector<16xi1>) value(%get3A_919 : vector<16xi32>) : vector<16xi1>, vector<16xi32>
      %convert_element_type3A_924 = arith.sitofp %unique3A_923 : vector<16xi32> to vector<16xf32>
      tpu.vector_store_idx %arg14[%get3A_919], %convert_element_type3A_924 masked %unique3A_922 {add = true} : memref<10112xf32, #tpu.memory_space<vmem>>[vector<16xi32>], vector<16xf32>, vector<16xi1>
      %get3A_925 = arith.constant 0 : i32
      %get3A_926 = arith.constant 4 : i32
      %get3A_927 = arith.index_cast %get3A_925 : i32 to index
      %get3A_928 = arith.index_cast %get3A_926 : i32 to index
      %get3A_929 = arith.constant 0 : index
      %get3A_930 = tpu.vector_load %arg9[%get3A_927, %get3A_928, %get3A_929] {strides = array<i32>} : memref<2x8x64xi32, #tpu.memory_space<vmem>>, vector<16xi32>,
      %broadcast_in_dim3A_931 = arith.constant true
      %broadcast_in_dim3A_932 = vector.broadcast %broadcast_in_dim3A_931 : i1 to vector<16xi1>
      %unique3A_933, %unique3A_934 = tpu.scan_count mask(%broadcast_in_dim3A_932 : vector<16xi1>) value(%get3A_930 : vector<16xi32>) : vector<16xi1>, vector<16xi32>
      %convert_element_type3A_935 = arith.sitofp %unique3A_934 : vector<16xi32> to vector<16xf32>
      tpu.vector_store_idx %arg14[%get3A_930], %convert_element_type3A_935 masked %unique3A_933 {add = true} : memref<10112xf32, #tpu.memory_space<vmem>>[vector<16xi32>], vector<16xf32>, vector<16xi1>
      %get3A_936 = arith.constant 0 : i32
      %get3A_937 = arith.constant 4 : i32
      %get3A_938 = arith.index_cast %get3A_936 : i32 to index
      %get3A_939 = arith.index_cast %get3A_937 : i32 to index
      %get3A_940 = arith.constant 16 : index
      %get3A_941 = tpu.vector_load %arg9[%get3A_938, %get3A_939, %get3A_940] {strides = array<i32>} : memref<2x8x64xi32, #tpu.memory_space<vmem>>, vector<16xi32>,
      %broadcast_in_dim3A_942 = arith.constant true
      %broadcast_in_dim3A_943 = vector.broadcast %broadcast_in_dim3A_942 : i1 to vector<16xi1>
      %unique3A_944, %unique3A_945 = tpu.scan_count mask(%broadcast_in_dim3A_943 : vector<16xi1>) value(%get3A_941 : vector<16xi32>) : vector<16xi1>, vector<16xi32>
      %convert_element_type3A_946 = arith.sitofp %unique3A_945 : vector<16xi32> to vector<16xf32>
      tpu.vector_store_idx %arg14[%get3A_941], %convert_element_type3A_946 masked %unique3A_944 {add = true} : memref<10112xf32, #tpu.memory_space<vmem>>[vector<16xi32>], vector<16xf32>, vector<16xi1>
      %get3A_947 = arith.constant 0 : i32
      %get3A_948 = arith.constant 4 : i32
      %get3A_949 = arith.index_cast %get3A_947 : i32 to index
      %get3A_950 = arith.index_cast %get3A_948 : i32 to index
      %get3A_951 = arith.constant 32 : index
      %get3A_952 = tpu.vector_load %arg9[%get3A_949, %get3A_950, %get3A_951] {strides = array<i32>} : memref<2x8x64xi32, #tpu.memory_space<vmem>>, vector<16xi32>,
      %broadcast_in_dim3A_953 = arith.constant true
      %broadcast_in_dim3A_954 = vector.broadcast %broadcast_in_dim3A_953 : i1 to vector<16xi1>
      %unique3A_955, %unique3A_956 = tpu.scan_count mask(%broadcast_in_dim3A_954 : vector<16xi1>) value(%get3A_952 : vector<16xi32>) : vector<16xi1>, vector<16xi32>
      %convert_element_type3A_957 = arith.sitofp %unique3A_956 : vector<16xi32> to vector<16xf32>
      tpu.vector_store_idx %arg14[%get3A_952], %convert_element_type3A_957 masked %unique3A_955 {add = true} : memref<10112xf32, #tpu.memory_space<vmem>>[vector<16xi32>], vector<16xf32>, vector<16xi1>
      %get3A_958 = arith.constant 0 : i32
      %get3A_959 = arith.constant 4 : i32
      %get3A_960 = arith.index_cast %get3A_958 : i32 to index
      %get3A_961 = arith.index_cast %get3A_959 : i32 to index
      %get3A_962 = arith.constant 48 : index
      %get3A_963 = tpu.vector_load %arg9[%get3A_960, %get3A_961, %get3A_962] {strides = array<i32>} : memref<2x8x64xi32, #tpu.memory_space<vmem>>, vector<16xi32>,
      %broadcast_in_dim3A_964 = arith.constant true
      %broadcast_in_dim3A_965 = vector.broadcast %broadcast_in_dim3A_964 : i1 to vector<16xi1>
      %unique3A_966, %unique3A_967 = tpu.scan_count mask(%broadcast_in_dim3A_965 : vector<16xi1>) value(%get3A_963 : vector<16xi32>) : vector<16xi1>, vector<16xi32>
      %convert_element_type3A_968 = arith.sitofp %unique3A_967 : vector<16xi32> to vector<16xf32>
      tpu.vector_store_idx %arg14[%get3A_963], %convert_element_type3A_968 masked %unique3A_966 {add = true} : memref<10112xf32, #tpu.memory_space<vmem>>[vector<16xi32>], vector<16xf32>, vector<16xi1>
      %get3A_969 = arith.constant 0 : i32
      %get3A_970 = arith.constant 5 : i32
      %get3A_971 = arith.index_cast %get3A_969 : i32 to index
      %get3A_972 = arith.index_cast %get3A_970 : i32 to index
      %get3A_973 = arith.constant 0 : index
      %get3A_974 = tpu.vector_load %arg9[%get3A_971, %get3A_972, %get3A_973] {strides = array<i32>} : memref<2x8x64xi32, #tpu.memory_space<vmem>>, vector<16xi32>,
      %broadcast_in_dim3A_975 = arith.constant true
      %broadcast_in_dim3A_976 = vector.broadcast %broadcast_in_dim3A_975 : i1 to vector<16xi1>
      %unique3A_977, %unique3A_978 = tpu.scan_count mask(%broadcast_in_dim3A_976 : vector<16xi1>) value(%get3A_974 : vector<16xi32>) : vector<16xi1>, vector<16xi32>
      %convert_element_type3A_979 = arith.sitofp %unique3A_978 : vector<16xi32> to vector<16xf32>
      tpu.vector_store_idx %arg14[%get3A_974], %convert_element_type3A_979 masked %unique3A_977 {add = true} : memref<10112xf32, #tpu.memory_space<vmem>>[vector<16xi32>], vector<16xf32>, vector<16xi1>
      %get3A_980 = arith.constant 0 : i32
      %get3A_981 = arith.constant 5 : i32
      %get3A_982 = arith.index_cast %get3A_980 : i32 to index
      %get3A_983 = arith.index_cast %get3A_981 : i32 to index
      %get3A_984 = arith.constant 16 : index
      %get3A_985 = tpu.vector_load %arg9[%get3A_982, %get3A_983, %get3A_984] {strides = array<i32>} : memref<2x8x64xi32, #tpu.memory_space<vmem>>, vector<16xi32>,
      %broadcast_in_dim3A_986 = arith.constant true
      %broadcast_in_dim3A_987 = vector.broadcast %broadcast_in_dim3A_986 : i1 to vector<16xi1>
      %unique3A_988, %unique3A_989 = tpu.scan_count mask(%broadcast_in_dim3A_987 : vector<16xi1>) value(%get3A_985 : vector<16xi32>) : vector<16xi1>, vector<16xi32>
      %convert_element_type3A_990 = arith.sitofp %unique3A_989 : vector<16xi32> to vector<16xf32>
      tpu.vector_store_idx %arg14[%get3A_985], %convert_element_type3A_990 masked %unique3A_988 {add = true} : memref<10112xf32, #tpu.memory_space<vmem>>[vector<16xi32>], vector<16xf32>, vector<16xi1>
      %get3A_991 = arith.constant 0 : i32
      %get3A_992 = arith.constant 5 : i32
      %get3A_993 = arith.index_cast %get3A_991 : i32 to index
      %get3A_994 = arith.index_cast %get3A_992 : i32 to index
      %get3A_995 = arith.constant 32 : index
      %get3A_996 = tpu.vector_load %arg9[%get3A_993, %get3A_994, %get3A_995] {strides = array<i32>} : memref<2x8x64xi32, #tpu.memory_space<vmem>>, vector<16xi32>,
      %broadcast_in_dim3A_997 = arith.constant true
      %broadcast_in_dim3A_998 = vector.broadcast %broadcast_in_dim3A_997 : i1 to vector<16xi1>
      %unique3A_999, %unique3A_1000 = tpu.scan_count mask(%broadcast_in_dim3A_998 : vector<16xi1>) value(%get3A_996 : vector<16xi32>) : vector<16xi1>, vector<16xi32>
      %convert_element_type3A_1001 = arith.sitofp %unique3A_1000 : vector<16xi32> to vector<16xf32>
      tpu.vector_store_idx %arg14[%get3A_996], %convert_element_type3A_1001 masked %unique3A_999 {add = true} : memref<10112xf32, #tpu.memory_space<vmem>>[vector<16xi32>], vector<16xf32>, vector<16xi1>
      %get3A_1002 = arith.constant 0 : i32
      %get3A_1003 = arith.constant 5 : i32
      %get3A_1004 = arith.index_cast %get3A_1002 : i32 to index
      %get3A_1005 = arith.index_cast %get3A_1003 : i32 to index
      %get3A_1006 = arith.constant 48 : index
      %get3A_1007 = tpu.vector_load %arg9[%get3A_1004, %get3A_1005, %get3A_1006] {strides = array<i32>} : memref<2x8x64xi32, #tpu.memory_space<vmem>>, vector<16xi32>,
      %broadcast_in_dim3A_1008 = arith.constant true
      %broadcast_in_dim3A_1009 = vector.broadcast %broadcast_in_dim3A_1008 : i1 to vector<16xi1>
      %unique3A_1010, %unique3A_1011 = tpu.scan_count mask(%broadcast_in_dim3A_1009 : vector<16xi1>) value(%get3A_1007 : vector<16xi32>) : vector<16xi1>, vector<16xi32>
      %convert_element_type3A_1012 = arith.sitofp %unique3A_1011 : vector<16xi32> to vector<16xf32>
      tpu.vector_store_idx %arg14[%get3A_1007], %convert_element_type3A_1012 masked %unique3A_1010 {add = true} : memref<10112xf32, #tpu.memory_space<vmem>>[vector<16xi32>], vector<16xf32>, vector<16xi1>
      %get3A_1013 = arith.constant 0 : i32
      %get3A_1014 = arith.constant 6 : i32
      %get3A_1015 = arith.index_cast %get3A_1013 : i32 to index
      %get3A_1016 = arith.index_cast %get3A_1014 : i32 to index
      %get3A_1017 = arith.constant 0 : index
      %get3A_1018 = tpu.vector_load %arg9[%get3A_1015, %get3A_1016, %get3A_1017] {strides = array<i32>} : memref<2x8x64xi32, #tpu.memory_space<vmem>>, vector<16xi32>,
      %broadcast_in_dim3A_1019 = arith.constant true
      %broadcast_in_dim3A_1020 = vector.broadcast %broadcast_in_dim3A_1019 : i1 to vector<16xi1>
      %unique3A_1021, %unique3A_1022 = tpu.scan_count mask(%broadcast_in_dim3A_1020 : vector<16xi1>) value(%get3A_1018 : vector<16xi32>) : vector<16xi1>, vector<16xi32>
      %convert_element_type3A_1023 = arith.sitofp %unique3A_1022 : vector<16xi32> to vector<16xf32>
      tpu.vector_store_idx %arg14[%get3A_1018], %convert_element_type3A_1023 masked %unique3A_1021 {add = true} : memref<10112xf32, #tpu.memory_space<vmem>>[vector<16xi32>], vector<16xf32>, vector<16xi1>
      %get3A_1024 = arith.constant 0 : i32
      %get3A_1025 = arith.constant 6 : i32
      %get3A_1026 = arith.index_cast %get3A_1024 : i32 to index
      %get3A_1027 = arith.index_cast %get3A_1025 : i32 to index
      %get3A_1028 = arith.constant 16 : index
      %get3A_1029 = tpu.vector_load %arg9[%get3A_1026, %get3A_1027, %get3A_1028] {strides = array<i32>} : memref<2x8x64xi32, #tpu.memory_space<vmem>>, vector<16xi32>,
      %broadcast_in_dim3A_1030 = arith.constant true
      %broadcast_in_dim3A_1031 = vector.broadcast %broadcast_in_dim3A_1030 : i1 to vector<16xi1>
      %unique3A_1032, %unique3A_1033 = tpu.scan_count mask(%broadcast_in_dim3A_1031 : vector<16xi1>) value(%get3A_1029 : vector<16xi32>) : vector<16xi1>, vector<16xi32>
      %convert_element_type3A_1034 = arith.sitofp %unique3A_1033 : vector<16xi32> to vector<16xf32>
      tpu.vector_store_idx %arg14[%get3A_1029], %convert_element_type3A_1034 masked %unique3A_1032 {add = true} : memref<10112xf32, #tpu.memory_space<vmem>>[vector<16xi32>], vector<16xf32>, vector<16xi1>
      %get3A_1035 = arith.constant 0 : i32
      %get3A_1036 = arith.constant 6 : i32
      %get3A_1037 = arith.index_cast %get3A_1035 : i32 to index
      %get3A_1038 = arith.index_cast %get3A_1036 : i32 to index
      %get3A_1039 = arith.constant 32 : index
      %get3A_1040 = tpu.vector_load %arg9[%get3A_1037, %get3A_1038, %get3A_1039] {strides = array<i32>} : memref<2x8x64xi32, #tpu.memory_space<vmem>>, vector<16xi32>,
      %broadcast_in_dim3A_1041 = arith.constant true
      %broadcast_in_dim3A_1042 = vector.broadcast %broadcast_in_dim3A_1041 : i1 to vector<16xi1>
      %unique3A_1043, %unique3A_1044 = tpu.scan_count mask(%broadcast_in_dim3A_1042 : vector<16xi1>) value(%get3A_1040 : vector<16xi32>) : vector<16xi1>, vector<16xi32>
      %convert_element_type3A_1045 = arith.sitofp %unique3A_1044 : vector<16xi32> to vector<16xf32>
      tpu.vector_store_idx %arg14[%get3A_1040], %convert_element_type3A_1045 masked %unique3A_1043 {add = true} : memref<10112xf32, #tpu.memory_space<vmem>>[vector<16xi32>], vector<16xf32>, vector<16xi1>
      %get3A_1046 = arith.constant 0 : i32
      %get3A_1047 = arith.constant 6 : i32
      %get3A_1048 = arith.index_cast %get3A_1046 : i32 to index
      %get3A_1049 = arith.index_cast %get3A_1047 : i32 to index
      %get3A_1050 = arith.constant 48 : index
      %get3A_1051 = tpu.vector_load %arg9[%get3A_1048, %get3A_1049, %get3A_1050] {strides = array<i32>} : memref<2x8x64xi32, #tpu.memory_space<vmem>>, vector<16xi32>,
      %broadcast_in_dim3A_1052 = arith.constant true
      %broadcast_in_dim3A_1053 = vector.broadcast %broadcast_in_dim3A_1052 : i1 to vector<16xi1>
      %unique3A_1054, %unique3A_1055 = tpu.scan_count mask(%broadcast_in_dim3A_1053 : vector<16xi1>) value(%get3A_1051 : vector<16xi32>) : vector<16xi1>, vector<16xi32>
      %convert_element_type3A_1056 = arith.sitofp %unique3A_1055 : vector<16xi32> to vector<16xf32>
      tpu.vector_store_idx %arg14[%get3A_1051], %convert_element_type3A_1056 masked %unique3A_1054 {add = true} : memref<10112xf32, #tpu.memory_space<vmem>>[vector<16xi32>], vector<16xf32>, vector<16xi1>
      %get3A_1057 = arith.constant 0 : i32
      %get3A_1058 = arith.constant 7 : i32
      %get3A_1059 = arith.index_cast %get3A_1057 : i32 to index
      %get3A_1060 = arith.index_cast %get3A_1058 : i32 to index
      %get3A_1061 = arith.constant 0 : index
      %get3A_1062 = tpu.vector_load %arg9[%get3A_1059, %get3A_1060, %get3A_1061] {strides = array<i32>} : memref<2x8x64xi32, #tpu.memory_space<vmem>>, vector<16xi32>,
      %broadcast_in_dim3A_1063 = arith.constant true
      %broadcast_in_dim3A_1064 = vector.broadcast %broadcast_in_dim3A_1063 : i1 to vector<16xi1>
      %unique3A_1065, %unique3A_1066 = tpu.scan_count mask(%broadcast_in_dim3A_1064 : vector<16xi1>) value(%get3A_1062 : vector<16xi32>) : vector<16xi1>, vector<16xi32>
      %convert_element_type3A_1067 = arith.sitofp %unique3A_1066 : vector<16xi32> to vector<16xf32>
      tpu.vector_store_idx %arg14[%get3A_1062], %convert_element_type3A_1067 masked %unique3A_1065 {add = true} : memref<10112xf32, #tpu.memory_space<vmem>>[vector<16xi32>], vector<16xf32>, vector<16xi1>
      %get3A_1068 = arith.constant 0 : i32
      %get3A_1069 = arith.constant 7 : i32
      %get3A_1070 = arith.index_cast %get3A_1068 : i32 to index
      %get3A_1071 = arith.index_cast %get3A_1069 : i32 to index
      %get3A_1072 = arith.constant 16 : index
      %get3A_1073 = tpu.vector_load %arg9[%get3A_1070, %get3A_1071, %get3A_1072] {strides = array<i32>} : memref<2x8x64xi32, #tpu.memory_space<vmem>>, vector<16xi32>,
      %broadcast_in_dim3A_1074 = arith.constant true
      %broadcast_in_dim3A_1075 = vector.broadcast %broadcast_in_dim3A_1074 : i1 to vector<16xi1>
      %unique3A_1076, %unique3A_1077 = tpu.scan_count mask(%broadcast_in_dim3A_1075 : vector<16xi1>) value(%get3A_1073 : vector<16xi32>) : vector<16xi1>, vector<16xi32>
      %convert_element_type3A_1078 = arith.sitofp %unique3A_1077 : vector<16xi32> to vector<16xf32>
      tpu.vector_store_idx %arg14[%get3A_1073], %convert_element_type3A_1078 masked %unique3A_1076 {add = true} : memref<10112xf32, #tpu.memory_space<vmem>>[vector<16xi32>], vector<16xf32>, vector<16xi1>
      %get3A_1079 = arith.constant 0 : i32
      %get3A_1080 = arith.constant 7 : i32
      %get3A_1081 = arith.index_cast %get3A_1079 : i32 to index
      %get3A_1082 = arith.index_cast %get3A_1080 : i32 to index
      %get3A_1083 = arith.constant 32 : index
      %get3A_1084 = tpu.vector_load %arg9[%get3A_1081, %get3A_1082, %get3A_1083] {strides = array<i32>} : memref<2x8x64xi32, #tpu.memory_space<vmem>>, vector<16xi32>,
      %broadcast_in_dim3A_1085 = arith.constant true
      %broadcast_in_dim3A_1086 = vector.broadcast %broadcast_in_dim3A_1085 : i1 to vector<16xi1>
      %unique3A_1087, %unique3A_1088 = tpu.scan_count mask(%broadcast_in_dim3A_1086 : vector<16xi1>) value(%get3A_1084 : vector<16xi32>) : vector<16xi1>, vector<16xi32>
      %convert_element_type3A_1089 = arith.sitofp %unique3A_1088 : vector<16xi32> to vector<16xf32>
      tpu.vector_store_idx %arg14[%get3A_1084], %convert_element_type3A_1089 masked %unique3A_1087 {add = true} : memref<10112xf32, #tpu.memory_space<vmem>>[vector<16xi32>], vector<16xf32>, vector<16xi1>
      %get3A_1090 = arith.constant 0 : i32
      %get3A_1091 = arith.constant 7 : i32
      %get3A_1092 = arith.index_cast %get3A_1090 : i32 to index
      %get3A_1093 = arith.index_cast %get3A_1091 : i32 to index
      %get3A_1094 = arith.constant 48 : index
      %get3A_1095 = tpu.vector_load %arg9[%get3A_1092, %get3A_1093, %get3A_1094] {strides = array<i32>} : memref<2x8x64xi32, #tpu.memory_space<vmem>>, vector<16xi32>,
      %broadcast_in_dim3A_1096 = arith.constant true
      %broadcast_in_dim3A_1097 = vector.broadcast %broadcast_in_dim3A_1096 : i1 to vector<16xi1>
      %unique3A_1098, %unique3A_1099 = tpu.scan_count mask(%broadcast_in_dim3A_1097 : vector<16xi1>) value(%get3A_1095 : vector<16xi32>) : vector<16xi1>, vector<16xi32>
      %convert_element_type3A_1100 = arith.sitofp %unique3A_1099 : vector<16xi32> to vector<16xf32>
      tpu.vector_store_idx %arg14[%get3A_1095], %convert_element_type3A_1100 masked %unique3A_1098 {add = true} : memref<10112xf32, #tpu.memory_space<vmem>>[vector<16xi32>], vector<16xf32>, vector<16xi1>
      %dma_wait3A_1101 = arith.constant 0 : i32
      %dma_wait3A_1102 = arith.constant 0 : i32
      %dma_wait3A_1103 = arith.constant 0 : i32
      %dma_wait3A_1104 = tpu.memref_slice %arg8[%dma_wait3A_1101, %dma_wait3A_1102, %dma_wait3A_1103] : memref<2x8x64xi32, #tpu.memory_space<vmem>> -> memref<1x1x64xi32, #tpu.memory_space<vmem>>
      %dma_wait3A_1105 = tpu.memref_squeeze %dma_wait3A_1104 : memref<1x1x64xi32, #tpu.memory_space<vmem>> -> memref<64xi32, #tpu.memory_space<vmem>>
      %dma_wait3A_1106 = arith.constant 0 : i32
      %dma_wait3A_1107 = arith.constant 0 : i32
      %dma_wait3A_1108 = tpu.memref_slice %arg4[%dma_wait3A_1106, %dma_wait3A_1107] : memref<10000x128xf32, #tpu.memory_space<hbm>> -> memref<10000x128xf32, #tpu.memory_space<hbm>>
      tpu.wait_indirect_dma semaphore(%arg16 : memref<!tpu.dma_semaphore, #tpu.memory_space<semaphore_mem>>) src(%dma_wait3A_1108 : memref<10000x128xf32, #tpu.memory_space<hbm>>) dst(%arg10 : memref<64x128xf32, #tpu.memory_space<vmem>>)
      %dma_start3A_1109 = arith.constant 0 : i32
      %dma_start3A_1110 = arith.constant 0 : i32
      %dma_start3A_1111 = arith.constant 0 : i32
      %dma_start3A_1112 = tpu.memref_slice %arg9[%dma_start3A_1109, %dma_start3A_1110, %dma_start3A_1111] : memref<2x8x64xi32, #tpu.memory_space<vmem>> -> memref<1x1x64xi32, #tpu.memory_space<vmem>>
      %dma_start3A_1113 = tpu.memref_squeeze %dma_start3A_1112 : memref<1x1x64xi32, #tpu.memory_space<vmem>> -> memref<64xi32, #tpu.memory_space<vmem>>
      %dma_start3A_1114 = arith.constant 0 : i32
      %dma_start3A_1115 = arith.constant 0 : i32
      %dma_start3A_1116 = tpu.memref_slice %arg15[%dma_start3A_1114, %dma_start3A_1115] : memref<10112x128xf32, #tpu.memory_space<vmem_shared>> -> memref<10112x128xf32, #tpu.memory_space<vmem_shared>>
      tpu.enqueue_indirect_dma source(%arg10 : memref<64x128xf32, #tpu.memory_space<vmem>>) target(%dma_start3A_1116 : memref<10112x128xf32, #tpu.memory_space<vmem_shared>>) offsets(%dma_start3A_1113 : memref<64xi32, #tpu.memory_space<vmem>>) semaphore(%arg20 : memref<!tpu.dma_semaphore, #tpu.memory_space<semaphore_mem>>) {add = true}
      %dma_wait3A_1117 = arith.constant 0 : i32
      %dma_wait3A_1118 = arith.constant 0 : i32
      %dma_wait3A_1119 = arith.constant 0 : i32
      %dma_wait3A_1120 = tpu.memref_slice %arg9[%dma_wait3A_1117, %dma_wait3A_1118, %dma_wait3A_1119] : memref<2x8x64xi32, #tpu.memory_space<vmem>> -> memref<1x1x64xi32, #tpu.memory_space<vmem>>
      %dma_wait3A_1121 = tpu.memref_squeeze %dma_wait3A_1120 : memref<1x1x64xi32, #tpu.memory_space<vmem>> -> memref<64xi32, #tpu.memory_space<vmem>>
      %dma_wait3A_1122 = arith.constant 0 : i32
      %dma_wait3A_1123 = arith.constant 0 : i32
      %dma_wait3A_1124 = tpu.memref_slice %arg15[%dma_wait3A_1122, %dma_wait3A_1123] : memref<10112x128xf32, #tpu.memory_space<vmem_shared>> -> memref<10112x128xf32, #tpu.memory_space<vmem_shared>>
      tpu.wait_indirect_dma semaphore(%arg20 : memref<!tpu.dma_semaphore, #tpu.memory_space<semaphore_mem>>) src(%arg10 : memref<64x128xf32, #tpu.memory_space<vmem>>) dst(%dma_wait3A_1124 : memref<10112x128xf32, #tpu.memory_space<vmem_shared>>)
      %dma_start3A_1125 = arith.constant 0 : i32
      %dma_start3A_1126 = arith.constant 4 : i32
      %dma_start3A_1127 = arith.constant 0 : i32
      %dma_start3A_1128 = tpu.memref_slice %arg8[%dma_start3A_1125, %dma_start3A_1126, %dma_start3A_1127] : memref<2x8x64xi32, #tpu.memory_space<vmem>> -> memref<1x1x64xi32, #tpu.memory_space<vmem>>
      %dma_start3A_1129 = tpu.memref_squeeze %dma_start3A_1128 : memref<1x1x64xi32, #tpu.memory_space<vmem>> -> memref<64xi32, #tpu.memory_space<vmem>>
      %dma_start3A_1130 = arith.constant 0 : i32
      %dma_start3A_1131 = arith.constant 0 : i32
      %dma_start3A_1132 = tpu.memref_slice %arg4[%dma_start3A_1130, %dma_start3A_1131] : memref<10000x128xf32, #tpu.memory_space<hbm>> -> memref<10000x128xf32, #tpu.memory_space<hbm>>
      tpu.enqueue_indirect_dma source(%dma_start3A_1132 : memref<10000x128xf32, #tpu.memory_space<hbm>>) target(%arg10 : memref<64x128xf32, #tpu.memory_space<vmem>>) offsets(%dma_start3A_1129 : memref<64xi32, #tpu.memory_space<vmem>>) semaphore(%arg16 : memref<!tpu.dma_semaphore, #tpu.memory_space<semaphore_mem>>)
      %dma_wait3A_1133 = arith.constant 0 : i32
      %dma_wait3A_1134 = arith.constant 1 : i32
      %dma_wait3A_1135 = arith.constant 0 : i32
      %dma_wait3A_1136 = tpu.memref_slice %arg8[%dma_wait3A_1133, %dma_wait3A_1134, %dma_wait3A_1135] : memref<2x8x64xi32, #tpu.memory_space<vmem>> -> memref<1x1x64xi32, #tpu.memory_space<vmem>>
      %dma_wait3A_1137 = tpu.memref_squeeze %dma_wait3A_1136 : memref<1x1x64xi32, #tpu.memory_space<vmem>> -> memref<64xi32, #tpu.memory_space<vmem>>
      %dma_wait3A_1138 = arith.constant 0 : i32
      %dma_wait3A_1139 = arith.constant 0 : i32
      %dma_wait3A_1140 = tpu.memref_slice %arg4[%dma_wait3A_1138, %dma_wait3A_1139] : memref<10000x128xf32, #tpu.memory_space<hbm>> -> memref<10000x128xf32, #tpu.memory_space<hbm>>
      tpu.wait_indirect_dma semaphore(%arg17 : memref<!tpu.dma_semaphore, #tpu.memory_space<semaphore_mem>>) src(%dma_wait3A_1140 : memref<10000x128xf32, #tpu.memory_space<hbm>>) dst(%arg11 : memref<64x128xf32, #tpu.memory_space<vmem>>)
      %dma_start3A_1141 = arith.constant 0 : i32
      %dma_start3A_1142 = arith.constant 1 : i32
      %dma_start3A_1143 = arith.constant 0 : i32
      %dma_start3A_1144 = tpu.memref_slice %arg9[%dma_start3A_1141, %dma_start3A_1142, %dma_start3A_1143] : memref<2x8x64xi32, #tpu.memory_space<vmem>> -> memref<1x1x64xi32, #tpu.memory_space<vmem>>
      %dma_start3A_1145 = tpu.memref_squeeze %dma_start3A_1144 : memref<1x1x64xi32, #tpu.memory_space<vmem>> -> memref<64xi32, #tpu.memory_space<vmem>>
      %dma_start3A_1146 = arith.constant 0 : i32
      %dma_start3A_1147 = arith.constant 0 : i32
      %dma_start3A_1148 = tpu.memref_slice %arg15[%dma_start3A_1146, %dma_start3A_1147] : memref<10112x128xf32, #tpu.memory_space<vmem_shared>> -> memref<10112x128xf32, #tpu.memory_space<vmem_shared>>
      tpu.enqueue_indirect_dma source(%arg11 : memref<64x128xf32, #tpu.memory_space<vmem>>) target(%dma_start3A_1148 : memref<10112x128xf32, #tpu.memory_space<vmem_shared>>) offsets(%dma_start3A_1145 : memref<64xi32, #tpu.memory_space<vmem>>) semaphore(%arg21 : memref<!tpu.dma_semaphore, #tpu.memory_space<semaphore_mem>>) {add = true}
      %dma_wait3A_1149 = arith.constant 0 : i32
      %dma_wait3A_1150 = arith.constant 1 : i32
      %dma_wait3A_1151 = arith.constant 0 : i32
      %dma_wait3A_1152 = tpu.memref_slice %arg9[%dma_wait3A_1149, %dma_wait3A_1150, %dma_wait3A_1151] : memref<2x8x64xi32, #tpu.memory_space<vmem>> -> memref<1x1x64xi32, #tpu.memory_space<vmem>>
      %dma_wait3A_1153 = tpu.memref_squeeze %dma_wait3A_1152 : memref<1x1x64xi32, #tpu.memory_space<vmem>> -> memref<64xi32, #tpu.memory_space<vmem>>
      %dma_wait3A_1154 = arith.constant 0 : i32
      %dma_wait3A_1155 = arith.constant 0 : i32
      %dma_wait3A_1156 = tpu.memref_slice %arg15[%dma_wait3A_1154, %dma_wait3A_1155] : memref<10112x128xf32, #tpu.memory_space<vmem_shared>> -> memref<10112x128xf32, #tpu.memory_space<vmem_shared>>
      tpu.wait_indirect_dma semaphore(%arg21 : memref<!tpu.dma_semaphore, #tpu.memory_space<semaphore_mem>>) src(%arg11 : memref<64x128xf32, #tpu.memory_space<vmem>>) dst(%dma_wait3A_1156 : memref<10112x128xf32, #tpu.memory_space<vmem_shared>>)
      %dma_start3A_1157 = arith.constant 0 : i32
      %dma_start3A_1158 = arith.constant 5 : i32
      %dma_start3A_1159 = arith.constant 0 : i32
      %dma_start3A_1160 = tpu.memref_slice %arg8[%dma_start3A_1157, %dma_start3A_1158, %dma_start3A_1159] : memref<2x8x64xi32, #tpu.memory_space<vmem>> -> memref<1x1x64xi32, #tpu.memory_space<vmem>>
      %dma_start3A_1161 = tpu.memref_squeeze %dma_start3A_1160 : memref<1x1x64xi32, #tpu.memory_space<vmem>> -> memref<64xi32, #tpu.memory_space<vmem>>
      %dma_start3A_1162 = arith.constant 0 : i32
      %dma_start3A_1163 = arith.constant 0 : i32
      %dma_start3A_1164 = tpu.memref_slice %arg4[%dma_start3A_1162, %dma_start3A_1163] : memref<10000x128xf32, #tpu.memory_space<hbm>> -> memref<10000x128xf32, #tpu.memory_space<hbm>>
      tpu.enqueue_indirect_dma source(%dma_start3A_1164 : memref<10000x128xf32, #tpu.memory_space<hbm>>) target(%arg11 : memref<64x128xf32, #tpu.memory_space<vmem>>) offsets(%dma_start3A_1161 : memref<64xi32, #tpu.memory_space<vmem>>) semaphore(%arg17 : memref<!tpu.dma_semaphore, #tpu.memory_space<semaphore_mem>>)
      %dma_wait3A_1165 = arith.constant 0 : i32
      %dma_wait3A_1166 = arith.constant 2 : i32
      %dma_wait3A_1167 = arith.constant 0 : i32
      %dma_wait3A_1168 = tpu.memref_slice %arg8[%dma_wait3A_1165, %dma_wait3A_1166, %dma_wait3A_1167] : memref<2x8x64xi32, #tpu.memory_space<vmem>> -> memref<1x1x64xi32, #tpu.memory_space<vmem>>
      %dma_wait3A_1169 = tpu.memref_squeeze %dma_wait3A_1168 : memref<1x1x64xi32, #tpu.memory_space<vmem>> -> memref<64xi32, #tpu.memory_space<vmem>>
      %dma_wait3A_1170 = arith.constant 0 : i32
      %dma_wait3A_1171 = arith.constant 0 : i32
      %dma_wait3A_1172 = tpu.memref_slice %arg4[%dma_wait3A_1170, %dma_wait3A_1171] : memref<10000x128xf32, #tpu.memory_space<hbm>> -> memref<10000x128xf32, #tpu.memory_space<hbm>>
      tpu.wait_indirect_dma semaphore(%arg18 : memref<!tpu.dma_semaphore, #tpu.memory_space<semaphore_mem>>) src(%dma_wait3A_1172 : memref<10000x128xf32, #tpu.memory_space<hbm>>) dst(%arg12 : memref<64x128xf32, #tpu.memory_space<vmem>>)
      %dma_start3A_1173 = arith.constant 0 : i32
      %dma_start3A_1174 = arith.constant 2 : i32
      %dma_start3A_1175 = arith.constant 0 : i32
      %dma_start3A_1176 = tpu.memref_slice %arg9[%dma_start3A_1173, %dma_start3A_1174, %dma_start3A_1175] : memref<2x8x64xi32, #tpu.memory_space<vmem>> -> memref<1x1x64xi32, #tpu.memory_space<vmem>>
      %dma_start3A_1177 = tpu.memref_squeeze %dma_start3A_1176 : memref<1x1x64xi32, #tpu.memory_space<vmem>> -> memref<64xi32, #tpu.memory_space<vmem>>
      %dma_start3A_1178 = arith.constant 0 : i32
      %dma_start3A_1179 = arith.constant 0 : i32
      %dma_start3A_1180 = tpu.memref_slice %arg15[%dma_start3A_1178, %dma_start3A_1179] : memref<10112x128xf32, #tpu.memory_space<vmem_shared>> -> memref<10112x128xf32, #tpu.memory_space<vmem_shared>>
      tpu.enqueue_indirect_dma source(%arg12 : memref<64x128xf32, #tpu.memory_space<vmem>>) target(%dma_start3A_1180 : memref<10112x128xf32, #tpu.memory_space<vmem_shared>>) offsets(%dma_start3A_1177 : memref<64xi32, #tpu.memory_space<vmem>>) semaphore(%arg22 : memref<!tpu.dma_semaphore, #tpu.memory_space<semaphore_mem>>) {add = true}
      %dma_wait3A_1181 = arith.constant 0 : i32
      %dma_wait3A_1182 = arith.constant 2 : i32
      %dma_wait3A_1183 = arith.constant 0 : i32
      %dma_wait3A_1184 = tpu.memref_slice %arg9[%dma_wait3A_1181, %dma_wait3A_1182, %dma_wait3A_1183] : memref<2x8x64xi32, #tpu.memory_space<vmem>> -> memref<1x1x64xi32, #tpu.memory_space<vmem>>
      %dma_wait3A_1185 = tpu.memref_squeeze %dma_wait3A_1184 : memref<1x1x64xi32, #tpu.memory_space<vmem>> -> memref<64xi32, #tpu.memory_space<vmem>>
      %dma_wait3A_1186 = arith.constant 0 : i32
      %dma_wait3A_1187 = arith.constant 0 : i32
      %dma_wait3A_1188 = tpu.memref_slice %arg15[%dma_wait3A_1186, %dma_wait3A_1187] : memref<10112x128xf32, #tpu.memory_space<vmem_shared>> -> memref<10112x128xf32, #tpu.memory_space<vmem_shared>>
      tpu.wait_indirect_dma semaphore(%arg22 : memref<!tpu.dma_semaphore, #tpu.memory_space<semaphore_mem>>) src(%arg12 : memref<64x128xf32, #tpu.memory_space<vmem>>) dst(%dma_wait3A_1188 : memref<10112x128xf32, #tpu.memory_space<vmem_shared>>)
      %dma_start3A_1189 = arith.constant 0 : i32
      %dma_start3A_1190 = arith.constant 6 : i32
      %dma_start3A_1191 = arith.constant 0 : i32
      %dma_start3A_1192 = tpu.memref_slice %arg8[%dma_start3A_1189, %dma_start3A_1190, %dma_start3A_1191] : memref<2x8x64xi32, #tpu.memory_space<vmem>> -> memref<1x1x64xi32, #tpu.memory_space<vmem>>
      %dma_start3A_1193 = tpu.memref_squeeze %dma_start3A_1192 : memref<1x1x64xi32, #tpu.memory_space<vmem>> -> memref<64xi32, #tpu.memory_space<vmem>>
      %dma_start3A_1194 = arith.constant 0 : i32
      %dma_start3A_1195 = arith.constant 0 : i32
      %dma_start3A_1196 = tpu.memref_slice %arg4[%dma_start3A_1194, %dma_start3A_1195] : memref<10000x128xf32, #tpu.memory_space<hbm>> -> memref<10000x128xf32, #tpu.memory_space<hbm>>
      tpu.enqueue_indirect_dma source(%dma_start3A_1196 : memref<10000x128xf32, #tpu.memory_space<hbm>>) target(%arg12 : memref<64x128xf32, #tpu.memory_space<vmem>>) offsets(%dma_start3A_1193 : memref<64xi32, #tpu.memory_space<vmem>>) semaphore(%arg18 : memref<!tpu.dma_semaphore, #tpu.memory_space<semaphore_mem>>)
      %dma_wait3A_1197 = arith.constant 0 : i32
      %dma_wait3A_1198 = arith.constant 3 : i32
      %dma_wait3A_1199 = arith.constant 0 : i32
      %dma_wait3A_1200 = tpu.memref_slice %arg8[%dma_wait3A_1197, %dma_wait3A_1198, %dma_wait3A_1199] : memref<2x8x64xi32, #tpu.memory_space<vmem>> -> memref<1x1x64xi32, #tpu.memory_space<vmem>>
      %dma_wait3A_1201 = tpu.memref_squeeze %dma_wait3A_1200 : memref<1x1x64xi32, #tpu.memory_space<vmem>> -> memref<64xi32, #tpu.memory_space<vmem>>
      %dma_wait3A_1202 = arith.constant 0 : i32
      %dma_wait3A_1203 = arith.constant 0 : i32
      %dma_wait3A_1204 = tpu.memref_slice %arg4[%dma_wait3A_1202, %dma_wait3A_1203] : memref<10000x128xf32, #tpu.memory_space<hbm>> -> memref<10000x128xf32, #tpu.memory_space<hbm>>
      tpu.wait_indirect_dma semaphore(%arg19 : memref<!tpu.dma_semaphore, #tpu.memory_space<semaphore_mem>>) src(%dma_wait3A_1204 : memref<10000x128xf32, #tpu.memory_space<hbm>>) dst(%arg13 : memref<64x128xf32, #tpu.memory_space<vmem>>)
      %dma_start3A_1205 = arith.constant 0 : i32
      %dma_start3A_1206 = arith.constant 3 : i32
      %dma_start3A_1207 = arith.constant 0 : i32
      %dma_start3A_1208 = tpu.memref_slice %arg9[%dma_start3A_1205, %dma_start3A_1206, %dma_start3A_1207] : memref<2x8x64xi32, #tpu.memory_space<vmem>> -> memref<1x1x64xi32, #tpu.memory_space<vmem>>
      %dma_start3A_1209 = tpu.memref_squeeze %dma_start3A_1208 : memref<1x1x64xi32, #tpu.memory_space<vmem>> -> memref<64xi32, #tpu.memory_space<vmem>>
      %dma_start3A_1210 = arith.constant 0 : i32
      %dma_start3A_1211 = arith.constant 0 : i32
      %dma_start3A_1212 = tpu.memref_slice %arg15[%dma_start3A_1210, %dma_start3A_1211] : memref<10112x128xf32, #tpu.memory_space<vmem_shared>> -> memref<10112x128xf32, #tpu.memory_space<vmem_shared>>
      tpu.enqueue_indirect_dma source(%arg13 : memref<64x128xf32, #tpu.memory_space<vmem>>) target(%dma_start3A_1212 : memref<10112x128xf32, #tpu.memory_space<vmem_shared>>) offsets(%dma_start3A_1209 : memref<64xi32, #tpu.memory_space<vmem>>) semaphore(%arg23 : memref<!tpu.dma_semaphore, #tpu.memory_space<semaphore_mem>>) {add = true}
      %dma_wait3A_1213 = arith.constant 0 : i32
      %dma_wait3A_1214 = arith.constant 3 : i32
      %dma_wait3A_1215 = arith.constant 0 : i32
      %dma_wait3A_1216 = tpu.memref_slice %arg9[%dma_wait3A_1213, %dma_wait3A_1214, %dma_wait3A_1215] : memref<2x8x64xi32, #tpu.memory_space<vmem>> -> memref<1x1x64xi32, #tpu.memory_space<vmem>>
      %dma_wait3A_1217 = tpu.memref_squeeze %dma_wait3A_1216 : memref<1x1x64xi32, #tpu.memory_space<vmem>> -> memref<64xi32, #tpu.memory_space<vmem>>
      %dma_wait3A_1218 = arith.constant 0 : i32
      %dma_wait3A_1219 = arith.constant 0 : i32
      %dma_wait3A_1220 = tpu.memref_slice %arg15[%dma_wait3A_1218, %dma_wait3A_1219] : memref<10112x128xf32, #tpu.memory_space<vmem_shared>> -> memref<10112x128xf32, #tpu.memory_space<vmem_shared>>
      tpu.wait_indirect_dma semaphore(%arg23 : memref<!tpu.dma_semaphore, #tpu.memory_space<semaphore_mem>>) src(%arg13 : memref<64x128xf32, #tpu.memory_space<vmem>>) dst(%dma_wait3A_1220 : memref<10112x128xf32, #tpu.memory_space<vmem_shared>>)
      %dma_start3A_1221 = arith.constant 0 : i32
      %dma_start3A_1222 = arith.constant 7 : i32
      %dma_start3A_1223 = arith.constant 0 : i32
      %dma_start3A_1224 = tpu.memref_slice %arg8[%dma_start3A_1221, %dma_start3A_1222, %dma_start3A_1223] : memref<2x8x64xi32, #tpu.memory_space<vmem>> -> memref<1x1x64xi32, #tpu.memory_space<vmem>>
      %dma_start3A_1225 = tpu.memref_squeeze %dma_start3A_1224 : memref<1x1x64xi32, #tpu.memory_space<vmem>> -> memref<64xi32, #tpu.memory_space<vmem>>
      %dma_start3A_1226 = arith.constant 0 : i32
      %dma_start3A_1227 = arith.constant 0 : i32
      %dma_start3A_1228 = tpu.memref_slice %arg4[%dma_start3A_1226, %dma_start3A_1227] : memref<10000x128xf32, #tpu.memory_space<hbm>> -> memref<10000x128xf32, #tpu.memory_space<hbm>>
      tpu.enqueue_indirect_dma source(%dma_start3A_1228 : memref<10000x128xf32, #tpu.memory_space<hbm>>) target(%arg13 : memref<64x128xf32, #tpu.memory_space<vmem>>) offsets(%dma_start3A_1225 : memref<64xi32, #tpu.memory_space<vmem>>) semaphore(%arg19 : memref<!tpu.dma_semaphore, #tpu.memory_space<semaphore_mem>>)
      %dma_wait3A_1229 = arith.constant 0 : i32
      %dma_wait3A_1230 = arith.constant 4 : i32
      %dma_wait3A_1231 = arith.constant 0 : i32
      %dma_wait3A_1232 = tpu.memref_slice %arg8[%dma_wait3A_1229, %dma_wait3A_1230, %dma_wait3A_1231] : memref<2x8x64xi32, #tpu.memory_space<vmem>> -> memref<1x1x64xi32, #tpu.memory_space<vmem>>
      %dma_wait3A_1233 = tpu.memref_squeeze %dma_wait3A_1232 : memref<1x1x64xi32, #tpu.memory_space<vmem>> -> memref<64xi32, #tpu.memory_space<vmem>>
      %dma_wait3A_1234 = arith.constant 0 : i32
      %dma_wait3A_1235 = arith.constant 0 : i32
      %dma_wait3A_1236 = tpu.memref_slice %arg4[%dma_wait3A_1234, %dma_wait3A_1235] : memref<10000x128xf32, #tpu.memory_space<hbm>> -> memref<10000x128xf32, #tpu.memory_space<hbm>>
      tpu.wait_indirect_dma semaphore(%arg16 : memref<!tpu.dma_semaphore, #tpu.memory_space<semaphore_mem>>) src(%dma_wait3A_1236 : memref<10000x128xf32, #tpu.memory_space<hbm>>) dst(%arg10 : memref<64x128xf32, #tpu.memory_space<vmem>>)
      %dma_start3A_1237 = arith.constant 0 : i32
      %dma_start3A_1238 = arith.constant 4 : i32
      %dma_start3A_1239 = arith.constant 0 : i32
      %dma_start3A_1240 = tpu.memref_slice %arg9[%dma_start3A_1237, %dma_start3A_1238, %dma_start3A_1239] : memref<2x8x64xi32, #tpu.memory_space<vmem>> -> memref<1x1x64xi32, #tpu.memory_space<vmem>>
      %dma_start3A_1241 = tpu.memref_squeeze %dma_start3A_1240 : memref<1x1x64xi32, #tpu.memory_space<vmem>> -> memref<64xi32, #tpu.memory_space<vmem>>
      %dma_start3A_1242 = arith.constant 0 : i32
      %dma_start3A_1243 = arith.constant 0 : i32
      %dma_start3A_1244 = tpu.memref_slice %arg15[%dma_start3A_1242, %dma_start3A_1243] : memref<10112x128xf32, #tpu.memory_space<vmem_shared>> -> memref<10112x128xf32, #tpu.memory_space<vmem_shared>>
      tpu.enqueue_indirect_dma source(%arg10 : memref<64x128xf32, #tpu.memory_space<vmem>>) target(%dma_start3A_1244 : memref<10112x128xf32, #tpu.memory_space<vmem_shared>>) offsets(%dma_start3A_1241 : memref<64xi32, #tpu.memory_space<vmem>>) semaphore(%arg20 : memref<!tpu.dma_semaphore, #tpu.memory_space<semaphore_mem>>) {add = true}
      %dma_wait3A_1245 = arith.constant 0 : i32
      %dma_wait3A_1246 = arith.constant 5 : i32
      %dma_wait3A_1247 = arith.constant 0 : i32
      %dma_wait3A_1248 = tpu.memref_slice %arg8[%dma_wait3A_1245, %dma_wait3A_1246, %dma_wait3A_1247] : memref<2x8x64xi32, #tpu.memory_space<vmem>> -> memref<1x1x64xi32, #tpu.memory_space<vmem>>
      %dma_wait3A_1249 = tpu.memref_squeeze %dma_wait3A_1248 : memref<1x1x64xi32, #tpu.memory_space<vmem>> -> memref<64xi32, #tpu.memory_space<vmem>>
      %dma_wait3A_1250 = arith.constant 0 : i32
      %dma_wait3A_1251 = arith.constant 0 : i32
      %dma_wait3A_1252 = tpu.memref_slice %arg4[%dma_wait3A_1250, %dma_wait3A_1251] : memref<10000x128xf32, #tpu.memory_space<hbm>> -> memref<10000x128xf32, #tpu.memory_space<hbm>>
      tpu.wait_indirect_dma semaphore(%arg17 : memref<!tpu.dma_semaphore, #tpu.memory_space<semaphore_mem>>) src(%dma_wait3A_1252 : memref<10000x128xf32, #tpu.memory_space<hbm>>) dst(%arg11 : memref<64x128xf32, #tpu.memory_space<vmem>>)
      %dma_start3A_1253 = arith.constant 0 : i32
      %dma_start3A_1254 = arith.constant 5 : i32
      %dma_start3A_1255 = arith.constant 0 : i32
      %dma_start3A_1256 = tpu.memref_slice %arg9[%dma_start3A_1253, %dma_start3A_1254, %dma_start3A_1255] : memref<2x8x64xi32, #tpu.memory_space<vmem>> -> memref<1x1x64xi32, #tpu.memory_space<vmem>>
      %dma_start3A_1257 = tpu.memref_squeeze %dma_start3A_1256 : memref<1x1x64xi32, #tpu.memory_space<vmem>> -> memref<64xi32, #tpu.memory_space<vmem>>
      %dma_start3A_1258 = arith.constant 0 : i32
      %dma_start3A_1259 = arith.constant 0 : i32
      %dma_start3A_1260 = tpu.memref_slice %arg15[%dma_start3A_1258, %dma_start3A_1259] : memref<10112x128xf32, #tpu.memory_space<vmem_shared>> -> memref<10112x128xf32, #tpu.memory_space<vmem_shared>>
      tpu.enqueue_indirect_dma source(%arg11 : memref<64x128xf32, #tpu.memory_space<vmem>>) target(%dma_start3A_1260 : memref<10112x128xf32, #tpu.memory_space<vmem_shared>>) offsets(%dma_start3A_1257 : memref<64xi32, #tpu.memory_space<vmem>>) semaphore(%arg21 : memref<!tpu.dma_semaphore, #tpu.memory_space<semaphore_mem>>) {add = true}
      %dma_wait3A_1261 = arith.constant 0 : i32
      %dma_wait3A_1262 = arith.constant 6 : i32
      %dma_wait3A_1263 = arith.constant 0 : i32
      %dma_wait3A_1264 = tpu.memref_slice %arg8[%dma_wait3A_1261, %dma_wait3A_1262, %dma_wait3A_1263] : memref<2x8x64xi32, #tpu.memory_space<vmem>> -> memref<1x1x64xi32, #tpu.memory_space<vmem>>
      %dma_wait3A_1265 = tpu.memref_squeeze %dma_wait3A_1264 : memref<1x1x64xi32, #tpu.memory_space<vmem>> -> memref<64xi32, #tpu.memory_space<vmem>>
      %dma_wait3A_1266 = arith.constant 0 : i32
      %dma_wait3A_1267 = arith.constant 0 : i32
      %dma_wait3A_1268 = tpu.memref_slice %arg4[%dma_wait3A_1266, %dma_wait3A_1267] : memref<10000x128xf32, #tpu.memory_space<hbm>> -> memref<10000x128xf32, #tpu.memory_space<hbm>>
      tpu.wait_indirect_dma semaphore(%arg18 : memref<!tpu.dma_semaphore, #tpu.memory_space<semaphore_mem>>) src(%dma_wait3A_1268 : memref<10000x128xf32, #tpu.memory_space<hbm>>) dst(%arg12 : memref<64x128xf32, #tpu.memory_space<vmem>>)
      %dma_start3A_1269 = arith.constant 0 : i32
      %dma_start3A_1270 = arith.constant 6 : i32
      %dma_start3A_1271 = arith.constant 0 : i32
      %dma_start3A_1272 = tpu.memref_slice %arg9[%dma_start3A_1269, %dma_start3A_1270, %dma_start3A_1271] : memref<2x8x64xi32, #tpu.memory_space<vmem>> -> memref<1x1x64xi32, #tpu.memory_space<vmem>>
      %dma_start3A_1273 = tpu.memref_squeeze %dma_start3A_1272 : memref<1x1x64xi32, #tpu.memory_space<vmem>> -> memref<64xi32, #tpu.memory_space<vmem>>
      %dma_start3A_1274 = arith.constant 0 : i32
      %dma_start3A_1275 = arith.constant 0 : i32
      %dma_start3A_1276 = tpu.memref_slice %arg15[%dma_start3A_1274, %dma_start3A_1275] : memref<10112x128xf32, #tpu.memory_space<vmem_shared>> -> memref<10112x128xf32, #tpu.memory_space<vmem_shared>>
      tpu.enqueue_indirect_dma source(%arg12 : memref<64x128xf32, #tpu.memory_space<vmem>>) target(%dma_start3A_1276 : memref<10112x128xf32, #tpu.memory_space<vmem_shared>>) offsets(%dma_start3A_1273 : memref<64xi32, #tpu.memory_space<vmem>>) semaphore(%arg22 : memref<!tpu.dma_semaphore, #tpu.memory_space<semaphore_mem>>) {add = true}
      %dma_wait3A_1277 = arith.constant 0 : i32
      %dma_wait3A_1278 = arith.constant 7 : i32
      %dma_wait3A_1279 = arith.constant 0 : i32
      %dma_wait3A_1280 = tpu.memref_slice %arg8[%dma_wait3A_1277, %dma_wait3A_1278, %dma_wait3A_1279] : memref<2x8x64xi32, #tpu.memory_space<vmem>> -> memref<1x1x64xi32, #tpu.memory_space<vmem>>
      %dma_wait3A_1281 = tpu.memref_squeeze %dma_wait3A_1280 : memref<1x1x64xi32, #tpu.memory_space<vmem>> -> memref<64xi32, #tpu.memory_space<vmem>>
      %dma_wait3A_1282 = arith.constant 0 : i32
      %dma_wait3A_1283 = arith.constant 0 : i32
      %dma_wait3A_1284 = tpu.memref_slice %arg4[%dma_wait3A_1282, %dma_wait3A_1283] : memref<10000x128xf32, #tpu.memory_space<hbm>> -> memref<10000x128xf32, #tpu.memory_space<hbm>>
      tpu.wait_indirect_dma semaphore(%arg19 : memref<!tpu.dma_semaphore, #tpu.memory_space<semaphore_mem>>) src(%dma_wait3A_1284 : memref<10000x128xf32, #tpu.memory_space<hbm>>) dst(%arg13 : memref<64x128xf32, #tpu.memory_space<vmem>>)
      %dma_start3A_1285 = arith.constant 0 : i32
      %dma_start3A_1286 = arith.constant 7 : i32
      %dma_start3A_1287 = arith.constant 0 : i32
      %dma_start3A_1288 = tpu.memref_slice %arg9[%dma_start3A_1285, %dma_start3A_1286, %dma_start3A_1287] : memref<2x8x64xi32, #tpu.memory_space<vmem>> -> memref<1x1x64xi32, #tpu.memory_space<vmem>>
      %dma_start3A_1289 = tpu.memref_squeeze %dma_start3A_1288 : memref<1x1x64xi32, #tpu.memory_space<vmem>> -> memref<64xi32, #tpu.memory_space<vmem>>
      %dma_start3A_1290 = arith.constant 0 : i32
      %dma_start3A_1291 = arith.constant 0 : i32
      %dma_start3A_1292 = tpu.memref_slice %arg15[%dma_start3A_1290, %dma_start3A_1291] : memref<10112x128xf32, #tpu.memory_space<vmem_shared>> -> memref<10112x128xf32, #tpu.memory_space<vmem_shared>>
      tpu.enqueue_indirect_dma source(%arg13 : memref<64x128xf32, #tpu.memory_space<vmem>>) target(%dma_start3A_1292 : memref<10112x128xf32, #tpu.memory_space<vmem_shared>>) offsets(%dma_start3A_1289 : memref<64xi32, #tpu.memory_space<vmem>>) semaphore(%arg23 : memref<!tpu.dma_semaphore, #tpu.memory_space<semaphore_mem>>) {add = true}
      %dma_wait3A_1293 = arith.constant 0 : i32
      %dma_wait3A_1294 = arith.constant 4 : i32
      %dma_wait3A_1295 = arith.constant 0 : i32
      %dma_wait3A_1296 = tpu.memref_slice %arg9[%dma_wait3A_1293, %dma_wait3A_1294, %dma_wait3A_1295] : memref<2x8x64xi32, #tpu.memory_space<vmem>> -> memref<1x1x64xi32, #tpu.memory_space<vmem>>
      %dma_wait3A_1297 = tpu.memref_squeeze %dma_wait3A_1296 : memref<1x1x64xi32, #tpu.memory_space<vmem>> -> memref<64xi32, #tpu.memory_space<vmem>>
      %dma_wait3A_1298 = arith.constant 0 : i32
      %dma_wait3A_1299 = arith.constant 0 : i32
      %dma_wait3A_1300 = tpu.memref_slice %arg15[%dma_wait3A_1298, %dma_wait3A_1299] : memref<10112x128xf32, #tpu.memory_space<vmem_shared>> -> memref<10112x128xf32, #tpu.memory_space<vmem_shared>>
      tpu.wait_indirect_dma semaphore(%arg20 : memref<!tpu.dma_semaphore, #tpu.memory_space<semaphore_mem>>) src(%arg10 : memref<64x128xf32, #tpu.memory_space<vmem>>) dst(%dma_wait3A_1300 : memref<10112x128xf32, #tpu.memory_space<vmem_shared>>)
      %dma_wait3A_1301 = arith.constant 0 : i32
      %dma_wait3A_1302 = arith.constant 5 : i32
      %dma_wait3A_1303 = arith.constant 0 : i32
      %dma_wait3A_1304 = tpu.memref_slice %arg9[%dma_wait3A_1301, %dma_wait3A_1302, %dma_wait3A_1303] : memref<2x8x64xi32, #tpu.memory_space<vmem>> -> memref<1x1x64xi32, #tpu.memory_space<vmem>>
      %dma_wait3A_1305 = tpu.memref_squeeze %dma_wait3A_1304 : memref<1x1x64xi32, #tpu.memory_space<vmem>> -> memref<64xi32, #tpu.memory_space<vmem>>
      %dma_wait3A_1306 = arith.constant 0 : i32
      %dma_wait3A_1307 = arith.constant 0 : i32
      %dma_wait3A_1308 = tpu.memref_slice %arg15[%dma_wait3A_1306, %dma_wait3A_1307] : memref<10112x128xf32, #tpu.memory_space<vmem_shared>> -> memref<10112x128xf32, #tpu.memory_space<vmem_shared>>
      tpu.wait_indirect_dma semaphore(%arg21 : memref<!tpu.dma_semaphore, #tpu.memory_space<semaphore_mem>>) src(%arg11 : memref<64x128xf32, #tpu.memory_space<vmem>>) dst(%dma_wait3A_1308 : memref<10112x128xf32, #tpu.memory_space<vmem_shared>>)
      %dma_wait3A_1309 = arith.constant 0 : i32
      %dma_wait3A_1310 = arith.constant 6 : i32
      %dma_wait3A_1311 = arith.constant 0 : i32
      %dma_wait3A_1312 = tpu.memref_slice %arg9[%dma_wait3A_1309, %dma_wait3A_1310, %dma_wait3A_1311] : memref<2x8x64xi32, #tpu.memory_space<vmem>> -> memref<1x1x64xi32, #tpu.memory_space<vmem>>
      %dma_wait3A_1313 = tpu.memref_squeeze %dma_wait3A_1312 : memref<1x1x64xi32, #tpu.memory_space<vmem>> -> memref<64xi32, #tpu.memory_space<vmem>>
      %dma_wait3A_1314 = arith.constant 0 : i32
      %dma_wait3A_1315 = arith.constant 0 : i32
      %dma_wait3A_1316 = tpu.memref_slice %arg15[%dma_wait3A_1314, %dma_wait3A_1315] : memref<10112x128xf32, #tpu.memory_space<vmem_shared>> -> memref<10112x128xf32, #tpu.memory_space<vmem_shared>>
      tpu.wait_indirect_dma semaphore(%arg22 : memref<!tpu.dma_semaphore, #tpu.memory_space<semaphore_mem>>) src(%arg12 : memref<64x128xf32, #tpu.memory_space<vmem>>) dst(%dma_wait3A_1316 : memref<10112x128xf32, #tpu.memory_space<vmem_shared>>)
      %dma_wait3A_1317 = arith.constant 0 : i32
      %dma_wait3A_1318 = arith.constant 7 : i32
      %dma_wait3A_1319 = arith.constant 0 : i32
      %dma_wait3A_1320 = tpu.memref_slice %arg9[%dma_wait3A_1317, %dma_wait3A_1318, %dma_wait3A_1319] : memref<2x8x64xi32, #tpu.memory_space<vmem>> -> memref<1x1x64xi32, #tpu.memory_space<vmem>>
      %dma_wait3A_1321 = tpu.memref_squeeze %dma_wait3A_1320 : memref<1x1x64xi32, #tpu.memory_space<vmem>> -> memref<64xi32, #tpu.memory_space<vmem>>
      %dma_wait3A_1322 = arith.constant 0 : i32
      %dma_wait3A_1323 = arith.constant 0 : i32
      %dma_wait3A_1324 = tpu.memref_slice %arg15[%dma_wait3A_1322, %dma_wait3A_1323] : memref<10112x128xf32, #tpu.memory_space<vmem_shared>> -> memref<10112x128xf32, #tpu.memory_space<vmem_shared>>
      tpu.wait_indirect_dma semaphore(%arg23 : memref<!tpu.dma_semaphore, #tpu.memory_space<semaphore_mem>>) src(%arg13 : memref<64x128xf32, #tpu.memory_space<vmem>>) dst(%dma_wait3A_1324 : memref<10112x128xf32, #tpu.memory_space<vmem_shared>>)
      %mul3A_1325 = arith.constant 2 : i32
      %mul3A_1326 = arith.muli %mul3A_1325, %scan3A_678 : i32
      %add3A_1327 = arith.constant 1 : i32
      %add3A_1328 = arith.addi %mul3A_1326, %add3A_1327 : i32
      %mul3A_1329 = arith.constant 8 : i32
      %mul3A_1330 = arith.muli %add3A_1328, %mul3A_1329 : i32
      %add3A_1331 = arith.addi %mul3A_4, %mul3A_1330 : i32
      %dma_wait3A_1332 = arith.constant 1 : i32
      %dma_wait3A_1333 = arith.constant 0 : i32
      %dma_wait3A_1334 = arith.constant 0 : i32
      %dma_wait3A_1335 = tpu.memref_slice %arg8[%dma_wait3A_1332, %dma_wait3A_1333, %dma_wait3A_1334] : memref<2x8x64xi32, #tpu.memory_space<vmem>> -> memref<1x8x64xi32, #tpu.memory_space<vmem>>
      %dma_wait3A_1336 = tpu.memref_squeeze %dma_wait3A_1335 : memref<1x8x64xi32, #tpu.memory_space<vmem>> -> memref<8x64xi32, #tpu.memory_space<vmem>>
      %dma_wait3A_1337 = arith.constant 0 : i32
      %dma_wait3A_1338 = tpu.memref_slice %arg2[%add3A_1331, %dma_wait3A_1337] : memref<5120x64xi32, #tpu.memory_space<hbm>> -> memref<8x64xi32, #tpu.memory_space<hbm>>
      %dma_wait3A_1339 = arith.constant 0 : i32
      %dma_wait3A_1340 = arith.constant 0 : i32
      %dma_wait3A_1341 = tpu.memref_slice %arg8[%dma_wait3A_1332, %dma_wait3A_1339, %dma_wait3A_1340] : memref<2x8x64xi32, #tpu.memory_space<vmem>> -> memref<1x8x64xi32, #tpu.memory_space<vmem>>
      %dma_wait3A_1342 = tpu.memref_squeeze %dma_wait3A_1341 : memref<1x8x64xi32, #tpu.memory_space<vmem>> -> memref<8x64xi32, #tpu.memory_space<vmem>>
      %dma_wait3A_1343 = arith.constant 0 : i32
      %dma_wait3A_1344 = tpu.memref_slice %arg2[%add3A_1331, %dma_wait3A_1343] : memref<5120x64xi32, #tpu.memory_space<hbm>> -> memref<8x64xi32, #tpu.memory_space<hbm>>
      tpu.wait_dma2 semaphore(%arg25 : memref<!tpu.dma_semaphore, #tpu.memory_space<semaphore_mem>>) src(%dma_wait3A_1344 : memref<8x64xi32, #tpu.memory_space<hbm>>) dst(%dma_wait3A_1342 : memref<8x64xi32, #tpu.memory_space<vmem>>)
      %mul3A_1345 = arith.constant 8 : i32
      %mul3A_1346 = arith.muli %add3A_1328, %mul3A_1345 : i32
      %add3A_1347 = arith.addi %mul3A_4, %mul3A_1346 : i32
      %dma_wait3A_1348 = arith.constant 1 : i32
      %dma_wait3A_1349 = arith.constant 0 : i32
      %dma_wait3A_1350 = arith.constant 0 : i32
      %dma_wait3A_1351 = tpu.memref_slice %arg9[%dma_wait3A_1348, %dma_wait3A_1349, %dma_wait3A_1350] : memref<2x8x64xi32, #tpu.memory_space<vmem>> -> memref<1x8x64xi32, #tpu.memory_space<vmem>>
      %dma_wait3A_1352 = tpu.memref_squeeze %dma_wait3A_1351 : memref<1x8x64xi32, #tpu.memory_space<vmem>> -> memref<8x64xi32, #tpu.memory_space<vmem>>
      %dma_wait3A_1353 = arith.constant 0 : i32
      %dma_wait3A_1354 = tpu.memref_slice %arg3[%add3A_1347, %dma_wait3A_1353] : memref<5120x64xi32, #tpu.memory_space<hbm>> -> memref<8x64xi32, #tpu.memory_space<hbm>>
      %dma_wait3A_1355 = arith.constant 0 : i32
      %dma_wait3A_1356 = arith.constant 0 : i32
      %dma_wait3A_1357 = tpu.memref_slice %arg9[%dma_wait3A_1348, %dma_wait3A_1355, %dma_wait3A_1356] : memref<2x8x64xi32, #tpu.memory_space<vmem>> -> memref<1x8x64xi32, #tpu.memory_space<vmem>>
      %dma_wait3A_1358 = tpu.memref_squeeze %dma_wait3A_1357 : memref<1x8x64xi32, #tpu.memory_space<vmem>> -> memref<8x64xi32, #tpu.memory_space<vmem>>
      %dma_wait3A_1359 = arith.constant 0 : i32
      %dma_wait3A_1360 = tpu.memref_slice %arg3[%add3A_1347, %dma_wait3A_1359] : memref<5120x64xi32, #tpu.memory_space<hbm>> -> memref<8x64xi32, #tpu.memory_space<hbm>>
      tpu.wait_dma2 semaphore(%arg25 : memref<!tpu.dma_semaphore, #tpu.memory_space<semaphore_mem>>) src(%dma_wait3A_1360 : memref<8x64xi32, #tpu.memory_space<hbm>>) dst(%dma_wait3A_1358 : memref<8x64xi32, #tpu.memory_space<vmem>>)
      %dma_start3A_1361 = arith.constant 1 : i32
      %dma_start3A_1362 = arith.constant 0 : i32
      %dma_start3A_1363 = arith.constant 0 : i32
      %dma_start3A_1364 = tpu.memref_slice %arg8[%dma_start3A_1361, %dma_start3A_1362, %dma_start3A_1363] : memref<2x8x64xi32, #tpu.memory_space<vmem>> -> memref<1x1x64xi32, #tpu.memory_space<vmem>>
      %dma_start3A_1365 = tpu.memref_squeeze %dma_start3A_1364 : memref<1x1x64xi32, #tpu.memory_space<vmem>> -> memref<64xi32, #tpu.memory_space<vmem>>
      %dma_start3A_1366 = arith.constant 0 : i32
      %dma_start3A_1367 = arith.constant 0 : i32
      %dma_start3A_1368 = tpu.memref_slice %arg4[%dma_start3A_1366, %dma_start3A_1367] : memref<10000x128xf32, #tpu.memory_space<hbm>> -> memref<10000x128xf32, #tpu.memory_space<hbm>>
      tpu.enqueue_indirect_dma source(%dma_start3A_1368 : memref<10000x128xf32, #tpu.memory_space<hbm>>) target(%arg10 : memref<64x128xf32, #tpu.memory_space<vmem>>) offsets(%dma_start3A_1365 : memref<64xi32, #tpu.memory_space<vmem>>) semaphore(%arg16 : memref<!tpu.dma_semaphore, #tpu.memory_space<semaphore_mem>>)
      %dma_start3A_1369 = arith.constant 1 : i32
      %dma_start3A_1370 = arith.constant 1 : i32
      %dma_start3A_1371 = arith.constant 0 : i32
      %dma_start3A_1372 = tpu.memref_slice %arg8[%dma_start3A_1369, %dma_start3A_1370, %dma_start3A_1371] : memref<2x8x64xi32, #tpu.memory_space<vmem>> -> memref<1x1x64xi32, #tpu.memory_space<vmem>>
      %dma_start3A_1373 = tpu.memref_squeeze %dma_start3A_1372 : memref<1x1x64xi32, #tpu.memory_space<vmem>> -> memref<64xi32, #tpu.memory_space<vmem>>
      %dma_start3A_1374 = arith.constant 0 : i32
      %dma_start3A_1375 = arith.constant 0 : i32
      %dma_start3A_1376 = tpu.memref_slice %arg4[%dma_start3A_1374, %dma_start3A_1375] : memref<10000x128xf32, #tpu.memory_space<hbm>> -> memref<10000x128xf32, #tpu.memory_space<hbm>>
      tpu.enqueue_indirect_dma source(%dma_start3A_1376 : memref<10000x128xf32, #tpu.memory_space<hbm>>) target(%arg11 : memref<64x128xf32, #tpu.memory_space<vmem>>) offsets(%dma_start3A_1373 : memref<64xi32, #tpu.memory_space<vmem>>) semaphore(%arg17 : memref<!tpu.dma_semaphore, #tpu.memory_space<semaphore_mem>>)
      %dma_start3A_1377 = arith.constant 1 : i32
      %dma_start3A_1378 = arith.constant 2 : i32
      %dma_start3A_1379 = arith.constant 0 : i32
      %dma_start3A_1380 = tpu.memref_slice %arg8[%dma_start3A_1377, %dma_start3A_1378, %dma_start3A_1379] : memref<2x8x64xi32, #tpu.memory_space<vmem>> -> memref<1x1x64xi32, #tpu.memory_space<vmem>>
      %dma_start3A_1381 = tpu.memref_squeeze %dma_start3A_1380 : memref<1x1x64xi32, #tpu.memory_space<vmem>> -> memref<64xi32, #tpu.memory_space<vmem>>
      %dma_start3A_1382 = arith.constant 0 : i32
      %dma_start3A_1383 = arith.constant 0 : i32
      %dma_start3A_1384 = tpu.memref_slice %arg4[%dma_start3A_1382, %dma_start3A_1383] : memref<10000x128xf32, #tpu.memory_space<hbm>> -> memref<10000x128xf32, #tpu.memory_space<hbm>>
      tpu.enqueue_indirect_dma source(%dma_start3A_1384 : memref<10000x128xf32, #tpu.memory_space<hbm>>) target(%arg12 : memref<64x128xf32, #tpu.memory_space<vmem>>) offsets(%dma_start3A_1381 : memref<64xi32, #tpu.memory_space<vmem>>) semaphore(%arg18 : memref<!tpu.dma_semaphore, #tpu.memory_space<semaphore_mem>>)
      %dma_start3A_1385 = arith.constant 1 : i32
      %dma_start3A_1386 = arith.constant 3 : i32
      %dma_start3A_1387 = arith.constant 0 : i32
      %dma_start3A_1388 = tpu.memref_slice %arg8[%dma_start3A_1385, %dma_start3A_1386, %dma_start3A_1387] : memref<2x8x64xi32, #tpu.memory_space<vmem>> -> memref<1x1x64xi32, #tpu.memory_space<vmem>>
      %dma_start3A_1389 = tpu.memref_squeeze %dma_start3A_1388 : memref<1x1x64xi32, #tpu.memory_space<vmem>> -> memref<64xi32, #tpu.memory_space<vmem>>
      %dma_start3A_1390 = arith.constant 0 : i32
      %dma_start3A_1391 = arith.constant 0 : i32
      %dma_start3A_1392 = tpu.memref_slice %arg4[%dma_start3A_1390, %dma_start3A_1391] : memref<10000x128xf32, #tpu.memory_space<hbm>> -> memref<10000x128xf32, #tpu.memory_space<hbm>>
      tpu.enqueue_indirect_dma source(%dma_start3A_1392 : memref<10000x128xf32, #tpu.memory_space<hbm>>) target(%arg13 : memref<64x128xf32, #tpu.memory_space<vmem>>) offsets(%dma_start3A_1389 : memref<64xi32, #tpu.memory_space<vmem>>) semaphore(%arg19 : memref<!tpu.dma_semaphore, #tpu.memory_space<semaphore_mem>>)
      %add3A_1393 = arith.constant 1 : i32
      %add3A_1394 = arith.addi %add3A_1328, %add3A_1393 : i32
      %lt3A_1395 = arith.constant 20 : i32
      %lt3A_1396 = arith.cmpi slt, %add3A_1394, %lt3A_1395 : i32
      %convert_element_type3A_1397 = arith.extui %lt3A_1396 : i1 to i32
      %cond3A_1398 = arith.constant 0 : i32
      %cond3A_1399 = arith.cmpi ne, %convert_element_type3A_1397, %cond3A_1398 : i32
      scf.if %cond3A_1399 {
        %add3A_1976 = arith.constant 1 : i32
        %add3A_1977 = arith.addi %add3A_1328, %add3A_1976 : i32
        %mul3A_1978 = arith.constant 8 : i32
        %mul3A_1979 = arith.muli %add3A_1977, %mul3A_1978 : i32
        %add3A_1980 = arith.addi %mul3A_4, %mul3A_1979 : i32
        %dma_start3A_1981 = arith.constant 0 : i32
        %dma_start3A_1982 = arith.constant 0 : i32
        %dma_start3A_1983 = arith.constant 0 : i32
        %dma_start3A_1984 = tpu.memref_slice %arg8[%dma_start3A_1981, %dma_start3A_1982, %dma_start3A_1983] : memref<2x8x64xi32, #tpu.memory_space<vmem>> -> memref<1x8x64xi32, #tpu.memory_space<vmem>>
        %dma_start3A_1985 = tpu.memref_squeeze %dma_start3A_1984 : memref<1x8x64xi32, #tpu.memory_space<vmem>> -> memref<8x64xi32, #tpu.memory_space<vmem>>
        %dma_start3A_1986 = arith.constant 0 : i32
        %dma_start3A_1987 = tpu.memref_slice %arg2[%add3A_1980, %dma_start3A_1986] : memref<5120x64xi32, #tpu.memory_space<hbm>> -> memref<8x64xi32, #tpu.memory_space<hbm>>
        %dma_start3A_1988 = arith.constant 0 : i32
        %dma_start3A_1989 = arith.constant 0 : i32
        %dma_start3A_1990 = tpu.memref_slice %arg8[%dma_start3A_1981, %dma_start3A_1988, %dma_start3A_1989] : memref<2x8x64xi32, #tpu.memory_space<vmem>> -> memref<1x8x64xi32, #tpu.memory_space<vmem>>
        %dma_start3A_1991 = tpu.memref_squeeze %dma_start3A_1990 : memref<1x8x64xi32, #tpu.memory_space<vmem>> -> memref<8x64xi32, #tpu.memory_space<vmem>>
        %dma_start3A_1992 = arith.constant 0 : i32
        %dma_start3A_1993 = tpu.memref_slice %arg2[%add3A_1980, %dma_start3A_1992] : memref<5120x64xi32, #tpu.memory_space<hbm>> -> memref<8x64xi32, #tpu.memory_space<hbm>>
        tpu.enqueue_dma source(%dma_start3A_1993 : memref<8x64xi32, #tpu.memory_space<hbm>>) target(%dma_start3A_1991 : memref<8x64xi32, #tpu.memory_space<vmem>>) target_semaphore(%arg24 : memref<!tpu.dma_semaphore, #tpu.memory_space<semaphore_mem>>)
        %mul3A_1994 = arith.constant 8 : i32
        %mul3A_1995 = arith.muli %add3A_1977, %mul3A_1994 : i32
        %add3A_1996 = arith.addi %mul3A_4, %mul3A_1995 : i32
        %dma_start3A_1997 = arith.constant 0 : i32
        %dma_start3A_1998 = arith.constant 0 : i32
        %dma_start3A_1999 = arith.constant 0 : i32
        %dma_start3A_2000 = tpu.memref_slice %arg9[%dma_start3A_1997, %dma_start3A_1998, %dma_start3A_1999] : memref<2x8x64xi32, #tpu.memory_space<vmem>> -> memref<1x8x64xi32, #tpu.memory_space<vmem>>
        %dma_start3A_2001 = tpu.memref_squeeze %dma_start3A_2000 : memref<1x8x64xi32, #tpu.memory_space<vmem>> -> memref<8x64xi32, #tpu.memory_space<vmem>>
        %dma_start3A_2002 = arith.constant 0 : i32
        %dma_start3A_2003 = tpu.memref_slice %arg3[%add3A_1996, %dma_start3A_2002] : memref<5120x64xi32, #tpu.memory_space<hbm>> -> memref<8x64xi32, #tpu.memory_space<hbm>>
        %dma_start3A_2004 = arith.constant 0 : i32
        %dma_start3A_2005 = arith.constant 0 : i32
        %dma_start3A_2006 = tpu.memref_slice %arg9[%dma_start3A_1997, %dma_start3A_2004, %dma_start3A_2005] : memref<2x8x64xi32, #tpu.memory_space<vmem>> -> memref<1x8x64xi32, #tpu.memory_space<vmem>>
        %dma_start3A_2007 = tpu.memref_squeeze %dma_start3A_2006 : memref<1x8x64xi32, #tpu.memory_space<vmem>> -> memref<8x64xi32, #tpu.memory_space<vmem>>
        %dma_start3A_2008 = arith.constant 0 : i32
        %dma_start3A_2009 = tpu.memref_slice %arg3[%add3A_1996, %dma_start3A_2008] : memref<5120x64xi32, #tpu.memory_space<hbm>> -> memref<8x64xi32, #tpu.memory_space<hbm>>
        tpu.enqueue_dma source(%dma_start3A_2009 : memref<8x64xi32, #tpu.memory_space<hbm>>) target(%dma_start3A_2007 : memref<8x64xi32, #tpu.memory_space<vmem>>) target_semaphore(%arg24 : memref<!tpu.dma_semaphore, #tpu.memory_space<semaphore_mem>>)
      } else {
      }
      %get3A_1400 = arith.constant 1 : i32
      %get3A_1401 = arith.constant 0 : i32
      %get3A_1402 = arith.index_cast %get3A_1400 : i32 to index
      %get3A_1403 = arith.index_cast %get3A_1401 : i32 to index
      %get3A_1404 = arith.constant 0 : index
      %get3A_1405 = tpu.vector_load %arg9[%get3A_1402, %get3A_1403, %get3A_1404] {strides = array<i32>} : memref<2x8x64xi32, #tpu.memory_space<vmem>>, vector<16xi32>,
      %broadcast_in_dim3A_1406 = arith.constant true
      %broadcast_in_dim3A_1407 = vector.broadcast %broadcast_in_dim3A_1406 : i1 to vector<16xi1>
      %unique3A_1408, %unique3A_1409 = tpu.scan_count mask(%broadcast_in_dim3A_1407 : vector<16xi1>) value(%get3A_1405 : vector<16xi32>) : vector<16xi1>, vector<16xi32>
      %convert_element_type3A_1410 = arith.sitofp %unique3A_1409 : vector<16xi32> to vector<16xf32>
      tpu.vector_store_idx %arg14[%get3A_1405], %convert_element_type3A_1410 masked %unique3A_1408 {add = true} : memref<10112xf32, #tpu.memory_space<vmem>>[vector<16xi32>], vector<16xf32>, vector<16xi1>
      %get3A_1411 = arith.constant 1 : i32
      %get3A_1412 = arith.constant 0 : i32
      %get3A_1413 = arith.index_cast %get3A_1411 : i32 to index
      %get3A_1414 = arith.index_cast %get3A_1412 : i32 to index
      %get3A_1415 = arith.constant 16 : index
      %get3A_1416 = tpu.vector_load %arg9[%get3A_1413, %get3A_1414, %get3A_1415] {strides = array<i32>} : memref<2x8x64xi32, #tpu.memory_space<vmem>>, vector<16xi32>,
      %broadcast_in_dim3A_1417 = arith.constant true
      %broadcast_in_dim3A_1418 = vector.broadcast %broadcast_in_dim3A_1417 : i1 to vector<16xi1>
      %unique3A_1419, %unique3A_1420 = tpu.scan_count mask(%broadcast_in_dim3A_1418 : vector<16xi1>) value(%get3A_1416 : vector<16xi32>) : vector<16xi1>, vector<16xi32>
      %convert_element_type3A_1421 = arith.sitofp %unique3A_1420 : vector<16xi32> to vector<16xf32>
      tpu.vector_store_idx %arg14[%get3A_1416], %convert_element_type3A_1421 masked %unique3A_1419 {add = true} : memref<10112xf32, #tpu.memory_space<vmem>>[vector<16xi32>], vector<16xf32>, vector<16xi1>
      %get3A_1422 = arith.constant 1 : i32
      %get3A_1423 = arith.constant 0 : i32
      %get3A_1424 = arith.index_cast %get3A_1422 : i32 to index
      %get3A_1425 = arith.index_cast %get3A_1423 : i32 to index
      %get3A_1426 = arith.constant 32 : index
      %get3A_1427 = tpu.vector_load %arg9[%get3A_1424, %get3A_1425, %get3A_1426] {strides = array<i32>} : memref<2x8x64xi32, #tpu.memory_space<vmem>>, vector<16xi32>,
      %broadcast_in_dim3A_1428 = arith.constant true
      %broadcast_in_dim3A_1429 = vector.broadcast %broadcast_in_dim3A_1428 : i1 to vector<16xi1>
      %unique3A_1430, %unique3A_1431 = tpu.scan_count mask(%broadcast_in_dim3A_1429 : vector<16xi1>) value(%get3A_1427 : vector<16xi32>) : vector<16xi1>, vector<16xi32>
      %convert_element_type3A_1432 = arith.sitofp %unique3A_1431 : vector<16xi32> to vector<16xf32>
      tpu.vector_store_idx %arg14[%get3A_1427], %convert_element_type3A_1432 masked %unique3A_1430 {add = true} : memref<10112xf32, #tpu.memory_space<vmem>>[vector<16xi32>], vector<16xf32>, vector<16xi1>
      %get3A_1433 = arith.constant 1 : i32
      %get3A_1434 = arith.constant 0 : i32
      %get3A_1435 = arith.index_cast %get3A_1433 : i32 to index
      %get3A_1436 = arith.index_cast %get3A_1434 : i32 to index
      %get3A_1437 = arith.constant 48 : index
      %get3A_1438 = tpu.vector_load %arg9[%get3A_1435, %get3A_1436, %get3A_1437] {strides = array<i32>} : memref<2x8x64xi32, #tpu.memory_space<vmem>>, vector<16xi32>,
      %broadcast_in_dim3A_1439 = arith.constant true
      %broadcast_in_dim3A_1440 = vector.broadcast %broadcast_in_dim3A_1439 : i1 to vector<16xi1>
      %unique3A_1441, %unique3A_1442 = tpu.scan_count mask(%broadcast_in_dim3A_1440 : vector<16xi1>) value(%get3A_1438 : vector<16xi32>) : vector<16xi1>, vector<16xi32>
      %convert_element_type3A_1443 = arith.sitofp %unique3A_1442 : vector<16xi32> to vector<16xf32>
      tpu.vector_store_idx %arg14[%get3A_1438], %convert_element_type3A_1443 masked %unique3A_1441 {add = true} : memref<10112xf32, #tpu.memory_space<vmem>>[vector<16xi32>], vector<16xf32>, vector<16xi1>
      %get3A_1444 = arith.constant 1 : i32
      %get3A_1445 = arith.constant 1 : i32
      %get3A_1446 = arith.index_cast %get3A_1444 : i32 to index
      %get3A_1447 = arith.index_cast %get3A_1445 : i32 to index
      %get3A_1448 = arith.constant 0 : index
      %get3A_1449 = tpu.vector_load %arg9[%get3A_1446, %get3A_1447, %get3A_1448] {strides = array<i32>} : memref<2x8x64xi32, #tpu.memory_space<vmem>>, vector<16xi32>,
      %broadcast_in_dim3A_1450 = arith.constant true
      %broadcast_in_dim3A_1451 = vector.broadcast %broadcast_in_dim3A_1450 : i1 to vector<16xi1>
      %unique3A_1452, %unique3A_1453 = tpu.scan_count mask(%broadcast_in_dim3A_1451 : vector<16xi1>) value(%get3A_1449 : vector<16xi32>) : vector<16xi1>, vector<16xi32>
      %convert_element_type3A_1454 = arith.sitofp %unique3A_1453 : vector<16xi32> to vector<16xf32>
      tpu.vector_store_idx %arg14[%get3A_1449], %convert_element_type3A_1454 masked %unique3A_1452 {add = true} : memref<10112xf32, #tpu.memory_space<vmem>>[vector<16xi32>], vector<16xf32>, vector<16xi1>
      %get3A_1455 = arith.constant 1 : i32
      %get3A_1456 = arith.constant 1 : i32
      %get3A_1457 = arith.index_cast %get3A_1455 : i32 to index
      %get3A_1458 = arith.index_cast %get3A_1456 : i32 to index
      %get3A_1459 = arith.constant 16 : index
      %get3A_1460 = tpu.vector_load %arg9[%get3A_1457, %get3A_1458, %get3A_1459] {strides = array<i32>} : memref<2x8x64xi32, #tpu.memory_space<vmem>>, vector<16xi32>,
      %broadcast_in_dim3A_1461 = arith.constant true
      %broadcast_in_dim3A_1462 = vector.broadcast %broadcast_in_dim3A_1461 : i1 to vector<16xi1>
      %unique3A_1463, %unique3A_1464 = tpu.scan_count mask(%broadcast_in_dim3A_1462 : vector<16xi1>) value(%get3A_1460 : vector<16xi32>) : vector<16xi1>, vector<16xi32>
      %convert_element_type3A_1465 = arith.sitofp %unique3A_1464 : vector<16xi32> to vector<16xf32>
      tpu.vector_store_idx %arg14[%get3A_1460], %convert_element_type3A_1465 masked %unique3A_1463 {add = true} : memref<10112xf32, #tpu.memory_space<vmem>>[vector<16xi32>], vector<16xf32>, vector<16xi1>
      %get3A_1466 = arith.constant 1 : i32
      %get3A_1467 = arith.constant 1 : i32
      %get3A_1468 = arith.index_cast %get3A_1466 : i32 to index
      %get3A_1469 = arith.index_cast %get3A_1467 : i32 to index
      %get3A_1470 = arith.constant 32 : index
      %get3A_1471 = tpu.vector_load %arg9[%get3A_1468, %get3A_1469, %get3A_1470] {strides = array<i32>} : memref<2x8x64xi32, #tpu.memory_space<vmem>>, vector<16xi32>,
      %broadcast_in_dim3A_1472 = arith.constant true
      %broadcast_in_dim3A_1473 = vector.broadcast %broadcast_in_dim3A_1472 : i1 to vector<16xi1>
      %unique3A_1474, %unique3A_1475 = tpu.scan_count mask(%broadcast_in_dim3A_1473 : vector<16xi1>) value(%get3A_1471 : vector<16xi32>) : vector<16xi1>, vector<16xi32>
      %convert_element_type3A_1476 = arith.sitofp %unique3A_1475 : vector<16xi32> to vector<16xf32>
      tpu.vector_store_idx %arg14[%get3A_1471], %convert_element_type3A_1476 masked %unique3A_1474 {add = true} : memref<10112xf32, #tpu.memory_space<vmem>>[vector<16xi32>], vector<16xf32>, vector<16xi1>
      %get3A_1477 = arith.constant 1 : i32
      %get3A_1478 = arith.constant 1 : i32
      %get3A_1479 = arith.index_cast %get3A_1477 : i32 to index
      %get3A_1480 = arith.index_cast %get3A_1478 : i32 to index
      %get3A_1481 = arith.constant 48 : index
      %get3A_1482 = tpu.vector_load %arg9[%get3A_1479, %get3A_1480, %get3A_1481] {strides = array<i32>} : memref<2x8x64xi32, #tpu.memory_space<vmem>>, vector<16xi32>,
      %broadcast_in_dim3A_1483 = arith.constant true
      %broadcast_in_dim3A_1484 = vector.broadcast %broadcast_in_dim3A_1483 : i1 to vector<16xi1>
      %unique3A_1485, %unique3A_1486 = tpu.scan_count mask(%broadcast_in_dim3A_1484 : vector<16xi1>) value(%get3A_1482 : vector<16xi32>) : vector<16xi1>, vector<16xi32>
      %convert_element_type3A_1487 = arith.sitofp %unique3A_1486 : vector<16xi32> to vector<16xf32>
      tpu.vector_store_idx %arg14[%get3A_1482], %convert_element_type3A_1487 masked %unique3A_1485 {add = true} : memref<10112xf32, #tpu.memory_space<vmem>>[vector<16xi32>], vector<16xf32>, vector<16xi1>
      %get3A_1488 = arith.constant 1 : i32
      %get3A_1489 = arith.constant 2 : i32
      %get3A_1490 = arith.index_cast %get3A_1488 : i32 to index
      %get3A_1491 = arith.index_cast %get3A_1489 : i32 to index
      %get3A_1492 = arith.constant 0 : index
      %get3A_1493 = tpu.vector_load %arg9[%get3A_1490, %get3A_1491, %get3A_1492] {strides = array<i32>} : memref<2x8x64xi32, #tpu.memory_space<vmem>>, vector<16xi32>,
      %broadcast_in_dim3A_1494 = arith.constant true
      %broadcast_in_dim3A_1495 = vector.broadcast %broadcast_in_dim3A_1494 : i1 to vector<16xi1>
      %unique3A_1496, %unique3A_1497 = tpu.scan_count mask(%broadcast_in_dim3A_1495 : vector<16xi1>) value(%get3A_1493 : vector<16xi32>) : vector<16xi1>, vector<16xi32>
      %convert_element_type3A_1498 = arith.sitofp %unique3A_1497 : vector<16xi32> to vector<16xf32>
      tpu.vector_store_idx %arg14[%get3A_1493], %convert_element_type3A_1498 masked %unique3A_1496 {add = true} : memref<10112xf32, #tpu.memory_space<vmem>>[vector<16xi32>], vector<16xf32>, vector<16xi1>
      %get3A_1499 = arith.constant 1 : i32
      %get3A_1500 = arith.constant 2 : i32
      %get3A_1501 = arith.index_cast %get3A_1499 : i32 to index
      %get3A_1502 = arith.index_cast %get3A_1500 : i32 to index
      %get3A_1503 = arith.constant 16 : index
      %get3A_1504 = tpu.vector_load %arg9[%get3A_1501, %get3A_1502, %get3A_1503] {strides = array<i32>} : memref<2x8x64xi32, #tpu.memory_space<vmem>>, vector<16xi32>,
      %broadcast_in_dim3A_1505 = arith.constant true
      %broadcast_in_dim3A_1506 = vector.broadcast %broadcast_in_dim3A_1505 : i1 to vector<16xi1>
      %unique3A_1507, %unique3A_1508 = tpu.scan_count mask(%broadcast_in_dim3A_1506 : vector<16xi1>) value(%get3A_1504 : vector<16xi32>) : vector<16xi1>, vector<16xi32>
      %convert_element_type3A_1509 = arith.sitofp %unique3A_1508 : vector<16xi32> to vector<16xf32>
      tpu.vector_store_idx %arg14[%get3A_1504], %convert_element_type3A_1509 masked %unique3A_1507 {add = true} : memref<10112xf32, #tpu.memory_space<vmem>>[vector<16xi32>], vector<16xf32>, vector<16xi1>
      %get3A_1510 = arith.constant 1 : i32
      %get3A_1511 = arith.constant 2 : i32
      %get3A_1512 = arith.index_cast %get3A_1510 : i32 to index
      %get3A_1513 = arith.index_cast %get3A_1511 : i32 to index
      %get3A_1514 = arith.constant 32 : index
      %get3A_1515 = tpu.vector_load %arg9[%get3A_1512, %get3A_1513, %get3A_1514] {strides = array<i32>} : memref<2x8x64xi32, #tpu.memory_space<vmem>>, vector<16xi32>,
      %broadcast_in_dim3A_1516 = arith.constant true
      %broadcast_in_dim3A_1517 = vector.broadcast %broadcast_in_dim3A_1516 : i1 to vector<16xi1>
      %unique3A_1518, %unique3A_1519 = tpu.scan_count mask(%broadcast_in_dim3A_1517 : vector<16xi1>) value(%get3A_1515 : vector<16xi32>) : vector<16xi1>, vector<16xi32>
      %convert_element_type3A_1520 = arith.sitofp %unique3A_1519 : vector<16xi32> to vector<16xf32>
      tpu.vector_store_idx %arg14[%get3A_1515], %convert_element_type3A_1520 masked %unique3A_1518 {add = true} : memref<10112xf32, #tpu.memory_space<vmem>>[vector<16xi32>], vector<16xf32>, vector<16xi1>
      %get3A_1521 = arith.constant 1 : i32
      %get3A_1522 = arith.constant 2 : i32
      %get3A_1523 = arith.index_cast %get3A_1521 : i32 to index
      %get3A_1524 = arith.index_cast %get3A_1522 : i32 to index
      %get3A_1525 = arith.constant 48 : index
      %get3A_1526 = tpu.vector_load %arg9[%get3A_1523, %get3A_1524, %get3A_1525] {strides = array<i32>} : memref<2x8x64xi32, #tpu.memory_space<vmem>>, vector<16xi32>,
      %broadcast_in_dim3A_1527 = arith.constant true
      %broadcast_in_dim3A_1528 = vector.broadcast %broadcast_in_dim3A_1527 : i1 to vector<16xi1>
      %unique3A_1529, %unique3A_1530 = tpu.scan_count mask(%broadcast_in_dim3A_1528 : vector<16xi1>) value(%get3A_1526 : vector<16xi32>) : vector<16xi1>, vector<16xi32>
      %convert_element_type3A_1531 = arith.sitofp %unique3A_1530 : vector<16xi32> to vector<16xf32>
      tpu.vector_store_idx %arg14[%get3A_1526], %convert_element_type3A_1531 masked %unique3A_1529 {add = true} : memref<10112xf32, #tpu.memory_space<vmem>>[vector<16xi32>], vector<16xf32>, vector<16xi1>
      %get3A_1532 = arith.constant 1 : i32
      %get3A_1533 = arith.constant 3 : i32
      %get3A_1534 = arith.index_cast %get3A_1532 : i32 to index
      %get3A_1535 = arith.index_cast %get3A_1533 : i32 to index
      %get3A_1536 = arith.constant 0 : index
      %get3A_1537 = tpu.vector_load %arg9[%get3A_1534, %get3A_1535, %get3A_1536] {strides = array<i32>} : memref<2x8x64xi32, #tpu.memory_space<vmem>>, vector<16xi32>,
      %broadcast_in_dim3A_1538 = arith.constant true
      %broadcast_in_dim3A_1539 = vector.broadcast %broadcast_in_dim3A_1538 : i1 to vector<16xi1>
      %unique3A_1540, %unique3A_1541 = tpu.scan_count mask(%broadcast_in_dim3A_1539 : vector<16xi1>) value(%get3A_1537 : vector<16xi32>) : vector<16xi1>, vector<16xi32>
      %convert_element_type3A_1542 = arith.sitofp %unique3A_1541 : vector<16xi32> to vector<16xf32>
      tpu.vector_store_idx %arg14[%get3A_1537], %convert_element_type3A_1542 masked %unique3A_1540 {add = true} : memref<10112xf32, #tpu.memory_space<vmem>>[vector<16xi32>], vector<16xf32>, vector<16xi1>
      %get3A_1543 = arith.constant 1 : i32
      %get3A_1544 = arith.constant 3 : i32
      %get3A_1545 = arith.index_cast %get3A_1543 : i32 to index
      %get3A_1546 = arith.index_cast %get3A_1544 : i32 to index
      %get3A_1547 = arith.constant 16 : index
      %get3A_1548 = tpu.vector_load %arg9[%get3A_1545, %get3A_1546, %get3A_1547] {strides = array<i32>} : memref<2x8x64xi32, #tpu.memory_space<vmem>>, vector<16xi32>,
      %broadcast_in_dim3A_1549 = arith.constant true
      %broadcast_in_dim3A_1550 = vector.broadcast %broadcast_in_dim3A_1549 : i1 to vector<16xi1>
      %unique3A_1551, %unique3A_1552 = tpu.scan_count mask(%broadcast_in_dim3A_1550 : vector<16xi1>) value(%get3A_1548 : vector<16xi32>) : vector<16xi1>, vector<16xi32>
      %convert_element_type3A_1553 = arith.sitofp %unique3A_1552 : vector<16xi32> to vector<16xf32>
      tpu.vector_store_idx %arg14[%get3A_1548], %convert_element_type3A_1553 masked %unique3A_1551 {add = true} : memref<10112xf32, #tpu.memory_space<vmem>>[vector<16xi32>], vector<16xf32>, vector<16xi1>
      %get3A_1554 = arith.constant 1 : i32
      %get3A_1555 = arith.constant 3 : i32
      %get3A_1556 = arith.index_cast %get3A_1554 : i32 to index
      %get3A_1557 = arith.index_cast %get3A_1555 : i32 to index
      %get3A_1558 = arith.constant 32 : index
      %get3A_1559 = tpu.vector_load %arg9[%get3A_1556, %get3A_1557, %get3A_1558] {strides = array<i32>} : memref<2x8x64xi32, #tpu.memory_space<vmem>>, vector<16xi32>,
      %broadcast_in_dim3A_1560 = arith.constant true
      %broadcast_in_dim3A_1561 = vector.broadcast %broadcast_in_dim3A_1560 : i1 to vector<16xi1>
      %unique3A_1562, %unique3A_1563 = tpu.scan_count mask(%broadcast_in_dim3A_1561 : vector<16xi1>) value(%get3A_1559 : vector<16xi32>) : vector<16xi1>, vector<16xi32>
      %convert_element_type3A_1564 = arith.sitofp %unique3A_1563 : vector<16xi32> to vector<16xf32>
      tpu.vector_store_idx %arg14[%get3A_1559], %convert_element_type3A_1564 masked %unique3A_1562 {add = true} : memref<10112xf32, #tpu.memory_space<vmem>>[vector<16xi32>], vector<16xf32>, vector<16xi1>
      %get3A_1565 = arith.constant 1 : i32
      %get3A_1566 = arith.constant 3 : i32
      %get3A_1567 = arith.index_cast %get3A_1565 : i32 to index
      %get3A_1568 = arith.index_cast %get3A_1566 : i32 to index
      %get3A_1569 = arith.constant 48 : index
      %get3A_1570 = tpu.vector_load %arg9[%get3A_1567, %get3A_1568, %get3A_1569] {strides = array<i32>} : memref<2x8x64xi32, #tpu.memory_space<vmem>>, vector<16xi32>,
      %broadcast_in_dim3A_1571 = arith.constant true
      %broadcast_in_dim3A_1572 = vector.broadcast %broadcast_in_dim3A_1571 : i1 to vector<16xi1>
      %unique3A_1573, %unique3A_1574 = tpu.scan_count mask(%broadcast_in_dim3A_1572 : vector<16xi1>) value(%get3A_1570 : vector<16xi32>) : vector<16xi1>, vector<16xi32>
      %convert_element_type3A_1575 = arith.sitofp %unique3A_1574 : vector<16xi32> to vector<16xf32>
      tpu.vector_store_idx %arg14[%get3A_1570], %convert_element_type3A_1575 masked %unique3A_1573 {add = true} : memref<10112xf32, #tpu.memory_space<vmem>>[vector<16xi32>], vector<16xf32>, vector<16xi1>
      %get3A_1576 = arith.constant 1 : i32
      %get3A_1577 = arith.constant 4 : i32
      %get3A_1578 = arith.index_cast %get3A_1576 : i32 to index
      %get3A_1579 = arith.index_cast %get3A_1577 : i32 to index
      %get3A_1580 = arith.constant 0 : index
      %get3A_1581 = tpu.vector_load %arg9[%get3A_1578, %get3A_1579, %get3A_1580] {strides = array<i32>} : memref<2x8x64xi32, #tpu.memory_space<vmem>>, vector<16xi32>,
      %broadcast_in_dim3A_1582 = arith.constant true
      %broadcast_in_dim3A_1583 = vector.broadcast %broadcast_in_dim3A_1582 : i1 to vector<16xi1>
      %unique3A_1584, %unique3A_1585 = tpu.scan_count mask(%broadcast_in_dim3A_1583 : vector<16xi1>) value(%get3A_1581 : vector<16xi32>) : vector<16xi1>, vector<16xi32>
      %convert_element_type3A_1586 = arith.sitofp %unique3A_1585 : vector<16xi32> to vector<16xf32>
      tpu.vector_store_idx %arg14[%get3A_1581], %convert_element_type3A_1586 masked %unique3A_1584 {add = true} : memref<10112xf32, #tpu.memory_space<vmem>>[vector<16xi32>], vector<16xf32>, vector<16xi1>
      %get3A_1587 = arith.constant 1 : i32
      %get3A_1588 = arith.constant 4 : i32
      %get3A_1589 = arith.index_cast %get3A_1587 : i32 to index
      %get3A_1590 = arith.index_cast %get3A_1588 : i32 to index
      %get3A_1591 = arith.constant 16 : index
      %get3A_1592 = tpu.vector_load %arg9[%get3A_1589, %get3A_1590, %get3A_1591] {strides = array<i32>} : memref<2x8x64xi32, #tpu.memory_space<vmem>>, vector<16xi32>,
      %broadcast_in_dim3A_1593 = arith.constant true
      %broadcast_in_dim3A_1594 = vector.broadcast %broadcast_in_dim3A_1593 : i1 to vector<16xi1>
      %unique3A_1595, %unique3A_1596 = tpu.scan_count mask(%broadcast_in_dim3A_1594 : vector<16xi1>) value(%get3A_1592 : vector<16xi32>) : vector<16xi1>, vector<16xi32>
      %convert_element_type3A_1597 = arith.sitofp %unique3A_1596 : vector<16xi32> to vector<16xf32>
      tpu.vector_store_idx %arg14[%get3A_1592], %convert_element_type3A_1597 masked %unique3A_1595 {add = true} : memref<10112xf32, #tpu.memory_space<vmem>>[vector<16xi32>], vector<16xf32>, vector<16xi1>
      %get3A_1598 = arith.constant 1 : i32
      %get3A_1599 = arith.constant 4 : i32
      %get3A_1600 = arith.index_cast %get3A_1598 : i32 to index
      %get3A_1601 = arith.index_cast %get3A_1599 : i32 to index
      %get3A_1602 = arith.constant 32 : index
      %get3A_1603 = tpu.vector_load %arg9[%get3A_1600, %get3A_1601, %get3A_1602] {strides = array<i32>} : memref<2x8x64xi32, #tpu.memory_space<vmem>>, vector<16xi32>,
      %broadcast_in_dim3A_1604 = arith.constant true
      %broadcast_in_dim3A_1605 = vector.broadcast %broadcast_in_dim3A_1604 : i1 to vector<16xi1>
      %unique3A_1606, %unique3A_1607 = tpu.scan_count mask(%broadcast_in_dim3A_1605 : vector<16xi1>) value(%get3A_1603 : vector<16xi32>) : vector<16xi1>, vector<16xi32>
      %convert_element_type3A_1608 = arith.sitofp %unique3A_1607 : vector<16xi32> to vector<16xf32>
      tpu.vector_store_idx %arg14[%get3A_1603], %convert_element_type3A_1608 masked %unique3A_1606 {add = true} : memref<10112xf32, #tpu.memory_space<vmem>>[vector<16xi32>], vector<16xf32>, vector<16xi1>
      %get3A_1609 = arith.constant 1 : i32
      %get3A_1610 = arith.constant 4 : i32
      %get3A_1611 = arith.index_cast %get3A_1609 : i32 to index
      %get3A_1612 = arith.index_cast %get3A_1610 : i32 to index
      %get3A_1613 = arith.constant 48 : index
      %get3A_1614 = tpu.vector_load %arg9[%get3A_1611, %get3A_1612, %get3A_1613] {strides = array<i32>} : memref<2x8x64xi32, #tpu.memory_space<vmem>>, vector<16xi32>,
      %broadcast_in_dim3A_1615 = arith.constant true
      %broadcast_in_dim3A_1616 = vector.broadcast %broadcast_in_dim3A_1615 : i1 to vector<16xi1>
      %unique3A_1617, %unique3A_1618 = tpu.scan_count mask(%broadcast_in_dim3A_1616 : vector<16xi1>) value(%get3A_1614 : vector<16xi32>) : vector<16xi1>, vector<16xi32>
      %convert_element_type3A_1619 = arith.sitofp %unique3A_1618 : vector<16xi32> to vector<16xf32>
      tpu.vector_store_idx %arg14[%get3A_1614], %convert_element_type3A_1619 masked %unique3A_1617 {add = true} : memref<10112xf32, #tpu.memory_space<vmem>>[vector<16xi32>], vector<16xf32>, vector<16xi1>
      %get3A_1620 = arith.constant 1 : i32
      %get3A_1621 = arith.constant 5 : i32
      %get3A_1622 = arith.index_cast %get3A_1620 : i32 to index
      %get3A_1623 = arith.index_cast %get3A_1621 : i32 to index
      %get3A_1624 = arith.constant 0 : index
      %get3A_1625 = tpu.vector_load %arg9[%get3A_1622, %get3A_1623, %get3A_1624] {strides = array<i32>} : memref<2x8x64xi32, #tpu.memory_space<vmem>>, vector<16xi32>,
      %broadcast_in_dim3A_1626 = arith.constant true
      %broadcast_in_dim3A_1627 = vector.broadcast %broadcast_in_dim3A_1626 : i1 to vector<16xi1>
      %unique3A_1628, %unique3A_1629 = tpu.scan_count mask(%broadcast_in_dim3A_1627 : vector<16xi1>) value(%get3A_1625 : vector<16xi32>) : vector<16xi1>, vector<16xi32>
      %convert_element_type3A_1630 = arith.sitofp %unique3A_1629 : vector<16xi32> to vector<16xf32>
      tpu.vector_store_idx %arg14[%get3A_1625], %convert_element_type3A_1630 masked %unique3A_1628 {add = true} : memref<10112xf32, #tpu.memory_space<vmem>>[vector<16xi32>], vector<16xf32>, vector<16xi1>
      %get3A_1631 = arith.constant 1 : i32
      %get3A_1632 = arith.constant 5 : i32
      %get3A_1633 = arith.index_cast %get3A_1631 : i32 to index
      %get3A_1634 = arith.index_cast %get3A_1632 : i32 to index
      %get3A_1635 = arith.constant 16 : index
      %get3A_1636 = tpu.vector_load %arg9[%get3A_1633, %get3A_1634, %get3A_1635] {strides = array<i32>} : memref<2x8x64xi32, #tpu.memory_space<vmem>>, vector<16xi32>,
      %broadcast_in_dim3A_1637 = arith.constant true
      %broadcast_in_dim3A_1638 = vector.broadcast %broadcast_in_dim3A_1637 : i1 to vector<16xi1>
      %unique3A_1639, %unique3A_1640 = tpu.scan_count mask(%broadcast_in_dim3A_1638 : vector<16xi1>) value(%get3A_1636 : vector<16xi32>) : vector<16xi1>, vector<16xi32>
      %convert_element_type3A_1641 = arith.sitofp %unique3A_1640 : vector<16xi32> to vector<16xf32>
      tpu.vector_store_idx %arg14[%get3A_1636], %convert_element_type3A_1641 masked %unique3A_1639 {add = true} : memref<10112xf32, #tpu.memory_space<vmem>>[vector<16xi32>], vector<16xf32>, vector<16xi1>
      %get3A_1642 = arith.constant 1 : i32
      %get3A_1643 = arith.constant 5 : i32
      %get3A_1644 = arith.index_cast %get3A_1642 : i32 to index
      %get3A_1645 = arith.index_cast %get3A_1643 : i32 to index
      %get3A_1646 = arith.constant 32 : index
      %get3A_1647 = tpu.vector_load %arg9[%get3A_1644, %get3A_1645, %get3A_1646] {strides = array<i32>} : memref<2x8x64xi32, #tpu.memory_space<vmem>>, vector<16xi32>,
      %broadcast_in_dim3A_1648 = arith.constant true
      %broadcast_in_dim3A_1649 = vector.broadcast %broadcast_in_dim3A_1648 : i1 to vector<16xi1>
      %unique3A_1650, %unique3A_1651 = tpu.scan_count mask(%broadcast_in_dim3A_1649 : vector<16xi1>) value(%get3A_1647 : vector<16xi32>) : vector<16xi1>, vector<16xi32>
      %convert_element_type3A_1652 = arith.sitofp %unique3A_1651 : vector<16xi32> to vector<16xf32>
      tpu.vector_store_idx %arg14[%get3A_1647], %convert_element_type3A_1652 masked %unique3A_1650 {add = true} : memref<10112xf32, #tpu.memory_space<vmem>>[vector<16xi32>], vector<16xf32>, vector<16xi1>
      %get3A_1653 = arith.constant 1 : i32
      %get3A_1654 = arith.constant 5 : i32
      %get3A_1655 = arith.index_cast %get3A_1653 : i32 to index
      %get3A_1656 = arith.index_cast %get3A_1654 : i32 to index
      %get3A_1657 = arith.constant 48 : index
      %get3A_1658 = tpu.vector_load %arg9[%get3A_1655, %get3A_1656, %get3A_1657] {strides = array<i32>} : memref<2x8x64xi32, #tpu.memory_space<vmem>>, vector<16xi32>,
      %broadcast_in_dim3A_1659 = arith.constant true
      %broadcast_in_dim3A_1660 = vector.broadcast %broadcast_in_dim3A_1659 : i1 to vector<16xi1>
      %unique3A_1661, %unique3A_1662 = tpu.scan_count mask(%broadcast_in_dim3A_1660 : vector<16xi1>) value(%get3A_1658 : vector<16xi32>) : vector<16xi1>, vector<16xi32>
      %convert_element_type3A_1663 = arith.sitofp %unique3A_1662 : vector<16xi32> to vector<16xf32>
      tpu.vector_store_idx %arg14[%get3A_1658], %convert_element_type3A_1663 masked %unique3A_1661 {add = true} : memref<10112xf32, #tpu.memory_space<vmem>>[vector<16xi32>], vector<16xf32>, vector<16xi1>
      %get3A_1664 = arith.constant 1 : i32
      %get3A_1665 = arith.constant 6 : i32
      %get3A_1666 = arith.index_cast %get3A_1664 : i32 to index
      %get3A_1667 = arith.index_cast %get3A_1665 : i32 to index
      %get3A_1668 = arith.constant 0 : index
      %get3A_1669 = tpu.vector_load %arg9[%get3A_1666, %get3A_1667, %get3A_1668] {strides = array<i32>} : memref<2x8x64xi32, #tpu.memory_space<vmem>>, vector<16xi32>,
      %broadcast_in_dim3A_1670 = arith.constant true
      %broadcast_in_dim3A_1671 = vector.broadcast %broadcast_in_dim3A_1670 : i1 to vector<16xi1>
      %unique3A_1672, %unique3A_1673 = tpu.scan_count mask(%broadcast_in_dim3A_1671 : vector<16xi1>) value(%get3A_1669 : vector<16xi32>) : vector<16xi1>, vector<16xi32>
      %convert_element_type3A_1674 = arith.sitofp %unique3A_1673 : vector<16xi32> to vector<16xf32>
      tpu.vector_store_idx %arg14[%get3A_1669], %convert_element_type3A_1674 masked %unique3A_1672 {add = true} : memref<10112xf32, #tpu.memory_space<vmem>>[vector<16xi32>], vector<16xf32>, vector<16xi1>
      %get3A_1675 = arith.constant 1 : i32
      %get3A_1676 = arith.constant 6 : i32
      %get3A_1677 = arith.index_cast %get3A_1675 : i32 to index
      %get3A_1678 = arith.index_cast %get3A_1676 : i32 to index
      %get3A_1679 = arith.constant 16 : index
      %get3A_1680 = tpu.vector_load %arg9[%get3A_1677, %get3A_1678, %get3A_1679] {strides = array<i32>} : memref<2x8x64xi32, #tpu.memory_space<vmem>>, vector<16xi32>,
      %broadcast_in_dim3A_1681 = arith.constant true
      %broadcast_in_dim3A_1682 = vector.broadcast %broadcast_in_dim3A_1681 : i1 to vector<16xi1>
      %unique3A_1683, %unique3A_1684 = tpu.scan_count mask(%broadcast_in_dim3A_1682 : vector<16xi1>) value(%get3A_1680 : vector<16xi32>) : vector<16xi1>, vector<16xi32>
      %convert_element_type3A_1685 = arith.sitofp %unique3A_1684 : vector<16xi32> to vector<16xf32>
      tpu.vector_store_idx %arg14[%get3A_1680], %convert_element_type3A_1685 masked %unique3A_1683 {add = true} : memref<10112xf32, #tpu.memory_space<vmem>>[vector<16xi32>], vector<16xf32>, vector<16xi1>
      %get3A_1686 = arith.constant 1 : i32
      %get3A_1687 = arith.constant 6 : i32
      %get3A_1688 = arith.index_cast %get3A_1686 : i32 to index
      %get3A_1689 = arith.index_cast %get3A_1687 : i32 to index
      %get3A_1690 = arith.constant 32 : index
      %get3A_1691 = tpu.vector_load %arg9[%get3A_1688, %get3A_1689, %get3A_1690] {strides = array<i32>} : memref<2x8x64xi32, #tpu.memory_space<vmem>>, vector<16xi32>,
      %broadcast_in_dim3A_1692 = arith.constant true
      %broadcast_in_dim3A_1693 = vector.broadcast %broadcast_in_dim3A_1692 : i1 to vector<16xi1>
      %unique3A_1694, %unique3A_1695 = tpu.scan_count mask(%broadcast_in_dim3A_1693 : vector<16xi1>) value(%get3A_1691 : vector<16xi32>) : vector<16xi1>, vector<16xi32>
      %convert_element_type3A_1696 = arith.sitofp %unique3A_1695 : vector<16xi32> to vector<16xf32>
      tpu.vector_store_idx %arg14[%get3A_1691], %convert_element_type3A_1696 masked %unique3A_1694 {add = true} : memref<10112xf32, #tpu.memory_space<vmem>>[vector<16xi32>], vector<16xf32>, vector<16xi1>
      %get3A_1697 = arith.constant 1 : i32
      %get3A_1698 = arith.constant 6 : i32
      %get3A_1699 = arith.index_cast %get3A_1697 : i32 to index
      %get3A_1700 = arith.index_cast %get3A_1698 : i32 to index
      %get3A_1701 = arith.constant 48 : index
      %get3A_1702 = tpu.vector_load %arg9[%get3A_1699, %get3A_1700, %get3A_1701] {strides = array<i32>} : memref<2x8x64xi32, #tpu.memory_space<vmem>>, vector<16xi32>,
      %broadcast_in_dim3A_1703 = arith.constant true
      %broadcast_in_dim3A_1704 = vector.broadcast %broadcast_in_dim3A_1703 : i1 to vector<16xi1>
      %unique3A_1705, %unique3A_1706 = tpu.scan_count mask(%broadcast_in_dim3A_1704 : vector<16xi1>) value(%get3A_1702 : vector<16xi32>) : vector<16xi1>, vector<16xi32>
      %convert_element_type3A_1707 = arith.sitofp %unique3A_1706 : vector<16xi32> to vector<16xf32>
      tpu.vector_store_idx %arg14[%get3A_1702], %convert_element_type3A_1707 masked %unique3A_1705 {add = true} : memref<10112xf32, #tpu.memory_space<vmem>>[vector<16xi32>], vector<16xf32>, vector<16xi1>
      %get3A_1708 = arith.constant 1 : i32
      %get3A_1709 = arith.constant 7 : i32
      %get3A_1710 = arith.index_cast %get3A_1708 : i32 to index
      %get3A_1711 = arith.index_cast %get3A_1709 : i32 to index
      %get3A_1712 = arith.constant 0 : index
      %get3A_1713 = tpu.vector_load %arg9[%get3A_1710, %get3A_1711, %get3A_1712] {strides = array<i32>} : memref<2x8x64xi32, #tpu.memory_space<vmem>>, vector<16xi32>,
      %broadcast_in_dim3A_1714 = arith.constant true
      %broadcast_in_dim3A_1715 = vector.broadcast %broadcast_in_dim3A_1714 : i1 to vector<16xi1>
      %unique3A_1716, %unique3A_1717 = tpu.scan_count mask(%broadcast_in_dim3A_1715 : vector<16xi1>) value(%get3A_1713 : vector<16xi32>) : vector<16xi1>, vector<16xi32>
      %convert_element_type3A_1718 = arith.sitofp %unique3A_1717 : vector<16xi32> to vector<16xf32>
      tpu.vector_store_idx %arg14[%get3A_1713], %convert_element_type3A_1718 masked %unique3A_1716 {add = true} : memref<10112xf32, #tpu.memory_space<vmem>>[vector<16xi32>], vector<16xf32>, vector<16xi1>
      %get3A_1719 = arith.constant 1 : i32
      %get3A_1720 = arith.constant 7 : i32
      %get3A_1721 = arith.index_cast %get3A_1719 : i32 to index
      %get3A_1722 = arith.index_cast %get3A_1720 : i32 to index
      %get3A_1723 = arith.constant 16 : index
      %get3A_1724 = tpu.vector_load %arg9[%get3A_1721, %get3A_1722, %get3A_1723] {strides = array<i32>} : memref<2x8x64xi32, #tpu.memory_space<vmem>>, vector<16xi32>,
      %broadcast_in_dim3A_1725 = arith.constant true
      %broadcast_in_dim3A_1726 = vector.broadcast %broadcast_in_dim3A_1725 : i1 to vector<16xi1>
      %unique3A_1727, %unique3A_1728 = tpu.scan_count mask(%broadcast_in_dim3A_1726 : vector<16xi1>) value(%get3A_1724 : vector<16xi32>) : vector<16xi1>, vector<16xi32>
      %convert_element_type3A_1729 = arith.sitofp %unique3A_1728 : vector<16xi32> to vector<16xf32>
      tpu.vector_store_idx %arg14[%get3A_1724], %convert_element_type3A_1729 masked %unique3A_1727 {add = true} : memref<10112xf32, #tpu.memory_space<vmem>>[vector<16xi32>], vector<16xf32>, vector<16xi1>
      %get3A_1730 = arith.constant 1 : i32
      %get3A_1731 = arith.constant 7 : i32
      %get3A_1732 = arith.index_cast %get3A_1730 : i32 to index
      %get3A_1733 = arith.index_cast %get3A_1731 : i32 to index
      %get3A_1734 = arith.constant 32 : index
      %get3A_1735 = tpu.vector_load %arg9[%get3A_1732, %get3A_1733, %get3A_1734] {strides = array<i32>} : memref<2x8x64xi32, #tpu.memory_space<vmem>>, vector<16xi32>,
      %broadcast_in_dim3A_1736 = arith.constant true
      %broadcast_in_dim3A_1737 = vector.broadcast %broadcast_in_dim3A_1736 : i1 to vector<16xi1>
      %unique3A_1738, %unique3A_1739 = tpu.scan_count mask(%broadcast_in_dim3A_1737 : vector<16xi1>) value(%get3A_1735 : vector<16xi32>) : vector<16xi1>, vector<16xi32>
      %convert_element_type3A_1740 = arith.sitofp %unique3A_1739 : vector<16xi32> to vector<16xf32>
      tpu.vector_store_idx %arg14[%get3A_1735], %convert_element_type3A_1740 masked %unique3A_1738 {add = true} : memref<10112xf32, #tpu.memory_space<vmem>>[vector<16xi32>], vector<16xf32>, vector<16xi1>
      %get3A_1741 = arith.constant 1 : i32
      %get3A_1742 = arith.constant 7 : i32
      %get3A_1743 = arith.index_cast %get3A_1741 : i32 to index
      %get3A_1744 = arith.index_cast %get3A_1742 : i32 to index
      %get3A_1745 = arith.constant 48 : index
      %get3A_1746 = tpu.vector_load %arg9[%get3A_1743, %get3A_1744, %get3A_1745] {strides = array<i32>} : memref<2x8x64xi32, #tpu.memory_space<vmem>>, vector<16xi32>,
      %broadcast_in_dim3A_1747 = arith.constant true
      %broadcast_in_dim3A_1748 = vector.broadcast %broadcast_in_dim3A_1747 : i1 to vector<16xi1>
      %unique3A_1749, %unique3A_1750 = tpu.scan_count mask(%broadcast_in_dim3A_1748 : vector<16xi1>) value(%get3A_1746 : vector<16xi32>) : vector<16xi1>, vector<16xi32>
      %convert_element_type3A_1751 = arith.sitofp %unique3A_1750 : vector<16xi32> to vector<16xf32>
      tpu.vector_store_idx %arg14[%get3A_1746], %convert_element_type3A_1751 masked %unique3A_1749 {add = true} : memref<10112xf32, #tpu.memory_space<vmem>>[vector<16xi32>], vector<16xf32>, vector<16xi1>
      %dma_wait3A_1752 = arith.constant 1 : i32
      %dma_wait3A_1753 = arith.constant 0 : i32
      %dma_wait3A_1754 = arith.constant 0 : i32
      %dma_wait3A_1755 = tpu.memref_slice %arg8[%dma_wait3A_1752, %dma_wait3A_1753, %dma_wait3A_1754] : memref<2x8x64xi32, #tpu.memory_space<vmem>> -> memref<1x1x64xi32, #tpu.memory_space<vmem>>
      %dma_wait3A_1756 = tpu.memref_squeeze %dma_wait3A_1755 : memref<1x1x64xi32, #tpu.memory_space<vmem>> -> memref<64xi32, #tpu.memory_space<vmem>>
      %dma_wait3A_1757 = arith.constant 0 : i32
      %dma_wait3A_1758 = arith.constant 0 : i32
      %dma_wait3A_1759 = tpu.memref_slice %arg4[%dma_wait3A_1757, %dma_wait3A_1758] : memref<10000x128xf32, #tpu.memory_space<hbm>> -> memref<10000x128xf32, #tpu.memory_space<hbm>>
      tpu.wait_indirect_dma semaphore(%arg16 : memref<!tpu.dma_semaphore, #tpu.memory_space<semaphore_mem>>) src(%dma_wait3A_1759 : memref<10000x128xf32, #tpu.memory_space<hbm>>) dst(%arg10 : memref<64x128xf32, #tpu.memory_space<vmem>>)
      %dma_start3A_1760 = arith.constant 1 : i32
      %dma_start3A_1761 = arith.constant 0 : i32
      %dma_start3A_1762 = arith.constant 0 : i32
      %dma_start3A_1763 = tpu.memref_slice %arg9[%dma_start3A_1760, %dma_start3A_1761, %dma_start3A_1762] : memref<2x8x64xi32, #tpu.memory_space<vmem>> -> memref<1x1x64xi32, #tpu.memory_space<vmem>>
      %dma_start3A_1764 = tpu.memref_squeeze %dma_start3A_1763 : memref<1x1x64xi32, #tpu.memory_space<vmem>> -> memref<64xi32, #tpu.memory_space<vmem>>
      %dma_start3A_1765 = arith.constant 0 : i32
      %dma_start3A_1766 = arith.constant 0 : i32
      %dma_start3A_1767 = tpu.memref_slice %arg15[%dma_start3A_1765, %dma_start3A_1766] : memref<10112x128xf32, #tpu.memory_space<vmem_shared>> -> memref<10112x128xf32, #tpu.memory_space<vmem_shared>>
      tpu.enqueue_indirect_dma source(%arg10 : memref<64x128xf32, #tpu.memory_space<vmem>>) target(%dma_start3A_1767 : memref<10112x128xf32, #tpu.memory_space<vmem_shared>>) offsets(%dma_start3A_1764 : memref<64xi32, #tpu.memory_space<vmem>>) semaphore(%arg20 : memref<!tpu.dma_semaphore, #tpu.memory_space<semaphore_mem>>) {add = true}
      %dma_wait3A_1768 = arith.constant 1 : i32
      %dma_wait3A_1769 = arith.constant 0 : i32
      %dma_wait3A_1770 = arith.constant 0 : i32
      %dma_wait3A_1771 = tpu.memref_slice %arg9[%dma_wait3A_1768, %dma_wait3A_1769, %dma_wait3A_1770] : memref<2x8x64xi32, #tpu.memory_space<vmem>> -> memref<1x1x64xi32, #tpu.memory_space<vmem>>
      %dma_wait3A_1772 = tpu.memref_squeeze %dma_wait3A_1771 : memref<1x1x64xi32, #tpu.memory_space<vmem>> -> memref<64xi32, #tpu.memory_space<vmem>>
      %dma_wait3A_1773 = arith.constant 0 : i32
      %dma_wait3A_1774 = arith.constant 0 : i32
      %dma_wait3A_1775 = tpu.memref_slice %arg15[%dma_wait3A_1773, %dma_wait3A_1774] : memref<10112x128xf32, #tpu.memory_space<vmem_shared>> -> memref<10112x128xf32, #tpu.memory_space<vmem_shared>>
      tpu.wait_indirect_dma semaphore(%arg20 : memref<!tpu.dma_semaphore, #tpu.memory_space<semaphore_mem>>) src(%arg10 : memref<64x128xf32, #tpu.memory_space<vmem>>) dst(%dma_wait3A_1775 : memref<10112x128xf32, #tpu.memory_space<vmem_shared>>)
      %dma_start3A_1776 = arith.constant 1 : i32
      %dma_start3A_1777 = arith.constant 4 : i32
      %dma_start3A_1778 = arith.constant 0 : i32
      %dma_start3A_1779 = tpu.memref_slice %arg8[%dma_start3A_1776, %dma_start3A_1777, %dma_start3A_1778] : memref<2x8x64xi32, #tpu.memory_space<vmem>> -> memref<1x1x64xi32, #tpu.memory_space<vmem>>
      %dma_start3A_1780 = tpu.memref_squeeze %dma_start3A_1779 : memref<1x1x64xi32, #tpu.memory_space<vmem>> -> memref<64xi32, #tpu.memory_space<vmem>>
      %dma_start3A_1781 = arith.constant 0 : i32
      %dma_start3A_1782 = arith.constant 0 : i32
      %dma_start3A_1783 = tpu.memref_slice %arg4[%dma_start3A_1781, %dma_start3A_1782] : memref<10000x128xf32, #tpu.memory_space<hbm>> -> memref<10000x128xf32, #tpu.memory_space<hbm>>
      tpu.enqueue_indirect_dma source(%dma_start3A_1783 : memref<10000x128xf32, #tpu.memory_space<hbm>>) target(%arg10 : memref<64x128xf32, #tpu.memory_space<vmem>>) offsets(%dma_start3A_1780 : memref<64xi32, #tpu.memory_space<vmem>>) semaphore(%arg16 : memref<!tpu.dma_semaphore, #tpu.memory_space<semaphore_mem>>)
      %dma_wait3A_1784 = arith.constant 1 : i32
      %dma_wait3A_1785 = arith.constant 1 : i32
      %dma_wait3A_1786 = arith.constant 0 : i32
      %dma_wait3A_1787 = tpu.memref_slice %arg8[%dma_wait3A_1784, %dma_wait3A_1785, %dma_wait3A_1786] : memref<2x8x64xi32, #tpu.memory_space<vmem>> -> memref<1x1x64xi32, #tpu.memory_space<vmem>>
      %dma_wait3A_1788 = tpu.memref_squeeze %dma_wait3A_1787 : memref<1x1x64xi32, #tpu.memory_space<vmem>> -> memref<64xi32, #tpu.memory_space<vmem>>
      %dma_wait3A_1789 = arith.constant 0 : i32
      %dma_wait3A_1790 = arith.constant 0 : i32
      %dma_wait3A_1791 = tpu.memref_slice %arg4[%dma_wait3A_1789, %dma_wait3A_1790] : memref<10000x128xf32, #tpu.memory_space<hbm>> -> memref<10000x128xf32, #tpu.memory_space<hbm>>
      tpu.wait_indirect_dma semaphore(%arg17 : memref<!tpu.dma_semaphore, #tpu.memory_space<semaphore_mem>>) src(%dma_wait3A_1791 : memref<10000x128xf32, #tpu.memory_space<hbm>>) dst(%arg11 : memref<64x128xf32, #tpu.memory_space<vmem>>)
      %dma_start3A_1792 = arith.constant 1 : i32
      %dma_start3A_1793 = arith.constant 1 : i32
      %dma_start3A_1794 = arith.constant 0 : i32
      %dma_start3A_1795 = tpu.memref_slice %arg9[%dma_start3A_1792, %dma_start3A_1793, %dma_start3A_1794] : memref<2x8x64xi32, #tpu.memory_space<vmem>> -> memref<1x1x64xi32, #tpu.memory_space<vmem>>
      %dma_start3A_1796 = tpu.memref_squeeze %dma_start3A_1795 : memref<1x1x64xi32, #tpu.memory_space<vmem>> -> memref<64xi32, #tpu.memory_space<vmem>>
      %dma_start3A_1797 = arith.constant 0 : i32
      %dma_start3A_1798 = arith.constant 0 : i32
      %dma_start3A_1799 = tpu.memref_slice %arg15[%dma_start3A_1797, %dma_start3A_1798] : memref<10112x128xf32, #tpu.memory_space<vmem_shared>> -> memref<10112x128xf32, #tpu.memory_space<vmem_shared>>
      tpu.enqueue_indirect_dma source(%arg11 : memref<64x128xf32, #tpu.memory_space<vmem>>) target(%dma_start3A_1799 : memref<10112x128xf32, #tpu.memory_space<vmem_shared>>) offsets(%dma_start3A_1796 : memref<64xi32, #tpu.memory_space<vmem>>) semaphore(%arg21 : memref<!tpu.dma_semaphore, #tpu.memory_space<semaphore_mem>>) {add = true}
      %dma_wait3A_1800 = arith.constant 1 : i32
      %dma_wait3A_1801 = arith.constant 1 : i32
      %dma_wait3A_1802 = arith.constant 0 : i32
      %dma_wait3A_1803 = tpu.memref_slice %arg9[%dma_wait3A_1800, %dma_wait3A_1801, %dma_wait3A_1802] : memref<2x8x64xi32, #tpu.memory_space<vmem>> -> memref<1x1x64xi32, #tpu.memory_space<vmem>>
      %dma_wait3A_1804 = tpu.memref_squeeze %dma_wait3A_1803 : memref<1x1x64xi32, #tpu.memory_space<vmem>> -> memref<64xi32, #tpu.memory_space<vmem>>
      %dma_wait3A_1805 = arith.constant 0 : i32
      %dma_wait3A_1806 = arith.constant 0 : i32
      %dma_wait3A_1807 = tpu.memref_slice %arg15[%dma_wait3A_1805, %dma_wait3A_1806] : memref<10112x128xf32, #tpu.memory_space<vmem_shared>> -> memref<10112x128xf32, #tpu.memory_space<vmem_shared>>
      tpu.wait_indirect_dma semaphore(%arg21 : memref<!tpu.dma_semaphore, #tpu.memory_space<semaphore_mem>>) src(%arg11 : memref<64x128xf32, #tpu.memory_space<vmem>>) dst(%dma_wait3A_1807 : memref<10112x128xf32, #tpu.memory_space<vmem_shared>>)
      %dma_start3A_1808 = arith.constant 1 : i32
      %dma_start3A_1809 = arith.constant 5 : i32
      %dma_start3A_1810 = arith.constant 0 : i32
      %dma_start3A_1811 = tpu.memref_slice %arg8[%dma_start3A_1808, %dma_start3A_1809, %dma_start3A_1810] : memref<2x8x64xi32, #tpu.memory_space<vmem>> -> memref<1x1x64xi32, #tpu.memory_space<vmem>>
      %dma_start3A_1812 = tpu.memref_squeeze %dma_start3A_1811 : memref<1x1x64xi32, #tpu.memory_space<vmem>> -> memref<64xi32, #tpu.memory_space<vmem>>
      %dma_start3A_1813 = arith.constant 0 : i32
      %dma_start3A_1814 = arith.constant 0 : i32
      %dma_start3A_1815 = tpu.memref_slice %arg4[%dma_start3A_1813, %dma_start3A_1814] : memref<10000x128xf32, #tpu.memory_space<hbm>> -> memref<10000x128xf32, #tpu.memory_space<hbm>>
      tpu.enqueue_indirect_dma source(%dma_start3A_1815 : memref<10000x128xf32, #tpu.memory_space<hbm>>) target(%arg11 : memref<64x128xf32, #tpu.memory_space<vmem>>) offsets(%dma_start3A_1812 : memref<64xi32, #tpu.memory_space<vmem>>) semaphore(%arg17 : memref<!tpu.dma_semaphore, #tpu.memory_space<semaphore_mem>>)
      %dma_wait3A_1816 = arith.constant 1 : i32
      %dma_wait3A_1817 = arith.constant 2 : i32
      %dma_wait3A_1818 = arith.constant 0 : i32
      %dma_wait3A_1819 = tpu.memref_slice %arg8[%dma_wait3A_1816, %dma_wait3A_1817, %dma_wait3A_1818] : memref<2x8x64xi32, #tpu.memory_space<vmem>> -> memref<1x1x64xi32, #tpu.memory_space<vmem>>
      %dma_wait3A_1820 = tpu.memref_squeeze %dma_wait3A_1819 : memref<1x1x64xi32, #tpu.memory_space<vmem>> -> memref<64xi32, #tpu.memory_space<vmem>>
      %dma_wait3A_1821 = arith.constant 0 : i32
      %dma_wait3A_1822 = arith.constant 0 : i32
      %dma_wait3A_1823 = tpu.memref_slice %arg4[%dma_wait3A_1821, %dma_wait3A_1822] : memref<10000x128xf32, #tpu.memory_space<hbm>> -> memref<10000x128xf32, #tpu.memory_space<hbm>>
      tpu.wait_indirect_dma semaphore(%arg18 : memref<!tpu.dma_semaphore, #tpu.memory_space<semaphore_mem>>) src(%dma_wait3A_1823 : memref<10000x128xf32, #tpu.memory_space<hbm>>) dst(%arg12 : memref<64x128xf32, #tpu.memory_space<vmem>>)
      %dma_start3A_1824 = arith.constant 1 : i32
      %dma_start3A_1825 = arith.constant 2 : i32
      %dma_start3A_1826 = arith.constant 0 : i32
      %dma_start3A_1827 = tpu.memref_slice %arg9[%dma_start3A_1824, %dma_start3A_1825, %dma_start3A_1826] : memref<2x8x64xi32, #tpu.memory_space<vmem>> -> memref<1x1x64xi32, #tpu.memory_space<vmem>>
      %dma_start3A_1828 = tpu.memref_squeeze %dma_start3A_1827 : memref<1x1x64xi32, #tpu.memory_space<vmem>> -> memref<64xi32, #tpu.memory_space<vmem>>
      %dma_start3A_1829 = arith.constant 0 : i32
      %dma_start3A_1830 = arith.constant 0 : i32
      %dma_start3A_1831 = tpu.memref_slice %arg15[%dma_start3A_1829, %dma_start3A_1830] : memref<10112x128xf32, #tpu.memory_space<vmem_shared>> -> memref<10112x128xf32, #tpu.memory_space<vmem_shared>>
      tpu.enqueue_indirect_dma source(%arg12 : memref<64x128xf32, #tpu.memory_space<vmem>>) target(%dma_start3A_1831 : memref<10112x128xf32, #tpu.memory_space<vmem_shared>>) offsets(%dma_start3A_1828 : memref<64xi32, #tpu.memory_space<vmem>>) semaphore(%arg22 : memref<!tpu.dma_semaphore, #tpu.memory_space<semaphore_mem>>) {add = true}
      %dma_wait3A_1832 = arith.constant 1 : i32
      %dma_wait3A_1833 = arith.constant 2 : i32
      %dma_wait3A_1834 = arith.constant 0 : i32
      %dma_wait3A_1835 = tpu.memref_slice %arg9[%dma_wait3A_1832, %dma_wait3A_1833, %dma_wait3A_1834] : memref<2x8x64xi32, #tpu.memory_space<vmem>> -> memref<1x1x64xi32, #tpu.memory_space<vmem>>
      %dma_wait3A_1836 = tpu.memref_squeeze %dma_wait3A_1835 : memref<1x1x64xi32, #tpu.memory_space<vmem>> -> memref<64xi32, #tpu.memory_space<vmem>>
      %dma_wait3A_1837 = arith.constant 0 : i32
      %dma_wait3A_1838 = arith.constant 0 : i32
      %dma_wait3A_1839 = tpu.memref_slice %arg15[%dma_wait3A_1837, %dma_wait3A_1838] : memref<10112x128xf32, #tpu.memory_space<vmem_shared>> -> memref<10112x128xf32, #tpu.memory_space<vmem_shared>>
      tpu.wait_indirect_dma semaphore(%arg22 : memref<!tpu.dma_semaphore, #tpu.memory_space<semaphore_mem>>) src(%arg12 : memref<64x128xf32, #tpu.memory_space<vmem>>) dst(%dma_wait3A_1839 : memref<10112x128xf32, #tpu.memory_space<vmem_shared>>)
      %dma_start3A_1840 = arith.constant 1 : i32
      %dma_start3A_1841 = arith.constant 6 : i32
      %dma_start3A_1842 = arith.constant 0 : i32
      %dma_start3A_1843 = tpu.memref_slice %arg8[%dma_start3A_1840, %dma_start3A_1841, %dma_start3A_1842] : memref<2x8x64xi32, #tpu.memory_space<vmem>> -> memref<1x1x64xi32, #tpu.memory_space<vmem>>
      %dma_start3A_1844 = tpu.memref_squeeze %dma_start3A_1843 : memref<1x1x64xi32, #tpu.memory_space<vmem>> -> memref<64xi32, #tpu.memory_space<vmem>>
      %dma_start3A_1845 = arith.constant 0 : i32
      %dma_start3A_1846 = arith.constant 0 : i32
      %dma_start3A_1847 = tpu.memref_slice %arg4[%dma_start3A_1845, %dma_start3A_1846] : memref<10000x128xf32, #tpu.memory_space<hbm>> -> memref<10000x128xf32, #tpu.memory_space<hbm>>
      tpu.enqueue_indirect_dma source(%dma_start3A_1847 : memref<10000x128xf32, #tpu.memory_space<hbm>>) target(%arg12 : memref<64x128xf32, #tpu.memory_space<vmem>>) offsets(%dma_start3A_1844 : memref<64xi32, #tpu.memory_space<vmem>>) semaphore(%arg18 : memref<!tpu.dma_semaphore, #tpu.memory_space<semaphore_mem>>)
      %dma_wait3A_1848 = arith.constant 1 : i32
      %dma_wait3A_1849 = arith.constant 3 : i32
      %dma_wait3A_1850 = arith.constant 0 : i32
      %dma_wait3A_1851 = tpu.memref_slice %arg8[%dma_wait3A_1848, %dma_wait3A_1849, %dma_wait3A_1850] : memref<2x8x64xi32, #tpu.memory_space<vmem>> -> memref<1x1x64xi32, #tpu.memory_space<vmem>>
      %dma_wait3A_1852 = tpu.memref_squeeze %dma_wait3A_1851 : memref<1x1x64xi32, #tpu.memory_space<vmem>> -> memref<64xi32, #tpu.memory_space<vmem>>
      %dma_wait3A_1853 = arith.constant 0 : i32
      %dma_wait3A_1854 = arith.constant 0 : i32
      %dma_wait3A_1855 = tpu.memref_slice %arg4[%dma_wait3A_1853, %dma_wait3A_1854] : memref<10000x128xf32, #tpu.memory_space<hbm>> -> memref<10000x128xf32, #tpu.memory_space<hbm>>
      tpu.wait_indirect_dma semaphore(%arg19 : memref<!tpu.dma_semaphore, #tpu.memory_space<semaphore_mem>>) src(%dma_wait3A_1855 : memref<10000x128xf32, #tpu.memory_space<hbm>>) dst(%arg13 : memref<64x128xf32, #tpu.memory_space<vmem>>)
      %dma_start3A_1856 = arith.constant 1 : i32
      %dma_start3A_1857 = arith.constant 3 : i32
      %dma_start3A_1858 = arith.constant 0 : i32
      %dma_start3A_1859 = tpu.memref_slice %arg9[%dma_start3A_1856, %dma_start3A_1857, %dma_start3A_1858] : memref<2x8x64xi32, #tpu.memory_space<vmem>> -> memref<1x1x64xi32, #tpu.memory_space<vmem>>
      %dma_start3A_1860 = tpu.memref_squeeze %dma_start3A_1859 : memref<1x1x64xi32, #tpu.memory_space<vmem>> -> memref<64xi32, #tpu.memory_space<vmem>>
      %dma_start3A_1861 = arith.constant 0 : i32
      %dma_start3A_1862 = arith.constant 0 : i32
      %dma_start3A_1863 = tpu.memref_slice %arg15[%dma_start3A_1861, %dma_start3A_1862] : memref<10112x128xf32, #tpu.memory_space<vmem_shared>> -> memref<10112x128xf32, #tpu.memory_space<vmem_shared>>
      tpu.enqueue_indirect_dma source(%arg13 : memref<64x128xf32, #tpu.memory_space<vmem>>) target(%dma_start3A_1863 : memref<10112x128xf32, #tpu.memory_space<vmem_shared>>) offsets(%dma_start3A_1860 : memref<64xi32, #tpu.memory_space<vmem>>) semaphore(%arg23 : memref<!tpu.dma_semaphore, #tpu.memory_space<semaphore_mem>>) {add = true}
      %dma_wait3A_1864 = arith.constant 1 : i32
      %dma_wait3A_1865 = arith.constant 3 : i32
      %dma_wait3A_1866 = arith.constant 0 : i32
      %dma_wait3A_1867 = tpu.memref_slice %arg9[%dma_wait3A_1864, %dma_wait3A_1865, %dma_wait3A_1866] : memref<2x8x64xi32, #tpu.memory_space<vmem>> -> memref<1x1x64xi32, #tpu.memory_space<vmem>>
      %dma_wait3A_1868 = tpu.memref_squeeze %dma_wait3A_1867 : memref<1x1x64xi32, #tpu.memory_space<vmem>> -> memref<64xi32, #tpu.memory_space<vmem>>
      %dma_wait3A_1869 = arith.constant 0 : i32
      %dma_wait3A_1870 = arith.constant 0 : i32
      %dma_wait3A_1871 = tpu.memref_slice %arg15[%dma_wait3A_1869, %dma_wait3A_1870] : memref<10112x128xf32, #tpu.memory_space<vmem_shared>> -> memref<10112x128xf32, #tpu.memory_space<vmem_shared>>
      tpu.wait_indirect_dma semaphore(%arg23 : memref<!tpu.dma_semaphore, #tpu.memory_space<semaphore_mem>>) src(%arg13 : memref<64x128xf32, #tpu.memory_space<vmem>>) dst(%dma_wait3A_1871 : memref<10112x128xf32, #tpu.memory_space<vmem_shared>>)
      %dma_start3A_1872 = arith.constant 1 : i32
      %dma_start3A_1873 = arith.constant 7 : i32
      %dma_start3A_1874 = arith.constant 0 : i32
      %dma_start3A_1875 = tpu.memref_slice %arg8[%dma_start3A_1872, %dma_start3A_1873, %dma_start3A_1874] : memref<2x8x64xi32, #tpu.memory_space<vmem>> -> memref<1x1x64xi32, #tpu.memory_space<vmem>>
      %dma_start3A_1876 = tpu.memref_squeeze %dma_start3A_1875 : memref<1x1x64xi32, #tpu.memory_space<vmem>> -> memref<64xi32, #tpu.memory_space<vmem>>
      %dma_start3A_1877 = arith.constant 0 : i32
      %dma_start3A_1878 = arith.constant 0 : i32
      %dma_start3A_1879 = tpu.memref_slice %arg4[%dma_start3A_1877, %dma_start3A_1878] : memref<10000x128xf32, #tpu.memory_space<hbm>> -> memref<10000x128xf32, #tpu.memory_space<hbm>>
      tpu.enqueue_indirect_dma source(%dma_start3A_1879 : memref<10000x128xf32, #tpu.memory_space<hbm>>) target(%arg13 : memref<64x128xf32, #tpu.memory_space<vmem>>) offsets(%dma_start3A_1876 : memref<64xi32, #tpu.memory_space<vmem>>) semaphore(%arg19 : memref<!tpu.dma_semaphore, #tpu.memory_space<semaphore_mem>>)
      %dma_wait3A_1880 = arith.constant 1 : i32
      %dma_wait3A_1881 = arith.constant 4 : i32
      %dma_wait3A_1882 = arith.constant 0 : i32
      %dma_wait3A_1883 = tpu.memref_slice %arg8[%dma_wait3A_1880, %dma_wait3A_1881, %dma_wait3A_1882] : memref<2x8x64xi32, #tpu.memory_space<vmem>> -> memref<1x1x64xi32, #tpu.memory_space<vmem>>
      %dma_wait3A_1884 = tpu.memref_squeeze %dma_wait3A_1883 : memref<1x1x64xi32, #tpu.memory_space<vmem>> -> memref<64xi32, #tpu.memory_space<vmem>>
      %dma_wait3A_1885 = arith.constant 0 : i32
      %dma_wait3A_1886 = arith.constant 0 : i32
      %dma_wait3A_1887 = tpu.memref_slice %arg4[%dma_wait3A_1885, %dma_wait3A_1886] : memref<10000x128xf32, #tpu.memory_space<hbm>> -> memref<10000x128xf32, #tpu.memory_space<hbm>>
      tpu.wait_indirect_dma semaphore(%arg16 : memref<!tpu.dma_semaphore, #tpu.memory_space<semaphore_mem>>) src(%dma_wait3A_1887 : memref<10000x128xf32, #tpu.memory_space<hbm>>) dst(%arg10 : memref<64x128xf32, #tpu.memory_space<vmem>>)
      %dma_start3A_1888 = arith.constant 1 : i32
      %dma_start3A_1889 = arith.constant 4 : i32
      %dma_start3A_1890 = arith.constant 0 : i32
      %dma_start3A_1891 = tpu.memref_slice %arg9[%dma_start3A_1888, %dma_start3A_1889, %dma_start3A_1890] : memref<2x8x64xi32, #tpu.memory_space<vmem>> -> memref<1x1x64xi32, #tpu.memory_space<vmem>>
      %dma_start3A_1892 = tpu.memref_squeeze %dma_start3A_1891 : memref<1x1x64xi32, #tpu.memory_space<vmem>> -> memref<64xi32, #tpu.memory_space<vmem>>
      %dma_start3A_1893 = arith.constant 0 : i32
      %dma_start3A_1894 = arith.constant 0 : i32
      %dma_start3A_1895 = tpu.memref_slice %arg15[%dma_start3A_1893, %dma_start3A_1894] : memref<10112x128xf32, #tpu.memory_space<vmem_shared>> -> memref<10112x128xf32, #tpu.memory_space<vmem_shared>>
      tpu.enqueue_indirect_dma source(%arg10 : memref<64x128xf32, #tpu.memory_space<vmem>>) target(%dma_start3A_1895 : memref<10112x128xf32, #tpu.memory_space<vmem_shared>>) offsets(%dma_start3A_1892 : memref<64xi32, #tpu.memory_space<vmem>>) semaphore(%arg20 : memref<!tpu.dma_semaphore, #tpu.memory_space<semaphore_mem>>) {add = true}
      %dma_wait3A_1896 = arith.constant 1 : i32
      %dma_wait3A_1897 = arith.constant 5 : i32
      %dma_wait3A_1898 = arith.constant 0 : i32
      %dma_wait3A_1899 = tpu.memref_slice %arg8[%dma_wait3A_1896, %dma_wait3A_1897, %dma_wait3A_1898] : memref<2x8x64xi32, #tpu.memory_space<vmem>> -> memref<1x1x64xi32, #tpu.memory_space<vmem>>
      %dma_wait3A_1900 = tpu.memref_squeeze %dma_wait3A_1899 : memref<1x1x64xi32, #tpu.memory_space<vmem>> -> memref<64xi32, #tpu.memory_space<vmem>>
      %dma_wait3A_1901 = arith.constant 0 : i32
      %dma_wait3A_1902 = arith.constant 0 : i32
      %dma_wait3A_1903 = tpu.memref_slice %arg4[%dma_wait3A_1901, %dma_wait3A_1902] : memref<10000x128xf32, #tpu.memory_space<hbm>> -> memref<10000x128xf32, #tpu.memory_space<hbm>>
      tpu.wait_indirect_dma semaphore(%arg17 : memref<!tpu.dma_semaphore, #tpu.memory_space<semaphore_mem>>) src(%dma_wait3A_1903 : memref<10000x128xf32, #tpu.memory_space<hbm>>) dst(%arg11 : memref<64x128xf32, #tpu.memory_space<vmem>>)
      %dma_start3A_1904 = arith.constant 1 : i32
      %dma_start3A_1905 = arith.constant 5 : i32
      %dma_start3A_1906 = arith.constant 0 : i32
      %dma_start3A_1907 = tpu.memref_slice %arg9[%dma_start3A_1904, %dma_start3A_1905, %dma_start3A_1906] : memref<2x8x64xi32, #tpu.memory_space<vmem>> -> memref<1x1x64xi32, #tpu.memory_space<vmem>>
      %dma_start3A_1908 = tpu.memref_squeeze %dma_start3A_1907 : memref<1x1x64xi32, #tpu.memory_space<vmem>> -> memref<64xi32, #tpu.memory_space<vmem>>
      %dma_start3A_1909 = arith.constant 0 : i32
      %dma_start3A_1910 = arith.constant 0 : i32
      %dma_start3A_1911 = tpu.memref_slice %arg15[%dma_start3A_1909, %dma_start3A_1910] : memref<10112x128xf32, #tpu.memory_space<vmem_shared>> -> memref<10112x128xf32, #tpu.memory_space<vmem_shared>>
      tpu.enqueue_indirect_dma source(%arg11 : memref<64x128xf32, #tpu.memory_space<vmem>>) target(%dma_start3A_1911 : memref<10112x128xf32, #tpu.memory_space<vmem_shared>>) offsets(%dma_start3A_1908 : memref<64xi32, #tpu.memory_space<vmem>>) semaphore(%arg21 : memref<!tpu.dma_semaphore, #tpu.memory_space<semaphore_mem>>) {add = true}
      %dma_wait3A_1912 = arith.constant 1 : i32
      %dma_wait3A_1913 = arith.constant 6 : i32
      %dma_wait3A_1914 = arith.constant 0 : i32
      %dma_wait3A_1915 = tpu.memref_slice %arg8[%dma_wait3A_1912, %dma_wait3A_1913, %dma_wait3A_1914] : memref<2x8x64xi32, #tpu.memory_space<vmem>> -> memref<1x1x64xi32, #tpu.memory_space<vmem>>
      %dma_wait3A_1916 = tpu.memref_squeeze %dma_wait3A_1915 : memref<1x1x64xi32, #tpu.memory_space<vmem>> -> memref<64xi32, #tpu.memory_space<vmem>>
      %dma_wait3A_1917 = arith.constant 0 : i32
      %dma_wait3A_1918 = arith.constant 0 : i32
      %dma_wait3A_1919 = tpu.memref_slice %arg4[%dma_wait3A_1917, %dma_wait3A_1918] : memref<10000x128xf32, #tpu.memory_space<hbm>> -> memref<10000x128xf32, #tpu.memory_space<hbm>>
      tpu.wait_indirect_dma semaphore(%arg18 : memref<!tpu.dma_semaphore, #tpu.memory_space<semaphore_mem>>) src(%dma_wait3A_1919 : memref<10000x128xf32, #tpu.memory_space<hbm>>) dst(%arg12 : memref<64x128xf32, #tpu.memory_space<vmem>>)
      %dma_start3A_1920 = arith.constant 1 : i32
      %dma_start3A_1921 = arith.constant 6 : i32
      %dma_start3A_1922 = arith.constant 0 : i32
      %dma_start3A_1923 = tpu.memref_slice %arg9[%dma_start3A_1920, %dma_start3A_1921, %dma_start3A_1922] : memref<2x8x64xi32, #tpu.memory_space<vmem>> -> memref<1x1x64xi32, #tpu.memory_space<vmem>>
      %dma_start3A_1924 = tpu.memref_squeeze %dma_start3A_1923 : memref<1x1x64xi32, #tpu.memory_space<vmem>> -> memref<64xi32, #tpu.memory_space<vmem>>
      %dma_start3A_1925 = arith.constant 0 : i32
      %dma_start3A_1926 = arith.constant 0 : i32
      %dma_start3A_1927 = tpu.memref_slice %arg15[%dma_start3A_1925, %dma_start3A_1926] : memref<10112x128xf32, #tpu.memory_space<vmem_shared>> -> memref<10112x128xf32, #tpu.memory_space<vmem_shared>>
      tpu.enqueue_indirect_dma source(%arg12 : memref<64x128xf32, #tpu.memory_space<vmem>>) target(%dma_start3A_1927 : memref<10112x128xf32, #tpu.memory_space<vmem_shared>>) offsets(%dma_start3A_1924 : memref<64xi32, #tpu.memory_space<vmem>>) semaphore(%arg22 : memref<!tpu.dma_semaphore, #tpu.memory_space<semaphore_mem>>) {add = true}
      %dma_wait3A_1928 = arith.constant 1 : i32
      %dma_wait3A_1929 = arith.constant 7 : i32
      %dma_wait3A_1930 = arith.constant 0 : i32
      %dma_wait3A_1931 = tpu.memref_slice %arg8[%dma_wait3A_1928, %dma_wait3A_1929, %dma_wait3A_1930] : memref<2x8x64xi32, #tpu.memory_space<vmem>> -> memref<1x1x64xi32, #tpu.memory_space<vmem>>
      %dma_wait3A_1932 = tpu.memref_squeeze %dma_wait3A_1931 : memref<1x1x64xi32, #tpu.memory_space<vmem>> -> memref<64xi32, #tpu.memory_space<vmem>>
      %dma_wait3A_1933 = arith.constant 0 : i32
      %dma_wait3A_1934 = arith.constant 0 : i32
      %dma_wait3A_1935 = tpu.memref_slice %arg4[%dma_wait3A_1933, %dma_wait3A_1934] : memref<10000x128xf32, #tpu.memory_space<hbm>> -> memref<10000x128xf32, #tpu.memory_space<hbm>>
      tpu.wait_indirect_dma semaphore(%arg19 : memref<!tpu.dma_semaphore, #tpu.memory_space<semaphore_mem>>) src(%dma_wait3A_1935 : memref<10000x128xf32, #tpu.memory_space<hbm>>) dst(%arg13 : memref<64x128xf32, #tpu.memory_space<vmem>>)
      %dma_start3A_1936 = arith.constant 1 : i32
      %dma_start3A_1937 = arith.constant 7 : i32
      %dma_start3A_1938 = arith.constant 0 : i32
      %dma_start3A_1939 = tpu.memref_slice %arg9[%dma_start3A_1936, %dma_start3A_1937, %dma_start3A_1938] : memref<2x8x64xi32, #tpu.memory_space<vmem>> -> memref<1x1x64xi32, #tpu.memory_space<vmem>>
      %dma_start3A_1940 = tpu.memref_squeeze %dma_start3A_1939 : memref<1x1x64xi32, #tpu.memory_space<vmem>> -> memref<64xi32, #tpu.memory_space<vmem>>
      %dma_start3A_1941 = arith.constant 0 : i32
      %dma_start3A_1942 = arith.constant 0 : i32
      %dma_start3A_1943 = tpu.memref_slice %arg15[%dma_start3A_1941, %dma_start3A_1942] : memref<10112x128xf32, #tpu.memory_space<vmem_shared>> -> memref<10112x128xf32, #tpu.memory_space<vmem_shared>>
      tpu.enqueue_indirect_dma source(%arg13 : memref<64x128xf32, #tpu.memory_space<vmem>>) target(%dma_start3A_1943 : memref<10112x128xf32, #tpu.memory_space<vmem_shared>>) offsets(%dma_start3A_1940 : memref<64xi32, #tpu.memory_space<vmem>>) semaphore(%arg23 : memref<!tpu.dma_semaphore, #tpu.memory_space<semaphore_mem>>) {add = true}
      %dma_wait3A_1944 = arith.constant 1 : i32
      %dma_wait3A_1945 = arith.constant 4 : i32
      %dma_wait3A_1946 = arith.constant 0 : i32
      %dma_wait3A_1947 = tpu.memref_slice %arg9[%dma_wait3A_1944, %dma_wait3A_1945, %dma_wait3A_1946] : memref<2x8x64xi32, #tpu.memory_space<vmem>> -> memref<1x1x64xi32, #tpu.memory_space<vmem>>
      %dma_wait3A_1948 = tpu.memref_squeeze %dma_wait3A_1947 : memref<1x1x64xi32, #tpu.memory_space<vmem>> -> memref<64xi32, #tpu.memory_space<vmem>>
      %dma_wait3A_1949 = arith.constant 0 : i32
      %dma_wait3A_1950 = arith.constant 0 : i32
      %dma_wait3A_1951 = tpu.memref_slice %arg15[%dma_wait3A_1949, %dma_wait3A_1950] : memref<10112x128xf32, #tpu.memory_space<vmem_shared>> -> memref<10112x128xf32, #tpu.memory_space<vmem_shared>>
      tpu.wait_indirect_dma semaphore(%arg20 : memref<!tpu.dma_semaphore, #tpu.memory_space<semaphore_mem>>) src(%arg10 : memref<64x128xf32, #tpu.memory_space<vmem>>) dst(%dma_wait3A_1951 : memref<10112x128xf32, #tpu.memory_space<vmem_shared>>)
      %dma_wait3A_1952 = arith.constant 1 : i32
      %dma_wait3A_1953 = arith.constant 5 : i32
      %dma_wait3A_1954 = arith.constant 0 : i32
      %dma_wait3A_1955 = tpu.memref_slice %arg9[%dma_wait3A_1952, %dma_wait3A_1953, %dma_wait3A_1954] : memref<2x8x64xi32, #tpu.memory_space<vmem>> -> memref<1x1x64xi32, #tpu.memory_space<vmem>>
      %dma_wait3A_1956 = tpu.memref_squeeze %dma_wait3A_1955 : memref<1x1x64xi32, #tpu.memory_space<vmem>> -> memref<64xi32, #tpu.memory_space<vmem>>
      %dma_wait3A_1957 = arith.constant 0 : i32
      %dma_wait3A_1958 = arith.constant 0 : i32
      %dma_wait3A_1959 = tpu.memref_slice %arg15[%dma_wait3A_1957, %dma_wait3A_1958] : memref<10112x128xf32, #tpu.memory_space<vmem_shared>> -> memref<10112x128xf32, #tpu.memory_space<vmem_shared>>
      tpu.wait_indirect_dma semaphore(%arg21 : memref<!tpu.dma_semaphore, #tpu.memory_space<semaphore_mem>>) src(%arg11 : memref<64x128xf32, #tpu.memory_space<vmem>>) dst(%dma_wait3A_1959 : memref<10112x128xf32, #tpu.memory_space<vmem_shared>>)
      %dma_wait3A_1960 = arith.constant 1 : i32
      %dma_wait3A_1961 = arith.constant 6 : i32
      %dma_wait3A_1962 = arith.constant 0 : i32
      %dma_wait3A_1963 = tpu.memref_slice %arg9[%dma_wait3A_1960, %dma_wait3A_1961, %dma_wait3A_1962] : memref<2x8x64xi32, #tpu.memory_space<vmem>> -> memref<1x1x64xi32, #tpu.memory_space<vmem>>
      %dma_wait3A_1964 = tpu.memref_squeeze %dma_wait3A_1963 : memref<1x1x64xi32, #tpu.memory_space<vmem>> -> memref<64xi32, #tpu.memory_space<vmem>>
      %dma_wait3A_1965 = arith.constant 0 : i32
      %dma_wait3A_1966 = arith.constant 0 : i32
      %dma_wait3A_1967 = tpu.memref_slice %arg15[%dma_wait3A_1965, %dma_wait3A_1966] : memref<10112x128xf32, #tpu.memory_space<vmem_shared>> -> memref<10112x128xf32, #tpu.memory_space<vmem_shared>>
      tpu.wait_indirect_dma semaphore(%arg22 : memref<!tpu.dma_semaphore, #tpu.memory_space<semaphore_mem>>) src(%arg12 : memref<64x128xf32, #tpu.memory_space<vmem>>) dst(%dma_wait3A_1967 : memref<10112x128xf32, #tpu.memory_space<vmem_shared>>)
      %dma_wait3A_1968 = arith.constant 1 : i32
      %dma_wait3A_1969 = arith.constant 7 : i32
      %dma_wait3A_1970 = arith.constant 0 : i32
      %dma_wait3A_1971 = tpu.memref_slice %arg9[%dma_wait3A_1968, %dma_wait3A_1969, %dma_wait3A_1970] : memref<2x8x64xi32, #tpu.memory_space<vmem>> -> memref<1x1x64xi32, #tpu.memory_space<vmem>>
      %dma_wait3A_1972 = tpu.memref_squeeze %dma_wait3A_1971 : memref<1x1x64xi32, #tpu.memory_space<vmem>> -> memref<64xi32, #tpu.memory_space<vmem>>
      %dma_wait3A_1973 = arith.constant 0 : i32
      %dma_wait3A_1974 = arith.constant 0 : i32
      %dma_wait3A_1975 = tpu.memref_slice %arg15[%dma_wait3A_1973, %dma_wait3A_1974] : memref<10112x128xf32, #tpu.memory_space<vmem_shared>> -> memref<10112x128xf32, #tpu.memory_space<vmem_shared>>
      tpu.wait_indirect_dma semaphore(%arg23 : memref<!tpu.dma_semaphore, #tpu.memory_space<semaphore_mem>>) src(%arg13 : memref<64x128xf32, #tpu.memory_space<vmem>>) dst(%dma_wait3A_1975 : memref<10112x128xf32, #tpu.memory_space<vmem_shared>>)
    }
    %scan3A_176 = arith.constant 10 : i32
    "tpu.region"() ({
      %run_scoped3A = tpu.sem_alloc : memref<!tpu.dma_semaphore, #tpu.memory_space<semaphore_mem>>
      %dma_start3A_678 = arith.constant 0 : i32
      %dma_start3A_679 = tpu.memref_slice %arg7[%arg0, %arg1, %dma_start3A_678] : memref<2x16x10112xf32, #tpu.memory_space<hbm>> -> memref<1x1x10112xf32, #tpu.memory_space<hbm>>
      %dma_start3A_680 = tpu.memref_squeeze %dma_start3A_679 : memref<1x1x10112xf32, #tpu.memory_space<hbm>> -> memref<10112xf32, #tpu.memory_space<hbm>>
      %dma_start3A_681 = arith.constant 0 : i32
      %dma_start3A_682 = tpu.memref_slice %arg7[%arg0, %arg1, %dma_start3A_681] : memref<2x16x10112xf32, #tpu.memory_space<hbm>> -> memref<1x1x10112xf32, #tpu.memory_space<hbm>>
      %dma_start3A_683 = tpu.memref_squeeze %dma_start3A_682 : memref<1x1x10112xf32, #tpu.memory_space<hbm>> -> memref<10112xf32, #tpu.memory_space<hbm>>
      tpu.enqueue_dma source(%arg14 : memref<10112xf32, #tpu.memory_space<vmem>>) target(%dma_start3A_683 : memref<10112xf32, #tpu.memory_space<hbm>>) target_semaphore(%run_scoped3A : memref<!tpu.dma_semaphore, #tpu.memory_space<semaphore_mem>>)
      %dma_wait3A_684 = arith.constant 0 : i32
      %dma_wait3A_685 = tpu.memref_slice %arg7[%arg0, %arg1, %dma_wait3A_684] : memref<2x16x10112xf32, #tpu.memory_space<hbm>> -> memref<1x1x10112xf32, #tpu.memory_space<hbm>>
      %dma_wait3A_686 = tpu.memref_squeeze %dma_wait3A_685 : memref<1x1x10112xf32, #tpu.memory_space<hbm>> -> memref<10112xf32, #tpu.memory_space<hbm>>
      %dma_wait3A_687 = arith.constant 0 : i32
      %dma_wait3A_688 = tpu.memref_slice %arg7[%arg0, %arg1, %dma_wait3A_687] : memref<2x16x10112xf32, #tpu.memory_space<hbm>> -> memref<1x1x10112xf32, #tpu.memory_space<hbm>>
      %dma_wait3A_689 = tpu.memref_squeeze %dma_wait3A_688 : memref<1x1x10112xf32, #tpu.memory_space<hbm>> -> memref<10112xf32, #tpu.memory_space<hbm>>
      tpu.wait_dma2 semaphore(%run_scoped3A : memref<!tpu.dma_semaphore, #tpu.memory_space<semaphore_mem>>) src(%arg14 : memref<10112xf32, #tpu.memory_space<vmem>>) dst(%dma_wait3A_689 : memref<10112xf32, #tpu.memory_space<hbm>>)
      tpu.yield
    }) : () -> ()
    %barrier3A_177 = arith.constant 0 : index
    tpu.barrier barrier_id(%barrier3A_177)
    %add3A_178 = arith.constant 0 : i32
    %add3A_179 = arith.addi %mul3A_2, %add3A_178 : i32
    %dma_start3A_180 = arith.constant 0 : i32
    %dma_start3A_181 = arith.constant 0 : i32
    %dma_start3A_182 = tpu.memref_slice %arg10[%dma_start3A_180, %dma_start3A_181] : memref<64x128xf32, #tpu.memory_space<vmem>> -> memref<64x128xf32, #tpu.memory_space<vmem>>
    %dma_start3A_183 = arith.constant 0 : i32
    %dma_start3A_184 = tpu.memref_slice %arg15[%add3A_179, %dma_start3A_183] : memref<10112x128xf32, #tpu.memory_space<vmem_shared>> -> memref<64x128xf32, #tpu.memory_space<vmem_shared>>
    %dma_start3A_185 = arith.constant 0 : i32
    %dma_start3A_186 = arith.constant 0 : i32
    %dma_start3A_187 = tpu.memref_slice %arg10[%dma_start3A_185, %dma_start3A_186] : memref<64x128xf32, #tpu.memory_space<vmem>> -> memref<64x128xf32, #tpu.memory_space<vmem>>
    %dma_start3A_188 = arith.constant 0 : i32
    %dma_start3A_189 = tpu.memref_slice %arg15[%add3A_179, %dma_start3A_188] : memref<10112x128xf32, #tpu.memory_space<vmem_shared>> -> memref<64x128xf32, #tpu.memory_space<vmem_shared>>
    tpu.enqueue_dma source(%dma_start3A_189 : memref<64x128xf32, #tpu.memory_space<vmem_shared>>) target(%dma_start3A_187 : memref<64x128xf32, #tpu.memory_space<vmem>>) target_semaphore(%arg16 : memref<!tpu.dma_semaphore, #tpu.memory_space<semaphore_mem>>)
    %dma_wait3A_190 = arith.constant 0 : i32
    %dma_wait3A_191 = arith.constant 0 : i32
    %dma_wait3A_192 = tpu.memref_slice %arg10[%dma_wait3A_190, %dma_wait3A_191] : memref<64x128xf32, #tpu.memory_space<vmem>> -> memref<64x128xf32, #tpu.memory_space<vmem>>
    %dma_wait3A_193 = arith.constant 0 : i32
    %dma_wait3A_194 = tpu.memref_slice %arg15[%add3A_179, %dma_wait3A_193] : memref<10112x128xf32, #tpu.memory_space<vmem_shared>> -> memref<64x128xf32, #tpu.memory_space<vmem_shared>>
    %dma_wait3A_195 = arith.constant 0 : i32
    %dma_wait3A_196 = arith.constant 0 : i32
    %dma_wait3A_197 = tpu.memref_slice %arg10[%dma_wait3A_195, %dma_wait3A_196] : memref<64x128xf32, #tpu.memory_space<vmem>> -> memref<64x128xf32, #tpu.memory_space<vmem>>
    %dma_wait3A_198 = arith.constant 0 : i32
    %dma_wait3A_199 = tpu.memref_slice %arg15[%add3A_179, %dma_wait3A_198] : memref<10112x128xf32, #tpu.memory_space<vmem_shared>> -> memref<64x128xf32, #tpu.memory_space<vmem_shared>>
    tpu.wait_dma2 semaphore(%arg16 : memref<!tpu.dma_semaphore, #tpu.memory_space<semaphore_mem>>) src(%dma_wait3A_199 : memref<64x128xf32, #tpu.memory_space<vmem_shared>>) dst(%dma_wait3A_197 : memref<64x128xf32, #tpu.memory_space<vmem>>)
    %add3A_200 = arith.constant 0 : i32
    %add3A_201 = arith.addi %mul3A_2, %add3A_200 : i32
    %dma_start3A_202 = arith.constant 0 : i32
    %dma_start3A_203 = arith.constant 0 : i32
    %dma_start3A_204 = tpu.memref_slice %arg10[%dma_start3A_202, %dma_start3A_203] : memref<64x128xf32, #tpu.memory_space<vmem>> -> memref<64x128xf32, #tpu.memory_space<vmem>>
    %dma_start3A_205 = arith.constant 0 : i32
    %dma_start3A_206 = tpu.memref_slice %arg6[%arg0, %add3A_201, %dma_start3A_205] : memref<2x10112x128xf32, #tpu.memory_space<hbm>> -> memref<1x64x128xf32, #tpu.memory_space<hbm>>
    %dma_start3A_207 = tpu.memref_squeeze %dma_start3A_206 : memref<1x64x128xf32, #tpu.memory_space<hbm>> -> memref<64x128xf32, #tpu.memory_space<hbm>>
    %dma_start3A_208 = arith.constant 0 : i32
    %dma_start3A_209 = tpu.memref_slice %arg6[%arg0, %add3A_201, %dma_start3A_208] : memref<2x10112x128xf32, #tpu.memory_space<hbm>> -> memref<1x64x128xf32, #tpu.memory_space<hbm>>
    %dma_start3A_210 = tpu.memref_squeeze %dma_start3A_209 : memref<1x64x128xf32, #tpu.memory_space<hbm>> -> memref<64x128xf32, #tpu.memory_space<hbm>>
    %dma_start3A_211 = arith.constant 0 : i32
    %dma_start3A_212 = arith.constant 0 : i32
    %dma_start3A_213 = tpu.memref_slice %arg10[%dma_start3A_211, %dma_start3A_212] : memref<64x128xf32, #tpu.memory_space<vmem>> -> memref<64x128xf32, #tpu.memory_space<vmem>>
    tpu.enqueue_dma source(%dma_start3A_213 : memref<64x128xf32, #tpu.memory_space<vmem>>) target(%dma_start3A_210 : memref<64x128xf32, #tpu.memory_space<hbm>>) target_semaphore(%arg20 : memref<!tpu.dma_semaphore, #tpu.memory_space<semaphore_mem>>)
    %add3A_214 = arith.constant 64 : i32
    %add3A_215 = arith.addi %mul3A_2, %add3A_214 : i32
    %dma_start3A_216 = arith.constant 0 : i32
    %dma_start3A_217 = arith.constant 0 : i32
    %dma_start3A_218 = tpu.memref_slice %arg11[%dma_start3A_216, %dma_start3A_217] : memref<64x128xf32, #tpu.memory_space<vmem>> -> memref<64x128xf32, #tpu.memory_space<vmem>>
    %dma_start3A_219 = arith.constant 0 : i32
    %dma_start3A_220 = tpu.memref_slice %arg15[%add3A_215, %dma_start3A_219] : memref<10112x128xf32, #tpu.memory_space<vmem_shared>> -> memref<64x128xf32, #tpu.memory_space<vmem_shared>>
    %dma_start3A_221 = arith.constant 0 : i32
    %dma_start3A_222 = arith.constant 0 : i32
    %dma_start3A_223 = tpu.memref_slice %arg11[%dma_start3A_221, %dma_start3A_222] : memref<64x128xf32, #tpu.memory_space<vmem>> -> memref<64x128xf32, #tpu.memory_space<vmem>>
    %dma_start3A_224 = arith.constant 0 : i32
    %dma_start3A_225 = tpu.memref_slice %arg15[%add3A_215, %dma_start3A_224] : memref<10112x128xf32, #tpu.memory_space<vmem_shared>> -> memref<64x128xf32, #tpu.memory_space<vmem_shared>>
    tpu.enqueue_dma source(%dma_start3A_225 : memref<64x128xf32, #tpu.memory_space<vmem_shared>>) target(%dma_start3A_223 : memref<64x128xf32, #tpu.memory_space<vmem>>) target_semaphore(%arg17 : memref<!tpu.dma_semaphore, #tpu.memory_space<semaphore_mem>>)
    %dma_wait3A_226 = arith.constant 0 : i32
    %dma_wait3A_227 = arith.constant 0 : i32
    %dma_wait3A_228 = tpu.memref_slice %arg11[%dma_wait3A_226, %dma_wait3A_227] : memref<64x128xf32, #tpu.memory_space<vmem>> -> memref<64x128xf32, #tpu.memory_space<vmem>>
    %dma_wait3A_229 = arith.constant 0 : i32
    %dma_wait3A_230 = tpu.memref_slice %arg15[%add3A_215, %dma_wait3A_229] : memref<10112x128xf32, #tpu.memory_space<vmem_shared>> -> memref<64x128xf32, #tpu.memory_space<vmem_shared>>
    %dma_wait3A_231 = arith.constant 0 : i32
    %dma_wait3A_232 = arith.constant 0 : i32
    %dma_wait3A_233 = tpu.memref_slice %arg11[%dma_wait3A_231, %dma_wait3A_232] : memref<64x128xf32, #tpu.memory_space<vmem>> -> memref<64x128xf32, #tpu.memory_space<vmem>>
    %dma_wait3A_234 = arith.constant 0 : i32
    %dma_wait3A_235 = tpu.memref_slice %arg15[%add3A_215, %dma_wait3A_234] : memref<10112x128xf32, #tpu.memory_space<vmem_shared>> -> memref<64x128xf32, #tpu.memory_space<vmem_shared>>
    tpu.wait_dma2 semaphore(%arg17 : memref<!tpu.dma_semaphore, #tpu.memory_space<semaphore_mem>>) src(%dma_wait3A_235 : memref<64x128xf32, #tpu.memory_space<vmem_shared>>) dst(%dma_wait3A_233 : memref<64x128xf32, #tpu.memory_space<vmem>>)
    %add3A_236 = arith.constant 64 : i32
    %add3A_237 = arith.addi %mul3A_2, %add3A_236 : i32
    %dma_start3A_238 = arith.constant 0 : i32
    %dma_start3A_239 = arith.constant 0 : i32
    %dma_start3A_240 = tpu.memref_slice %arg11[%dma_start3A_238, %dma_start3A_239] : memref<64x128xf32, #tpu.memory_space<vmem>> -> memref<64x128xf32, #tpu.memory_space<vmem>>
    %dma_start3A_241 = arith.constant 0 : i32
    %dma_start3A_242 = tpu.memref_slice %arg6[%arg0, %add3A_237, %dma_start3A_241] : memref<2x10112x128xf32, #tpu.memory_space<hbm>> -> memref<1x64x128xf32, #tpu.memory_space<hbm>>
    %dma_start3A_243 = tpu.memref_squeeze %dma_start3A_242 : memref<1x64x128xf32, #tpu.memory_space<hbm>> -> memref<64x128xf32, #tpu.memory_space<hbm>>
    %dma_start3A_244 = arith.constant 0 : i32
    %dma_start3A_245 = tpu.memref_slice %arg6[%arg0, %add3A_237, %dma_start3A_244] : memref<2x10112x128xf32, #tpu.memory_space<hbm>> -> memref<1x64x128xf32, #tpu.memory_space<hbm>>
    %dma_start3A_246 = tpu.memref_squeeze %dma_start3A_245 : memref<1x64x128xf32, #tpu.memory_space<hbm>> -> memref<64x128xf32, #tpu.memory_space<hbm>>
    %dma_start3A_247 = arith.constant 0 : i32
    %dma_start3A_248 = arith.constant 0 : i32
    %dma_start3A_249 = tpu.memref_slice %arg11[%dma_start3A_247, %dma_start3A_248] : memref<64x128xf32, #tpu.memory_space<vmem>> -> memref<64x128xf32, #tpu.memory_space<vmem>>
    tpu.enqueue_dma source(%dma_start3A_249 : memref<64x128xf32, #tpu.memory_space<vmem>>) target(%dma_start3A_246 : memref<64x128xf32, #tpu.memory_space<hbm>>) target_semaphore(%arg21 : memref<!tpu.dma_semaphore, #tpu.memory_space<semaphore_mem>>)
    %add3A_250 = arith.constant 0 : i32
    %add3A_251 = arith.addi %mul3A_2, %add3A_250 : i32
    %dma_wait3A_252 = arith.constant 0 : i32
    %dma_wait3A_253 = arith.constant 0 : i32
    %dma_wait3A_254 = tpu.memref_slice %arg10[%dma_wait3A_252, %dma_wait3A_253] : memref<64x128xf32, #tpu.memory_space<vmem>> -> memref<64x128xf32, #tpu.memory_space<vmem>>
    %dma_wait3A_255 = arith.constant 0 : i32
    %dma_wait3A_256 = tpu.memref_slice %arg6[%arg0, %add3A_251, %dma_wait3A_255] : memref<2x10112x128xf32, #tpu.memory_space<hbm>> -> memref<1x64x128xf32, #tpu.memory_space<hbm>>
    %dma_wait3A_257 = tpu.memref_squeeze %dma_wait3A_256 : memref<1x64x128xf32, #tpu.memory_space<hbm>> -> memref<64x128xf32, #tpu.memory_space<hbm>>
    %dma_wait3A_258 = arith.constant 0 : i32
    %dma_wait3A_259 = tpu.memref_slice %arg6[%arg0, %add3A_251, %dma_wait3A_258] : memref<2x10112x128xf32, #tpu.memory_space<hbm>> -> memref<1x64x128xf32, #tpu.memory_space<hbm>>
    %dma_wait3A_260 = tpu.memref_squeeze %dma_wait3A_259 : memref<1x64x128xf32, #tpu.memory_space<hbm>> -> memref<64x128xf32, #tpu.memory_space<hbm>>
    %dma_wait3A_261 = arith.constant 0 : i32
    %dma_wait3A_262 = arith.constant 0 : i32
    %dma_wait3A_263 = tpu.memref_slice %arg10[%dma_wait3A_261, %dma_wait3A_262] : memref<64x128xf32, #tpu.memory_space<vmem>> -> memref<64x128xf32, #tpu.memory_space<vmem>>
    tpu.wait_dma2 semaphore(%arg20 : memref<!tpu.dma_semaphore, #tpu.memory_space<semaphore_mem>>) src(%dma_wait3A_263 : memref<64x128xf32, #tpu.memory_space<vmem>>) dst(%dma_wait3A_260 : memref<64x128xf32, #tpu.memory_space<hbm>>)
    %add3A_264 = arith.constant 128 : i32
    %add3A_265 = arith.addi %mul3A_2, %add3A_264 : i32
    %dma_start3A_266 = arith.constant 0 : i32
    %dma_start3A_267 = arith.constant 0 : i32
    %dma_start3A_268 = tpu.memref_slice %arg10[%dma_start3A_266, %dma_start3A_267] : memref<64x128xf32, #tpu.memory_space<vmem>> -> memref<64x128xf32, #tpu.memory_space<vmem>>
    %dma_start3A_269 = arith.constant 0 : i32
    %dma_start3A_270 = tpu.memref_slice %arg15[%add3A_265, %dma_start3A_269] : memref<10112x128xf32, #tpu.memory_space<vmem_shared>> -> memref<64x128xf32, #tpu.memory_space<vmem_shared>>
    %dma_start3A_271 = arith.constant 0 : i32
    %dma_start3A_272 = arith.constant 0 : i32
    %dma_start3A_273 = tpu.memref_slice %arg10[%dma_start3A_271, %dma_start3A_272] : memref<64x128xf32, #tpu.memory_space<vmem>> -> memref<64x128xf32, #tpu.memory_space<vmem>>
    %dma_start3A_274 = arith.constant 0 : i32
    %dma_start3A_275 = tpu.memref_slice %arg15[%add3A_265, %dma_start3A_274] : memref<10112x128xf32, #tpu.memory_space<vmem_shared>> -> memref<64x128xf32, #tpu.memory_space<vmem_shared>>
    tpu.enqueue_dma source(%dma_start3A_275 : memref<64x128xf32, #tpu.memory_space<vmem_shared>>) target(%dma_start3A_273 : memref<64x128xf32, #tpu.memory_space<vmem>>) target_semaphore(%arg16 : memref<!tpu.dma_semaphore, #tpu.memory_space<semaphore_mem>>)
    %dma_wait3A_276 = arith.constant 0 : i32
    %dma_wait3A_277 = arith.constant 0 : i32
    %dma_wait3A_278 = tpu.memref_slice %arg10[%dma_wait3A_276, %dma_wait3A_277] : memref<64x128xf32, #tpu.memory_space<vmem>> -> memref<64x128xf32, #tpu.memory_space<vmem>>
    %dma_wait3A_279 = arith.constant 0 : i32
    %dma_wait3A_280 = tpu.memref_slice %arg15[%add3A_265, %dma_wait3A_279] : memref<10112x128xf32, #tpu.memory_space<vmem_shared>> -> memref<64x128xf32, #tpu.memory_space<vmem_shared>>
    %dma_wait3A_281 = arith.constant 0 : i32
    %dma_wait3A_282 = arith.constant 0 : i32
    %dma_wait3A_283 = tpu.memref_slice %arg10[%dma_wait3A_281, %dma_wait3A_282] : memref<64x128xf32, #tpu.memory_space<vmem>> -> memref<64x128xf32, #tpu.memory_space<vmem>>
    %dma_wait3A_284 = arith.constant 0 : i32
    %dma_wait3A_285 = tpu.memref_slice %arg15[%add3A_265, %dma_wait3A_284] : memref<10112x128xf32, #tpu.memory_space<vmem_shared>> -> memref<64x128xf32, #tpu.memory_space<vmem_shared>>
    tpu.wait_dma2 semaphore(%arg16 : memref<!tpu.dma_semaphore, #tpu.memory_space<semaphore_mem>>) src(%dma_wait3A_285 : memref<64x128xf32, #tpu.memory_space<vmem_shared>>) dst(%dma_wait3A_283 : memref<64x128xf32, #tpu.memory_space<vmem>>)
    %add3A_286 = arith.constant 128 : i32
    %add3A_287 = arith.addi %mul3A_2, %add3A_286 : i32
    %dma_start3A_288 = arith.constant 0 : i32
    %dma_start3A_289 = arith.constant 0 : i32
    %dma_start3A_290 = tpu.memref_slice %arg10[%dma_start3A_288, %dma_start3A_289] : memref<64x128xf32, #tpu.memory_space<vmem>> -> memref<64x128xf32, #tpu.memory_space<vmem>>
    %dma_start3A_291 = arith.constant 0 : i32
    %dma_start3A_292 = tpu.memref_slice %arg6[%arg0, %add3A_287, %dma_start3A_291] : memref<2x10112x128xf32, #tpu.memory_space<hbm>> -> memref<1x64x128xf32, #tpu.memory_space<hbm>>
    %dma_start3A_293 = tpu.memref_squeeze %dma_start3A_292 : memref<1x64x128xf32, #tpu.memory_space<hbm>> -> memref<64x128xf32, #tpu.memory_space<hbm>>
    %dma_start3A_294 = arith.constant 0 : i32
    %dma_start3A_295 = tpu.memref_slice %arg6[%arg0, %add3A_287, %dma_start3A_294] : memref<2x10112x128xf32, #tpu.memory_space<hbm>> -> memref<1x64x128xf32, #tpu.memory_space<hbm>>
    %dma_start3A_296 = tpu.memref_squeeze %dma_start3A_295 : memref<1x64x128xf32, #tpu.memory_space<hbm>> -> memref<64x128xf32, #tpu.memory_space<hbm>>
    %dma_start3A_297 = arith.constant 0 : i32
    %dma_start3A_298 = arith.constant 0 : i32
    %dma_start3A_299 = tpu.memref_slice %arg10[%dma_start3A_297, %dma_start3A_298] : memref<64x128xf32, #tpu.memory_space<vmem>> -> memref<64x128xf32, #tpu.memory_space<vmem>>
    tpu.enqueue_dma source(%dma_start3A_299 : memref<64x128xf32, #tpu.memory_space<vmem>>) target(%dma_start3A_296 : memref<64x128xf32, #tpu.memory_space<hbm>>) target_semaphore(%arg20 : memref<!tpu.dma_semaphore, #tpu.memory_space<semaphore_mem>>)
    %add3A_300 = arith.constant 64 : i32
    %add3A_301 = arith.addi %mul3A_2, %add3A_300 : i32
    %dma_wait3A_302 = arith.constant 0 : i32
    %dma_wait3A_303 = arith.constant 0 : i32
    %dma_wait3A_304 = tpu.memref_slice %arg11[%dma_wait3A_302, %dma_wait3A_303] : memref<64x128xf32, #tpu.memory_space<vmem>> -> memref<64x128xf32, #tpu.memory_space<vmem>>
    %dma_wait3A_305 = arith.constant 0 : i32
    %dma_wait3A_306 = tpu.memref_slice %arg6[%arg0, %add3A_301, %dma_wait3A_305] : memref<2x10112x128xf32, #tpu.memory_space<hbm>> -> memref<1x64x128xf32, #tpu.memory_space<hbm>>
    %dma_wait3A_307 = tpu.memref_squeeze %dma_wait3A_306 : memref<1x64x128xf32, #tpu.memory_space<hbm>> -> memref<64x128xf32, #tpu.memory_space<hbm>>
    %dma_wait3A_308 = arith.constant 0 : i32
    %dma_wait3A_309 = tpu.memref_slice %arg6[%arg0, %add3A_301, %dma_wait3A_308] : memref<2x10112x128xf32, #tpu.memory_space<hbm>> -> memref<1x64x128xf32, #tpu.memory_space<hbm>>
    %dma_wait3A_310 = tpu.memref_squeeze %dma_wait3A_309 : memref<1x64x128xf32, #tpu.memory_space<hbm>> -> memref<64x128xf32, #tpu.memory_space<hbm>>
    %dma_wait3A_311 = arith.constant 0 : i32
    %dma_wait3A_312 = arith.constant 0 : i32
    %dma_wait3A_313 = tpu.memref_slice %arg11[%dma_wait3A_311, %dma_wait3A_312] : memref<64x128xf32, #tpu.memory_space<vmem>> -> memref<64x128xf32, #tpu.memory_space<vmem>>
    tpu.wait_dma2 semaphore(%arg21 : memref<!tpu.dma_semaphore, #tpu.memory_space<semaphore_mem>>) src(%dma_wait3A_313 : memref<64x128xf32, #tpu.memory_space<vmem>>) dst(%dma_wait3A_310 : memref<64x128xf32, #tpu.memory_space<hbm>>)
    %add3A_314 = arith.constant 192 : i32
    %add3A_315 = arith.addi %mul3A_2, %add3A_314 : i32
    %dma_start3A_316 = arith.constant 0 : i32
    %dma_start3A_317 = arith.constant 0 : i32
    %dma_start3A_318 = tpu.memref_slice %arg11[%dma_start3A_316, %dma_start3A_317] : memref<64x128xf32, #tpu.memory_space<vmem>> -> memref<64x128xf32, #tpu.memory_space<vmem>>
    %dma_start3A_319 = arith.constant 0 : i32
    %dma_start3A_320 = tpu.memref_slice %arg15[%add3A_315, %dma_start3A_319] : memref<10112x128xf32, #tpu.memory_space<vmem_shared>> -> memref<64x128xf32, #tpu.memory_space<vmem_shared>>
    %dma_start3A_321 = arith.constant 0 : i32
    %dma_start3A_322 = arith.constant 0 : i32
    %dma_start3A_323 = tpu.memref_slice %arg11[%dma_start3A_321, %dma_start3A_322] : memref<64x128xf32, #tpu.memory_space<vmem>> -> memref<64x128xf32, #tpu.memory_space<vmem>>
    %dma_start3A_324 = arith.constant 0 : i32
    %dma_start3A_325 = tpu.memref_slice %arg15[%add3A_315, %dma_start3A_324] : memref<10112x128xf32, #tpu.memory_space<vmem_shared>> -> memref<64x128xf32, #tpu.memory_space<vmem_shared>>
    tpu.enqueue_dma source(%dma_start3A_325 : memref<64x128xf32, #tpu.memory_space<vmem_shared>>) target(%dma_start3A_323 : memref<64x128xf32, #tpu.memory_space<vmem>>) target_semaphore(%arg17 : memref<!tpu.dma_semaphore, #tpu.memory_space<semaphore_mem>>)
    %dma_wait3A_326 = arith.constant 0 : i32
    %dma_wait3A_327 = arith.constant 0 : i32
    %dma_wait3A_328 = tpu.memref_slice %arg11[%dma_wait3A_326, %dma_wait3A_327] : memref<64x128xf32, #tpu.memory_space<vmem>> -> memref<64x128xf32, #tpu.memory_space<vmem>>
    %dma_wait3A_329 = arith.constant 0 : i32
    %dma_wait3A_330 = tpu.memref_slice %arg15[%add3A_315, %dma_wait3A_329] : memref<10112x128xf32, #tpu.memory_space<vmem_shared>> -> memref<64x128xf32, #tpu.memory_space<vmem_shared>>
    %dma_wait3A_331 = arith.constant 0 : i32
    %dma_wait3A_332 = arith.constant 0 : i32
    %dma_wait3A_333 = tpu.memref_slice %arg11[%dma_wait3A_331, %dma_wait3A_332] : memref<64x128xf32, #tpu.memory_space<vmem>> -> memref<64x128xf32, #tpu.memory_space<vmem>>
    %dma_wait3A_334 = arith.constant 0 : i32
    %dma_wait3A_335 = tpu.memref_slice %arg15[%add3A_315, %dma_wait3A_334] : memref<10112x128xf32, #tpu.memory_space<vmem_shared>> -> memref<64x128xf32, #tpu.memory_space<vmem_shared>>
    tpu.wait_dma2 semaphore(%arg17 : memref<!tpu.dma_semaphore, #tpu.memory_space<semaphore_mem>>) src(%dma_wait3A_335 : memref<64x128xf32, #tpu.memory_space<vmem_shared>>) dst(%dma_wait3A_333 : memref<64x128xf32, #tpu.memory_space<vmem>>)
    %add3A_336 = arith.constant 192 : i32
    %add3A_337 = arith.addi %mul3A_2, %add3A_336 : i32
    %dma_start3A_338 = arith.constant 0 : i32
    %dma_start3A_339 = arith.constant 0 : i32
    %dma_start3A_340 = tpu.memref_slice %arg11[%dma_start3A_338, %dma_start3A_339] : memref<64x128xf32, #tpu.memory_space<vmem>> -> memref<64x128xf32, #tpu.memory_space<vmem>>
    %dma_start3A_341 = arith.constant 0 : i32
    %dma_start3A_342 = tpu.memref_slice %arg6[%arg0, %add3A_337, %dma_start3A_341] : memref<2x10112x128xf32, #tpu.memory_space<hbm>> -> memref<1x64x128xf32, #tpu.memory_space<hbm>>
    %dma_start3A_343 = tpu.memref_squeeze %dma_start3A_342 : memref<1x64x128xf32, #tpu.memory_space<hbm>> -> memref<64x128xf32, #tpu.memory_space<hbm>>
    %dma_start3A_344 = arith.constant 0 : i32
    %dma_start3A_345 = tpu.memref_slice %arg6[%arg0, %add3A_337, %dma_start3A_344] : memref<2x10112x128xf32, #tpu.memory_space<hbm>> -> memref<1x64x128xf32, #tpu.memory_space<hbm>>
    %dma_start3A_346 = tpu.memref_squeeze %dma_start3A_345 : memref<1x64x128xf32, #tpu.memory_space<hbm>> -> memref<64x128xf32, #tpu.memory_space<hbm>>
    %dma_start3A_347 = arith.constant 0 : i32
    %dma_start3A_348 = arith.constant 0 : i32
    %dma_start3A_349 = tpu.memref_slice %arg11[%dma_start3A_347, %dma_start3A_348] : memref<64x128xf32, #tpu.memory_space<vmem>> -> memref<64x128xf32, #tpu.memory_space<vmem>>
    tpu.enqueue_dma source(%dma_start3A_349 : memref<64x128xf32, #tpu.memory_space<vmem>>) target(%dma_start3A_346 : memref<64x128xf32, #tpu.memory_space<hbm>>) target_semaphore(%arg21 : memref<!tpu.dma_semaphore, #tpu.memory_space<semaphore_mem>>)
    %add3A_350 = arith.constant 128 : i32
    %add3A_351 = arith.addi %mul3A_2, %add3A_350 : i32
    %dma_wait3A_352 = arith.constant 0 : i32
    %dma_wait3A_353 = arith.constant 0 : i32
    %dma_wait3A_354 = tpu.memref_slice %arg10[%dma_wait3A_352, %dma_wait3A_353] : memref<64x128xf32, #tpu.memory_space<vmem>> -> memref<64x128xf32, #tpu.memory_space<vmem>>
    %dma_wait3A_355 = arith.constant 0 : i32
    %dma_wait3A_356 = tpu.memref_slice %arg6[%arg0, %add3A_351, %dma_wait3A_355] : memref<2x10112x128xf32, #tpu.memory_space<hbm>> -> memref<1x64x128xf32, #tpu.memory_space<hbm>>
    %dma_wait3A_357 = tpu.memref_squeeze %dma_wait3A_356 : memref<1x64x128xf32, #tpu.memory_space<hbm>> -> memref<64x128xf32, #tpu.memory_space<hbm>>
    %dma_wait3A_358 = arith.constant 0 : i32
    %dma_wait3A_359 = tpu.memref_slice %arg6[%arg0, %add3A_351, %dma_wait3A_358] : memref<2x10112x128xf32, #tpu.memory_space<hbm>> -> memref<1x64x128xf32, #tpu.memory_space<hbm>>
    %dma_wait3A_360 = tpu.memref_squeeze %dma_wait3A_359 : memref<1x64x128xf32, #tpu.memory_space<hbm>> -> memref<64x128xf32, #tpu.memory_space<hbm>>
    %dma_wait3A_361 = arith.constant 0 : i32
    %dma_wait3A_362 = arith.constant 0 : i32
    %dma_wait3A_363 = tpu.memref_slice %arg10[%dma_wait3A_361, %dma_wait3A_362] : memref<64x128xf32, #tpu.memory_space<vmem>> -> memref<64x128xf32, #tpu.memory_space<vmem>>
    tpu.wait_dma2 semaphore(%arg20 : memref<!tpu.dma_semaphore, #tpu.memory_space<semaphore_mem>>) src(%dma_wait3A_363 : memref<64x128xf32, #tpu.memory_space<vmem>>) dst(%dma_wait3A_360 : memref<64x128xf32, #tpu.memory_space<hbm>>)
    %add3A_364 = arith.constant 256 : i32
    %add3A_365 = arith.addi %mul3A_2, %add3A_364 : i32
    %dma_start3A_366 = arith.constant 0 : i32
    %dma_start3A_367 = arith.constant 0 : i32
    %dma_start3A_368 = tpu.memref_slice %arg10[%dma_start3A_366, %dma_start3A_367] : memref<64x128xf32, #tpu.memory_space<vmem>> -> memref<64x128xf32, #tpu.memory_space<vmem>>
    %dma_start3A_369 = arith.constant 0 : i32
    %dma_start3A_370 = tpu.memref_slice %arg15[%add3A_365, %dma_start3A_369] : memref<10112x128xf32, #tpu.memory_space<vmem_shared>> -> memref<64x128xf32, #tpu.memory_space<vmem_shared>>
    %dma_start3A_371 = arith.constant 0 : i32
    %dma_start3A_372 = arith.constant 0 : i32
    %dma_start3A_373 = tpu.memref_slice %arg10[%dma_start3A_371, %dma_start3A_372] : memref<64x128xf32, #tpu.memory_space<vmem>> -> memref<64x128xf32, #tpu.memory_space<vmem>>
    %dma_start3A_374 = arith.constant 0 : i32
    %dma_start3A_375 = tpu.memref_slice %arg15[%add3A_365, %dma_start3A_374] : memref<10112x128xf32, #tpu.memory_space<vmem_shared>> -> memref<64x128xf32, #tpu.memory_space<vmem_shared>>
    tpu.enqueue_dma source(%dma_start3A_375 : memref<64x128xf32, #tpu.memory_space<vmem_shared>>) target(%dma_start3A_373 : memref<64x128xf32, #tpu.memory_space<vmem>>) target_semaphore(%arg16 : memref<!tpu.dma_semaphore, #tpu.memory_space<semaphore_mem>>)
    %dma_wait3A_376 = arith.constant 0 : i32
    %dma_wait3A_377 = arith.constant 0 : i32
    %dma_wait3A_378 = tpu.memref_slice %arg10[%dma_wait3A_376, %dma_wait3A_377] : memref<64x128xf32, #tpu.memory_space<vmem>> -> memref<64x128xf32, #tpu.memory_space<vmem>>
    %dma_wait3A_379 = arith.constant 0 : i32
    %dma_wait3A_380 = tpu.memref_slice %arg15[%add3A_365, %dma_wait3A_379] : memref<10112x128xf32, #tpu.memory_space<vmem_shared>> -> memref<64x128xf32, #tpu.memory_space<vmem_shared>>
    %dma_wait3A_381 = arith.constant 0 : i32
    %dma_wait3A_382 = arith.constant 0 : i32
    %dma_wait3A_383 = tpu.memref_slice %arg10[%dma_wait3A_381, %dma_wait3A_382] : memref<64x128xf32, #tpu.memory_space<vmem>> -> memref<64x128xf32, #tpu.memory_space<vmem>>
    %dma_wait3A_384 = arith.constant 0 : i32
    %dma_wait3A_385 = tpu.memref_slice %arg15[%add3A_365, %dma_wait3A_384] : memref<10112x128xf32, #tpu.memory_space<vmem_shared>> -> memref<64x128xf32, #tpu.memory_space<vmem_shared>>
    tpu.wait_dma2 semaphore(%arg16 : memref<!tpu.dma_semaphore, #tpu.memory_space<semaphore_mem>>) src(%dma_wait3A_385 : memref<64x128xf32, #tpu.memory_space<vmem_shared>>) dst(%dma_wait3A_383 : memref<64x128xf32, #tpu.memory_space<vmem>>)
    %add3A_386 = arith.constant 256 : i32
    %add3A_387 = arith.addi %mul3A_2, %add3A_386 : i32
    %dma_start3A_388 = arith.constant 0 : i32
    %dma_start3A_389 = arith.constant 0 : i32
    %dma_start3A_390 = tpu.memref_slice %arg10[%dma_start3A_388, %dma_start3A_389] : memref<64x128xf32, #tpu.memory_space<vmem>> -> memref<64x128xf32, #tpu.memory_space<vmem>>
    %dma_start3A_391 = arith.constant 0 : i32
    %dma_start3A_392 = tpu.memref_slice %arg6[%arg0, %add3A_387, %dma_start3A_391] : memref<2x10112x128xf32, #tpu.memory_space<hbm>> -> memref<1x64x128xf32, #tpu.memory_space<hbm>>
    %dma_start3A_393 = tpu.memref_squeeze %dma_start3A_392 : memref<1x64x128xf32, #tpu.memory_space<hbm>> -> memref<64x128xf32, #tpu.memory_space<hbm>>
    %dma_start3A_394 = arith.constant 0 : i32
    %dma_start3A_395 = tpu.memref_slice %arg6[%arg0, %add3A_387, %dma_start3A_394] : memref<2x10112x128xf32, #tpu.memory_space<hbm>> -> memref<1x64x128xf32, #tpu.memory_space<hbm>>
    %dma_start3A_396 = tpu.memref_squeeze %dma_start3A_395 : memref<1x64x128xf32, #tpu.memory_space<hbm>> -> memref<64x128xf32, #tpu.memory_space<hbm>>
    %dma_start3A_397 = arith.constant 0 : i32
    %dma_start3A_398 = arith.constant 0 : i32
    %dma_start3A_399 = tpu.memref_slice %arg10[%dma_start3A_397, %dma_start3A_398] : memref<64x128xf32, #tpu.memory_space<vmem>> -> memref<64x128xf32, #tpu.memory_space<vmem>>
    tpu.enqueue_dma source(%dma_start3A_399 : memref<64x128xf32, #tpu.memory_space<vmem>>) target(%dma_start3A_396 : memref<64x128xf32, #tpu.memory_space<hbm>>) target_semaphore(%arg20 : memref<!tpu.dma_semaphore, #tpu.memory_space<semaphore_mem>>)
    %add3A_400 = arith.constant 192 : i32
    %add3A_401 = arith.addi %mul3A_2, %add3A_400 : i32
    %dma_wait3A_402 = arith.constant 0 : i32
    %dma_wait3A_403 = arith.constant 0 : i32
    %dma_wait3A_404 = tpu.memref_slice %arg11[%dma_wait3A_402, %dma_wait3A_403] : memref<64x128xf32, #tpu.memory_space<vmem>> -> memref<64x128xf32, #tpu.memory_space<vmem>>
    %dma_wait3A_405 = arith.constant 0 : i32
    %dma_wait3A_406 = tpu.memref_slice %arg6[%arg0, %add3A_401, %dma_wait3A_405] : memref<2x10112x128xf32, #tpu.memory_space<hbm>> -> memref<1x64x128xf32, #tpu.memory_space<hbm>>
    %dma_wait3A_407 = tpu.memref_squeeze %dma_wait3A_406 : memref<1x64x128xf32, #tpu.memory_space<hbm>> -> memref<64x128xf32, #tpu.memory_space<hbm>>
    %dma_wait3A_408 = arith.constant 0 : i32
    %dma_wait3A_409 = tpu.memref_slice %arg6[%arg0, %add3A_401, %dma_wait3A_408] : memref<2x10112x128xf32, #tpu.memory_space<hbm>> -> memref<1x64x128xf32, #tpu.memory_space<hbm>>
    %dma_wait3A_410 = tpu.memref_squeeze %dma_wait3A_409 : memref<1x64x128xf32, #tpu.memory_space<hbm>> -> memref<64x128xf32, #tpu.memory_space<hbm>>
    %dma_wait3A_411 = arith.constant 0 : i32
    %dma_wait3A_412 = arith.constant 0 : i32
    %dma_wait3A_413 = tpu.memref_slice %arg11[%dma_wait3A_411, %dma_wait3A_412] : memref<64x128xf32, #tpu.memory_space<vmem>> -> memref<64x128xf32, #tpu.memory_space<vmem>>
    tpu.wait_dma2 semaphore(%arg21 : memref<!tpu.dma_semaphore, #tpu.memory_space<semaphore_mem>>) src(%dma_wait3A_413 : memref<64x128xf32, #tpu.memory_space<vmem>>) dst(%dma_wait3A_410 : memref<64x128xf32, #tpu.memory_space<hbm>>)
    %add3A_414 = arith.constant 320 : i32
    %add3A_415 = arith.addi %mul3A_2, %add3A_414 : i32
    %dma_start3A_416 = arith.constant 0 : i32
    %dma_start3A_417 = arith.constant 0 : i32
    %dma_start3A_418 = tpu.memref_slice %arg11[%dma_start3A_416, %dma_start3A_417] : memref<64x128xf32, #tpu.memory_space<vmem>> -> memref<64x128xf32, #tpu.memory_space<vmem>>
    %dma_start3A_419 = arith.constant 0 : i32
    %dma_start3A_420 = tpu.memref_slice %arg15[%add3A_415, %dma_start3A_419] : memref<10112x128xf32, #tpu.memory_space<vmem_shared>> -> memref<64x128xf32, #tpu.memory_space<vmem_shared>>
    %dma_start3A_421 = arith.constant 0 : i32
    %dma_start3A_422 = arith.constant 0 : i32
    %dma_start3A_423 = tpu.memref_slice %arg11[%dma_start3A_421, %dma_start3A_422] : memref<64x128xf32, #tpu.memory_space<vmem>> -> memref<64x128xf32, #tpu.memory_space<vmem>>
    %dma_start3A_424 = arith.constant 0 : i32
    %dma_start3A_425 = tpu.memref_slice %arg15[%add3A_415, %dma_start3A_424] : memref<10112x128xf32, #tpu.memory_space<vmem_shared>> -> memref<64x128xf32, #tpu.memory_space<vmem_shared>>
    tpu.enqueue_dma source(%dma_start3A_425 : memref<64x128xf32, #tpu.memory_space<vmem_shared>>) target(%dma_start3A_423 : memref<64x128xf32, #tpu.memory_space<vmem>>) target_semaphore(%arg17 : memref<!tpu.dma_semaphore, #tpu.memory_space<semaphore_mem>>)
    %dma_wait3A_426 = arith.constant 0 : i32
    %dma_wait3A_427 = arith.constant 0 : i32
    %dma_wait3A_428 = tpu.memref_slice %arg11[%dma_wait3A_426, %dma_wait3A_427] : memref<64x128xf32, #tpu.memory_space<vmem>> -> memref<64x128xf32, #tpu.memory_space<vmem>>
    %dma_wait3A_429 = arith.constant 0 : i32
    %dma_wait3A_430 = tpu.memref_slice %arg15[%add3A_415, %dma_wait3A_429] : memref<10112x128xf32, #tpu.memory_space<vmem_shared>> -> memref<64x128xf32, #tpu.memory_space<vmem_shared>>
    %dma_wait3A_431 = arith.constant 0 : i32
    %dma_wait3A_432 = arith.constant 0 : i32
    %dma_wait3A_433 = tpu.memref_slice %arg11[%dma_wait3A_431, %dma_wait3A_432] : memref<64x128xf32, #tpu.memory_space<vmem>> -> memref<64x128xf32, #tpu.memory_space<vmem>>
    %dma_wait3A_434 = arith.constant 0 : i32
    %dma_wait3A_435 = tpu.memref_slice %arg15[%add3A_415, %dma_wait3A_434] : memref<10112x128xf32, #tpu.memory_space<vmem_shared>> -> memref<64x128xf32, #tpu.memory_space<vmem_shared>>
    tpu.wait_dma2 semaphore(%arg17 : memref<!tpu.dma_semaphore, #tpu.memory_space<semaphore_mem>>) src(%dma_wait3A_435 : memref<64x128xf32, #tpu.memory_space<vmem_shared>>) dst(%dma_wait3A_433 : memref<64x128xf32, #tpu.memory_space<vmem>>)
    %add3A_436 = arith.constant 320 : i32
    %add3A_437 = arith.addi %mul3A_2, %add3A_436 : i32
    %dma_start3A_438 = arith.constant 0 : i32
    %dma_start3A_439 = arith.constant 0 : i32
    %dma_start3A_440 = tpu.memref_slice %arg11[%dma_start3A_438, %dma_start3A_439] : memref<64x128xf32, #tpu.memory_space<vmem>> -> memref<64x128xf32, #tpu.memory_space<vmem>>
    %dma_start3A_441 = arith.constant 0 : i32
    %dma_start3A_442 = tpu.memref_slice %arg6[%arg0, %add3A_437, %dma_start3A_441] : memref<2x10112x128xf32, #tpu.memory_space<hbm>> -> memref<1x64x128xf32, #tpu.memory_space<hbm>>
    %dma_start3A_443 = tpu.memref_squeeze %dma_start3A_442 : memref<1x64x128xf32, #tpu.memory_space<hbm>> -> memref<64x128xf32, #tpu.memory_space<hbm>>
    %dma_start3A_444 = arith.constant 0 : i32
    %dma_start3A_445 = tpu.memref_slice %arg6[%arg0, %add3A_437, %dma_start3A_444] : memref<2x10112x128xf32, #tpu.memory_space<hbm>> -> memref<1x64x128xf32, #tpu.memory_space<hbm>>
    %dma_start3A_446 = tpu.memref_squeeze %dma_start3A_445 : memref<1x64x128xf32, #tpu.memory_space<hbm>> -> memref<64x128xf32, #tpu.memory_space<hbm>>
    %dma_start3A_447 = arith.constant 0 : i32
    %dma_start3A_448 = arith.constant 0 : i32
    %dma_start3A_449 = tpu.memref_slice %arg11[%dma_start3A_447, %dma_start3A_448] : memref<64x128xf32, #tpu.memory_space<vmem>> -> memref<64x128xf32, #tpu.memory_space<vmem>>
    tpu.enqueue_dma source(%dma_start3A_449 : memref<64x128xf32, #tpu.memory_space<vmem>>) target(%dma_start3A_446 : memref<64x128xf32, #tpu.memory_space<hbm>>) target_semaphore(%arg21 : memref<!tpu.dma_semaphore, #tpu.memory_space<semaphore_mem>>)
    %add3A_450 = arith.constant 256 : i32
    %add3A_451 = arith.addi %mul3A_2, %add3A_450 : i32
    %dma_wait3A_452 = arith.constant 0 : i32
    %dma_wait3A_453 = arith.constant 0 : i32
    %dma_wait3A_454 = tpu.memref_slice %arg10[%dma_wait3A_452, %dma_wait3A_453] : memref<64x128xf32, #tpu.memory_space<vmem>> -> memref<64x128xf32, #tpu.memory_space<vmem>>
    %dma_wait3A_455 = arith.constant 0 : i32
    %dma_wait3A_456 = tpu.memref_slice %arg6[%arg0, %add3A_451, %dma_wait3A_455] : memref<2x10112x128xf32, #tpu.memory_space<hbm>> -> memref<1x64x128xf32, #tpu.memory_space<hbm>>
    %dma_wait3A_457 = tpu.memref_squeeze %dma_wait3A_456 : memref<1x64x128xf32, #tpu.memory_space<hbm>> -> memref<64x128xf32, #tpu.memory_space<hbm>>
    %dma_wait3A_458 = arith.constant 0 : i32
    %dma_wait3A_459 = tpu.memref_slice %arg6[%arg0, %add3A_451, %dma_wait3A_458] : memref<2x10112x128xf32, #tpu.memory_space<hbm>> -> memref<1x64x128xf32, #tpu.memory_space<hbm>>
    %dma_wait3A_460 = tpu.memref_squeeze %dma_wait3A_459 : memref<1x64x128xf32, #tpu.memory_space<hbm>> -> memref<64x128xf32, #tpu.memory_space<hbm>>
    %dma_wait3A_461 = arith.constant 0 : i32
    %dma_wait3A_462 = arith.constant 0 : i32
    %dma_wait3A_463 = tpu.memref_slice %arg10[%dma_wait3A_461, %dma_wait3A_462] : memref<64x128xf32, #tpu.memory_space<vmem>> -> memref<64x128xf32, #tpu.memory_space<vmem>>
    tpu.wait_dma2 semaphore(%arg20 : memref<!tpu.dma_semaphore, #tpu.memory_space<semaphore_mem>>) src(%dma_wait3A_463 : memref<64x128xf32, #tpu.memory_space<vmem>>) dst(%dma_wait3A_460 : memref<64x128xf32, #tpu.memory_space<hbm>>)
    %add3A_464 = arith.constant 384 : i32
    %add3A_465 = arith.addi %mul3A_2, %add3A_464 : i32
    %dma_start3A_466 = arith.constant 0 : i32
    %dma_start3A_467 = arith.constant 0 : i32
    %dma_start3A_468 = tpu.memref_slice %arg10[%dma_start3A_466, %dma_start3A_467] : memref<64x128xf32, #tpu.memory_space<vmem>> -> memref<64x128xf32, #tpu.memory_space<vmem>>
    %dma_start3A_469 = arith.constant 0 : i32
    %dma_start3A_470 = tpu.memref_slice %arg15[%add3A_465, %dma_start3A_469] : memref<10112x128xf32, #tpu.memory_space<vmem_shared>> -> memref<64x128xf32, #tpu.memory_space<vmem_shared>>
    %dma_start3A_471 = arith.constant 0 : i32
    %dma_start3A_472 = arith.constant 0 : i32
    %dma_start3A_473 = tpu.memref_slice %arg10[%dma_start3A_471, %dma_start3A_472] : memref<64x128xf32, #tpu.memory_space<vmem>> -> memref<64x128xf32, #tpu.memory_space<vmem>>
    %dma_start3A_474 = arith.constant 0 : i32
    %dma_start3A_475 = tpu.memref_slice %arg15[%add3A_465, %dma_start3A_474] : memref<10112x128xf32, #tpu.memory_space<vmem_shared>> -> memref<64x128xf32, #tpu.memory_space<vmem_shared>>
    tpu.enqueue_dma source(%dma_start3A_475 : memref<64x128xf32, #tpu.memory_space<vmem_shared>>) target(%dma_start3A_473 : memref<64x128xf32, #tpu.memory_space<vmem>>) target_semaphore(%arg16 : memref<!tpu.dma_semaphore, #tpu.memory_space<semaphore_mem>>)
    %dma_wait3A_476 = arith.constant 0 : i32
    %dma_wait3A_477 = arith.constant 0 : i32
    %dma_wait3A_478 = tpu.memref_slice %arg10[%dma_wait3A_476, %dma_wait3A_477] : memref<64x128xf32, #tpu.memory_space<vmem>> -> memref<64x128xf32, #tpu.memory_space<vmem>>
    %dma_wait3A_479 = arith.constant 0 : i32
    %dma_wait3A_480 = tpu.memref_slice %arg15[%add3A_465, %dma_wait3A_479] : memref<10112x128xf32, #tpu.memory_space<vmem_shared>> -> memref<64x128xf32, #tpu.memory_space<vmem_shared>>
    %dma_wait3A_481 = arith.constant 0 : i32
    %dma_wait3A_482 = arith.constant 0 : i32
    %dma_wait3A_483 = tpu.memref_slice %arg10[%dma_wait3A_481, %dma_wait3A_482] : memref<64x128xf32, #tpu.memory_space<vmem>> -> memref<64x128xf32, #tpu.memory_space<vmem>>
    %dma_wait3A_484 = arith.constant 0 : i32
    %dma_wait3A_485 = tpu.memref_slice %arg15[%add3A_465, %dma_wait3A_484] : memref<10112x128xf32, #tpu.memory_space<vmem_shared>> -> memref<64x128xf32, #tpu.memory_space<vmem_shared>>
    tpu.wait_dma2 semaphore(%arg16 : memref<!tpu.dma_semaphore, #tpu.memory_space<semaphore_mem>>) src(%dma_wait3A_485 : memref<64x128xf32, #tpu.memory_space<vmem_shared>>) dst(%dma_wait3A_483 : memref<64x128xf32, #tpu.memory_space<vmem>>)
    %add3A_486 = arith.constant 384 : i32
    %add3A_487 = arith.addi %mul3A_2, %add3A_486 : i32
    %dma_start3A_488 = arith.constant 0 : i32
    %dma_start3A_489 = arith.constant 0 : i32
    %dma_start3A_490 = tpu.memref_slice %arg10[%dma_start3A_488, %dma_start3A_489] : memref<64x128xf32, #tpu.memory_space<vmem>> -> memref<64x128xf32, #tpu.memory_space<vmem>>
    %dma_start3A_491 = arith.constant 0 : i32
    %dma_start3A_492 = tpu.memref_slice %arg6[%arg0, %add3A_487, %dma_start3A_491] : memref<2x10112x128xf32, #tpu.memory_space<hbm>> -> memref<1x64x128xf32, #tpu.memory_space<hbm>>
    %dma_start3A_493 = tpu.memref_squeeze %dma_start3A_492 : memref<1x64x128xf32, #tpu.memory_space<hbm>> -> memref<64x128xf32, #tpu.memory_space<hbm>>
    %dma_start3A_494 = arith.constant 0 : i32
    %dma_start3A_495 = tpu.memref_slice %arg6[%arg0, %add3A_487, %dma_start3A_494] : memref<2x10112x128xf32, #tpu.memory_space<hbm>> -> memref<1x64x128xf32, #tpu.memory_space<hbm>>
    %dma_start3A_496 = tpu.memref_squeeze %dma_start3A_495 : memref<1x64x128xf32, #tpu.memory_space<hbm>> -> memref<64x128xf32, #tpu.memory_space<hbm>>
    %dma_start3A_497 = arith.constant 0 : i32
    %dma_start3A_498 = arith.constant 0 : i32
    %dma_start3A_499 = tpu.memref_slice %arg10[%dma_start3A_497, %dma_start3A_498] : memref<64x128xf32, #tpu.memory_space<vmem>> -> memref<64x128xf32, #tpu.memory_space<vmem>>
    tpu.enqueue_dma source(%dma_start3A_499 : memref<64x128xf32, #tpu.memory_space<vmem>>) target(%dma_start3A_496 : memref<64x128xf32, #tpu.memory_space<hbm>>) target_semaphore(%arg20 : memref<!tpu.dma_semaphore, #tpu.memory_space<semaphore_mem>>)
    %add3A_500 = arith.constant 320 : i32
    %add3A_501 = arith.addi %mul3A_2, %add3A_500 : i32
    %dma_wait3A_502 = arith.constant 0 : i32
    %dma_wait3A_503 = arith.constant 0 : i32
    %dma_wait3A_504 = tpu.memref_slice %arg11[%dma_wait3A_502, %dma_wait3A_503] : memref<64x128xf32, #tpu.memory_space<vmem>> -> memref<64x128xf32, #tpu.memory_space<vmem>>
    %dma_wait3A_505 = arith.constant 0 : i32
    %dma_wait3A_506 = tpu.memref_slice %arg6[%arg0, %add3A_501, %dma_wait3A_505] : memref<2x10112x128xf32, #tpu.memory_space<hbm>> -> memref<1x64x128xf32, #tpu.memory_space<hbm>>
    %dma_wait3A_507 = tpu.memref_squeeze %dma_wait3A_506 : memref<1x64x128xf32, #tpu.memory_space<hbm>> -> memref<64x128xf32, #tpu.memory_space<hbm>>
    %dma_wait3A_508 = arith.constant 0 : i32
    %dma_wait3A_509 = tpu.memref_slice %arg6[%arg0, %add3A_501, %dma_wait3A_508] : memref<2x10112x128xf32, #tpu.memory_space<hbm>> -> memref<1x64x128xf32, #tpu.memory_space<hbm>>
    %dma_wait3A_510 = tpu.memref_squeeze %dma_wait3A_509 : memref<1x64x128xf32, #tpu.memory_space<hbm>> -> memref<64x128xf32, #tpu.memory_space<hbm>>
    %dma_wait3A_511 = arith.constant 0 : i32
    %dma_wait3A_512 = arith.constant 0 : i32
    %dma_wait3A_513 = tpu.memref_slice %arg11[%dma_wait3A_511, %dma_wait3A_512] : memref<64x128xf32, #tpu.memory_space<vmem>> -> memref<64x128xf32, #tpu.memory_space<vmem>>
    tpu.wait_dma2 semaphore(%arg21 : memref<!tpu.dma_semaphore, #tpu.memory_space<semaphore_mem>>) src(%dma_wait3A_513 : memref<64x128xf32, #tpu.memory_space<vmem>>) dst(%dma_wait3A_510 : memref<64x128xf32, #tpu.memory_space<hbm>>)
    %add3A_514 = arith.constant 448 : i32
    %add3A_515 = arith.addi %mul3A_2, %add3A_514 : i32
    %dma_start3A_516 = arith.constant 0 : i32
    %dma_start3A_517 = arith.constant 0 : i32
    %dma_start3A_518 = tpu.memref_slice %arg11[%dma_start3A_516, %dma_start3A_517] : memref<64x128xf32, #tpu.memory_space<vmem>> -> memref<64x128xf32, #tpu.memory_space<vmem>>
    %dma_start3A_519 = arith.constant 0 : i32
    %dma_start3A_520 = tpu.memref_slice %arg15[%add3A_515, %dma_start3A_519] : memref<10112x128xf32, #tpu.memory_space<vmem_shared>> -> memref<64x128xf32, #tpu.memory_space<vmem_shared>>
    %dma_start3A_521 = arith.constant 0 : i32
    %dma_start3A_522 = arith.constant 0 : i32
    %dma_start3A_523 = tpu.memref_slice %arg11[%dma_start3A_521, %dma_start3A_522] : memref<64x128xf32, #tpu.memory_space<vmem>> -> memref<64x128xf32, #tpu.memory_space<vmem>>
    %dma_start3A_524 = arith.constant 0 : i32
    %dma_start3A_525 = tpu.memref_slice %arg15[%add3A_515, %dma_start3A_524] : memref<10112x128xf32, #tpu.memory_space<vmem_shared>> -> memref<64x128xf32, #tpu.memory_space<vmem_shared>>
    tpu.enqueue_dma source(%dma_start3A_525 : memref<64x128xf32, #tpu.memory_space<vmem_shared>>) target(%dma_start3A_523 : memref<64x128xf32, #tpu.memory_space<vmem>>) target_semaphore(%arg17 : memref<!tpu.dma_semaphore, #tpu.memory_space<semaphore_mem>>)
    %dma_wait3A_526 = arith.constant 0 : i32
    %dma_wait3A_527 = arith.constant 0 : i32
    %dma_wait3A_528 = tpu.memref_slice %arg11[%dma_wait3A_526, %dma_wait3A_527] : memref<64x128xf32, #tpu.memory_space<vmem>> -> memref<64x128xf32, #tpu.memory_space<vmem>>
    %dma_wait3A_529 = arith.constant 0 : i32
    %dma_wait3A_530 = tpu.memref_slice %arg15[%add3A_515, %dma_wait3A_529] : memref<10112x128xf32, #tpu.memory_space<vmem_shared>> -> memref<64x128xf32, #tpu.memory_space<vmem_shared>>
    %dma_wait3A_531 = arith.constant 0 : i32
    %dma_wait3A_532 = arith.constant 0 : i32
    %dma_wait3A_533 = tpu.memref_slice %arg11[%dma_wait3A_531, %dma_wait3A_532] : memref<64x128xf32, #tpu.memory_space<vmem>> -> memref<64x128xf32, #tpu.memory_space<vmem>>
    %dma_wait3A_534 = arith.constant 0 : i32
    %dma_wait3A_535 = tpu.memref_slice %arg15[%add3A_515, %dma_wait3A_534] : memref<10112x128xf32, #tpu.memory_space<vmem_shared>> -> memref<64x128xf32, #tpu.memory_space<vmem_shared>>
    tpu.wait_dma2 semaphore(%arg17 : memref<!tpu.dma_semaphore, #tpu.memory_space<semaphore_mem>>) src(%dma_wait3A_535 : memref<64x128xf32, #tpu.memory_space<vmem_shared>>) dst(%dma_wait3A_533 : memref<64x128xf32, #tpu.memory_space<vmem>>)
    %add3A_536 = arith.constant 448 : i32
    %add3A_537 = arith.addi %mul3A_2, %add3A_536 : i32
    %dma_start3A_538 = arith.constant 0 : i32
    %dma_start3A_539 = arith.constant 0 : i32
    %dma_start3A_540 = tpu.memref_slice %arg11[%dma_start3A_538, %dma_start3A_539] : memref<64x128xf32, #tpu.memory_space<vmem>> -> memref<64x128xf32, #tpu.memory_space<vmem>>
    %dma_start3A_541 = arith.constant 0 : i32
    %dma_start3A_542 = tpu.memref_slice %arg6[%arg0, %add3A_537, %dma_start3A_541] : memref<2x10112x128xf32, #tpu.memory_space<hbm>> -> memref<1x64x128xf32, #tpu.memory_space<hbm>>
    %dma_start3A_543 = tpu.memref_squeeze %dma_start3A_542 : memref<1x64x128xf32, #tpu.memory_space<hbm>> -> memref<64x128xf32, #tpu.memory_space<hbm>>
    %dma_start3A_544 = arith.constant 0 : i32
    %dma_start3A_545 = tpu.memref_slice %arg6[%arg0, %add3A_537, %dma_start3A_544] : memref<2x10112x128xf32, #tpu.memory_space<hbm>> -> memref<1x64x128xf32, #tpu.memory_space<hbm>>
    %dma_start3A_546 = tpu.memref_squeeze %dma_start3A_545 : memref<1x64x128xf32, #tpu.memory_space<hbm>> -> memref<64x128xf32, #tpu.memory_space<hbm>>
    %dma_start3A_547 = arith.constant 0 : i32
    %dma_start3A_548 = arith.constant 0 : i32
    %dma_start3A_549 = tpu.memref_slice %arg11[%dma_start3A_547, %dma_start3A_548] : memref<64x128xf32, #tpu.memory_space<vmem>> -> memref<64x128xf32, #tpu.memory_space<vmem>>
    tpu.enqueue_dma source(%dma_start3A_549 : memref<64x128xf32, #tpu.memory_space<vmem>>) target(%dma_start3A_546 : memref<64x128xf32, #tpu.memory_space<hbm>>) target_semaphore(%arg21 : memref<!tpu.dma_semaphore, #tpu.memory_space<semaphore_mem>>)
    %add3A_550 = arith.constant 384 : i32
    %add3A_551 = arith.addi %mul3A_2, %add3A_550 : i32
    %dma_wait3A_552 = arith.constant 0 : i32
    %dma_wait3A_553 = arith.constant 0 : i32
    %dma_wait3A_554 = tpu.memref_slice %arg10[%dma_wait3A_552, %dma_wait3A_553] : memref<64x128xf32, #tpu.memory_space<vmem>> -> memref<64x128xf32, #tpu.memory_space<vmem>>
    %dma_wait3A_555 = arith.constant 0 : i32
    %dma_wait3A_556 = tpu.memref_slice %arg6[%arg0, %add3A_551, %dma_wait3A_555] : memref<2x10112x128xf32, #tpu.memory_space<hbm>> -> memref<1x64x128xf32, #tpu.memory_space<hbm>>
    %dma_wait3A_557 = tpu.memref_squeeze %dma_wait3A_556 : memref<1x64x128xf32, #tpu.memory_space<hbm>> -> memref<64x128xf32, #tpu.memory_space<hbm>>
    %dma_wait3A_558 = arith.constant 0 : i32
    %dma_wait3A_559 = tpu.memref_slice %arg6[%arg0, %add3A_551, %dma_wait3A_558] : memref<2x10112x128xf32, #tpu.memory_space<hbm>> -> memref<1x64x128xf32, #tpu.memory_space<hbm>>
    %dma_wait3A_560 = tpu.memref_squeeze %dma_wait3A_559 : memref<1x64x128xf32, #tpu.memory_space<hbm>> -> memref<64x128xf32, #tpu.memory_space<hbm>>
    %dma_wait3A_561 = arith.constant 0 : i32
    %dma_wait3A_562 = arith.constant 0 : i32
    %dma_wait3A_563 = tpu.memref_slice %arg10[%dma_wait3A_561, %dma_wait3A_562] : memref<64x128xf32, #tpu.memory_space<vmem>> -> memref<64x128xf32, #tpu.memory_space<vmem>>
    tpu.wait_dma2 semaphore(%arg20 : memref<!tpu.dma_semaphore, #tpu.memory_space<semaphore_mem>>) src(%dma_wait3A_563 : memref<64x128xf32, #tpu.memory_space<vmem>>) dst(%dma_wait3A_560 : memref<64x128xf32, #tpu.memory_space<hbm>>)
    %add3A_564 = arith.constant 512 : i32
    %add3A_565 = arith.addi %mul3A_2, %add3A_564 : i32
    %dma_start3A_566 = arith.constant 0 : i32
    %dma_start3A_567 = arith.constant 0 : i32
    %dma_start3A_568 = tpu.memref_slice %arg10[%dma_start3A_566, %dma_start3A_567] : memref<64x128xf32, #tpu.memory_space<vmem>> -> memref<64x128xf32, #tpu.memory_space<vmem>>
    %dma_start3A_569 = arith.constant 0 : i32
    %dma_start3A_570 = tpu.memref_slice %arg15[%add3A_565, %dma_start3A_569] : memref<10112x128xf32, #tpu.memory_space<vmem_shared>> -> memref<64x128xf32, #tpu.memory_space<vmem_shared>>
    %dma_start3A_571 = arith.constant 0 : i32
    %dma_start3A_572 = arith.constant 0 : i32
    %dma_start3A_573 = tpu.memref_slice %arg10[%dma_start3A_571, %dma_start3A_572] : memref<64x128xf32, #tpu.memory_space<vmem>> -> memref<64x128xf32, #tpu.memory_space<vmem>>
    %dma_start3A_574 = arith.constant 0 : i32
    %dma_start3A_575 = tpu.memref_slice %arg15[%add3A_565, %dma_start3A_574] : memref<10112x128xf32, #tpu.memory_space<vmem_shared>> -> memref<64x128xf32, #tpu.memory_space<vmem_shared>>
    tpu.enqueue_dma source(%dma_start3A_575 : memref<64x128xf32, #tpu.memory_space<vmem_shared>>) target(%dma_start3A_573 : memref<64x128xf32, #tpu.memory_space<vmem>>) target_semaphore(%arg16 : memref<!tpu.dma_semaphore, #tpu.memory_space<semaphore_mem>>)
    %dma_wait3A_576 = arith.constant 0 : i32
    %dma_wait3A_577 = arith.constant 0 : i32
    %dma_wait3A_578 = tpu.memref_slice %arg10[%dma_wait3A_576, %dma_wait3A_577] : memref<64x128xf32, #tpu.memory_space<vmem>> -> memref<64x128xf32, #tpu.memory_space<vmem>>
    %dma_wait3A_579 = arith.constant 0 : i32
    %dma_wait3A_580 = tpu.memref_slice %arg15[%add3A_565, %dma_wait3A_579] : memref<10112x128xf32, #tpu.memory_space<vmem_shared>> -> memref<64x128xf32, #tpu.memory_space<vmem_shared>>
    %dma_wait3A_581 = arith.constant 0 : i32
    %dma_wait3A_582 = arith.constant 0 : i32
    %dma_wait3A_583 = tpu.memref_slice %arg10[%dma_wait3A_581, %dma_wait3A_582] : memref<64x128xf32, #tpu.memory_space<vmem>> -> memref<64x128xf32, #tpu.memory_space<vmem>>
    %dma_wait3A_584 = arith.constant 0 : i32
    %dma_wait3A_585 = tpu.memref_slice %arg15[%add3A_565, %dma_wait3A_584] : memref<10112x128xf32, #tpu.memory_space<vmem_shared>> -> memref<64x128xf32, #tpu.memory_space<vmem_shared>>
    tpu.wait_dma2 semaphore(%arg16 : memref<!tpu.dma_semaphore, #tpu.memory_space<semaphore_mem>>) src(%dma_wait3A_585 : memref<64x128xf32, #tpu.memory_space<vmem_shared>>) dst(%dma_wait3A_583 : memref<64x128xf32, #tpu.memory_space<vmem>>)
    %add3A_586 = arith.constant 512 : i32
    %add3A_587 = arith.addi %mul3A_2, %add3A_586 : i32
    %dma_start3A_588 = arith.constant 0 : i32
    %dma_start3A_589 = arith.constant 0 : i32
    %dma_start3A_590 = tpu.memref_slice %arg10[%dma_start3A_588, %dma_start3A_589] : memref<64x128xf32, #tpu.memory_space<vmem>> -> memref<64x128xf32, #tpu.memory_space<vmem>>
    %dma_start3A_591 = arith.constant 0 : i32
    %dma_start3A_592 = tpu.memref_slice %arg6[%arg0, %add3A_587, %dma_start3A_591] : memref<2x10112x128xf32, #tpu.memory_space<hbm>> -> memref<1x64x128xf32, #tpu.memory_space<hbm>>
    %dma_start3A_593 = tpu.memref_squeeze %dma_start3A_592 : memref<1x64x128xf32, #tpu.memory_space<hbm>> -> memref<64x128xf32, #tpu.memory_space<hbm>>
    %dma_start3A_594 = arith.constant 0 : i32
    %dma_start3A_595 = tpu.memref_slice %arg6[%arg0, %add3A_587, %dma_start3A_594] : memref<2x10112x128xf32, #tpu.memory_space<hbm>> -> memref<1x64x128xf32, #tpu.memory_space<hbm>>
    %dma_start3A_596 = tpu.memref_squeeze %dma_start3A_595 : memref<1x64x128xf32, #tpu.memory_space<hbm>> -> memref<64x128xf32, #tpu.memory_space<hbm>>
    %dma_start3A_597 = arith.constant 0 : i32
    %dma_start3A_598 = arith.constant 0 : i32
    %dma_start3A_599 = tpu.memref_slice %arg10[%dma_start3A_597, %dma_start3A_598] : memref<64x128xf32, #tpu.memory_space<vmem>> -> memref<64x128xf32, #tpu.memory_space<vmem>>
    tpu.enqueue_dma source(%dma_start3A_599 : memref<64x128xf32, #tpu.memory_space<vmem>>) target(%dma_start3A_596 : memref<64x128xf32, #tpu.memory_space<hbm>>) target_semaphore(%arg20 : memref<!tpu.dma_semaphore, #tpu.memory_space<semaphore_mem>>)
    %add3A_600 = arith.constant 448 : i32
    %add3A_601 = arith.addi %mul3A_2, %add3A_600 : i32
    %dma_wait3A_602 = arith.constant 0 : i32
    %dma_wait3A_603 = arith.constant 0 : i32
    %dma_wait3A_604 = tpu.memref_slice %arg11[%dma_wait3A_602, %dma_wait3A_603] : memref<64x128xf32, #tpu.memory_space<vmem>> -> memref<64x128xf32, #tpu.memory_space<vmem>>
    %dma_wait3A_605 = arith.constant 0 : i32
    %dma_wait3A_606 = tpu.memref_slice %arg6[%arg0, %add3A_601, %dma_wait3A_605] : memref<2x10112x128xf32, #tpu.memory_space<hbm>> -> memref<1x64x128xf32, #tpu.memory_space<hbm>>
    %dma_wait3A_607 = tpu.memref_squeeze %dma_wait3A_606 : memref<1x64x128xf32, #tpu.memory_space<hbm>> -> memref<64x128xf32, #tpu.memory_space<hbm>>
    %dma_wait3A_608 = arith.constant 0 : i32
    %dma_wait3A_609 = tpu.memref_slice %arg6[%arg0, %add3A_601, %dma_wait3A_608] : memref<2x10112x128xf32, #tpu.memory_space<hbm>> -> memref<1x64x128xf32, #tpu.memory_space<hbm>>
    %dma_wait3A_610 = tpu.memref_squeeze %dma_wait3A_609 : memref<1x64x128xf32, #tpu.memory_space<hbm>> -> memref<64x128xf32, #tpu.memory_space<hbm>>
    %dma_wait3A_611 = arith.constant 0 : i32
    %dma_wait3A_612 = arith.constant 0 : i32
    %dma_wait3A_613 = tpu.memref_slice %arg11[%dma_wait3A_611, %dma_wait3A_612] : memref<64x128xf32, #tpu.memory_space<vmem>> -> memref<64x128xf32, #tpu.memory_space<vmem>>
    tpu.wait_dma2 semaphore(%arg21 : memref<!tpu.dma_semaphore, #tpu.memory_space<semaphore_mem>>) src(%dma_wait3A_613 : memref<64x128xf32, #tpu.memory_space<vmem>>) dst(%dma_wait3A_610 : memref<64x128xf32, #tpu.memory_space<hbm>>)
    %add3A_614 = arith.constant 576 : i32
    %add3A_615 = arith.addi %mul3A_2, %add3A_614 : i32
    %dma_start3A_616 = arith.constant 0 : i32
    %dma_start3A_617 = arith.constant 0 : i32
    %dma_start3A_618 = tpu.memref_slice %arg11[%dma_start3A_616, %dma_start3A_617] : memref<64x128xf32, #tpu.memory_space<vmem>> -> memref<56x128xf32, #tpu.memory_space<vmem>>
    %dma_start3A_619 = arith.constant 0 : i32
    %dma_start3A_620 = tpu.memref_slice %arg15[%add3A_615, %dma_start3A_619] : memref<10112x128xf32, #tpu.memory_space<vmem_shared>> -> memref<56x128xf32, #tpu.memory_space<vmem_shared>>
    %dma_start3A_621 = arith.constant 0 : i32
    %dma_start3A_622 = arith.constant 0 : i32
    %dma_start3A_623 = tpu.memref_slice %arg11[%dma_start3A_621, %dma_start3A_622] : memref<64x128xf32, #tpu.memory_space<vmem>> -> memref<56x128xf32, #tpu.memory_space<vmem>>
    %dma_start3A_624 = arith.constant 0 : i32
    %dma_start3A_625 = tpu.memref_slice %arg15[%add3A_615, %dma_start3A_624] : memref<10112x128xf32, #tpu.memory_space<vmem_shared>> -> memref<56x128xf32, #tpu.memory_space<vmem_shared>>
    tpu.enqueue_dma source(%dma_start3A_625 : memref<56x128xf32, #tpu.memory_space<vmem_shared>>) target(%dma_start3A_623 : memref<56x128xf32, #tpu.memory_space<vmem>>) target_semaphore(%arg17 : memref<!tpu.dma_semaphore, #tpu.memory_space<semaphore_mem>>)
    %dma_wait3A_626 = arith.constant 0 : i32
    %dma_wait3A_627 = arith.constant 0 : i32
    %dma_wait3A_628 = tpu.memref_slice %arg11[%dma_wait3A_626, %dma_wait3A_627] : memref<64x128xf32, #tpu.memory_space<vmem>> -> memref<56x128xf32, #tpu.memory_space<vmem>>
    %dma_wait3A_629 = arith.constant 0 : i32
    %dma_wait3A_630 = tpu.memref_slice %arg15[%add3A_615, %dma_wait3A_629] : memref<10112x128xf32, #tpu.memory_space<vmem_shared>> -> memref<56x128xf32, #tpu.memory_space<vmem_shared>>
    %dma_wait3A_631 = arith.constant 0 : i32
    %dma_wait3A_632 = arith.constant 0 : i32
    %dma_wait3A_633 = tpu.memref_slice %arg11[%dma_wait3A_631, %dma_wait3A_632] : memref<64x128xf32, #tpu.memory_space<vmem>> -> memref<56x128xf32, #tpu.memory_space<vmem>>
    %dma_wait3A_634 = arith.constant 0 : i32
    %dma_wait3A_635 = tpu.memref_slice %arg15[%add3A_615, %dma_wait3A_634] : memref<10112x128xf32, #tpu.memory_space<vmem_shared>> -> memref<56x128xf32, #tpu.memory_space<vmem_shared>>
    tpu.wait_dma2 semaphore(%arg17 : memref<!tpu.dma_semaphore, #tpu.memory_space<semaphore_mem>>) src(%dma_wait3A_635 : memref<56x128xf32, #tpu.memory_space<vmem_shared>>) dst(%dma_wait3A_633 : memref<56x128xf32, #tpu.memory_space<vmem>>)
    %add3A_636 = arith.constant 576 : i32
    %add3A_637 = arith.addi %mul3A_2, %add3A_636 : i32
    %dma_start3A_638 = arith.constant 0 : i32
    %dma_start3A_639 = arith.constant 0 : i32
    %dma_start3A_640 = tpu.memref_slice %arg11[%dma_start3A_638, %dma_start3A_639] : memref<64x128xf32, #tpu.memory_space<vmem>> -> memref<56x128xf32, #tpu.memory_space<vmem>>
    %dma_start3A_641 = arith.constant 0 : i32
    %dma_start3A_642 = tpu.memref_slice %arg6[%arg0, %add3A_637, %dma_start3A_641] : memref<2x10112x128xf32, #tpu.memory_space<hbm>> -> memref<1x56x128xf32, #tpu.memory_space<hbm>>
    %dma_start3A_643 = tpu.memref_squeeze %dma_start3A_642 : memref<1x56x128xf32, #tpu.memory_space<hbm>> -> memref<56x128xf32, #tpu.memory_space<hbm>>
    %dma_start3A_644 = arith.constant 0 : i32
    %dma_start3A_645 = tpu.memref_slice %arg6[%arg0, %add3A_637, %dma_start3A_644] : memref<2x10112x128xf32, #tpu.memory_space<hbm>> -> memref<1x56x128xf32, #tpu.memory_space<hbm>>
    %dma_start3A_646 = tpu.memref_squeeze %dma_start3A_645 : memref<1x56x128xf32, #tpu.memory_space<hbm>> -> memref<56x128xf32, #tpu.memory_space<hbm>>
    %dma_start3A_647 = arith.constant 0 : i32
    %dma_start3A_648 = arith.constant 0 : i32
    %dma_start3A_649 = tpu.memref_slice %arg11[%dma_start3A_647, %dma_start3A_648] : memref<64x128xf32, #tpu.memory_space<vmem>> -> memref<56x128xf32, #tpu.memory_space<vmem>>
    tpu.enqueue_dma source(%dma_start3A_649 : memref<56x128xf32, #tpu.memory_space<vmem>>) target(%dma_start3A_646 : memref<56x128xf32, #tpu.memory_space<hbm>>) target_semaphore(%arg21 : memref<!tpu.dma_semaphore, #tpu.memory_space<semaphore_mem>>)
    %add3A_650 = arith.constant 512 : i32
    %add3A_651 = arith.addi %mul3A_2, %add3A_650 : i32
    %dma_wait3A_652 = arith.constant 0 : i32
    %dma_wait3A_653 = arith.constant 0 : i32
    %dma_wait3A_654 = tpu.memref_slice %arg10[%dma_wait3A_652, %dma_wait3A_653] : memref<64x128xf32, #tpu.memory_space<vmem>> -> memref<64x128xf32, #tpu.memory_space<vmem>>
    %dma_wait3A_655 = arith.constant 0 : i32
    %dma_wait3A_656 = tpu.memref_slice %arg6[%arg0, %add3A_651, %dma_wait3A_655] : memref<2x10112x128xf32, #tpu.memory_space<hbm>> -> memref<1x64x128xf32, #tpu.memory_space<hbm>>
    %dma_wait3A_657 = tpu.memref_squeeze %dma_wait3A_656 : memref<1x64x128xf32, #tpu.memory_space<hbm>> -> memref<64x128xf32, #tpu.memory_space<hbm>>
    %dma_wait3A_658 = arith.constant 0 : i32
    %dma_wait3A_659 = tpu.memref_slice %arg6[%arg0, %add3A_651, %dma_wait3A_658] : memref<2x10112x128xf32, #tpu.memory_space<hbm>> -> memref<1x64x128xf32, #tpu.memory_space<hbm>>
    %dma_wait3A_660 = tpu.memref_squeeze %dma_wait3A_659 : memref<1x64x128xf32, #tpu.memory_space<hbm>> -> memref<64x128xf32, #tpu.memory_space<hbm>>
    %dma_wait3A_661 = arith.constant 0 : i32
    %dma_wait3A_662 = arith.constant 0 : i32
    %dma_wait3A_663 = tpu.memref_slice %arg10[%dma_wait3A_661, %dma_wait3A_662] : memref<64x128xf32, #tpu.memory_space<vmem>> -> memref<64x128xf32, #tpu.memory_space<vmem>>
    tpu.wait_dma2 semaphore(%arg20 : memref<!tpu.dma_semaphore, #tpu.memory_space<semaphore_mem>>) src(%dma_wait3A_663 : memref<64x128xf32, #tpu.memory_space<vmem>>) dst(%dma_wait3A_660 : memref<64x128xf32, #tpu.memory_space<hbm>>)
    %add3A_664 = arith.constant 576 : i32
    %add3A_665 = arith.addi %mul3A_2, %add3A_664 : i32
    %dma_wait3A_666 = arith.constant 0 : i32
    %dma_wait3A_667 = arith.constant 0 : i32
    %dma_wait3A_668 = tpu.memref_slice %arg11[%dma_wait3A_666, %dma_wait3A_667] : memref<64x128xf32, #tpu.memory_space<vmem>> -> memref<56x128xf32, #tpu.memory_space<vmem>>
    %dma_wait3A_669 = arith.constant 0 : i32
    %dma_wait3A_670 = tpu.memref_slice %arg6[%arg0, %add3A_665, %dma_wait3A_669] : memref<2x10112x128xf32, #tpu.memory_space<hbm>> -> memref<1x56x128xf32, #tpu.memory_space<hbm>>
    %dma_wait3A_671 = tpu.memref_squeeze %dma_wait3A_670 : memref<1x56x128xf32, #tpu.memory_space<hbm>> -> memref<56x128xf32, #tpu.memory_space<hbm>>
    %dma_wait3A_672 = arith.constant 0 : i32
    %dma_wait3A_673 = tpu.memref_slice %arg6[%arg0, %add3A_665, %dma_wait3A_672] : memref<2x10112x128xf32, #tpu.memory_space<hbm>> -> memref<1x56x128xf32, #tpu.memory_space<hbm>>
    %dma_wait3A_674 = tpu.memref_squeeze %dma_wait3A_673 : memref<1x56x128xf32, #tpu.memory_space<hbm>> -> memref<56x128xf32, #tpu.memory_space<hbm>>
    %dma_wait3A_675 = arith.constant 0 : i32
    %dma_wait3A_676 = arith.constant 0 : i32
    %dma_wait3A_677 = tpu.memref_slice %arg11[%dma_wait3A_675, %dma_wait3A_676] : memref<64x128xf32, #tpu.memory_space<vmem>> -> memref<56x128xf32, #tpu.memory_space<vmem>>
    tpu.wait_dma2 semaphore(%arg21 : memref<!tpu.dma_semaphore, #tpu.memory_space<semaphore_mem>>) src(%dma_wait3A_677 : memref<56x128xf32, #tpu.memory_space<vmem>>) dst(%dma_wait3A_674 : memref<56x128xf32, #tpu.memory_space<hbm>>)
    return
  }
}

module attributes {stable_mosaic.version = 14 : i64} {
  func.func @_tc_body(%arg0: i32, %arg1: memref<2x1000x128xf32, #tpu.memory_space<vmem>>, %arg2: memref<1000x32xf32, #tpu.memory_space<vmem>>, %arg3: memref<1000x128xf32, #tpu.memory_space<vmem>>, %arg4: memref<128x128xf32, #tpu.memory_space<vmem>>, %arg5: memref<128x128xf32, #tpu.memory_space<vmem>>, %arg6: memref<1x128xf32, #tpu.memory_space<vmem>>, %arg7: memref<1x128xf32, #tpu.memory_space<vmem>>, %arg8: memref<1x128xf32, #tpu.memory_space<vmem>>, %arg9: memref<1000x128xf32, #tpu.memory_space<vmem>>) attributes {dimension_semantics = [#tpu.dimension_semantics<arbitrary>], iteration_bounds = array<i64: 10>, scalar_prefetch = 0 : i64, scratch_operands = 0 : i64, tpu.core_type = #tpu.core_type<tc>, window_params = [{transform_indices = @transform_0, window_bounds = array<i64: 2, 1000, 128>}, {transform_indices = @transform_1, window_bounds = array<i64: 1000, 32>}, {transform_indices = @transform_2, window_bounds = array<i64: 1000, 128>}, {pipeline_mode = #tpu.pipeline_mode<synchronous>, transform_indices = @transform_3, window_bounds = array<i64: 128, 128>}, {pipeline_mode = #tpu.pipeline_mode<synchronous>, transform_indices = @transform_4, window_bounds = array<i64: 128, 128>}, {pipeline_mode = #tpu.pipeline_mode<synchronous>, transform_indices = @transform_5, window_bounds = array<i64: 1, 128>}, {pipeline_mode = #tpu.pipeline_mode<synchronous>, transform_indices = @transform_6, window_bounds = array<i64: 1, 128>}, {pipeline_mode = #tpu.pipeline_mode<synchronous>, transform_indices = @transform_7, window_bounds = array<i64: 1, 128>}, {transform_indices = @transform_8, window_bounds = array<i64: 1000, 128>}]} {
    %get3A = arith.constant 0 : index
    %get3A_0 = arith.constant 0 : index
    %get3A_1 = arith.constant 0 : index
    %get3A_2 = vector.load %arg1[%get3A, %get3A_0, %get3A_1] : memref<2x1000x128xf32, #tpu.memory_space<vmem>>, vector<1x1000x128xf32>
    %get3A_3 = vector.shape_cast %get3A_2 : vector<1x1000x128xf32> to vector<1000x128xf32>
    %get3A_4 = arith.constant 1 : index
    %get3A_5 = arith.constant 0 : index
    %get3A_6 = arith.constant 0 : index
    %get3A_7 = vector.load %arg1[%get3A_4, %get3A_5, %get3A_6] : memref<2x1000x128xf32, #tpu.memory_space<vmem>>, vector<1x1000x128xf32>
    %get3A_8 = vector.shape_cast %get3A_7 : vector<1x1000x128xf32> to vector<1000x128xf32>
    %add3A = arith.addf %get3A_3, %get3A_8 : vector<1000x128xf32>
    %get3A_9 = arith.constant 0 : index
    %get3A_10 = arith.constant 0 : index
    %get3A_11 = vector.load %arg2[%get3A_9, %get3A_10] : memref<1000x32xf32, #tpu.memory_space<vmem>>, vector<1000x32xf32>
    %reduce_sum3A = arith.constant dense<0.000000e+00> : vector<1000xf32>
    %reduce_sum3A_12 = vector.multi_reduction <add>, %get3A_11, %reduce_sum3A [1] : vector<1000x32xf32> to vector<1000xf32>
    %broadcast_in_dim3A = vector.shape_cast %reduce_sum3A_12 : vector<1000xf32> to vector<1000x1xf32>
    %max3A = arith.constant 1.000000e+00 : f32
    %max3A_13 = vector.broadcast %max3A : f32 to vector<1000x1xf32>
    %max3A_14 = arith.maximumf %broadcast_in_dim3A, %max3A_13 : vector<1000x1xf32>
    %div3A = arith.constant 1.000000e+00 : f32
    %div3A_15 = vector.broadcast %div3A : f32 to vector<1000x1xf32>
    %div3A_16 = arith.divf %div3A_15, %max3A_14 : vector<1000x1xf32>
    %mul3A = vector.broadcast %div3A_16 : vector<1000x1xf32> to vector<1000x128xf32>
    %mul3A_17 = arith.mulf %add3A, %mul3A : vector<1000x128xf32>
    %get3A_18 = arith.constant 0 : index
    %get3A_19 = arith.constant 0 : index
    %get3A_20 = vector.load %arg3[%get3A_18, %get3A_19] : memref<1000x128xf32, #tpu.memory_space<vmem>>, vector<1000x128xf32>
    %get3A_21 = arith.constant 0 : index
    %get3A_22 = arith.constant 0 : index
    %get3A_23 = vector.load %arg4[%get3A_21, %get3A_22] : memref<128x128xf32, #tpu.memory_space<vmem>>, vector<128x128xf32>
    %dot_general3A = arith.constant dense<0.000000e+00> : vector<1000x128xf32>
    %dot_general3A_24 = tpu.matmul %mul3A_17, %get3A_23, %dot_general3A {dimension_numbers = #tpu.dot_dimension_numbers<[1], [0], [0], [1], [0, 0, 1, 1], [], []>, transpose_lhs_hint = false} : vector<1000x128xf32>, vector<128x128xf32>, vector<1000x128xf32> -> vector<1000x128xf32>
    %get3A_25 = arith.constant 0 : index
    %get3A_26 = arith.constant 0 : index
    %get3A_27 = vector.load %arg5[%get3A_25, %get3A_26] : memref<128x128xf32, #tpu.memory_space<vmem>>, vector<128x128xf32>
    %dot_general3A_28 = arith.constant dense<0.000000e+00> : vector<1000x128xf32>
    %dot_general3A_29 = tpu.matmul %get3A_20, %get3A_27, %dot_general3A_28 {dimension_numbers = #tpu.dot_dimension_numbers<[1], [0], [0], [1], [0, 0, 1, 1], [], []>, transpose_lhs_hint = false} : vector<1000x128xf32>, vector<128x128xf32>, vector<1000x128xf32> -> vector<1000x128xf32>
    %add3A_30 = arith.addf %dot_general3A_24, %dot_general3A_29 : vector<1000x128xf32>
    %get3A_31 = arith.constant 0 : index
    %get3A_32 = arith.constant 0 : index
    %get3A_33 = vector.load %arg6[%get3A_31, %get3A_32] : memref<1x128xf32, #tpu.memory_space<vmem>>, vector<1x128xf32>
    %add3A_34 = vector.broadcast %get3A_33 : vector<1x128xf32> to vector<1000x128xf32>
    %add3A_35 = arith.addf %add3A_30, %add3A_34 : vector<1000x128xf32>
    %mul3A_36 = arith.constant 5.000000e-01 : f32
    %mul3A_37 = vector.broadcast %mul3A_36 : f32 to vector<1000x128xf32>
    %mul3A_38 = arith.mulf %mul3A_37, %add3A_35 : vector<1000x128xf32>
    %mul3A_39 = arith.constant 0.707106769 : f32
    %mul3A_40 = vector.broadcast %mul3A_39 : f32 to vector<1000x128xf32>
    %mul3A_41 = arith.mulf %add3A_35, %mul3A_40 : vector<1000x128xf32>
    %erf3A = math.erf %mul3A_41 : vector<1000x128xf32>
    %add3A_42 = arith.constant 1.000000e+00 : f32
    %add3A_43 = vector.broadcast %add3A_42 : f32 to vector<1000x128xf32>
    %add3A_44 = arith.addf %add3A_43, %erf3A : vector<1000x128xf32>
    %mul3A_45 = arith.mulf %mul3A_38, %add3A_44 : vector<1000x128xf32>
    %reduce_sum3A_46 = arith.constant dense<0.000000e+00> : vector<1000xf32>
    %reduce_sum3A_47 = vector.multi_reduction <add>, %mul3A_45, %reduce_sum3A_46 [1] : vector<1000x128xf32> to vector<1000xf32>
    %broadcast_in_dim3A_48 = vector.shape_cast %reduce_sum3A_47 : vector<1000xf32> to vector<1000x1xf32>
    %div3A_49 = arith.constant 1.280000e+02 : f32
    %div3A_50 = vector.broadcast %div3A_49 : f32 to vector<1000x1xf32>
    %div3A_51 = arith.divf %broadcast_in_dim3A_48, %div3A_50 : vector<1000x1xf32>
    %sub3A = vector.broadcast %div3A_51 : vector<1000x1xf32> to vector<1000x128xf32>
    %sub3A_52 = arith.subf %mul3A_45, %sub3A : vector<1000x128xf32>
    %integer_pow3A = arith.mulf %sub3A_52, %sub3A_52 : vector<1000x128xf32>
    %reduce_sum3A_53 = arith.constant dense<0.000000e+00> : vector<1000xf32>
    %reduce_sum3A_54 = vector.multi_reduction <add>, %integer_pow3A, %reduce_sum3A_53 [1] : vector<1000x128xf32> to vector<1000xf32>
    %broadcast_in_dim3A_55 = vector.shape_cast %reduce_sum3A_54 : vector<1000xf32> to vector<1000x1xf32>
    %div3A_56 = arith.constant 1.280000e+02 : f32
    %div3A_57 = vector.broadcast %div3A_56 : f32 to vector<1000x1xf32>
    %div3A_58 = arith.divf %broadcast_in_dim3A_55, %div3A_57 : vector<1000x1xf32>
    %sub3A_59 = vector.broadcast %div3A_51 : vector<1000x1xf32> to vector<1000x128xf32>
    %sub3A_60 = arith.subf %mul3A_45, %sub3A_59 : vector<1000x128xf32>
    %add3A_61 = arith.constant 9.99999974E-6 : f32
    %add3A_62 = vector.broadcast %add3A_61 : f32 to vector<1000x1xf32>
    %add3A_63 = arith.addf %div3A_58, %add3A_62 : vector<1000x1xf32>
    %rsqrt3A = math.rsqrt %add3A_63 : vector<1000x1xf32>
    %mul3A_64 = vector.broadcast %rsqrt3A : vector<1000x1xf32> to vector<1000x128xf32>
    %mul3A_65 = arith.mulf %sub3A_60, %mul3A_64 : vector<1000x128xf32>
    %get3A_66 = arith.constant 0 : index
    %get3A_67 = arith.constant 0 : index
    %get3A_68 = vector.load %arg7[%get3A_66, %get3A_67] : memref<1x128xf32, #tpu.memory_space<vmem>>, vector<1x128xf32>
    %mul3A_69 = vector.broadcast %get3A_68 : vector<1x128xf32> to vector<1000x128xf32>
    %mul3A_70 = arith.mulf %mul3A_65, %mul3A_69 : vector<1000x128xf32>
    %get3A_71 = arith.constant 0 : index
    %get3A_72 = arith.constant 0 : index
    %get3A_73 = vector.load %arg8[%get3A_71, %get3A_72] : memref<1x128xf32, #tpu.memory_space<vmem>>, vector<1x128xf32>
    %add3A_74 = vector.broadcast %get3A_73 : vector<1x128xf32> to vector<1000x128xf32>
    %add3A_75 = arith.addf %mul3A_70, %add3A_74 : vector<1000x128xf32>
    %add3A_76 = arith.addf %add3A_75, %get3A_20 : vector<1000x128xf32>
    %swap3A = arith.constant 0 : index
    %swap3A_77 = arith.constant 0 : index
    %swap3A_78 = vector.load %arg9[%swap3A, %swap3A_77] : memref<1000x128xf32, #tpu.memory_space<vmem>>, vector<1000x128xf32>
    tpu.vector_store %arg9[%swap3A, %swap3A_77], %add3A_76 {strides = array<i32>} : memref<1000x128xf32, #tpu.memory_space<vmem>>, vector<1000x128xf32>,
    return
  }
  func.func @transform_0(%arg0: i32) -> (i32, i32, i32) {
    %c0_i32 = arith.constant 0 : i32
    %c0_i32_0 = arith.constant 0 : i32
    %c0_i32_1 = arith.constant 0 : i32
    return %c0_i32, %arg0, %c0_i32_0 : i32, i32, i32
  }
  func.func @transform_1(%arg0: i32) -> (i32, i32) {
    %c0_i32 = arith.constant 0 : i32
    %c0_i32_0 = arith.constant 0 : i32
    return %arg0, %c0_i32 : i32, i32
  }
  func.func @transform_2(%arg0: i32) -> (i32, i32) {
    %c0_i32 = arith.constant 0 : i32
    %c0_i32_0 = arith.constant 0 : i32
    return %arg0, %c0_i32 : i32, i32
  }
  func.func @transform_3(%arg0: i32) -> (i32, i32) {
    %c0_i32 = arith.constant 0 : i32
    %c0_i32_0 = arith.constant 0 : i32
    %c0_i32_1 = arith.constant 0 : i32
    return %c0_i32, %c0_i32_0 : i32, i32
  }
  func.func @transform_4(%arg0: i32) -> (i32, i32) {
    %c0_i32 = arith.constant 0 : i32
    %c0_i32_0 = arith.constant 0 : i32
    %c0_i32_1 = arith.constant 0 : i32
    return %c0_i32, %c0_i32_0 : i32, i32
  }
  func.func @transform_5(%arg0: i32) -> (i32, i32) {
    %c0_i32 = arith.constant 0 : i32
    %c0_i32_0 = arith.constant 0 : i32
    %c0_i32_1 = arith.constant 0 : i32
    return %c0_i32, %c0_i32_0 : i32, i32
  }
  func.func @transform_6(%arg0: i32) -> (i32, i32) {
    %c0_i32 = arith.constant 0 : i32
    %c0_i32_0 = arith.constant 0 : i32
    %c0_i32_1 = arith.constant 0 : i32
    return %c0_i32, %c0_i32_0 : i32, i32
  }
  func.func @transform_7(%arg0: i32) -> (i32, i32) {
    %c0_i32 = arith.constant 0 : i32
    %c0_i32_0 = arith.constant 0 : i32
    %c0_i32_1 = arith.constant 0 : i32
    return %c0_i32, %c0_i32_0 : i32, i32
  }
  func.func @transform_8(%arg0: i32) -> (i32, i32) {
    %c0_i32 = arith.constant 0 : i32
    %c0_i32_0 = arith.constant 0 : i32
    return %arg0, %c0_i32 : i32, i32
  }
}

</mosaic_0001>

<sc_bundles>
// kernel: kernel.4.cloned.1.call-start
scs
__scs_entry_jumppad:
0x0: {  	(pc) =	sbr.rel $0x88, $3  }
0x1: {  	(tag) =	ssettag $0x0;
	lr =	simm.s32 $0x1  }
0x2: {  	[smem:$0x3F9A] =	sst lr;
	_ =	strace $0xD0000000  }
0x3: {  	_ = 	snop  }
0x4: {  	_ = 	snop  }
0x5: {  	_ = 	snop  }
0x6: {  	_ = 	snop  }
0x7: {  	_ = 	snop  }
__scs_overlays_trampoline_lowered:
0x8: {  	[smem:$0x3FA9] =	sst s0  }
0x9: {  	[smem:$0x3FAA] =	sst s1  }
0xa: {  	[smem:$0x3FAB] =	sst s2  }
0xb: {  	[smem:$0x3FAC] =	sst s3  }
0xc: {  	[smem:$0x3FAD] =	sst s4  }
0xd: {  	[smem:$0x3FAE] =	sst s5  }
0xe: {  	[smem:$0x3FAF] =	sst s6  }
0xf: {  	[smem:$0x3FB0] =	sst s7  }
0x10: {  	[smem:$0x3FB1] =	sst s8  }
0x11: {  	[smem:$0x3FB2] =	sst s9;
	s0 =	simm.s32 @!p0 $0x0  }
0x12: {  	s1 =	sld [smem:$0x3F98];
	s0 =	simm.s32 @p0 $0x1  }
0x13: {  	[smem:$0x3FB3] =	sst s0;
	s0 =	simm.s32 @!p1 $0x0  }
0x14: {  	s2 =	sld [smem:$0x3F97];
	s0 =	simm.s32 @p1 $0x1  }
0x15: {  	[smem:$0x3FB4] =	sst s0;
	s0 =	simm.s32 @!p2 $0x0  }
0x16: {  	s3 =	sld [smem:$0x3FDB];
	s0 =	simm.s32 @p2 $0x1  }
0x17: {  	s4 =	simm.s32 $0x1BF5;
	[smem:$0x3FB6] =	sst s0  }
0x18: {  	s0 =	sld [smem:$0x3F99];
	_ =	swait.ge [sflag:s4], $0x0  }
0x19: {  	s7 =	sld [smem:$0x3F9A]  }
0x1a: {  	s8 =	sadd.s32 $0xFFFFE003, lr  }
0x1b: {  	s9 =	sadd.s32 $0xFFFFFEF7, lr;
	s5 =	simm.s32 $0xFFFFFFFF;
	p2 =	slt.u32 s8, $0xFFFFF086  }
0x1c: {  	p1 =	slt.u32 s9, $0xF7A;
	s5 =	simm.s32 @!p2 $0x0  }
0x1d: {  	s5 =	simm.s32 @p1 $0x1;
	p0 =	seq.s32 s7, s2  }
0x1e: {  	s7 =	smul.u32 @!p0 $0xF7A, s2;
	p2 =	seq.s32 @!p0 s5, $0x0  }
0x1f: {  	s9 =	smul.u32 $0xF7A, s1;
	s8 =	simm.s32 @!p0 $0x1BF5;
	p2 =	por !p2, p0  }
0x20: {  	[sflag:s8] =	ssyncset.s32 @!p0 $0xFFFFF086;
	s6 =	sadd.s32 @!p0 s3, s7;
	s7 =	simm.s32 @!p0 $0x108  }
0x21: {  	s3 =	sadd.s32 s3, s9;
	s6 =	sadd.s32 @!p0 $0x88, s6;
	s7 =	simm.s32 @p2 $0x1082  }
0x22: {  	[simem:s7], [sflag:s8] =	dma.local @!p0 [hbm:s6], $0xF7A  }
0x23: {  	s9 =	sor.u32 $0xD0000000, s2;
	s6 =	simm.s32 $0x108;
	_ =	swait.ge @!p0 [sflag:s8], $0x0  }
0x24: {  	s3 =	sadd.s32 $0x88, s3;
	s6 =	simm.s32 @!p1 $0x1082;
	[sflag:s4] =	ssyncset.s32 $0xFFFFF086  }
0x25: {  	[simem:s6], [sflag:s4] =	dma.local [hbm:s3], $0xF7A  }
0x26: {  	[smem:$0x3F9A] =	sst s1;
	(tag) =	ssettag s2;
	_ =	strace s9  }
0x27: {  	s1 =	sld [smem:$0x3FAA]  }
0x28: {  	s2 =	sld [smem:$0x3FAB]  }
0x29: {  	s4 =	sld [smem:$0x3FAD]  }
0x2a: {  	p0 =	seq.s32 s5, $0x0;
	s5 =	sld [smem:$0x3FAE]  }
0x2b: {  	s6 =	sld [smem:$0x3FAF]  }
0x2c: {  	s7 =	sld [smem:$0x3FB0]  }
0x2d: {  	s3 =	simm.s32 $0x108;
	s8 =	sld [smem:$0x3FB1]  }
0x2e: {  	s3 =	simm.s32 @!p0 $0x1082;
	s9 =	sld [smem:$0x3FB2]  }
0x2f: {  	lr =	sadd.s32 s0, s3;
	s0 =	sld [smem:$0x3FA9]  }
0x30: {  	s3 =	sld [smem:$0x3FAC]  }
0x31: {  	[smem:$0x3FB5] =	sst s10  }
0x32: {  	s10 =	sld [smem:$0x3FB3];
	_ =	sdelay $0x3  }
0x33: {  	p0 =	seq.s32 s10, $0x1;
	s10 =	sld [smem:$0x3FB5];
	_ =	sdelay $0x3  }
0x34: {  	[smem:$0x3FB5] =	sst s10  }
0x35: {  	s10 =	sld [smem:$0x3FB4];
	_ =	sdelay $0x3  }
0x36: {  	p1 =	seq.s32 s10, $0x1;
	s10 =	sld [smem:$0x3FB5];
	_ =	sdelay $0x3  }
0x37: {  	[smem:$0x3FB5] =	sst s10  }
0x38: {  	s10 =	sld [smem:$0x3FB6]  }
0x39: {  	_ = 	snop;
	(pc) =	sbr.ind lr, $3  }
0x3a: {  	_ = 	snop  }
0x3b: {  	_ = 	snop  }
0x3c: {  	p2 =	seq.s32 s10, $0x1;
	s10 =	sld [smem:$0x3FB5]  }
0x3d: {  	_ =	shalt  }
0x3e: {  	_ =	shalt  }
0x3f: {  	_ =	shalt  }
0x40: {  	_ =	shalt  }
0x41: {  	_ =	shalt  }
0x42: {  	_ =	shalt  }
0x43: {  	_ =	shalt  }
0x44: {  	_ =	shalt  }
0x45: {  	_ =	shalt  }
0x46: {  	_ =	shalt  }
0x47: {  	_ =	shalt  }
0x48: {  	_ =	shalt  }
0x49: {  	_ =	shalt  }
0x4a: {  	_ =	shalt  }
0x4b: {  	_ =	shalt  }
0x4c: {  	_ =	shalt  }
0x4d: {  	_ =	shalt  }
0x4e: {  	_ =	shalt  }
0x4f: {  	_ =	shalt  }
0x50: {  	_ =	shalt  }
0x51: {  	_ =	shalt  }
0x52: {  	_ =	shalt  }
0x53: {  	_ =	shalt  }
0x54: {  	_ =	shalt  }
0x55: {  	_ =	shalt  }
0x56: {  	_ =	shalt  }
0x57: {  	_ =	shalt  }
0x58: {  	_ =	shalt  }
0x59: {  	_ =	shalt  }
0x5a: {  	_ =	shalt  }
0x5b: {  	_ =	shalt  }
0x5c: {  	_ =	shalt  }
0x5d: {  	_ =	shalt  }
0x5e: {  	_ =	shalt  }
0x5f: {  	_ =	shalt  }
0x60: {  	_ =	shalt  }
0x61: {  	_ =	shalt  }
0x62: {  	_ =	shalt  }
0x63: {  	_ =	shalt  }
0x64: {  	_ =	shalt  }
0x65: {  	_ =	shalt  }
0x66: {  	_ =	shalt  }
0x67: {  	_ =	shalt  }
0x68: {  	_ =	shalt  }
0x69: {  	_ =	shalt  }
0x6a: {  	_ =	shalt  }
0x6b: {  	_ =	shalt  }
0x6c: {  	_ =	shalt  }
0x6d: {  	_ =	shalt  }
0x6e: {  	_ =	shalt  }
0x6f: {  	_ =	shalt  }
0x70: {  	_ =	shalt  }
0x71: {  	_ =	shalt  }
0x72: {  	_ =	shalt  }
0x73: {  	_ =	shalt  }
0x74: {  	_ =	shalt  }
0x75: {  	_ =	shalt  }
0x76: {  	_ =	shalt  }
0x77: {  	_ =	shalt  }
0x78: {  	_ =	shalt  }
0x79: {  	_ =	shalt  }
0x7a: {  	_ =	shalt  }
0x7b: {  	_ =	shalt  }
0x7c: {  	_ =	shalt  }
0x7d: {  	_ =	shalt  }
0x7e: {  	_ =	shalt  }
0x7f: {  	_ =	shalt  }
0x80: {  	_ =	shalt  }
0x81: {  	_ =	shalt  }
0x82: {  	_ =	shalt  }
0x83: {  	_ =	shalt  }
0x84: {  	_ =	shalt  }
0x85: {  	_ =	shalt  }
0x86: {  	_ =	shalt  }
0x87: {  	_ =	shalt  }
.Lfunc_end0:
.L_simem_size_0:
called_computation_lowered:
.L_overlay_start_0:
0x88: {  	s2 =	sld [smem:$0x3FD9]  }
0x89: {  	s3 =	sld [smem:$0x3FFE];
	_ =	sdelay $0x1  }
0x8a: {  	s1 =	srdreg.scid  }
0x8b: {  	s0 =	sand.u32 $0x1, s1  }
0x8c: {  	s17 =	sshll.u32 s0, $0xA;
	s2 =	sadd.s32 s3, s2  }
0x8d: {  	s2 =	sadd.s32 s2, s17  }
0x8e: {  	[smem:$0x3FC1] =	sst s2  }
0x8f: {  	_ = 	snop  }
0x90: {  	s2 =	sld [smem:$0x3FC9]  }
0x91: {  	s18 =	sld [smem:$0x3FD0];
	(tm) =	ssettm $0x1  }
0x92: {  	s4 =	sld [smem:$0x3FFB];
	_ =	sdelay $0x3  }
0x93: {  	_ =	strace s4  }
0x94: {  	s4 =	sld [smem:$0x3FFC];
	_ =	sdelay $0x3  }
0x95: {  	_ =	strace s4  }
0x96: {  	s4 =	sld [smem:$0x3FFD];
	_ =	sdelay $0x3  }
0x97: {  	_ =	strace s4  }
0x98: {  	_ =	strace $0x8FFFFFFF  }
0x99: {  	s19 =	sld [smem:$0x3FDB];
	_ =	sdelay $0x1  }
0x9a: {  	s5 =	simm.s32 $_scs_section_size  }
0x9b: {  	s6 =	simm.s32 $_size__tile_overlayer_lowered;
	s7 =	simm.s32 $_tile_overlayer_lowered  }
0x9c: {  	s22 =	simm.s32 $0x1BFF;
	s21 =	sshll.u32 s7, $0x1;
	s4 =	sadd.s32 s5, s19  }
0x9d: {  	s8 =	simm.s32 $0x0;
	s20 =	sshll.u32 s6, $0x1;
	s6 =	sadd.s32 s21, s4  }
0x9e: {  	[timem:s8], [sflag:s22] =	dma.local [hbm:s6], s20  }
0x9f: {  	_ =	swait.ge [sflag:s22], s20  }
0xa0: {  	s5 =	ssub.s32 $0x0, s20;
	[sflag:s22] =	ssyncset.done $0x0  }
0xa1: {  	[sflag:s22] =	ssyncadd.s32 s5;
	_ =	sdelay $0x1  }
0xa2: {  	s23 =	simm.s32 $0x1B8B  }
0xa3: {  	_ =	swait.ge [sflag:s23], $0x1  }
0xa4: {  	[sflag:s23] =	ssyncset.done $0x0  }
0xa5: {  	s25 =	simm.s32 $0x1B8E;
	s24 =	sld [smem:$0x3FFE];
	[sflag:s23] =	ssyncadd.s32 $0xFFFFFFFF  }
0xa6: {  	s26 =	simm.s32 $execute0_lowered;
	[smem:$0x3FD2] =	sst s25  }
0xa7: {  	s6 =	sshll.u32 s26, $0x1;
	_ =	strace $0x80000046;
	[dreg:$0x1] =	wrdreg $0xFFFFFFFF  }
0xa8: {  	s28 =	simm.s32 $_size_execute0_lowered;
	s4 =	sadd.s32 s4, s6;
	[dreg:$0x0] =	wrdreg $0x0  }
0xa9: {  	s6 =	sshll.u32 s28, $0x1;
	[dreg:$0x2] =	wrdreg s4  }
0xaa: {  	[dreg:$0x3] =	wrdreg s6  }
0xab: {  	[dreg:$0x4] =	wrdreg $0xC0  }
0xac: {  	_ =	task [dreg:s8], $0x5FFFF  }
0xad: {  	[dreg:$0x1] =	wrdreg $0xFFFFFFFF  }
0xae: {  	[dreg:$0x0] =	wrdreg $0x60  }
0xaf: {  	[dreg:$0x2] =	wrdreg s18  }
0xb0: {  	[dreg:$0x3] =	wrdreg s24  }
0xb1: {  	[dreg:$0x4] =	wrdreg s2  }
0xb2: {  	[dreg:$0x5] =	wrdreg $0xB7800  }
0xb3: {  	[dreg:$0x6] =	wrdreg $0x9  }
0xb4: {  	_ =	task.clear_ibuf [dreg:s8], $0x7FFFF;
	_ =	strace $0x90000046  }
0xb5: {  	s29 =	simm.s32 $0x9;
	_ =	strace $0x80000048  }
0xb6: {  	_ =	swait.ge [sflag:s29], $0x1  }
0xb7: {  	[sflag:s29] =	ssyncadd.s32 $0xFFFFFFFF  }
0xb8: {  	_ =	strace $0x90000048  }
0xb9: {  	_ =	sfence  }
0xba: {  	s30 =	sld [smem:$0x0];
	_ =	sdelay $0x2  }
0xbb: {  	s31 =	sshll.u32 s1, $0xD;
	s1 =	sshrl.u32 s1, $0x2  }
0xbc: {  	s3 =	sand.u32 $0x4000, s31;
	s1 =	sadd.s32 s1, s30  }
0xbd: {  	s0 =	sor.u32 s3, s0;
	s1 =	sshll.u32 s1, $0x11  }
0xbe: {  	s0 =	sor.u32 s1, s0  }
0xbf: {  	s0 =	sadd.s32 $0x8F2B, s0  }
0xc0: {  	[sflag:s0] =	ssyncadd.remote.s32 $0x1  }
0xc1: {  	_ =	sfence.sel $0xFFFF  }
0xc2: {  	[dreg:$0x0] =	wrdreg $0xFFFFFFFF;
	(pc) =	sbr.abs _section_cstart, $3  }
0xc3: {  	[dreg:$0x1] =	wrdreg $0xFFFFFFFF  }
0xc4: {  	_ =	task.clear_ibuf [dreg:s8], $0x2FFFF;
	_ =	strace $0x9FFFFFFF  }
0xc5: {  	(tm) =	ssettm $0x7FFFFFFF  }
tec
execute0_lowered:
.L_overlay_start_1:
0x0: {  	(tag) =	ssettag $0x1  }
0x1: {  	s16 =	rddreg [dreg:$0x0]  }
0x2: {  	s0 =	rddreg [dreg:$0x1]  }
0x3: {  	s1 =	srdreg.scid;
	s2 =	rddreg [dreg:$0x2]  }
0x4: {  	s22 =	stileid.u32;
	s3 =	rddreg [dreg:$0x3];
	s4 =	simm.s32 $0x0  }
0x5: {  	s25 =	simm.s32 $0x300;
	s26 =	simm.s32 $0x980;
	s28 =	simm.s32 $0x380  }
0x6: {  	s31 =	simm.s32 $0x1000;
	s29 =	simm.s32 $0x3;
	s17 =	sand.u32 $0x1, s1  }
0x7: {  	s5 =	sshrl.u32 s22, $0x3;
	[smem:$0x7FF] =	sst s4;
	s7 =	smul.u32 $0x28, s22  }
0x8: {  	s18 =	sadd.s32 $0x1400, s0;
	s6 =	sadd.s32 $0x1F600, s0;
	s19 =	smul.u32 $0x13C00, s22  }
0x9: {  	s10 =	sshll.u32 s22, $0x7;
	s12 =	sshll.u32 s22, $0x1;
	s1 =	smul.u32 $0x27800, s17  }
0xa: {  	s5 =	smul.u32 $0x13C00, s5;
	_ =	strace $0x80000047;
	[dreg:$0xf] =	wrdreg s25  }
0xb: {  	s8 =	smul.u32 $0x14, s17;
	s9 =	ssub.s32 $0x2, s17;
	[dreg:$0x10] =	wrdreg s26  }
0xc: {  	s15 =	sor.u32 s17, s12;
	s12 =	simm.s32 $0x200;
	[dreg:$0x11] =	wrdreg s28  }
0xd: {  	s17 =	smul.u32 $0x13C000, s17;
	s26 =	simm.s32 $0xB80;
	[dreg:$0xb] =	wrdreg s12  }
0xe: {  	s28 =	simm.s32 $0x480;
	s11 =	sshrl.u32 s9, $0x1;
	[dreg:$0x15] =	wrdreg s26  }
0xf: {  	[dreg:$0x16] =	wrdreg s28;
	s26 =	simm.s32 $0x680;
	s28 =	simm.s32 $0xD00  }
0x10: {  	s1 =	sadd.s32 s1, s5;
	s5 =	sand.u32 $0x380, s10;
	[dreg:$0x1b] =	wrdreg s26  }
0x11: {  	s7 =	sadd.s32 s8, s7;
	s10 =	simm.s32 $0x100;
	[dreg:$0x1c] =	wrdreg s28  }
0x12: {  	s5 =	sor.u32 s5, s1;
	s7 =	sshll.u32 s7, $0x7;
	s1 =	ssub.s32 s9, s11  }
0x13: {  	[dreg:$0x9] =	wrdreg s10;
	s11 =	simm.s32 $0x180;
	s13 =	sor.u32 $0x100, s7  }
0x14: {  	s12 =	sadd.s32 $0xC000, s19;
	[dreg:$0xa] =	wrdreg s11;
	s14 =	sadd.s32 s13, s16  }
0x15: {  	s21 =	sadd.s32 s7, s16;
	s20 =	sadd.s32 s13, s18;
	[dreg:$0x5] =	wrdreg s14  }
0x16: {  	s24 =	sadd.s32 s7, s18;
	s23 =	sadd.s32 $0x80, s21;
	[dreg:$0x6] =	wrdreg s20  }
0x17: {  	s8 =	sadd.s32 $0x4000, s19;
	s9 =	sadd.s32 $0x80, s24;
	[dreg:$0x7] =	wrdreg s23  }
0x18: {  	s25 =	sadd.s32 s19, s17;
	s13 =	simm.s32 $0x880;
	[dreg:$0x8] =	wrdreg s9  }
0x19: {  	s5 =	sshrl.u32 s5, $0x3;
	s24 =	simm.s32 $0xB00;
	[dreg:$0xc] =	wrdreg s13  }
0x1a: {  	s5 =	sadd.s32 s5, s0;
	s0 =	sadd.s32 $0x15400, s0;
	[dreg:$0x14] =	wrdreg s24  }
0x1b: {  	s10 =	sadd.s32 $0x8000, s19;
	s14 =	simm.s32 $0x280;
	[smem:$0x7F2] =	sst s0  }
0x1c: {  	s7 =	sadd.s32 $0x2000, s19;
	s20 =	simm.s32 $0x900;
	[dreg:$0xd] =	wrdreg s14  }
0x1d: {  	s21 =	smul.u32 $0xA00, s15;
	s23 =	simm.s32 $0xA80;
	[dreg:$0xe] =	wrdreg s20  }
0x1e: {  	s11 =	sadd.s32 $0xA000, s19;
	s24 =	simm.s32 $0xC80;
	[dreg:$0x13] =	wrdreg s23  }
0x1f: {  	s15 =	sadd.s32 $0x12000, s19;
	s16 =	sadd.s32 s16, s21;
	[dreg:$0x1a] =	wrdreg s24  }
0x20: {  	s9 =	sadd.s32 $0x6000, s19;
	s20 =	simm.s32 $0xA00;
	[smem:$0x7E3] =	sst s16  }
0x21: {  	s13 =	sadd.s32 $0xE000, s19;
	s18 =	sadd.s32 s18, s21;
	[dreg:$0x12] =	wrdreg s20  }
0x22: {  	s14 =	sadd.s32 $0x10000, s19;
	s19 =	simm.s32 $0x500;
	[smem:$0x7E4] =	sst s18  }
0x23: {  	s30 =	simm.s32 $0x7;
	s21 =	simm.s32 $0x580;
	[dreg:$0x17] =	wrdreg s19  }
0x24: {  	s23 =	simm.s32 $0x600;
	s18 =	sshrl.u32 s25, $0x3;
	[dreg:$0x18] =	wrdreg s21  }
0x25: {  	s20 =	sadd.s32 s17, s7;
	[dreg:$0x19] =	wrdreg s23;
	s21 =	sadd.s32 s17, s10  }
0x26: {  	s23 =	sadd.s32 s17, s11;
	s18 =	sadd.s32 s6, s18;
	s16 =	sshrl.u32 s21, $0x3  }
0x27: {  	s24 =	sshrl.u32 s23, $0x3;
	s23 =	simm.s32 $0x780;
	[smem:$0x7E5] =	sst s18  }
0x28: {  	s18 =	sshrl.u32 s20, $0x3;
	s20 =	simm.s32 $0xD80;
	[dreg:$0x1f] =	wrdreg s23  }
0x29: {  	s0 =	simm.s32 $0x5;
	s16 =	sadd.s32 s6, s16;
	[dreg:$0x1e] =	wrdreg s20  }
0x2a: {  	s28 =	sadd.s32 s17, s13;
	s23 =	sadd.s32 s15, s3;
	[smem:$0x7E9] =	sst s16  }
0x2b: {  	s25 =	sadd.s32 s17, s8;
	s18 =	sadd.s32 s6, s18;
	[smem:$0x7FA] =	sst s23  }
0x2c: {  	s19 =	sadd.s32 s17, s9;
	s16 =	sadd.s32 s6, s24;
	[smem:$0x7E6] =	sst s18  }
0x2d: {  	s24 =	simm.s32 $0xE00;
	s18 =	sshrl.u32 s25, $0x3;
	[smem:$0x7EA] =	sst s16  }
0x2e: {  	s25 =	sadd.s32 s17, s12;
	[smem:$0x7EF] =	sst s24;
	s24 =	sadd.s32 $0x15800, s5  }
0x2f: {  	s18 =	sadd.s32 s6, s18;
	s26 =	sshrl.u32 s25, $0x3;
	[smem:$0x7FB] =	sst s24  }
0x30: {  	s25 =	smul.u32 $0x4F000, s22;
	s22 =	sadd.s32 s14, s3;
	[smem:$0x7E7] =	sst s18  }
0x31: {  	s5 =	simm.s32 $0x6;
	s18 =	simm.s32 $0x700;
	[smem:$0x7F9] =	sst s22  }
0x32: {  	s16 =	sadd.s32 s6, s26;
	s26 =	simm.s32 $0xE80;
	[dreg:$0x1d] =	wrdreg s18  }
0x33: {  	s22 =	simm.s32 $0x0;
	s18 =	sshrl.u32 s19, $0x3;
	[smem:$0x7EB] =	sst s16  }
0x34: {  	s19 =	sadd.s32 s17, s14;
	s17 =	sadd.s32 s17, s15;
	[smem:$0x7F0] =	sst s26  }
0x35: {  	s26 =	sadd.s32 s7, s3;
	s7 =	simm.s32 $0x9;
	s14 =	simm.s32 $0xC00  }
0x36: {  	s15 =	simm.s32 $0x9000;
	s18 =	sadd.s32 s6, s18;
	s20 =	sshrl.u32 s19, $0x3  }
0x37: {  	s21 =	sshrl.u32 s17, $0x3;
	s17 =	sadd.s32 s9, s3;
	[smem:$0x7FD] =	sst s26  }
0x38: {  	s19 =	sadd.s32 s11, s3;
	s9 =	simm.s32 $0x80;
	[smem:$0x7E8] =	sst s18  }
0x39: {  	s11 =	simm.s32 $0x5000;
	s18 =	sshrl.u32 s28, $0x3;
	[smem:$0x7F4] =	sst s17  }
0x3a: {  	s28 =	simm.s32 $0xF00;
	[smem:$0x7F6] =	sst s19;
	s17 =	simm.s32 $0x2  }
0x3b: {  	s19 =	simm.s32 $0x8;
	s16 =	sadd.s32 s6, s18;
	[smem:$0x7F1] =	sst s28  }
0x3c: {  	s18 =	sadd.s32 s10, s3;
	s28 =	smax.u32 s1, $0x1;
	[smem:$0x7EC] =	sst s16  }
0x3d: {  	s1 =	simm.s32 $0xB;
	s10 =	simm.s32 $0x3000;
	[smem:$0x7F5] =	sst s18  }
0x3e: {  	s16 =	sadd.s32 s6, s20;
	s6 =	sadd.s32 s6, s21;
	[smem:$0x7FC] =	sst s28  }
0x3f: {  	s20 =	sadd.s32 s12, s3;
	s21 =	sadd.s32 s13, s3;
	[smem:$0x7ED] =	sst s16  }
0x40: {  	s12 =	simm.s32 $0x7000;
	s13 =	simm.s32 $0x400;
	[smem:$0x7EE] =	sst s6  }
0x41: {  	s18 =	simm.s32 $0x4;
	s6 =	sshrl.u32 s25, $0x2;
	[smem:$0x7F7] =	sst s20  }
0x42: {  	s16 =	sadd.s32 s8, s3;
	[smem:$0x7F8] =	sst s21;
	s8 =	simm.s32 $0x40  }
0x43: {  	s20 =	simm.s32 $0xA;
	s21 =	simm.s32 $0xF80;
	s25 =	sadd.s32 s6, s3  }
0x44: {  	v0 =	vimm.f32 $0.0e+00;
	[smem:$0x7F3] =	sst s16;
	s6 =	simm.s32 $0x800;
	s16 =	simm.s32 $0x1  }
.LBB2_1:
0x45: {  	s23 =	simm.s32 $0x40;
	s24 =	simm.s32 $0x0  }
.LBB2_2:
0x46: {  	p0 =	sne.s32 s23, $0x9DC0;
	[tilespmem:s24+$0x9000] =	vst v0;
	s24 =	smov.u32 s23;
	s23 =	sadd.s32 $0x40, s23  }
.Ltmp0:
0x47: {  	(pc) =	sbr.rel @p0 .LBB2_2-.Ltmp0, $2  }
0x48: {  	_ =	sdelay $0x2  }
0x49: {  	s24 =	sshra.s32 s24, $0x2  }
0x4a: {  	[tilespmem:s24+$0x9000] =	vst v0;
	s24 =	sld [smem:$0x7F2];
	_ =	sdelay $0x1  }
0x4b: {  	s23 =	simm.s32 $0x0  }
0x4c: {  	[tilespmem:s31], [sflag:$0xB] =	stream.linear.gather [hbm4b:s24+s23], $0x2000, $0x38;
	[tilespmem:$0x1F380] =	vst v63  }
0x4d: {  	_ =	swait.ge [sflag:s1], $0x2000  }
0x4e: {  	[sflag:s1] =	ssyncset.done $0x0  }
0x4f: {  	[sflag:s1] =	ssyncadd.s32 $0xFFFFE000  }
0x50: {  	[spmem:s25] =	stream.linear.scatter [tilespmem:s31], [sflag:$0x5], $0x2000, $0x38;
	[tilespmem:$0x1F380] =	vst v63  }
0x51: {  	s28 =	smov.u32 s25;
	s25 =	sld [smem:$0x7F3]  }
0x52: {  	[spmem:s26] =	stream.linear.scatter [tilespmem:s31], [sflag:$0x5], $0x2000, $0x38;
	[tilespmem:$0x1F380] =	vst v63  }
0x53: {  	s26 =	sld [smem:$0x7F4]  }
0x54: {  	[spmem:s25] =	stream.linear.scatter [tilespmem:s31], [sflag:$0x5], $0x2000, $0x38;
	[tilespmem:$0x1F380] =	vst v63  }
0x55: {  	s25 =	sld [smem:$0x7F5]  }
0x56: {  	[spmem:s26] =	stream.linear.scatter [tilespmem:s31], [sflag:$0x5], $0x2000, $0x38;
	[tilespmem:$0x1F380] =	vst v63  }
0x57: {  	s26 =	sld [smem:$0x7F6]  }
0x58: {  	[spmem:s25] =	stream.linear.scatter [tilespmem:s31], [sflag:$0x5], $0x2000, $0x38;
	[tilespmem:$0x1F380] =	vst v63  }
0x59: {  	s25 =	sld [smem:$0x7F7]  }
0x5a: {  	[spmem:s26] =	stream.linear.scatter [tilespmem:s31], [sflag:$0x5], $0x2000, $0x38;
	[tilespmem:$0x1F380] =	vst v63  }
0x5b: {  	s26 =	sld [smem:$0x7F8]  }
0x5c: {  	[spmem:s25] =	stream.linear.scatter [tilespmem:s31], [sflag:$0x5], $0x2000, $0x38;
	[tilespmem:$0x1F380] =	vst v63  }
0x5d: {  	s25 =	sld [smem:$0x7F9]  }
0x5e: {  	[spmem:s26] =	stream.linear.scatter [tilespmem:s31], [sflag:$0x5], $0x2000, $0x38;
	[tilespmem:$0x1F380] =	vst v63  }
0x5f: {  	s26 =	sld [smem:$0x7FA]  }
0x60: {  	[spmem:s25] =	stream.linear.scatter [tilespmem:s31], [sflag:$0x5], $0x2000, $0x38;
	[tilespmem:$0x1F380] =	vst v63  }
0x61: {  	_ = 	snop  }
0x62: {  	[spmem:s26] =	stream.linear.scatter [tilespmem:s31], [sflag:$0x6], $0x1C00, $0x38;
	[tilespmem:$0x1F380] =	vst v63  }
0x63: {  	_ =	swait.ge [sflag:s0], $0x2000  }
0x64: {  	[sflag:s0] =	ssyncset.done $0x0  }
0x65: {  	[sflag:s0] =	ssyncadd.s32 $0xFFFFE000  }
0x66: {  	_ =	swait.ge [sflag:s0], $0x2000  }
0x67: {  	[sflag:s0] =	ssyncset.done $0x0  }
0x68: {  	[sflag:s0] =	ssyncadd.s32 $0xFFFFE000  }
0x69: {  	_ =	swait.ge [sflag:s0], $0x2000  }
0x6a: {  	[sflag:s0] =	ssyncset.done $0x0  }
0x6b: {  	[sflag:s0] =	ssyncadd.s32 $0xFFFFE000  }
0x6c: {  	_ =	swait.ge [sflag:s0], $0x2000  }
0x6d: {  	[sflag:s0] =	ssyncset.done $0x0  }
0x6e: {  	[sflag:s0] =	ssyncadd.s32 $0xFFFFE000  }
0x6f: {  	_ =	swait.ge [sflag:s0], $0x2000  }
0x70: {  	[sflag:s0] =	ssyncset.done $0x0  }
0x71: {  	[sflag:s0] =	ssyncadd.s32 $0xFFFFE000  }
0x72: {  	_ =	swait.ge [sflag:s0], $0x2000  }
0x73: {  	[sflag:s0] =	ssyncset.done $0x0  }
0x74: {  	[sflag:s0] =	ssyncadd.s32 $0xFFFFE000  }
0x75: {  	_ =	swait.ge [sflag:s0], $0x2000  }
0x76: {  	[sflag:s0] =	ssyncset.done $0x0  }
0x77: {  	[sflag:s0] =	ssyncadd.s32 $0xFFFFE000  }
0x78: {  	_ =	swait.ge [sflag:s0], $0x2000  }
0x79: {  	[sflag:s0] =	ssyncset.done $0x0  }
0x7a: {  	[sflag:s0] =	ssyncadd.s32 $0xFFFFE000  }
0x7b: {  	_ =	swait.ge [sflag:s0], $0x2000  }
0x7c: {  	[sflag:s0] =	ssyncset.done $0x0  }
0x7d: {  	[sflag:s0] =	ssyncadd.s32 $0xFFFFE000  }
0x7e: {  	_ =	swait.ge [sflag:s5], $0x1C00  }
0x7f: {  	[sflag:s5] =	ssyncset.done $0x0  }
0x80: {  	[sflag:s5] =	ssyncadd.s32 $0xFFFFE400  }
0x81: {  	[bflag:$0x0] =	sbarrier.arrive $0xFFFF  }
0x82: {  	s25 =	sld [smem:$0x7E3];
	_ =	sdelay $0x1  }
0x83: {  	s26 =	sld [smem:$0x7E4]  }
0x84: {  	[tilespmem:s23], [sflag:$0x9] =	stream.linear.gather [hbm4b:s25+s23], $0x400, $0x38;
	[tilespmem:$0x1F380] =	vst v63  }
0x85: {  	_ = 	snop  }
0x86: {  	[tilespmem:s6], [sflag:$0x9] =	stream.linear.gather [hbm4b:s26+s23], $0x400, $0x38;
	[tilespmem:$0x1F380] =	vst v63  }
.LBB2_4:
0x87: {  	_ =	swait.ge [sflag:s7], $0x400  }
0x88: {  	[sflag:s7] =	ssyncset.done $0x0  }
0x89: {  	[sflag:s7] =	ssyncadd.s32 $0xFFFFFC00  }
0x8a: {  	_ =	swait.ge [sflag:s7], $0x400  }
0x8b: {  	[sflag:s7] =	ssyncset.done $0x0  }
0x8c: {  	[sflag:s7] =	ssyncadd.s32 $0xFFFFFC00  }
0x8d: {  	[tilespmem:s31], [sflag:$0x1] =	stream.indirect.gather [hbm4b:s2+s8], $0x80, s4, s8, $0xb8;
	[tilespmem:$0x1F380] =	vst v63  }
0x8e: {  	s24 =	rddreg [dreg:$0x9]  }
0x8f: {  	[tilespmem:s10], [sflag:$0x2] =	stream.indirect.gather [hbm4b:s2+s8], $0x80, s9, s8, $0xb8;
	[tilespmem:$0x1F380] =	vst v63  }
0x90: {  	s25 =	rddreg [dreg:$0xa]  }
0x91: {  	[tilespmem:s11], [sflag:$0x3] =	stream.indirect.gather [hbm4b:s2+s8], $0x80, s24, s8, $0xb8;
	[tilespmem:$0x1F380] =	vst v63  }
0x92: {  	s24 =	rddreg [dreg:$0x7]  }
0x93: {  	[tilespmem:s12], [sflag:$0x4] =	stream.indirect.gather [hbm4b:s2+s8], $0x80, s25, s8, $0xb8;
	[tilespmem:$0x1F380] =	vst v63  }
0x94: {  	s26 =	rddreg [dreg:$0x8];
	s24 =	sadd.s32 s23, s24  }
0x95: {  	[tilespmem:s13], [sflag:$0xA] =	stream.linear.gather [hbm4b:s24+s4], $0x400, $0x38;
	[tilespmem:$0x1F380] =	vst v63  }
0x96: {  	s26 =	sadd.s32 s23, s26  }
0x97: {  	[tilespmem:s14], [sflag:$0xA] =	stream.linear.gather [hbm4b:s26+s4], $0x400, $0x38;
	[tilespmem:$0x1F380] =	vst v63  }
0x98: {  	v1 =	vld [tilespmem:$0x800];
	_ =	sdelay $0x4  }
0x99: {  	(xrf1) =	vunique.msk.u32 $0xffff, v1;
	_ =	sdelay $0xd  }
0x9a: {  	_, v2, vm0 =	vpop (xrf1);
	_ =	sdelay $0x3  }
0x9b: {  	v2 =	vcvt.s32.f32 v2;
	_ =	sdelay $0x1  }
0x9c: {  	[tilespmem:v1+s15+$0x0] =	vst.idx.add.f32.msk vm0, v2  }
0x9d: {  	v1 =	vld [tilespmem:$0x810];
	_ =	sdelay $0x4  }
0x9e: {  	(xrf1) =	vunique.msk.u32 $0xffff, v1;
	_ =	sdelay $0xd  }
0x9f: {  	_, v2, vm0 =	vpop (xrf1);
	_ =	sdelay $0x3  }
0xa0: {  	v2 =	vcvt.s32.f32 v2;
	_ =	sdelay $0x1  }
0xa1: {  	[tilespmem:v1+s15+$0x0] =	vst.idx.add.f32.msk vm0, v2  }
0xa2: {  	v1 =	vld [tilespmem:$0x820];
	_ =	sdelay $0x4  }
0xa3: {  	(xrf1) =	vunique.msk.u32 $0xffff, v1;
	_ =	sdelay $0xd  }
0xa4: {  	_, v2, vm0 =	vpop (xrf1);
	_ =	sdelay $0x3  }
0xa5: {  	v2 =	vcvt.s32.f32 v2;
	_ =	sdelay $0x1  }
0xa6: {  	[tilespmem:v1+s15+$0x0] =	vst.idx.add.f32.msk vm0, v2  }
0xa7: {  	v1 =	vld [tilespmem:$0x830];
	_ =	sdelay $0x4  }
0xa8: {  	(xrf1) =	vunique.msk.u32 $0xffff, v1;
	_ =	sdelay $0xd  }
0xa9: {  	_, v2, vm0 =	vpop (xrf1);
	_ =	sdelay $0x3  }
0xaa: {  	v2 =	vcvt.s32.f32 v2;
	_ =	sdelay $0x1  }
0xab: {  	[tilespmem:v1+s15+$0x0] =	vst.idx.add.f32.msk vm0, v2  }
0xac: {  	v1 =	vld [tilespmem:$0x880];
	_ =	sdelay $0x4  }
0xad: {  	(xrf1) =	vunique.msk.u32 $0xffff, v1;
	_ =	sdelay $0xd  }
0xae: {  	_, v2, vm0 =	vpop (xrf1);
	_ =	sdelay $0x3  }
0xaf: {  	v2 =	vcvt.s32.f32 v2;
	_ =	sdelay $0x1  }
0xb0: {  	[tilespmem:v1+s15+$0x0] =	vst.idx.add.f32.msk vm0, v2  }
0xb1: {  	v1 =	vld [tilespmem:$0x890];
	_ =	sdelay $0x4  }
0xb2: {  	(xrf1) =	vunique.msk.u32 $0xffff, v1;
	_ =	sdelay $0xd  }
0xb3: {  	_, v2, vm0 =	vpop (xrf1);
	_ =	sdelay $0x3  }
0xb4: {  	v2 =	vcvt.s32.f32 v2;
	_ =	sdelay $0x1  }
0xb5: {  	[tilespmem:v1+s15+$0x0] =	vst.idx.add.f32.msk vm0, v2  }
0xb6: {  	v1 =	vld [tilespmem:$0x8A0];
	_ =	sdelay $0x4  }
0xb7: {  	(xrf1) =	vunique.msk.u32 $0xffff, v1;
	_ =	sdelay $0xd  }
0xb8: {  	_, v2, vm0 =	vpop (xrf1);
	_ =	sdelay $0x3  }
0xb9: {  	v2 =	vcvt.s32.f32 v2;
	_ =	sdelay $0x1  }
0xba: {  	[tilespmem:v1+s15+$0x0] =	vst.idx.add.f32.msk vm0, v2  }
0xbb: {  	v1 =	vld [tilespmem:$0x8B0];
	_ =	sdelay $0x4  }
0xbc: {  	(xrf1) =	vunique.msk.u32 $0xffff, v1;
	_ =	sdelay $0xd  }
0xbd: {  	_, v2, vm0 =	vpop (xrf1);
	_ =	sdelay $0x3  }
0xbe: {  	v2 =	vcvt.s32.f32 v2;
	_ =	sdelay $0x1  }
0xbf: {  	[tilespmem:v1+s15+$0x0] =	vst.idx.add.f32.msk vm0, v2  }
0xc0: {  	v1 =	vld [tilespmem:$0x900];
	_ =	sdelay $0x4  }
0xc1: {  	(xrf1) =	vunique.msk.u32 $0xffff, v1;
	_ =	sdelay $0xd  }
0xc2: {  	_, v2, vm0 =	vpop (xrf1);
	_ =	sdelay $0x3  }
0xc3: {  	v2 =	vcvt.s32.f32 v2;
	_ =	sdelay $0x1  }
0xc4: {  	[tilespmem:v1+s15+$0x0] =	vst.idx.add.f32.msk vm0, v2  }
0xc5: {  	v1 =	vld [tilespmem:$0x910];
	_ =	sdelay $0x4  }
0xc6: {  	(xrf1) =	vunique.msk.u32 $0xffff, v1;
	_ =	sdelay $0xd  }
0xc7: {  	_, v2, vm0 =	vpop (xrf1);
	_ =	sdelay $0x3  }
0xc8: {  	v2 =	vcvt.s32.f32 v2;
	_ =	sdelay $0x1  }
0xc9: {  	[tilespmem:v1+s15+$0x0] =	vst.idx.add.f32.msk vm0, v2  }
0xca: {  	v1 =	vld [tilespmem:$0x920];
	_ =	sdelay $0x4  }
0xcb: {  	(xrf1) =	vunique.msk.u32 $0xffff, v1;
	_ =	sdelay $0xd  }
0xcc: {  	_, v2, vm0 =	vpop (xrf1);
	_ =	sdelay $0x3  }
0xcd: {  	v2 =	vcvt.s32.f32 v2;
	_ =	sdelay $0x1  }
0xce: {  	[tilespmem:v1+s15+$0x0] =	vst.idx.add.f32.msk vm0, v2  }
0xcf: {  	v1 =	vld [tilespmem:$0x930];
	_ =	sdelay $0x4  }
0xd0: {  	(xrf1) =	vunique.msk.u32 $0xffff, v1;
	_ =	sdelay $0xd  }
0xd1: {  	_, v2, vm0 =	vpop (xrf1);
	_ =	sdelay $0x3  }
0xd2: {  	v2 =	vcvt.s32.f32 v2;
	_ =	sdelay $0x1  }
0xd3: {  	[tilespmem:v1+s15+$0x0] =	vst.idx.add.f32.msk vm0, v2  }
0xd4: {  	v1 =	vld [tilespmem:$0x980];
	_ =	sdelay $0x4  }
0xd5: {  	(xrf1) =	vunique.msk.u32 $0xffff, v1;
	_ =	sdelay $0xd  }
0xd6: {  	_, v2, vm0 =	vpop (xrf1);
	_ =	sdelay $0x3  }
0xd7: {  	v2 =	vcvt.s32.f32 v2;
	_ =	sdelay $0x1  }
0xd8: {  	[tilespmem:v1+s15+$0x0] =	vst.idx.add.f32.msk vm0, v2  }
0xd9: {  	v1 =	vld [tilespmem:$0x990];
	_ =	sdelay $0x4  }
0xda: {  	(xrf1) =	vunique.msk.u32 $0xffff, v1;
	_ =	sdelay $0xd  }
0xdb: {  	_, v2, vm0 =	vpop (xrf1);
	_ =	sdelay $0x3  }
0xdc: {  	v2 =	vcvt.s32.f32 v2;
	_ =	sdelay $0x1  }
0xdd: {  	[tilespmem:v1+s15+$0x0] =	vst.idx.add.f32.msk vm0, v2  }
0xde: {  	v1 =	vld [tilespmem:$0x9A0];
	_ =	sdelay $0x4  }
0xdf: {  	(xrf1) =	vunique.msk.u32 $0xffff, v1;
	_ =	sdelay $0xd  }
0xe0: {  	_, v2, vm0 =	vpop (xrf1);
	_ =	sdelay $0x3  }
0xe1: {  	v2 =	vcvt.s32.f32 v2;
	_ =	sdelay $0x1  }
0xe2: {  	[tilespmem:v1+s15+$0x0] =	vst.idx.add.f32.msk vm0, v2  }
0xe3: {  	v1 =	vld [tilespmem:$0x9B0];
	_ =	sdelay $0x4  }
0xe4: {  	(xrf1) =	vunique.msk.u32 $0xffff, v1;
	_ =	sdelay $0xd  }
0xe5: {  	_, v2, vm0 =	vpop (xrf1);
	_ =	sdelay $0x3  }
0xe6: {  	v2 =	vcvt.s32.f32 v2;
	_ =	sdelay $0x1  }
0xe7: {  	[tilespmem:v1+s15+$0x0] =	vst.idx.add.f32.msk vm0, v2  }
0xe8: {  	v1 =	vld [tilespmem:$0xA00];
	_ =	sdelay $0x4  }
0xe9: {  	(xrf1) =	vunique.msk.u32 $0xffff, v1;
	_ =	sdelay $0xd  }
0xea: {  	_, v2, vm0 =	vpop (xrf1);
	_ =	sdelay $0x3  }
0xeb: {  	v2 =	vcvt.s32.f32 v2;
	_ =	sdelay $0x1  }
0xec: {  	[tilespmem:v1+s15+$0x0] =	vst.idx.add.f32.msk vm0, v2  }
0xed: {  	v1 =	vld [tilespmem:$0xA10];
	_ =	sdelay $0x4  }
0xee: {  	(xrf1) =	vunique.msk.u32 $0xffff, v1;
	_ =	sdelay $0xd  }
0xef: {  	_, v2, vm0 =	vpop (xrf1);
	_ =	sdelay $0x3  }
0xf0: {  	v2 =	vcvt.s32.f32 v2;
	_ =	sdelay $0x1  }
0xf1: {  	[tilespmem:v1+s15+$0x0] =	vst.idx.add.f32.msk vm0, v2  }
0xf2: {  	v1 =	vld [tilespmem:$0xA20];
	_ =	sdelay $0x4  }
0xf3: {  	(xrf1) =	vunique.msk.u32 $0xffff, v1;
	_ =	sdelay $0xd  }
0xf4: {  	_, v2, vm0 =	vpop (xrf1);
	_ =	sdelay $0x3  }
0xf5: {  	v2 =	vcvt.s32.f32 v2;
	_ =	sdelay $0x1  }
0xf6: {  	[tilespmem:v1+s15+$0x0] =	vst.idx.add.f32.msk vm0, v2  }
0xf7: {  	v1 =	vld [tilespmem:$0xA30];
	_ =	sdelay $0x4  }
0xf8: {  	(xrf1) =	vunique.msk.u32 $0xffff, v1;
	_ =	sdelay $0xd  }
0xf9: {  	_, v2, vm0 =	vpop (xrf1);
	_ =	sdelay $0x3  }
0xfa: {  	v2 =	vcvt.s32.f32 v2;
	_ =	sdelay $0x1  }
0xfb: {  	[tilespmem:v1+s15+$0x0] =	vst.idx.add.f32.msk vm0, v2  }
0xfc: {  	v1 =	vld [tilespmem:$0xA80];
	_ =	sdelay $0x4  }
0xfd: {  	(xrf1) =	vunique.msk.u32 $0xffff, v1;
	_ =	sdelay $0xd  }
0xfe: {  	_, v2, vm0 =	vpop (xrf1);
	_ =	sdelay $0x3  }
0xff: {  	v2 =	vcvt.s32.f32 v2;
	_ =	sdelay $0x1  }
0x100: {  	[tilespmem:v1+s15+$0x0] =	vst.idx.add.f32.msk vm0, v2  }
0x101: {  	v1 =	vld [tilespmem:$0xA90];
	_ =	sdelay $0x4  }
0x102: {  	(xrf1) =	vunique.msk.u32 $0xffff, v1;
	_ =	sdelay $0xd  }
0x103: {  	_, v2, vm0 =	vpop (xrf1);
	_ =	sdelay $0x3  }
0x104: {  	v2 =	vcvt.s32.f32 v2;
	_ =	sdelay $0x1  }
0x105: {  	[tilespmem:v1+s15+$0x0] =	vst.idx.add.f32.msk vm0, v2  }
0x106: {  	v1 =	vld [tilespmem:$0xAA0];
	_ =	sdelay $0x4  }
0x107: {  	(xrf1) =	vunique.msk.u32 $0xffff, v1;
	_ =	sdelay $0xd  }
0x108: {  	_, v2, vm0 =	vpop (xrf1);
	_ =	sdelay $0x3  }
0x109: {  	v2 =	vcvt.s32.f32 v2;
	_ =	sdelay $0x1  }
0x10a: {  	[tilespmem:v1+s15+$0x0] =	vst.idx.add.f32.msk vm0, v2  }
0x10b: {  	v1 =	vld [tilespmem:$0xAB0];
	_ =	sdelay $0x4  }
0x10c: {  	(xrf1) =	vunique.msk.u32 $0xffff, v1;
	_ =	sdelay $0xd  }
0x10d: {  	_, v2, vm0 =	vpop (xrf1);
	_ =	sdelay $0x3  }
0x10e: {  	v2 =	vcvt.s32.f32 v2;
	_ =	sdelay $0x1  }
0x10f: {  	[tilespmem:v1+s15+$0x0] =	vst.idx.add.f32.msk vm0, v2  }
0x110: {  	v1 =	vld [tilespmem:$0xB00];
	_ =	sdelay $0x4  }
0x111: {  	(xrf1) =	vunique.msk.u32 $0xffff, v1;
	_ =	sdelay $0xd  }
0x112: {  	_, v2, vm0 =	vpop (xrf1);
	_ =	sdelay $0x3  }
0x113: {  	v2 =	vcvt.s32.f32 v2;
	_ =	sdelay $0x1  }
0x114: {  	[tilespmem:v1+s15+$0x0] =	vst.idx.add.f32.msk vm0, v2  }
0x115: {  	v1 =	vld [tilespmem:$0xB10];
	_ =	sdelay $0x4  }
0x116: {  	(xrf1) =	vunique.msk.u32 $0xffff, v1;
	_ =	sdelay $0xd  }
0x117: {  	_, v2, vm0 =	vpop (xrf1);
	_ =	sdelay $0x3  }
0x118: {  	v2 =	vcvt.s32.f32 v2;
	_ =	sdelay $0x1  }
0x119: {  	[tilespmem:v1+s15+$0x0] =	vst.idx.add.f32.msk vm0, v2  }
0x11a: {  	v1 =	vld [tilespmem:$0xB20];
	_ =	sdelay $0x4  }
0x11b: {  	(xrf1) =	vunique.msk.u32 $0xffff, v1;
	_ =	sdelay $0xd  }
0x11c: {  	_, v2, vm0 =	vpop (xrf1);
	_ =	sdelay $0x3  }
0x11d: {  	v2 =	vcvt.s32.f32 v2;
	_ =	sdelay $0x1  }
0x11e: {  	[tilespmem:v1+s15+$0x0] =	vst.idx.add.f32.msk vm0, v2  }
0x11f: {  	v1 =	vld [tilespmem:$0xB30];
	_ =	sdelay $0x4  }
0x120: {  	(xrf1) =	vunique.msk.u32 $0xffff, v1;
	_ =	sdelay $0xd  }
0x121: {  	_, v2, vm0 =	vpop (xrf1);
	_ =	sdelay $0x3  }
0x122: {  	v2 =	vcvt.s32.f32 v2;
	_ =	sdelay $0x1  }
0x123: {  	[tilespmem:v1+s15+$0x0] =	vst.idx.add.f32.msk vm0, v2  }
0x124: {  	v1 =	vld [tilespmem:$0xB80];
	_ =	sdelay $0x4  }
0x125: {  	(xrf1) =	vunique.msk.u32 $0xffff, v1;
	_ =	sdelay $0xd  }
0x126: {  	_, v2, vm0 =	vpop (xrf1);
	_ =	sdelay $0x3  }
0x127: {  	v2 =	vcvt.s32.f32 v2;
	_ =	sdelay $0x1  }
0x128: {  	[tilespmem:v1+s15+$0x0] =	vst.idx.add.f32.msk vm0, v2  }
0x129: {  	v1 =	vld [tilespmem:$0xB90];
	_ =	sdelay $0x4  }
0x12a: {  	(xrf1) =	vunique.msk.u32 $0xffff, v1;
	_ =	sdelay $0xd  }
0x12b: {  	_, v2, vm0 =	vpop (xrf1);
	_ =	sdelay $0x3  }
0x12c: {  	v2 =	vcvt.s32.f32 v2;
	_ =	sdelay $0x1  }
0x12d: {  	[tilespmem:v1+s15+$0x0] =	vst.idx.add.f32.msk vm0, v2  }
0x12e: {  	v1 =	vld [tilespmem:$0xBA0];
	_ =	sdelay $0x4  }
0x12f: {  	(xrf1) =	vunique.msk.u32 $0xffff, v1;
	_ =	sdelay $0xd  }
0x130: {  	_, v2, vm0 =	vpop (xrf1);
	_ =	sdelay $0x3  }
0x131: {  	v2 =	vcvt.s32.f32 v2;
	_ =	sdelay $0x1  }
0x132: {  	[tilespmem:v1+s15+$0x0] =	vst.idx.add.f32.msk vm0, v2  }
0x133: {  	v1 =	vld [tilespmem:$0xBB0];
	_ =	sdelay $0x4  }
0x134: {  	(xrf1) =	vunique.msk.u32 $0xffff, v1;
	_ =	sdelay $0xd  }
0x135: {  	_, v2, vm0 =	vpop (xrf1);
	_ =	sdelay $0x3  }
0x136: {  	v2 =	vcvt.s32.f32 v2;
	_ =	sdelay $0x1  }
0x137: {  	[tilespmem:v1+s15+$0x0] =	vst.idx.add.f32.msk vm0, v2  }
0x138: {  	_ =	swait.ge [sflag:s16], $0x2000  }
0x139: {  	[sflag:s16] =	ssyncset.done $0x0  }
0x13a: {  	[sflag:s16] =	ssyncadd.s32 $0xFFFFE000  }
0x13b: {  	[spmem:s3] =	stream.indirect.scatter.add.f32 [tilespmem:s31], [sflag:$0x5], $0x80, s6, s8, $0xb8;
	[tilespmem:$0x1F380] =	vst v63  }
0x13c: {  	_ =	swait.ge [sflag:s0], $0x2000  }
0x13d: {  	[sflag:s0] =	ssyncset.done $0x0  }
0x13e: {  	s25 =	rddreg [dreg:$0xb];
	[sflag:s0] =	ssyncadd.s32 $0xFFFFE000  }
0x13f: {  	[tilespmem:s31], [sflag:$0x1] =	stream.indirect.gather [hbm4b:s2+s8], $0x80, s25, s8, $0xb8;
	[tilespmem:$0x1F380] =	vst v63  }
0x140: {  	_ =	swait.ge [sflag:s17], $0x2000  }
0x141: {  	[sflag:s17] =	ssyncset.done $0x0  }
0x142: {  	s26 =	rddreg [dreg:$0xc];
	[sflag:s17] =	ssyncadd.s32 $0xFFFFE000  }
0x143: {  	[spmem:s3] =	stream.indirect.scatter.add.f32 [tilespmem:s10], [sflag:$0x6], $0x80, s26, s8, $0xb8;
	[tilespmem:$0x1F380] =	vst v63  }
0x144: {  	_ =	swait.ge [sflag:s5], $0x2000  }
0x145: {  	[sflag:s5] =	ssyncset.done $0x0  }
0x146: {  	s25 =	rddreg [dreg:$0xd];
	[sflag:s5] =	ssyncadd.s32 $0xFFFFE000  }
0x147: {  	[tilespmem:s10], [sflag:$0x2] =	stream.indirect.gather [hbm4b:s2+s8], $0x80, s25, s8, $0xb8;
	[tilespmem:$0x1F380] =	vst v63  }
0x148: {  	_ =	swait.ge [sflag:s29], $0x2000  }
0x149: {  	[sflag:s29] =	ssyncset.done $0x0  }
0x14a: {  	s26 =	rddreg [dreg:$0xe];
	[sflag:s29] =	ssyncadd.s32 $0xFFFFE000  }
0x14b: {  	[spmem:s3] =	stream.indirect.scatter.add.f32 [tilespmem:s11], [sflag:$0x7], $0x80, s26, s8, $0xb8;
	[tilespmem:$0x1F380] =	vst v63  }
0x14c: {  	_ =	swait.ge [sflag:s30], $0x2000  }
0x14d: {  	[sflag:s30] =	ssyncset.done $0x0  }
0x14e: {  	s25 =	rddreg [dreg:$0xf];
	[sflag:s30] =	ssyncadd.s32 $0xFFFFE000  }
0x14f: {  	[tilespmem:s11], [sflag:$0x3] =	stream.indirect.gather [hbm4b:s2+s8], $0x80, s25, s8, $0xb8;
	[tilespmem:$0x1F380] =	vst v63  }
0x150: {  	_ =	swait.ge [sflag:s18], $0x2000  }
0x151: {  	[sflag:s18] =	ssyncset.done $0x0  }
0x152: {  	s26 =	rddreg [dreg:$0x10];
	[sflag:s18] =	ssyncadd.s32 $0xFFFFE000  }
0x153: {  	[spmem:s3] =	stream.indirect.scatter.add.f32 [tilespmem:s12], [sflag:$0x8], $0x80, s26, s8, $0xb8;
	[tilespmem:$0x1F380] =	vst v63  }
0x154: {  	_ =	swait.ge [sflag:s19], $0x2000  }
0x155: {  	[sflag:s19] =	ssyncset.done $0x0  }
0x156: {  	s25 =	rddreg [dreg:$0x11];
	[sflag:s19] =	ssyncadd.s32 $0xFFFFE000  }
0x157: {  	[tilespmem:s12], [sflag:$0x4] =	stream.indirect.gather [hbm4b:s2+s8], $0x80, s25, s8, $0xb8;
	[tilespmem:$0x1F380] =	vst v63  }
0x158: {  	_ =	swait.ge [sflag:s16], $0x2000  }
0x159: {  	[sflag:s16] =	ssyncset.done $0x0  }
0x15a: {  	s26 =	rddreg [dreg:$0x12];
	[sflag:s16] =	ssyncadd.s32 $0xFFFFE000  }
0x15b: {  	[spmem:s3] =	stream.indirect.scatter.add.f32 [tilespmem:s31], [sflag:$0x5], $0x80, s26, s8, $0xb8;
	[tilespmem:$0x1F380] =	vst v63  }
0x15c: {  	_ =	swait.ge [sflag:s17], $0x2000  }
0x15d: {  	[sflag:s17] =	ssyncset.done $0x0  }
0x15e: {  	s25 =	rddreg [dreg:$0x13];
	[sflag:s17] =	ssyncadd.s32 $0xFFFFE000  }
0x15f: {  	[spmem:s3] =	stream.indirect.scatter.add.f32 [tilespmem:s10], [sflag:$0x6], $0x80, s25, s8, $0xb8;
	[tilespmem:$0x1F380] =	vst v63  }
0x160: {  	_ =	swait.ge [sflag:s29], $0x2000  }
0x161: {  	[sflag:s29] =	ssyncset.done $0x0  }
0x162: {  	s26 =	rddreg [dreg:$0x14];
	[sflag:s29] =	ssyncadd.s32 $0xFFFFE000  }
0x163: {  	[spmem:s3] =	stream.indirect.scatter.add.f32 [tilespmem:s11], [sflag:$0x7], $0x80, s26, s8, $0xb8;
	[tilespmem:$0x1F380] =	vst v63  }
0x164: {  	_ =	swait.ge [sflag:s18], $0x2000  }
0x165: {  	[sflag:s18] =	ssyncset.done $0x0  }
0x166: {  	s25 =	rddreg [dreg:$0x15];
	[sflag:s18] =	ssyncadd.s32 $0xFFFFE000  }
0x167: {  	[spmem:s3] =	stream.indirect.scatter.add.f32 [tilespmem:s12], [sflag:$0x8], $0x80, s25, s8, $0xb8;
	[tilespmem:$0x1F380] =	vst v63  }
0x168: {  	_ =	swait.ge [sflag:s0], $0x2000  }
0x169: {  	[sflag:s0] =	ssyncset.done $0x0  }
0x16a: {  	[sflag:s0] =	ssyncadd.s32 $0xFFFFE000  }
0x16b: {  	_ =	swait.ge [sflag:s5], $0x2000  }
0x16c: {  	[sflag:s5] =	ssyncset.done $0x0  }
0x16d: {  	[sflag:s5] =	ssyncadd.s32 $0xFFFFE000  }
0x16e: {  	_ =	swait.ge [sflag:s30], $0x2000  }
0x16f: {  	[sflag:s30] =	ssyncset.done $0x0  }
0x170: {  	[sflag:s30] =	ssyncadd.s32 $0xFFFFE000  }
0x171: {  	_ =	swait.ge [sflag:s19], $0x2000  }
0x172: {  	[sflag:s19] =	ssyncset.done $0x0  }
0x173: {  	[sflag:s19] =	ssyncadd.s32 $0xFFFFE000  }
0x174: {  	_ =	swait.ge [sflag:s20], $0x400  }
0x175: {  	[sflag:s20] =	ssyncset.done $0x0  }
0x176: {  	[sflag:s20] =	ssyncadd.s32 $0xFFFFFC00  }
0x177: {  	_ =	swait.ge [sflag:s20], $0x400  }
0x178: {  	[sflag:s20] =	ssyncset.done $0x0  }
0x179: {  	s26 =	rddreg [dreg:$0x16];
	[sflag:s20] =	ssyncadd.s32 $0xFFFFFC00  }
0x17a: {  	[tilespmem:s31], [sflag:$0x1] =	stream.indirect.gather [hbm4b:s2+s8], $0x80, s13, s8, $0xb8;
	[tilespmem:$0x1F380] =	vst v63  }
0x17b: {  	s25 =	rddreg [dreg:$0x17]  }
0x17c: {  	[tilespmem:s10], [sflag:$0x2] =	stream.indirect.gather [hbm4b:s2+s8], $0x80, s26, s8, $0xb8;
	[tilespmem:$0x1F380] =	vst v63  }
0x17d: {  	s26 =	rddreg [dreg:$0x18]  }
0x17e: {  	[tilespmem:s11], [sflag:$0x3] =	stream.indirect.gather [hbm4b:s2+s8], $0x80, s25, s8, $0xb8;
	[tilespmem:$0x1F380] =	vst v63  }
0x17f: {  	p0 =	seq.s32 s23, $0x900;
	s25 =	rddreg [dreg:$0x5]  }
0x180: {  	[tilespmem:s12], [sflag:$0x4] =	stream.indirect.gather [hbm4b:s2+s8], $0x80, s26, s8, $0xb8;
	[tilespmem:$0x1F380] =	vst v63  }
0x181: {  	s24 =	rddreg [dreg:$0x6];
	s25 =	sadd.s32 @!p0 s23, s25;
	s26 =	simm.s32 @!p0 $0x0  }
0x182: {  	[tilespmem:s26], [sflag:$0x9] =	stream.linear.gather @!p0 [hbm4b:s25+s26], $0x400, $0x38;
	[tilespmem:$0x1F380] =	vst v63  }
0x183: {  	s24 =	sadd.s32 @!p0 s23, s24;
	s25 =	simm.s32 @!p0 $0x800  }
0x184: {  	[tilespmem:s25], [sflag:$0x9] =	stream.linear.gather @!p0 [hbm4b:s24+s26], $0x400, $0x38;
	[tilespmem:$0x1F380] =	vst v63  }
0x185: {  	v1 =	vld [tilespmem:$0xC00];
	_ =	sdelay $0x4  }
0x186: {  	(xrf1) =	vunique.msk.u32 $0xffff, v1;
	_ =	sdelay $0xd  }
0x187: {  	_, v2, vm0 =	vpop (xrf1);
	_ =	sdelay $0x3  }
0x188: {  	v2 =	vcvt.s32.f32 v2;
	_ =	sdelay $0x1  }
0x189: {  	[tilespmem:v1+s15+$0x0] =	vst.idx.add.f32.msk vm0, v2  }
0x18a: {  	v1 =	vld [tilespmem:$0xC10];
	_ =	sdelay $0x4  }
0x18b: {  	(xrf1) =	vunique.msk.u32 $0xffff, v1;
	_ =	sdelay $0xd  }
0x18c: {  	_, v2, vm0 =	vpop (xrf1);
	_ =	sdelay $0x3  }
0x18d: {  	v2 =	vcvt.s32.f32 v2;
	_ =	sdelay $0x1  }
0x18e: {  	[tilespmem:v1+s15+$0x0] =	vst.idx.add.f32.msk vm0, v2  }
0x18f: {  	v1 =	vld [tilespmem:$0xC20];
	_ =	sdelay $0x4  }
0x190: {  	(xrf1) =	vunique.msk.u32 $0xffff, v1;
	_ =	sdelay $0xd  }
0x191: {  	_, v2, vm0 =	vpop (xrf1);
	_ =	sdelay $0x3  }
0x192: {  	v2 =	vcvt.s32.f32 v2;
	_ =	sdelay $0x1  }
0x193: {  	[tilespmem:v1+s15+$0x0] =	vst.idx.add.f32.msk vm0, v2  }
0x194: {  	v1 =	vld [tilespmem:$0xC30];
	_ =	sdelay $0x4  }
0x195: {  	(xrf1) =	vunique.msk.u32 $0xffff, v1;
	_ =	sdelay $0xd  }
0x196: {  	_, v2, vm0 =	vpop (xrf1);
	_ =	sdelay $0x3  }
0x197: {  	v2 =	vcvt.s32.f32 v2;
	_ =	sdelay $0x1  }
0x198: {  	[tilespmem:v1+s15+$0x0] =	vst.idx.add.f32.msk vm0, v2  }
0x199: {  	v1 =	vld [tilespmem:$0xC80];
	_ =	sdelay $0x4  }
0x19a: {  	(xrf1) =	vunique.msk.u32 $0xffff, v1;
	_ =	sdelay $0xd  }
0x19b: {  	_, v2, vm0 =	vpop (xrf1);
	_ =	sdelay $0x3  }
0x19c: {  	v2 =	vcvt.s32.f32 v2;
	_ =	sdelay $0x1  }
0x19d: {  	[tilespmem:v1+s15+$0x0] =	vst.idx.add.f32.msk vm0, v2  }
0x19e: {  	v1 =	vld [tilespmem:$0xC90];
	_ =	sdelay $0x4  }
0x19f: {  	(xrf1) =	vunique.msk.u32 $0xffff, v1;
	_ =	sdelay $0xd  }
0x1a0: {  	_, v2, vm0 =	vpop (xrf1);
	_ =	sdelay $0x3  }
0x1a1: {  	v2 =	vcvt.s32.f32 v2;
	_ =	sdelay $0x1  }
0x1a2: {  	[tilespmem:v1+s15+$0x0] =	vst.idx.add.f32.msk vm0, v2  }
0x1a3: {  	v1 =	vld [tilespmem:$0xCA0];
	_ =	sdelay $0x4  }
0x1a4: {  	(xrf1) =	vunique.msk.u32 $0xffff, v1;
	_ =	sdelay $0xd  }
0x1a5: {  	_, v2, vm0 =	vpop (xrf1);
	_ =	sdelay $0x3  }
0x1a6: {  	v2 =	vcvt.s32.f32 v2;
	_ =	sdelay $0x1  }
0x1a7: {  	[tilespmem:v1+s15+$0x0] =	vst.idx.add.f32.msk vm0, v2  }
0x1a8: {  	v1 =	vld [tilespmem:$0xCB0];
	_ =	sdelay $0x4  }
0x1a9: {  	(xrf1) =	vunique.msk.u32 $0xffff, v1;
	_ =	sdelay $0xd  }
0x1aa: {  	_, v2, vm0 =	vpop (xrf1);
	_ =	sdelay $0x3  }
0x1ab: {  	v2 =	vcvt.s32.f32 v2;
	_ =	sdelay $0x1  }
0x1ac: {  	[tilespmem:v1+s15+$0x0] =	vst.idx.add.f32.msk vm0, v2  }
0x1ad: {  	v1 =	vld [tilespmem:$0xD00];
	_ =	sdelay $0x4  }
0x1ae: {  	(xrf1) =	vunique.msk.u32 $0xffff, v1;
	_ =	sdelay $0xd  }
0x1af: {  	_, v2, vm0 =	vpop (xrf1);
	_ =	sdelay $0x3  }
0x1b0: {  	v2 =	vcvt.s32.f32 v2;
	_ =	sdelay $0x1  }
0x1b1: {  	[tilespmem:v1+s15+$0x0] =	vst.idx.add.f32.msk vm0, v2  }
0x1b2: {  	v1 =	vld [tilespmem:$0xD10];
	_ =	sdelay $0x4  }
0x1b3: {  	(xrf1) =	vunique.msk.u32 $0xffff, v1;
	_ =	sdelay $0xd  }
0x1b4: {  	_, v2, vm0 =	vpop (xrf1);
	_ =	sdelay $0x3  }
0x1b5: {  	v2 =	vcvt.s32.f32 v2;
	_ =	sdelay $0x1  }
0x1b6: {  	[tilespmem:v1+s15+$0x0] =	vst.idx.add.f32.msk vm0, v2  }
0x1b7: {  	v1 =	vld [tilespmem:$0xD20];
	_ =	sdelay $0x4  }
0x1b8: {  	(xrf1) =	vunique.msk.u32 $0xffff, v1;
	_ =	sdelay $0xd  }
0x1b9: {  	_, v2, vm0 =	vpop (xrf1);
	_ =	sdelay $0x3  }
0x1ba: {  	v2 =	vcvt.s32.f32 v2;
	_ =	sdelay $0x1  }
0x1bb: {  	[tilespmem:v1+s15+$0x0] =	vst.idx.add.f32.msk vm0, v2  }
0x1bc: {  	v1 =	vld [tilespmem:$0xD30];
	_ =	sdelay $0x4  }
0x1bd: {  	(xrf1) =	vunique.msk.u32 $0xffff, v1;
	_ =	sdelay $0xd  }
0x1be: {  	_, v2, vm0 =	vpop (xrf1);
	_ =	sdelay $0x3  }
0x1bf: {  	v2 =	vcvt.s32.f32 v2;
	_ =	sdelay $0x1  }
0x1c0: {  	[tilespmem:v1+s15+$0x0] =	vst.idx.add.f32.msk vm0, v2  }
0x1c1: {  	v1 =	vld [tilespmem:$0xD80];
	_ =	sdelay $0x4  }
0x1c2: {  	(xrf1) =	vunique.msk.u32 $0xffff, v1;
	_ =	sdelay $0xd  }
0x1c3: {  	_, v2, vm0 =	vpop (xrf1);
	_ =	sdelay $0x3  }
0x1c4: {  	v2 =	vcvt.s32.f32 v2;
	_ =	sdelay $0x1  }
0x1c5: {  	[tilespmem:v1+s15+$0x0] =	vst.idx.add.f32.msk vm0, v2  }
0x1c6: {  	v1 =	vld [tilespmem:$0xD90];
	_ =	sdelay $0x4  }
0x1c7: {  	(xrf1) =	vunique.msk.u32 $0xffff, v1;
	_ =	sdelay $0xd  }
0x1c8: {  	_, v2, vm0 =	vpop (xrf1);
	_ =	sdelay $0x3  }
0x1c9: {  	v2 =	vcvt.s32.f32 v2;
	_ =	sdelay $0x1  }
0x1ca: {  	[tilespmem:v1+s15+$0x0] =	vst.idx.add.f32.msk vm0, v2  }
0x1cb: {  	v1 =	vld [tilespmem:$0xDA0];
	_ =	sdelay $0x4  }
0x1cc: {  	(xrf1) =	vunique.msk.u32 $0xffff, v1;
	_ =	sdelay $0xd  }
0x1cd: {  	_, v2, vm0 =	vpop (xrf1);
	_ =	sdelay $0x3  }
0x1ce: {  	v2 =	vcvt.s32.f32 v2;
	_ =	sdelay $0x1  }
0x1cf: {  	[tilespmem:v1+s15+$0x0] =	vst.idx.add.f32.msk vm0, v2  }
0x1d0: {  	v1 =	vld [tilespmem:$0xDB0];
	_ =	sdelay $0x4  }
0x1d1: {  	(xrf1) =	vunique.msk.u32 $0xffff, v1;
	_ =	sdelay $0xd  }
0x1d2: {  	_, v2, vm0 =	vpop (xrf1);
	_ =	sdelay $0x3  }
0x1d3: {  	v2 =	vcvt.s32.f32 v2;
	_ =	sdelay $0x1  }
0x1d4: {  	[tilespmem:v1+s15+$0x0] =	vst.idx.add.f32.msk vm0, v2  }
0x1d5: {  	v1 =	vld [tilespmem:$0xE00];
	_ =	sdelay $0x4  }
0x1d6: {  	(xrf1) =	vunique.msk.u32 $0xffff, v1;
	_ =	sdelay $0xd  }
0x1d7: {  	_, v2, vm0 =	vpop (xrf1);
	_ =	sdelay $0x3  }
0x1d8: {  	v2 =	vcvt.s32.f32 v2;
	_ =	sdelay $0x1  }
0x1d9: {  	[tilespmem:v1+s15+$0x0] =	vst.idx.add.f32.msk vm0, v2  }
0x1da: {  	v1 =	vld [tilespmem:$0xE10];
	_ =	sdelay $0x4  }
0x1db: {  	(xrf1) =	vunique.msk.u32 $0xffff, v1;
	_ =	sdelay $0xd  }
0x1dc: {  	_, v2, vm0 =	vpop (xrf1);
	_ =	sdelay $0x3  }
0x1dd: {  	v2 =	vcvt.s32.f32 v2;
	_ =	sdelay $0x1  }
0x1de: {  	[tilespmem:v1+s15+$0x0] =	vst.idx.add.f32.msk vm0, v2  }
0x1df: {  	v1 =	vld [tilespmem:$0xE20];
	_ =	sdelay $0x4  }
0x1e0: {  	(xrf1) =	vunique.msk.u32 $0xffff, v1;
	_ =	sdelay $0xd  }
0x1e1: {  	_, v2, vm0 =	vpop (xrf1);
	_ =	sdelay $0x3  }
0x1e2: {  	v2 =	vcvt.s32.f32 v2;
	_ =	sdelay $0x1  }
0x1e3: {  	[tilespmem:v1+s15+$0x0] =	vst.idx.add.f32.msk vm0, v2  }
0x1e4: {  	v1 =	vld [tilespmem:$0xE30];
	_ =	sdelay $0x4  }
0x1e5: {  	(xrf1) =	vunique.msk.u32 $0xffff, v1;
	_ =	sdelay $0xd  }
0x1e6: {  	_, v2, vm0 =	vpop (xrf1);
	_ =	sdelay $0x3  }
0x1e7: {  	v2 =	vcvt.s32.f32 v2;
	_ =	sdelay $0x1  }
0x1e8: {  	[tilespmem:v1+s15+$0x0] =	vst.idx.add.f32.msk vm0, v2  }
0x1e9: {  	v1 =	vld [tilespmem:$0xE80];
	_ =	sdelay $0x4  }
0x1ea: {  	(xrf1) =	vunique.msk.u32 $0xffff, v1;
	_ =	sdelay $0xd  }
0x1eb: {  	_, v2, vm0 =	vpop (xrf1);
	_ =	sdelay $0x3  }
0x1ec: {  	v2 =	vcvt.s32.f32 v2;
	_ =	sdelay $0x1  }
0x1ed: {  	[tilespmem:v1+s15+$0x0] =	vst.idx.add.f32.msk vm0, v2  }
0x1ee: {  	v1 =	vld [tilespmem:$0xE90];
	_ =	sdelay $0x4  }
0x1ef: {  	(xrf1) =	vunique.msk.u32 $0xffff, v1;
	_ =	sdelay $0xd  }
0x1f0: {  	_, v2, vm0 =	vpop (xrf1);
	_ =	sdelay $0x3  }
0x1f1: {  	v2 =	vcvt.s32.f32 v2;
	_ =	sdelay $0x1  }
0x1f2: {  	[tilespmem:v1+s15+$0x0] =	vst.idx.add.f32.msk vm0, v2  }
0x1f3: {  	v1 =	vld [tilespmem:$0xEA0];
	_ =	sdelay $0x4  }
0x1f4: {  	(xrf1) =	vunique.msk.u32 $0xffff, v1;
	_ =	sdelay $0xd  }
0x1f5: {  	_, v2, vm0 =	vpop (xrf1);
	_ =	sdelay $0x3  }
0x1f6: {  	v2 =	vcvt.s32.f32 v2;
	_ =	sdelay $0x1  }
0x1f7: {  	[tilespmem:v1+s15+$0x0] =	vst.idx.add.f32.msk vm0, v2  }
0x1f8: {  	v1 =	vld [tilespmem:$0xEB0];
	_ =	sdelay $0x4  }
0x1f9: {  	(xrf1) =	vunique.msk.u32 $0xffff, v1;
	_ =	sdelay $0xd  }
0x1fa: {  	_, v2, vm0 =	vpop (xrf1);
	_ =	sdelay $0x3  }
0x1fb: {  	v2 =	vcvt.s32.f32 v2;
	_ =	sdelay $0x1  }
0x1fc: {  	[tilespmem:v1+s15+$0x0] =	vst.idx.add.f32.msk vm0, v2  }
0x1fd: {  	v1 =	vld [tilespmem:$0xF00];
	_ =	sdelay $0x4  }
0x1fe: {  	(xrf1) =	vunique.msk.u32 $0xffff, v1;
	_ =	sdelay $0xd  }
0x1ff: {  	_, v2, vm0 =	vpop (xrf1);
	_ =	sdelay $0x3  }
0x200: {  	v2 =	vcvt.s32.f32 v2;
	_ =	sdelay $0x1  }
0x201: {  	[tilespmem:v1+s15+$0x0] =	vst.idx.add.f32.msk vm0, v2  }
0x202: {  	v1 =	vld [tilespmem:$0xF10];
	_ =	sdelay $0x4  }
0x203: {  	(xrf1) =	vunique.msk.u32 $0xffff, v1;
	_ =	sdelay $0xd  }
0x204: {  	_, v2, vm0 =	vpop (xrf1);
	_ =	sdelay $0x3  }
0x205: {  	v2 =	vcvt.s32.f32 v2;
	_ =	sdelay $0x1  }
0x206: {  	[tilespmem:v1+s15+$0x0] =	vst.idx.add.f32.msk vm0, v2  }
0x207: {  	v1 =	vld [tilespmem:$0xF20];
	_ =	sdelay $0x4  }
0x208: {  	(xrf1) =	vunique.msk.u32 $0xffff, v1;
	_ =	sdelay $0xd  }
0x209: {  	_, v2, vm0 =	vpop (xrf1);
	_ =	sdelay $0x3  }
0x20a: {  	v2 =	vcvt.s32.f32 v2;
	_ =	sdelay $0x1  }
0x20b: {  	[tilespmem:v1+s15+$0x0] =	vst.idx.add.f32.msk vm0, v2  }
0x20c: {  	v1 =	vld [tilespmem:$0xF30];
	_ =	sdelay $0x4  }
0x20d: {  	(xrf1) =	vunique.msk.u32 $0xffff, v1;
	_ =	sdelay $0xd  }
0x20e: {  	_, v2, vm0 =	vpop (xrf1);
	_ =	sdelay $0x3  }
0x20f: {  	v2 =	vcvt.s32.f32 v2;
	_ =	sdelay $0x1  }
0x210: {  	[tilespmem:v1+s15+$0x0] =	vst.idx.add.f32.msk vm0, v2  }
0x211: {  	v1 =	vld [tilespmem:$0xF80];
	_ =	sdelay $0x4  }
0x212: {  	(xrf1) =	vunique.msk.u32 $0xffff, v1;
	_ =	sdelay $0xd  }
0x213: {  	_, v2, vm0 =	vpop (xrf1);
	_ =	sdelay $0x3  }
0x214: {  	v2 =	vcvt.s32.f32 v2;
	_ =	sdelay $0x1  }
0x215: {  	[tilespmem:v1+s15+$0x0] =	vst.idx.add.f32.msk vm0, v2  }
0x216: {  	v1 =	vld [tilespmem:$0xF90];
	_ =	sdelay $0x4  }
0x217: {  	(xrf1) =	vunique.msk.u32 $0xffff, v1;
	_ =	sdelay $0xd  }
0x218: {  	_, v2, vm0 =	vpop (xrf1);
	_ =	sdelay $0x3  }
0x219: {  	v2 =	vcvt.s32.f32 v2;
	_ =	sdelay $0x1  }
0x21a: {  	[tilespmem:v1+s15+$0x0] =	vst.idx.add.f32.msk vm0, v2  }
0x21b: {  	v1 =	vld [tilespmem:$0xFA0];
	_ =	sdelay $0x4  }
0x21c: {  	(xrf1) =	vunique.msk.u32 $0xffff, v1;
	_ =	sdelay $0xd  }
0x21d: {  	_, v2, vm0 =	vpop (xrf1);
	_ =	sdelay $0x3  }
0x21e: {  	v2 =	vcvt.s32.f32 v2;
	_ =	sdelay $0x1  }
0x21f: {  	[tilespmem:v1+s15+$0x0] =	vst.idx.add.f32.msk vm0, v2  }
0x220: {  	v1 =	vld [tilespmem:$0xFB0];
	_ =	sdelay $0x4  }
0x221: {  	(xrf1) =	vunique.msk.u32 $0xffff, v1;
	_ =	sdelay $0xd  }
0x222: {  	_, v2, vm0 =	vpop (xrf1);
	_ =	sdelay $0x3  }
0x223: {  	v2 =	vcvt.s32.f32 v2;
	_ =	sdelay $0x1  }
0x224: {  	[tilespmem:v1+s15+$0x0] =	vst.idx.add.f32.msk vm0, v2  }
0x225: {  	_ =	swait.ge [sflag:s16], $0x2000  }
0x226: {  	[sflag:s16] =	ssyncset.done $0x0  }
0x227: {  	[sflag:s16] =	ssyncadd.s32 $0xFFFFE000  }
0x228: {  	[spmem:s3] =	stream.indirect.scatter.add.f32 [tilespmem:s31], [sflag:$0x5], $0x80, s14, s8, $0xb8;
	[tilespmem:$0x1F380] =	vst v63  }
0x229: {  	_ =	swait.ge [sflag:s0], $0x2000  }
0x22a: {  	[sflag:s0] =	ssyncset.done $0x0  }
0x22b: {  	s25 =	rddreg [dreg:$0x19];
	[sflag:s0] =	ssyncadd.s32 $0xFFFFE000  }
0x22c: {  	[tilespmem:s31], [sflag:$0x1] =	stream.indirect.gather [hbm4b:s2+s8], $0x80, s25, s8, $0xb8;
	[tilespmem:$0x1F380] =	vst v63  }
0x22d: {  	_ =	swait.ge [sflag:s17], $0x2000  }
0x22e: {  	[sflag:s17] =	ssyncset.done $0x0  }
0x22f: {  	s26 =	rddreg [dreg:$0x1a];
	[sflag:s17] =	ssyncadd.s32 $0xFFFFE000  }
0x230: {  	[spmem:s3] =	stream.indirect.scatter.add.f32 [tilespmem:s10], [sflag:$0x6], $0x80, s26, s8, $0xb8;
	[tilespmem:$0x1F380] =	vst v63  }
0x231: {  	_ =	swait.ge [sflag:s5], $0x2000  }
0x232: {  	[sflag:s5] =	ssyncset.done $0x0  }
0x233: {  	s25 =	rddreg [dreg:$0x1b];
	[sflag:s5] =	ssyncadd.s32 $0xFFFFE000  }
0x234: {  	[tilespmem:s10], [sflag:$0x2] =	stream.indirect.gather [hbm4b:s2+s8], $0x80, s25, s8, $0xb8;
	[tilespmem:$0x1F380] =	vst v63  }
0x235: {  	_ =	swait.ge [sflag:s29], $0x2000  }
0x236: {  	[sflag:s29] =	ssyncset.done $0x0  }
0x237: {  	s26 =	rddreg [dreg:$0x1c];
	[sflag:s29] =	ssyncadd.s32 $0xFFFFE000  }
0x238: {  	[spmem:s3] =	stream.indirect.scatter.add.f32 [tilespmem:s11], [sflag:$0x7], $0x80, s26, s8, $0xb8;
	[tilespmem:$0x1F380] =	vst v63  }
0x239: {  	_ =	swait.ge [sflag:s30], $0x2000  }
0x23a: {  	[sflag:s30] =	ssyncset.done $0x0  }
0x23b: {  	s25 =	rddreg [dreg:$0x1d];
	[sflag:s30] =	ssyncadd.s32 $0xFFFFE000  }
0x23c: {  	[tilespmem:s11], [sflag:$0x3] =	stream.indirect.gather [hbm4b:s2+s8], $0x80, s25, s8, $0xb8;
	[tilespmem:$0x1F380] =	vst v63  }
0x23d: {  	_ =	swait.ge [sflag:s18], $0x2000  }
0x23e: {  	[sflag:s18] =	ssyncset.done $0x0  }
0x23f: {  	s26 =	rddreg [dreg:$0x1e];
	[sflag:s18] =	ssyncadd.s32 $0xFFFFE000  }
0x240: {  	[spmem:s3] =	stream.indirect.scatter.add.f32 [tilespmem:s12], [sflag:$0x8], $0x80, s26, s8, $0xb8;
	[tilespmem:$0x1F380] =	vst v63  }
0x241: {  	_ =	swait.ge [sflag:s19], $0x2000  }
0x242: {  	[sflag:s19] =	ssyncset.done $0x0  }
0x243: {  	s25 =	rddreg [dreg:$0x1f];
	[sflag:s19] =	ssyncadd.s32 $0xFFFFE000  }
0x244: {  	[tilespmem:s12], [sflag:$0x4] =	stream.indirect.gather [hbm4b:s2+s8], $0x80, s25, s8, $0xb8;
	[tilespmem:$0x1F380] =	vst v63  }
0x245: {  	_ =	swait.ge [sflag:s16], $0x2000  }
0x246: {  	s26 =	sld [smem:$0x7EF]  }
0x247: {  	[sflag:s16] =	ssyncset.done $0x0  }
0x248: {  	[sflag:s16] =	ssyncadd.s32 $0xFFFFE000  }
0x249: {  	[spmem:s3] =	stream.indirect.scatter.add.f32 [tilespmem:s31], [sflag:$0x5], $0x80, s26, s8, $0xb8;
	[tilespmem:$0x1F380] =	vst v63  }
0x24a: {  	_ =	swait.ge [sflag:s17], $0x2000  }
0x24b: {  	s25 =	sld [smem:$0x7F0]  }
0x24c: {  	[sflag:s17] =	ssyncset.done $0x0  }
0x24d: {  	[sflag:s17] =	ssyncadd.s32 $0xFFFFE000  }
0x24e: {  	[spmem:s3] =	stream.indirect.scatter.add.f32 [tilespmem:s10], [sflag:$0x6], $0x80, s25, s8, $0xb8;
	[tilespmem:$0x1F380] =	vst v63  }
0x24f: {  	_ =	swait.ge [sflag:s29], $0x2000  }
0x250: {  	s26 =	sld [smem:$0x7F1]  }
0x251: {  	[sflag:s29] =	ssyncset.done $0x0  }
0x252: {  	[sflag:s29] =	ssyncadd.s32 $0xFFFFE000  }
0x253: {  	[spmem:s3] =	stream.indirect.scatter.add.f32 [tilespmem:s11], [sflag:$0x7], $0x80, s26, s8, $0xb8;
	[tilespmem:$0x1F380] =	vst v63  }
0x254: {  	_ =	swait.ge [sflag:s18], $0x2000  }
0x255: {  	[sflag:s18] =	ssyncset.done $0x0  }
0x256: {  	[sflag:s18] =	ssyncadd.s32 $0xFFFFE000  }
0x257: {  	[spmem:s3] =	stream.indirect.scatter.add.f32 [tilespmem:s12], [sflag:$0x8], $0x80, s21, s8, $0xb8;
	[tilespmem:$0x1F380] =	vst v63  }
0x258: {  	_ =	swait.ge [sflag:s0], $0x2000  }
0x259: {  	[sflag:s0] =	ssyncset.done $0x0  }
0x25a: {  	[sflag:s0] =	ssyncadd.s32 $0xFFFFE000  }
0x25b: {  	_ =	swait.ge [sflag:s5], $0x2000  }
0x25c: {  	[sflag:s5] =	ssyncset.done $0x0  }
0x25d: {  	s23 =	sadd.s32 $0x100, s23;
	[sflag:s5] =	ssyncadd.s32 $0xFFFFE000  }
0x25e: {  	p0 =	sne.s32 s23, $0xA00;
	_ =	swait.ge [sflag:s30], $0x2000  }
.Ltmp1:
0x25f: {  	[sflag:s30] =	ssyncset.done $0x0;
	(pc) =	sbr.rel @p0 .LBB2_4-.Ltmp1, $4  }
0x260: {  	[sflag:s30] =	ssyncadd.s32 $0xFFFFE000  }
0x261: {  	_ =	swait.ge [sflag:s19], $0x2000  }
0x262: {  	[sflag:s19] =	ssyncset.done $0x0  }
0x263: {  	[sflag:s19] =	ssyncadd.s32 $0xFFFFE000  }
0x264: {  	s23 =	sld [smem:$0x7FB];
	_ =	sdelay $0x2  }
0x265: {  	[hbm4b:s23+s9] =	stream.strided.scatter [tilespmem:s15], [sflag:$0xB], $0x2780, s13, s9, $0x38;
	[tilespmem:$0x1F380] =	vst v63  }
0x266: {  	_ =	swait.ge [sflag:s1], $0x2780  }
0x267: {  	[sflag:s1] =	ssyncset.done $0x0  }
0x268: {  	[sflag:s1] =	ssyncadd.s32 $0xFFFFD880  }
0x269: {  	[bflag:$0x0] =	sbarrier.arrive $0xFFFF  }
0x26a: {  	[tilespmem:s31], [sflag:$0x1] =	stream.linear.gather [spmem:s28], $0x2000, $0x38;
	[tilespmem:$0x1F380] =	vst v63  }
0x26b: {  	_ =	swait.ge [sflag:s16], $0x2000  }
0x26c: {  	s25 =	smov.u32 s28;
	s28 =	sld [smem:$0x7E5]  }
0x26d: {  	[sflag:s16] =	ssyncset.done $0x0  }
0x26e: {  	s26 =	sld [smem:$0x7FD];
	[sflag:s16] =	ssyncadd.s32 $0xFFFFE000  }
0x26f: {  	[hbm4b:s28+s4] =	stream.linear.scatter [tilespmem:s31], [sflag:$0x5], $0x2000, $0x38;
	[tilespmem:$0x1F380] =	vst v63  }
0x270: {  	_ = 	snop  }
0x271: {  	[tilespmem:s10], [sflag:$0x2] =	stream.linear.gather [spmem:s26], $0x2000, $0x38;
	[tilespmem:$0x1F380] =	vst v63  }
0x272: {  	_ =	swait.ge [sflag:s17], $0x2000  }
0x273: {  	s24 =	sld [smem:$0x7E6]  }
0x274: {  	[sflag:s17] =	ssyncset.done $0x0  }
0x275: {  	[sflag:s17] =	ssyncadd.s32 $0xFFFFE000  }
0x276: {  	[hbm4b:s24+s4] =	stream.linear.scatter [tilespmem:s10], [sflag:$0x6], $0x2000, $0x38;
	[tilespmem:$0x1F380] =	vst v63  }
0x277: {  	_ =	swait.ge [sflag:s0], $0x2000  }
0x278: {  	s28 =	sld [smem:$0x7F3]  }
0x279: {  	[sflag:s0] =	ssyncset.done $0x0  }
0x27a: {  	[sflag:s0] =	ssyncadd.s32 $0xFFFFE000  }
0x27b: {  	[tilespmem:s31], [sflag:$0x1] =	stream.linear.gather [spmem:s28], $0x2000, $0x38;
	[tilespmem:$0x1F380] =	vst v63  }
0x27c: {  	_ =	swait.ge [sflag:s16], $0x2000  }
0x27d: {  	s24 =	sld [smem:$0x7E7]  }
0x27e: {  	[sflag:s16] =	ssyncset.done $0x0  }
0x27f: {  	[sflag:s16] =	ssyncadd.s32 $0xFFFFE000  }
0x280: {  	[hbm4b:s24+s4] =	stream.linear.scatter [tilespmem:s31], [sflag:$0x5], $0x2000, $0x38;
	[tilespmem:$0x1F380] =	vst v63  }
0x281: {  	_ =	swait.ge [sflag:s5], $0x2000  }
0x282: {  	s28 =	sld [smem:$0x7F4]  }
0x283: {  	[sflag:s5] =	ssyncset.done $0x0  }
0x284: {  	[sflag:s5] =	ssyncadd.s32 $0xFFFFE000  }
0x285: {  	[tilespmem:s10], [sflag:$0x2] =	stream.linear.gather [spmem:s28], $0x2000, $0x38;
	[tilespmem:$0x1F380] =	vst v63  }
0x286: {  	_ =	swait.ge [sflag:s17], $0x2000  }
0x287: {  	s24 =	sld [smem:$0x7E8]  }
0x288: {  	[sflag:s17] =	ssyncset.done $0x0  }
0x289: {  	[sflag:s17] =	ssyncadd.s32 $0xFFFFE000  }
0x28a: {  	[hbm4b:s24+s4] =	stream.linear.scatter [tilespmem:s10], [sflag:$0x6], $0x2000, $0x38;
	[tilespmem:$0x1F380] =	vst v63  }
0x28b: {  	_ =	swait.ge [sflag:s0], $0x2000  }
0x28c: {  	s28 =	sld [smem:$0x7F5]  }
0x28d: {  	[sflag:s0] =	ssyncset.done $0x0  }
0x28e: {  	[sflag:s0] =	ssyncadd.s32 $0xFFFFE000  }
0x28f: {  	[tilespmem:s31], [sflag:$0x1] =	stream.linear.gather [spmem:s28], $0x2000, $0x38;
	[tilespmem:$0x1F380] =	vst v63  }
0x290: {  	_ =	swait.ge [sflag:s16], $0x2000  }
0x291: {  	s24 =	sld [smem:$0x7E9]  }
0x292: {  	[sflag:s16] =	ssyncset.done $0x0  }
0x293: {  	[sflag:s16] =	ssyncadd.s32 $0xFFFFE000  }
0x294: {  	[hbm4b:s24+s4] =	stream.linear.scatter [tilespmem:s31], [sflag:$0x5], $0x2000, $0x38;
	[tilespmem:$0x1F380] =	vst v63  }
0x295: {  	_ =	swait.ge [sflag:s5], $0x2000  }
0x296: {  	s28 =	sld [smem:$0x7F6]  }
0x297: {  	[sflag:s5] =	ssyncset.done $0x0  }
0x298: {  	[sflag:s5] =	ssyncadd.s32 $0xFFFFE000  }
0x299: {  	[tilespmem:s10], [sflag:$0x2] =	stream.linear.gather [spmem:s28], $0x2000, $0x38;
	[tilespmem:$0x1F380] =	vst v63  }
0x29a: {  	_ =	swait.ge [sflag:s17], $0x2000  }
0x29b: {  	s24 =	sld [smem:$0x7EA]  }
0x29c: {  	[sflag:s17] =	ssyncset.done $0x0  }
0x29d: {  	[sflag:s17] =	ssyncadd.s32 $0xFFFFE000  }
0x29e: {  	[hbm4b:s24+s4] =	stream.linear.scatter [tilespmem:s10], [sflag:$0x6], $0x2000, $0x38;
	[tilespmem:$0x1F380] =	vst v63  }
0x29f: {  	_ =	swait.ge [sflag:s0], $0x2000  }
0x2a0: {  	s28 =	sld [smem:$0x7F7]  }
0x2a1: {  	[sflag:s0] =	ssyncset.done $0x0  }
0x2a2: {  	[sflag:s0] =	ssyncadd.s32 $0xFFFFE000  }
0x2a3: {  	[tilespmem:s31], [sflag:$0x1] =	stream.linear.gather [spmem:s28], $0x2000, $0x38;
	[tilespmem:$0x1F380] =	vst v63  }
0x2a4: {  	_ =	swait.ge [sflag:s16], $0x2000  }
0x2a5: {  	s24 =	sld [smem:$0x7EB]  }
0x2a6: {  	[sflag:s16] =	ssyncset.done $0x0  }
0x2a7: {  	[sflag:s16] =	ssyncadd.s32 $0xFFFFE000  }
0x2a8: {  	[hbm4b:s24+s4] =	stream.linear.scatter [tilespmem:s31], [sflag:$0x5], $0x2000, $0x38;
	[tilespmem:$0x1F380] =	vst v63  }
0x2a9: {  	_ =	swait.ge [sflag:s5], $0x2000  }
0x2aa: {  	s28 =	sld [smem:$0x7F8]  }
0x2ab: {  	[sflag:s5] =	ssyncset.done $0x0  }
0x2ac: {  	[sflag:s5] =	ssyncadd.s32 $0xFFFFE000  }
0x2ad: {  	[tilespmem:s10], [sflag:$0x2] =	stream.linear.gather [spmem:s28], $0x2000, $0x38;
	[tilespmem:$0x1F380] =	vst v63  }
0x2ae: {  	_ =	swait.ge [sflag:s17], $0x2000  }
0x2af: {  	s24 =	sld [smem:$0x7EC]  }
0x2b0: {  	[sflag:s17] =	ssyncset.done $0x0  }
0x2b1: {  	[sflag:s17] =	ssyncadd.s32 $0xFFFFE000  }
0x2b2: {  	[hbm4b:s24+s4] =	stream.linear.scatter [tilespmem:s10], [sflag:$0x6], $0x2000, $0x38;
	[tilespmem:$0x1F380] =	vst v63  }
0x2b3: {  	_ =	swait.ge [sflag:s0], $0x2000  }
0x2b4: {  	s28 =	sld [smem:$0x7F9]  }
0x2b5: {  	[sflag:s0] =	ssyncset.done $0x0  }
0x2b6: {  	[sflag:s0] =	ssyncadd.s32 $0xFFFFE000  }
0x2b7: {  	[tilespmem:s31], [sflag:$0x1] =	stream.linear.gather [spmem:s28], $0x2000, $0x38;
	[tilespmem:$0x1F380] =	vst v63  }
0x2b8: {  	_ =	swait.ge [sflag:s16], $0x2000  }
0x2b9: {  	s24 =	sld [smem:$0x7ED]  }
0x2ba: {  	[sflag:s16] =	ssyncset.done $0x0  }
0x2bb: {  	[sflag:s16] =	ssyncadd.s32 $0xFFFFE000  }
0x2bc: {  	[hbm4b:s24+s4] =	stream.linear.scatter [tilespmem:s31], [sflag:$0x5], $0x2000, $0x38;
	[tilespmem:$0x1F380] =	vst v63  }
0x2bd: {  	_ =	swait.ge [sflag:s5], $0x2000  }
0x2be: {  	s28 =	sld [smem:$0x7FA]  }
0x2bf: {  	[sflag:s5] =	ssyncset.done $0x0  }
0x2c0: {  	[sflag:s5] =	ssyncadd.s32 $0xFFFFE000  }
0x2c1: {  	[tilespmem:s10], [sflag:$0x2] =	stream.linear.gather [spmem:s28], $0x1C00, $0x38;
	[tilespmem:$0x1F380] =	vst v63  }
0x2c2: {  	_ =	swait.ge [sflag:s17], $0x1C00  }
0x2c3: {  	s24 =	sld [smem:$0x7EE]  }
0x2c4: {  	[sflag:s17] =	ssyncset.done $0x0  }
0x2c5: {  	[sflag:s17] =	ssyncadd.s32 $0xFFFFE400  }
0x2c6: {  	[hbm4b:s24+s4] =	stream.linear.scatter [tilespmem:s10], [sflag:$0x6], $0x1C00, $0x38;
	[tilespmem:$0x1F380] =	vst v63  }
0x2c7: {  	_ =	swait.ge [sflag:s0], $0x2000  }
0x2c8: {  	[sflag:s0] =	ssyncset.done $0x0  }
0x2c9: {  	[sflag:s0] =	ssyncadd.s32 $0xFFFFE000  }
0x2ca: {  	_ =	swait.ge [sflag:s5], $0x1C00  }
0x2cb: {  	s28 =	sld [smem:$0x7FC];
	_ =	sdelay $0x1  }
0x2cc: {  	s22 =	sadd.s32 $0x1, s22  }
0x2cd: {  	p0 =	sne.s32 s22, s28  }
.Ltmp2:
0x2ce: {  	_ = 	snop;
	(pc) =	sbr.rel @p0 .LBB2_1-.Ltmp2, $3  }
0x2cf: {  	_ =	sdelay $0x1  }
0x2d0: {  	[sflag:s5] =	ssyncset.done $0x0  }
0x2d1: {  	[sflag:s5] =	ssyncadd.s32 $0xFFFFE400  }
0x2d2: {  	_ =	sfence.sel $0x180000  }
0x2d3: {  	[bflag:$0x0] =	sbarrier.arrive $0xFFFF  }
0x2d4: {  	_ =	strace $0x90000047  }
0x2d5: {  	s0 =	stileid.u32;
	[bflag:$0x2] =	sbarrier.arrive $0xFFFF  }
0x2d6: {  	p0 =	sne.s32 s0, $0x0;
	s0 =	rddreg [dreg:$0x4]  }
0x2d7: {  	s0 =	sadd.s32 @!p0 $0x100000, s0  }
0x2d8: {  	[sflag:s0] =	ssyncadd.tile.s32 @!p0 $0x1;
	_ =	shalt  }
.Lfunc_end2:
_tile_overlayer_lowered:
.L_overlay_start_2:
0x2d9: {  	(tag) =	ssettag $0x2  }
0x2da: {  	s0 =	rddreg [dreg:$0x0];
	s2 =	stileid.u32  }
0x2db: {  	s1 =	rddreg [dreg:$0x1];
	p0 =	sne.s32 s2, $0x0  }
0x2dc: {  	s3 =	rddreg [dreg:$0x2];
	[bflag:$0x3] =	sbarrier.arrive $0xFFFF;
	s2 =	simm.s32 @!p0 $0x1C0B  }
0x2dd: {  	[timem:s3], [sflag:s2] =	dma.local @!p0 [hbm:s0], s1  }
0x2de: {  	s0 =	simm.s32 @!p0 $0xB  }
0x2df: {  	_ =	swait.ge @!p0 [sflag:s0], s1  }
0x2e0: {  	s1 =	ssub.s32 @!p0 $0x0, s1;
	[sflag:s0] =	ssyncset.done @!p0 $0x0  }
0x2e1: {  	[sflag:s0] =	ssyncadd.s32 @!p0 s1  }
0x2e2: {  	[bflag:$0x3] =	sbarrier.arrive $0xFFFF  }
0x2e3: {  	_ =	shalt  }

</sc_bundles>
